<compile_context>
chip_gen: v7x
topology: tpu7x:2x2x1
jax: 0.10.2.dev20260603
libtpu: 0.0.44.dev20260713+nightly
codegen_flags: <defaults>
</compile_context>

<pallas_src>
import jax
import jax.numpy as jnp
from jax import lax
from jax.experimental import pallas as pl
from jax.experimental.pallas import tpu as pltpu
from jax.experimental.pallas import tpu_sc as plsc

VOCAB = 1000000
EMBED_DIM = 16
BATCH = 16384
NUM_FEATURES = 50

_INFO = plsc.get_sparse_core_info()
NC = _INFO.num_cores
NS = _INFO.num_subcores
NW = NC * NS


TILE = 128
N_FULL_TILES = VOCAB // TILE
TAIL = VOCAB - N_FULL_TILES * TILE
CHUNK = 4
CCOLS = CHUNK * TILE
N_CHUNKS_ALL = N_FULL_TILES // CHUNK
OROWS = CHUNK * 16


def _repack_body(tT_hbm, tail_hbm, packed_hbm,
                 tv0, tv1, ov0, ov1, tail_v, si0, si1, so0, so1):
    w = lax.axis_index("s") * NC + lax.axis_index("c")
    iota = lax.iota(jnp.int32, 16)
    tvs = (tv0, tv1)
    ovs = (ov0, ov1)
    sis = (si0, si1)
    sos = (so0, so1)

    def chunk_of(k):
        return w + NW * k

    def fire_in(k, b):
        c = chunk_of(k)

        @pl.when(c < N_CHUNKS_ALL)
        def _():
            pltpu.async_copy(tT_hbm.at[:, pl.ds(c * CCOLS, CCOLS)],
                             tvs[b].at[:, pl.ds(0, CCOLS)], sis[b])

    def step(k, b):
        fire_in(k + 1, 1 - b)
        c = chunk_of(k)

        @pl.when(c < N_CHUNKS_ALL)
        def _():
            pltpu.make_async_copy(tT_hbm.at[:, pl.ds(0, CCOLS)],
                                  tvs[b].at[:, pl.ds(0, CCOLS)],
                                  sis[b]).wait()

            @pl.when(k >= 2)
            def _():
                pltpu.make_async_copy(packed_hbm.at[pl.ds(0, OROWS)],
                                      ovs[b], sos[b]).wait()

            @pl.loop(0, OROWS, step=2)
            def _(r):
                vals = [plsc.load_gather(
                            tvs[b],
                            [iota, jnp.full((16,), 8 * r + q, jnp.int32)])
                        for q in range(16)]
                for q in range(8):
                    ovs[b][r, pl.ds(q * 16, 16)] = vals[q]
                for q in range(8):
                    ovs[b][r + 1, pl.ds(q * 16, 16)] = vals[8 + q]
            pltpu.async_copy(ovs[b], packed_hbm.at[pl.ds(c * OROWS, OROWS)],
                             sos[b])

    fire_in(0, 0)

    @pl.loop(0, 64, step=2)
    def _(k0):
        step(k0, 0)
        step(k0 + 1, 1)

    for b in range(2):
        pltpu.make_async_copy(packed_hbm.at[pl.ds(0, OROWS)],
                              ovs[b], sos[b]).wait()

    @pl.when(w == NW - 1)
    def _():
        pltpu.sync_copy(tail_hbm, tail_v)
        for x in range(TAIL):
            vals = tail_v[x, :]
            plsc.store_scatter(ov0, [jnp.full((16,), x // 8, jnp.int32),
                                     (x % 8) * 16 + iota], vals)
        pltpu.sync_copy(ov0.at[pl.ds(0, TAIL * EMBED_DIM // TILE)],
                        packed_hbm.at[pl.ds(N_FULL_TILES * 16,
                                            TAIL * EMBED_DIM // TILE)])


def _repack_table(table):
    mesh = plsc.VectorSubcoreMesh(core_axis_name="c", subcore_axis_name="s")
    f = pl.kernel(
        _repack_body,
        out_type=jax.ShapeDtypeStruct((VOCAB * EMBED_DIM // TILE, TILE),
                                      jnp.float32),
        mesh=mesh,
        scratch_types=[
            pltpu.VMEM((EMBED_DIM, CCOLS + 5), jnp.float32),
            pltpu.VMEM((EMBED_DIM, CCOLS + 5), jnp.float32),
            pltpu.VMEM((OROWS, TILE), jnp.float32),
            pltpu.VMEM((OROWS, TILE), jnp.float32),
            pltpu.VMEM((TAIL, EMBED_DIM), jnp.float32),
            pltpu.SemaphoreType.DMA,
            pltpu.SemaphoreType.DMA,
            pltpu.SemaphoreType.DMA,
            pltpu.SemaphoreType.DMA,
        ],
        compiler_params=pltpu.CompilerParams(use_tc_tiling_on_sc=True,
                                             needs_layout_passes=False),
    )
    tail = table[N_FULL_TILES * TILE:, :]
    packed = f(table.T, tail)
    return packed.reshape(VOCAB, EMBED_DIM)



ROWS_PER_W = BATCH // NW
HB = 32
N_HALVES = ROWS_PER_W // HB
HFLAT = HB * NUM_FEATURES


def _pool_body(ids_hbm, rat_hbm, table_hbm, out_hbm,
               ids_v, rat_v, g_v, out_v, sem0, sem1):
    wid = lax.axis_index("s") * NC + lax.axis_index("c")
    base_row = wid * ROWS_PER_W

    pltpu.sync_copy(ids_hbm.at[pl.ds(base_row, ROWS_PER_W)], ids_v)
    pltpu.sync_copy(rat_hbm.at[pl.ds(base_row, ROWS_PER_W)], rat_v)

    sems = (sem0, sem1)

    def fire_half(h, slot, sem):
        @pl.loop(0, HB)
        def _(loc):
            row = h * HB + loc
            pltpu.async_copy(
                table_hbm.at[ids_v.at[row]],
                g_v.at[pl.ds(slot * HFLAT + loc * NUM_FEATURES,
                             NUM_FEATURES)],
                sem)

    def drain_half(slot, sem):
        pltpu.make_async_copy(
            out_hbm.at[pl.ds(0, HFLAT)],
            g_v.at[pl.ds(slot * HFLAT, HFLAT)],
            sem).wait()

    def compute_half(h, slot):
        @pl.loop(0, HB)
        def _(loc):
            row = h * HB + loc
            loc_f = slot * HFLAT + loc * NUM_FEATURES
            rv = [rat_v[row, pl.ds(0, 16)],
                  rat_v[row, pl.ds(16, 16)],
                  rat_v[row, pl.ds(32, 16)],
                  rat_v[row, pl.ds(34, 16)]]
            acc = jnp.zeros((EMBED_DIM,), jnp.float32)
            for n in range(NUM_FEATURES):
                if n < 48:
                    r = rv[n // 16][n % 16]
                else:
                    r = rv[3][n - 34]
                acc = acc + g_v[loc_f + n, :] * r
            out_v[row, :] = acc

    fire_half(0, 0, sems[0])

    @pl.loop(0, N_HALVES, step=2)
    def _(h):
        fire_half(h + 1, 1, sems[1])
        drain_half(0, sems[0])
        compute_half(h, 0)

        @pl.when(h + 2 < N_HALVES)
        def _():
            fire_half(h + 2, 0, sems[0])
        drain_half(1, sems[1])
        compute_half(h + 1, 1)

    pltpu.sync_copy(out_v, out_hbm.at[pl.ds(base_row, ROWS_PER_W)])


@jax.jit
def kernel(feature_ids, feature_ratings, table):
    table_lin = _repack_table(table)
    mesh = plsc.VectorSubcoreMesh(core_axis_name="c", subcore_axis_name="s")
    f = pl.kernel(
        _pool_body,
        out_type=jax.ShapeDtypeStruct((BATCH, EMBED_DIM), jnp.float32),
        mesh=mesh,
        scratch_types=[
            pltpu.VMEM((ROWS_PER_W, NUM_FEATURES), jnp.int32),
            pltpu.VMEM((ROWS_PER_W, NUM_FEATURES), jnp.float32),
            pltpu.VMEM((2 * HFLAT, EMBED_DIM), jnp.float32),
            pltpu.VMEM((ROWS_PER_W, EMBED_DIM), jnp.float32),
            pltpu.SemaphoreType.DMA,
            pltpu.SemaphoreType.DMA,
        ],
        compiler_params=pltpu.CompilerParams(use_tc_tiling_on_sc=False),
    )
    return f(feature_ids, feature_ratings, table_lin)

# --- scband reference (transcript-rebuilt; emitter-appended) ---
"""Pipeline reference for scband-features-embedding-20040317403343 (READ-ONLY COPY).

The authoritative reference and input builder live on the scoring server;
editing this copy changes nothing except your own understanding.
"""

import jax, jax.numpy as jnp
import numpy as np

VOCAB = 1000000
EMBED_DIM = 16
BATCH = 16384
NUM_FEATURES = 50


def setup_inputs(seed: int = 0) -> dict:
    key = jax.random.key(seed)
    k1, k2, k3 = jax.random.split(key, 3)
    feature_ids = jax.random.randint(k1, (BATCH, NUM_FEATURES), 0, VOCAB, dtype=jnp.int64 if jax.config.jax_enable_x64 else jnp.int32).astype(jnp.int32)
    feature_ratings = jax.random.uniform(k2, (BATCH, NUM_FEATURES), dtype=jnp.float32)
    # Xavier uniform init for embedding table, matching torch.nn.init.xavier_uniform_
    limit = float(np.sqrt(6.0 / (VOCAB + EMBED_DIM)))
    table = jax.random.uniform(k3, (VOCAB, EMBED_DIM), minval=-limit, maxval=limit, dtype=jnp.float32)
    return {"feature_ids": feature_ids, "feature_ratings": feature_ratings, "table": table}


def reference(feature_ids, feature_ratings, table):
    # features = (feature_ids, feature_ratings); each row has NUM_FEATURES ids/ratings.
    B, N = feature_ids.shape
    flat_ids = feature_ids.reshape(-1)                       # torch.cat(feature_ids)
    flat_ratings = feature_ratings.reshape(-1)               # torch.cat(feature_ratings)
    emb = jnp.take(table, flat_ids, axis=0)                  # self.embedding(...)
    emb = emb * flat_ratings[:, None]                        # * ratings.unsqueeze(-1)
    # split into per-row chunks of length N and sum over dim 0 of each chunk, then stack
    emb = emb.reshape(B, N, -1).sum(axis=1)
    return emb

if __name__ == "__main__":
    import jax
    _d = setup_inputs()
    print(jax.jit(kernel)(*tuple(_d.values())))

</pallas_src>

<mosaic_0001>
#map = affine_map<(d0, d1) -> (0, 0)>
module attributes {stable_mosaic.version = 14 : i64} {
  func.func @_repack_body(%arg0: i32, %arg1: i32, %arg2: memref<16x1000000xf32, #tpu.memory_space<hbm>>, %arg3: memref<64x16xf32, #tpu.memory_space<hbm>>, %arg4: memref<125000x128xf32, #tpu.memory_space<hbm>>, %arg5: memref<16x517xf32, #tpu.memory_space<vmem>>, %arg6: memref<16x517xf32, #tpu.memory_space<vmem>>, %arg7: memref<64x128xf32, #tpu.memory_space<vmem>>, %arg8: memref<64x128xf32, #tpu.memory_space<vmem>>, %arg9: memref<64x16xf32, #tpu.memory_space<vmem>>, %arg10: memref<!tpu.dma_semaphore, #tpu.memory_space<semaphore_mem>>, %arg11: memref<!tpu.dma_semaphore, #tpu.memory_space<semaphore_mem>>, %arg12: memref<!tpu.dma_semaphore, #tpu.memory_space<semaphore_mem>>, %arg13: memref<!tpu.dma_semaphore, #tpu.memory_space<semaphore_mem>>) attributes {dimension_semantics = [#tpu.dimension_semantics<core_parallel>, #tpu.dimension_semantics<subcore_parallel>], iteration_bounds = array<i64: 2, 16>, scalar_prefetch = 0 : i64, scratch_operands = 9 : i64, tpu.core_type = #tpu.core_type<sc_vector_subcore>, window_params = [{transform_indices = #map}, {transform_indices = #map}, {transform_indices = #map}]} {
    %mul3A = arith.constant 2 : i32
    %mul3A_0 = arith.muli %arg1, %mul3A : i32
    %add3A = arith.addi %mul3A_0, %arg0 : i32
    %iota3A = tpu.iota {dimensions = array<i32: 0>} : vector<16xi32>
    %add3A_1 = arith.constant 0 : i32
    %add3A_2 = arith.addi %add3A, %add3A_1 : i32
    %lt3A = arith.constant 1953 : i32
    %lt3A_3 = arith.cmpi slt, %add3A_2, %lt3A : i32
    %convert_element_type3A = arith.extui %lt3A_3 : i1 to i32
    %cond3A = arith.constant 0 : i32
    %cond3A_4 = arith.cmpi ne, %convert_element_type3A, %cond3A : i32
    scf.if %cond3A_4 {
      %mul3A_24 = arith.constant 512 : i32
      %mul3A_25 = arith.muli %add3A_2, %mul3A_24 : i32
      %dma_start3A = arith.constant 0 : i32
      %dma_start3A_26 = arith.constant 0 : i32
      %dma_start3A_27 = tpu.memref_slice %arg5[%dma_start3A, %dma_start3A_26] : memref<16x517xf32, #tpu.memory_space<vmem>> -> memref<16x512xf32, #tpu.memory_space<vmem>>
      %dma_start3A_28 = arith.constant 0 : i32
      %dma_start3A_29 = tpu.memref_slice %arg2[%dma_start3A_28, %mul3A_25] : memref<16x1000000xf32, #tpu.memory_space<hbm>> -> memref<16x512xf32, #tpu.memory_space<hbm>>
      %dma_start3A_30 = arith.constant 0 : i32
      %dma_start3A_31 = arith.constant 0 : i32
      %dma_start3A_32 = tpu.memref_slice %arg5[%dma_start3A_30, %dma_start3A_31] : memref<16x517xf32, #tpu.memory_space<vmem>> -> memref<16x512xf32, #tpu.memory_space<vmem>>
      %dma_start3A_33 = arith.constant 0 : i32
      %dma_start3A_34 = tpu.memref_slice %arg2[%dma_start3A_33, %mul3A_25] : memref<16x1000000xf32, #tpu.memory_space<hbm>> -> memref<16x512xf32, #tpu.memory_space<hbm>>
      tpu.enqueue_dma source(%dma_start3A_34 : memref<16x512xf32, #tpu.memory_space<hbm>>) target(%dma_start3A_32 : memref<16x512xf32, #tpu.memory_space<vmem>>) target_semaphore(%arg10 : memref<!tpu.dma_semaphore, #tpu.memory_space<semaphore_mem>>)
    } else {
    }
    %scan3A = arith.constant 0 : i32
    %scan3A_5 = arith.constant 32 : i32
    %scan3A_6 = arith.addi %scan3A, %scan3A_5 : i32
    %scan3A_7 = arith.constant 1 : i32
    scf.for %scan3A_24 = %scan3A to %scan3A_6 step %scan3A_7  : i32 {
      %mul3A_25 = arith.constant 2 : i32
      %mul3A_26 = arith.muli %scan3A_24, %mul3A_25 : i32
      %add3A_27 = arith.constant 0 : i32
      %add3A_28 = arith.addi %add3A_27, %mul3A_26 : i32
      %add3A_29 = arith.constant 1 : i32
      %add3A_30 = arith.addi %add3A_28, %add3A_29 : i32
      %mul3A_31 = arith.constant 32 : i32
      %mul3A_32 = arith.muli %mul3A_31, %add3A_30 : i32
      %add3A_33 = arith.addi %add3A, %mul3A_32 : i32
      %lt3A_34 = arith.constant 1953 : i32
      %lt3A_35 = arith.cmpi slt, %add3A_33, %lt3A_34 : i32
      %convert_element_type3A_36 = arith.extui %lt3A_35 : i1 to i32
      %cond3A_37 = arith.constant 0 : i32
      %cond3A_38 = arith.cmpi ne, %convert_element_type3A_36, %cond3A_37 : i32
      scf.if %cond3A_38 {
        %mul3A_67 = arith.constant 512 : i32
        %mul3A_68 = arith.muli %add3A_33, %mul3A_67 : i32
        %dma_start3A = arith.constant 0 : i32
        %dma_start3A_69 = arith.constant 0 : i32
        %dma_start3A_70 = tpu.memref_slice %arg6[%dma_start3A, %dma_start3A_69] : memref<16x517xf32, #tpu.memory_space<vmem>> -> memref<16x512xf32, #tpu.memory_space<vmem>>
        %dma_start3A_71 = arith.constant 0 : i32
        %dma_start3A_72 = tpu.memref_slice %arg2[%dma_start3A_71, %mul3A_68] : memref<16x1000000xf32, #tpu.memory_space<hbm>> -> memref<16x512xf32, #tpu.memory_space<hbm>>
        %dma_start3A_73 = arith.constant 0 : i32
        %dma_start3A_74 = arith.constant 0 : i32
        %dma_start3A_75 = tpu.memref_slice %arg6[%dma_start3A_73, %dma_start3A_74] : memref<16x517xf32, #tpu.memory_space<vmem>> -> memref<16x512xf32, #tpu.memory_space<vmem>>
        %dma_start3A_76 = arith.constant 0 : i32
        %dma_start3A_77 = tpu.memref_slice %arg2[%dma_start3A_76, %mul3A_68] : memref<16x1000000xf32, #tpu.memory_space<hbm>> -> memref<16x512xf32, #tpu.memory_space<hbm>>
        tpu.enqueue_dma source(%dma_start3A_77 : memref<16x512xf32, #tpu.memory_space<hbm>>) target(%dma_start3A_75 : memref<16x512xf32, #tpu.memory_space<vmem>>) target_semaphore(%arg11 : memref<!tpu.dma_semaphore, #tpu.memory_space<semaphore_mem>>)
      } else {
      }
      %mul3A_39 = arith.constant 32 : i32
      %mul3A_40 = arith.muli %mul3A_39, %add3A_28 : i32
      %add3A_41 = arith.addi %add3A, %mul3A_40 : i32
      %lt3A_42 = arith.constant 1953 : i32
      %lt3A_43 = arith.cmpi slt, %add3A_41, %lt3A_42 : i32
      %convert_element_type3A_44 = arith.extui %lt3A_43 : i1 to i32
      %cond3A_45 = arith.constant 0 : i32
      %cond3A_46 = arith.cmpi ne, %convert_element_type3A_44, %cond3A_45 : i32
      scf.if %cond3A_46 {
        %dma_wait3A_67 = arith.constant 0 : i32
        %dma_wait3A_68 = arith.constant 0 : i32
        %dma_wait3A_69 = tpu.memref_slice %arg5[%dma_wait3A_67, %dma_wait3A_68] : memref<16x517xf32, #tpu.memory_space<vmem>> -> memref<16x512xf32, #tpu.memory_space<vmem>>
        %dma_wait3A_70 = arith.constant 0 : i32
        %dma_wait3A_71 = arith.constant 0 : i32
        %dma_wait3A_72 = tpu.memref_slice %arg2[%dma_wait3A_70, %dma_wait3A_71] : memref<16x1000000xf32, #tpu.memory_space<hbm>> -> memref<16x512xf32, #tpu.memory_space<hbm>>
        %dma_wait3A_73 = arith.constant 0 : i32
        %dma_wait3A_74 = arith.constant 0 : i32
        %dma_wait3A_75 = tpu.memref_slice %arg5[%dma_wait3A_73, %dma_wait3A_74] : memref<16x517xf32, #tpu.memory_space<vmem>> -> memref<16x512xf32, #tpu.memory_space<vmem>>
        %dma_wait3A_76 = arith.constant 0 : i32
        %dma_wait3A_77 = arith.constant 0 : i32
        %dma_wait3A_78 = tpu.memref_slice %arg2[%dma_wait3A_76, %dma_wait3A_77] : memref<16x1000000xf32, #tpu.memory_space<hbm>> -> memref<16x512xf32, #tpu.memory_space<hbm>>
        tpu.wait_dma2 semaphore(%arg10 : memref<!tpu.dma_semaphore, #tpu.memory_space<semaphore_mem>>) src(%dma_wait3A_78 : memref<16x512xf32, #tpu.memory_space<hbm>>) dst(%dma_wait3A_75 : memref<16x512xf32, #tpu.memory_space<vmem>>)
        %ge3A = arith.constant 2 : i32
        %ge3A_79 = arith.cmpi sge, %add3A_28, %ge3A : i32
        %convert_element_type3A_80 = arith.extui %ge3A_79 : i1 to i32
        %cond3A_81 = arith.constant 0 : i32
        %cond3A_82 = arith.cmpi ne, %convert_element_type3A_80, %cond3A_81 : i32
        scf.if %cond3A_82 {
          %dma_wait3A_93 = arith.constant 0 : i32
          %dma_wait3A_94 = arith.constant 0 : i32
          %dma_wait3A_95 = tpu.memref_slice %arg4[%dma_wait3A_93, %dma_wait3A_94] : memref<125000x128xf32, #tpu.memory_space<hbm>> -> memref<64x128xf32, #tpu.memory_space<hbm>>
          %dma_wait3A_96 = arith.constant 0 : i32
          %dma_wait3A_97 = arith.constant 0 : i32
          %dma_wait3A_98 = tpu.memref_slice %arg4[%dma_wait3A_96, %dma_wait3A_97] : memref<125000x128xf32, #tpu.memory_space<hbm>> -> memref<64x128xf32, #tpu.memory_space<hbm>>
          tpu.wait_dma2 semaphore(%arg12 : memref<!tpu.dma_semaphore, #tpu.memory_space<semaphore_mem>>) src(%dma_wait3A_98 : memref<64x128xf32, #tpu.memory_space<hbm>>) dst(%arg7 : memref<64x128xf32, #tpu.memory_space<vmem>>)
        } else {
        }
        %scan3A_83 = arith.constant 0 : i32
        %scan3A_84 = arith.constant 32 : i32
        %scan3A_85 = arith.addi %scan3A_83, %scan3A_84 : i32
        %scan3A_86 = arith.constant 1 : i32
        scf.for %scan3A_93 = %scan3A_83 to %scan3A_85 step %scan3A_86  : i32 {
          %mul3A_94 = arith.constant 2 : i32
          %mul3A_95 = arith.muli %scan3A_93, %mul3A_94 : i32
          %add3A_96 = arith.constant 0 : i32
          %add3A_97 = arith.addi %add3A_96, %mul3A_95 : i32
          %mul3A_98 = arith.constant 8 : i32
          %mul3A_99 = arith.muli %mul3A_98, %add3A_97 : i32
          %add3A_100 = arith.constant 0 : i32
          %add3A_101 = arith.addi %mul3A_99, %add3A_100 : i32
          %broadcast_in_dim3A = vector.broadcast %add3A_101 : i32 to vector<16xi32>
          %gather3A = tpu.vector_load_idx %arg5[%iota3A, %broadcast_in_dim3A] : memref<16x517xf32, #tpu.memory_space<vmem>>[vector<16xi32>, vector<16xi32>], vector<16xf32>,
          %mul3A_102 = arith.constant 8 : i32
          %mul3A_103 = arith.muli %mul3A_102, %add3A_97 : i32
          %add3A_104 = arith.constant 1 : i32
          %add3A_105 = arith.addi %mul3A_103, %add3A_104 : i32
          %broadcast_in_dim3A_106 = vector.broadcast %add3A_105 : i32 to vector<16xi32>
          %gather3A_107 = tpu.vector_load_idx %arg5[%iota3A, %broadcast_in_dim3A_106] : memref<16x517xf32, #tpu.memory_space<vmem>>[vector<16xi32>, vector<16xi32>], vector<16xf32>,
          %mul3A_108 = arith.constant 8 : i32
          %mul3A_109 = arith.muli %mul3A_108, %add3A_97 : i32
          %add3A_110 = arith.constant 2 : i32
          %add3A_111 = arith.addi %mul3A_109, %add3A_110 : i32
          %broadcast_in_dim3A_112 = vector.broadcast %add3A_111 : i32 to vector<16xi32>
          %gather3A_113 = tpu.vector_load_idx %arg5[%iota3A, %broadcast_in_dim3A_112] : memref<16x517xf32, #tpu.memory_space<vmem>>[vector<16xi32>, vector<16xi32>], vector<16xf32>,
          %mul3A_114 = arith.constant 8 : i32
          %mul3A_115 = arith.muli %mul3A_114, %add3A_97 : i32
          %add3A_116 = arith.constant 3 : i32
          %add3A_117 = arith.addi %mul3A_115, %add3A_116 : i32
          %broadcast_in_dim3A_118 = vector.broadcast %add3A_117 : i32 to vector<16xi32>
          %gather3A_119 = tpu.vector_load_idx %arg5[%iota3A, %broadcast_in_dim3A_118] : memref<16x517xf32, #tpu.memory_space<vmem>>[vector<16xi32>, vector<16xi32>], vector<16xf32>,
          %mul3A_120 = arith.constant 8 : i32
          %mul3A_121 = arith.muli %mul3A_120, %add3A_97 : i32
          %add3A_122 = arith.constant 4 : i32
          %add3A_123 = arith.addi %mul3A_121, %add3A_122 : i32
          %broadcast_in_dim3A_124 = vector.broadcast %add3A_123 : i32 to vector<16xi32>
          %gather3A_125 = tpu.vector_load_idx %arg5[%iota3A, %broadcast_in_dim3A_124] : memref<16x517xf32, #tpu.memory_space<vmem>>[vector<16xi32>, vector<16xi32>], vector<16xf32>,
          %mul3A_126 = arith.constant 8 : i32
          %mul3A_127 = arith.muli %mul3A_126, %add3A_97 : i32
          %add3A_128 = arith.constant 5 : i32
          %add3A_129 = arith.addi %mul3A_127, %add3A_128 : i32
          %broadcast_in_dim3A_130 = vector.broadcast %add3A_129 : i32 to vector<16xi32>
          %gather3A_131 = tpu.vector_load_idx %arg5[%iota3A, %broadcast_in_dim3A_130] : memref<16x517xf32, #tpu.memory_space<vmem>>[vector<16xi32>, vector<16xi32>], vector<16xf32>,
          %mul3A_132 = arith.constant 8 : i32
          %mul3A_133 = arith.muli %mul3A_132, %add3A_97 : i32
          %add3A_134 = arith.constant 6 : i32
          %add3A_135 = arith.addi %mul3A_133, %add3A_134 : i32
          %broadcast_in_dim3A_136 = vector.broadcast %add3A_135 : i32 to vector<16xi32>
          %gather3A_137 = tpu.vector_load_idx %arg5[%iota3A, %broadcast_in_dim3A_136] : memref<16x517xf32, #tpu.memory_space<vmem>>[vector<16xi32>, vector<16xi32>], vector<16xf32>,
          %mul3A_138 = arith.constant 8 : i32
          %mul3A_139 = arith.muli %mul3A_138, %add3A_97 : i32
          %add3A_140 = arith.constant 7 : i32
          %add3A_141 = arith.addi %mul3A_139, %add3A_140 : i32
          %broadcast_in_dim3A_142 = vector.broadcast %add3A_141 : i32 to vector<16xi32>
          %gather3A_143 = tpu.vector_load_idx %arg5[%iota3A, %broadcast_in_dim3A_142] : memref<16x517xf32, #tpu.memory_space<vmem>>[vector<16xi32>, vector<16xi32>], vector<16xf32>,
          %mul3A_144 = arith.constant 8 : i32
          %mul3A_145 = arith.muli %mul3A_144, %add3A_97 : i32
          %add3A_146 = arith.constant 8 : i32
          %add3A_147 = arith.addi %mul3A_145, %add3A_146 : i32
          %broadcast_in_dim3A_148 = vector.broadcast %add3A_147 : i32 to vector<16xi32>
          %gather3A_149 = tpu.vector_load_idx %arg5[%iota3A, %broadcast_in_dim3A_148] : memref<16x517xf32, #tpu.memory_space<vmem>>[vector<16xi32>, vector<16xi32>], vector<16xf32>,
          %mul3A_150 = arith.constant 8 : i32
          %mul3A_151 = arith.muli %mul3A_150, %add3A_97 : i32
          %add3A_152 = arith.constant 9 : i32
          %add3A_153 = arith.addi %mul3A_151, %add3A_152 : i32
          %broadcast_in_dim3A_154 = vector.broadcast %add3A_153 : i32 to vector<16xi32>
          %gather3A_155 = tpu.vector_load_idx %arg5[%iota3A, %broadcast_in_dim3A_154] : memref<16x517xf32, #tpu.memory_space<vmem>>[vector<16xi32>, vector<16xi32>], vector<16xf32>,
          %mul3A_156 = arith.constant 8 : i32
          %mul3A_157 = arith.muli %mul3A_156, %add3A_97 : i32
          %add3A_158 = arith.constant 10 : i32
          %add3A_159 = arith.addi %mul3A_157, %add3A_158 : i32
          %broadcast_in_dim3A_160 = vector.broadcast %add3A_159 : i32 to vector<16xi32>
          %gather3A_161 = tpu.vector_load_idx %arg5[%iota3A, %broadcast_in_dim3A_160] : memref<16x517xf32, #tpu.memory_space<vmem>>[vector<16xi32>, vector<16xi32>], vector<16xf32>,
          %mul3A_162 = arith.constant 8 : i32
          %mul3A_163 = arith.muli %mul3A_162, %add3A_97 : i32
          %add3A_164 = arith.constant 11 : i32
          %add3A_165 = arith.addi %mul3A_163, %add3A_164 : i32
          %broadcast_in_dim3A_166 = vector.broadcast %add3A_165 : i32 to vector<16xi32>
          %gather3A_167 = tpu.vector_load_idx %arg5[%iota3A, %broadcast_in_dim3A_166] : memref<16x517xf32, #tpu.memory_space<vmem>>[vector<16xi32>, vector<16xi32>], vector<16xf32>,
          %mul3A_168 = arith.constant 8 : i32
          %mul3A_169 = arith.muli %mul3A_168, %add3A_97 : i32
          %add3A_170 = arith.constant 12 : i32
          %add3A_171 = arith.addi %mul3A_169, %add3A_170 : i32
          %broadcast_in_dim3A_172 = vector.broadcast %add3A_171 : i32 to vector<16xi32>
          %gather3A_173 = tpu.vector_load_idx %arg5[%iota3A, %broadcast_in_dim3A_172] : memref<16x517xf32, #tpu.memory_space<vmem>>[vector<16xi32>, vector<16xi32>], vector<16xf32>,
          %mul3A_174 = arith.constant 8 : i32
          %mul3A_175 = arith.muli %mul3A_174, %add3A_97 : i32
          %add3A_176 = arith.constant 13 : i32
          %add3A_177 = arith.addi %mul3A_175, %add3A_176 : i32
          %broadcast_in_dim3A_178 = vector.broadcast %add3A_177 : i32 to vector<16xi32>
          %gather3A_179 = tpu.vector_load_idx %arg5[%iota3A, %broadcast_in_dim3A_178] : memref<16x517xf32, #tpu.memory_space<vmem>>[vector<16xi32>, vector<16xi32>], vector<16xf32>,
          %mul3A_180 = arith.constant 8 : i32
          %mul3A_181 = arith.muli %mul3A_180, %add3A_97 : i32
          %add3A_182 = arith.constant 14 : i32
          %add3A_183 = arith.addi %mul3A_181, %add3A_182 : i32
          %broadcast_in_dim3A_184 = vector.broadcast %add3A_183 : i32 to vector<16xi32>
          %gather3A_185 = tpu.vector_load_idx %arg5[%iota3A, %broadcast_in_dim3A_184] : memref<16x517xf32, #tpu.memory_space<vmem>>[vector<16xi32>, vector<16xi32>], vector<16xf32>,
          %mul3A_186 = arith.constant 8 : i32
          %mul3A_187 = arith.muli %mul3A_186, %add3A_97 : i32
          %add3A_188 = arith.constant 15 : i32
          %add3A_189 = arith.addi %mul3A_187, %add3A_188 : i32
          %broadcast_in_dim3A_190 = vector.broadcast %add3A_189 : i32 to vector<16xi32>
          %gather3A_191 = tpu.vector_load_idx %arg5[%iota3A, %broadcast_in_dim3A_190] : memref<16x517xf32, #tpu.memory_space<vmem>>[vector<16xi32>, vector<16xi32>], vector<16xf32>,
          %swap3A = arith.index_cast %add3A_97 : i32 to index
          %swap3A_192 = arith.constant 0 : index
          %swap3A_193 = tpu.vector_load %arg7[%swap3A, %swap3A_192] {strides = array<i32>} : memref<64x128xf32, #tpu.memory_space<vmem>>, vector<16xf32>,
          tpu.vector_store %arg7[%swap3A, %swap3A_192], %gather3A {strides = array<i32>} : memref<64x128xf32, #tpu.memory_space<vmem>>, vector<16xf32>,
          %swap3A_194 = arith.index_cast %add3A_97 : i32 to index
          %swap3A_195 = arith.constant 16 : index
          %swap3A_196 = tpu.vector_load %arg7[%swap3A_194, %swap3A_195] {strides = array<i32>} : memref<64x128xf32, #tpu.memory_space<vmem>>, vector<16xf32>,
          tpu.vector_store %arg7[%swap3A_194, %swap3A_195], %gather3A_107 {strides = array<i32>} : memref<64x128xf32, #tpu.memory_space<vmem>>, vector<16xf32>,
          %swap3A_197 = arith.index_cast %add3A_97 : i32 to index
          %swap3A_198 = arith.constant 32 : index
          %swap3A_199 = tpu.vector_load %arg7[%swap3A_197, %swap3A_198] {strides = array<i32>} : memref<64x128xf32, #tpu.memory_space<vmem>>, vector<16xf32>,
          tpu.vector_store %arg7[%swap3A_197, %swap3A_198], %gather3A_113 {strides = array<i32>} : memref<64x128xf32, #tpu.memory_space<vmem>>, vector<16xf32>,
          %swap3A_200 = arith.index_cast %add3A_97 : i32 to index
          %swap3A_201 = arith.constant 48 : index
          %swap3A_202 = tpu.vector_load %arg7[%swap3A_200, %swap3A_201] {strides = array<i32>} : memref<64x128xf32, #tpu.memory_space<vmem>>, vector<16xf32>,
          tpu.vector_store %arg7[%swap3A_200, %swap3A_201], %gather3A_119 {strides = array<i32>} : memref<64x128xf32, #tpu.memory_space<vmem>>, vector<16xf32>,
          %swap3A_203 = arith.index_cast %add3A_97 : i32 to index
          %swap3A_204 = arith.constant 64 : index
          %swap3A_205 = tpu.vector_load %arg7[%swap3A_203, %swap3A_204] {strides = array<i32>} : memref<64x128xf32, #tpu.memory_space<vmem>>, vector<16xf32>,
          tpu.vector_store %arg7[%swap3A_203, %swap3A_204], %gather3A_125 {strides = array<i32>} : memref<64x128xf32, #tpu.memory_space<vmem>>, vector<16xf32>,
          %swap3A_206 = arith.index_cast %add3A_97 : i32 to index
          %swap3A_207 = arith.constant 80 : index
          %swap3A_208 = tpu.vector_load %arg7[%swap3A_206, %swap3A_207] {strides = array<i32>} : memref<64x128xf32, #tpu.memory_space<vmem>>, vector<16xf32>,
          tpu.vector_store %arg7[%swap3A_206, %swap3A_207], %gather3A_131 {strides = array<i32>} : memref<64x128xf32, #tpu.memory_space<vmem>>, vector<16xf32>,
          %swap3A_209 = arith.index_cast %add3A_97 : i32 to index
          %swap3A_210 = arith.constant 96 : index
          %swap3A_211 = tpu.vector_load %arg7[%swap3A_209, %swap3A_210] {strides = array<i32>} : memref<64x128xf32, #tpu.memory_space<vmem>>, vector<16xf32>,
          tpu.vector_store %arg7[%swap3A_209, %swap3A_210], %gather3A_137 {strides = array<i32>} : memref<64x128xf32, #tpu.memory_space<vmem>>, vector<16xf32>,
          %swap3A_212 = arith.index_cast %add3A_97 : i32 to index
          %swap3A_213 = arith.constant 112 : index
          %swap3A_214 = tpu.vector_load %arg7[%swap3A_212, %swap3A_213] {strides = array<i32>} : memref<64x128xf32, #tpu.memory_space<vmem>>, vector<16xf32>,
          tpu.vector_store %arg7[%swap3A_212, %swap3A_213], %gather3A_143 {strides = array<i32>} : memref<64x128xf32, #tpu.memory_space<vmem>>, vector<16xf32>,
          %add3A_215 = arith.constant 1 : i32
          %add3A_216 = arith.addi %add3A_97, %add3A_215 : i32
          %swap3A_217 = arith.index_cast %add3A_216 : i32 to index
          %swap3A_218 = arith.constant 0 : index
          %swap3A_219 = tpu.vector_load %arg7[%swap3A_217, %swap3A_218] {strides = array<i32>} : memref<64x128xf32, #tpu.memory_space<vmem>>, vector<16xf32>,
          tpu.vector_store %arg7[%swap3A_217, %swap3A_218], %gather3A_149 {strides = array<i32>} : memref<64x128xf32, #tpu.memory_space<vmem>>, vector<16xf32>,
          %add3A_220 = arith.constant 1 : i32
          %add3A_221 = arith.addi %add3A_97, %add3A_220 : i32
          %swap3A_222 = arith.index_cast %add3A_221 : i32 to index
          %swap3A_223 = arith.constant 16 : index
          %swap3A_224 = tpu.vector_load %arg7[%swap3A_222, %swap3A_223] {strides = array<i32>} : memref<64x128xf32, #tpu.memory_space<vmem>>, vector<16xf32>,
          tpu.vector_store %arg7[%swap3A_222, %swap3A_223], %gather3A_155 {strides = array<i32>} : memref<64x128xf32, #tpu.memory_space<vmem>>, vector<16xf32>,
          %add3A_225 = arith.constant 1 : i32
          %add3A_226 = arith.addi %add3A_97, %add3A_225 : i32
          %swap3A_227 = arith.index_cast %add3A_226 : i32 to index
          %swap3A_228 = arith.constant 32 : index
          %swap3A_229 = tpu.vector_load %arg7[%swap3A_227, %swap3A_228] {strides = array<i32>} : memref<64x128xf32, #tpu.memory_space<vmem>>, vector<16xf32>,
          tpu.vector_store %arg7[%swap3A_227, %swap3A_228], %gather3A_161 {strides = array<i32>} : memref<64x128xf32, #tpu.memory_space<vmem>>, vector<16xf32>,
          %add3A_230 = arith.constant 1 : i32
          %add3A_231 = arith.addi %add3A_97, %add3A_230 : i32
          %swap3A_232 = arith.index_cast %add3A_231 : i32 to index
          %swap3A_233 = arith.constant 48 : index
          %swap3A_234 = tpu.vector_load %arg7[%swap3A_232, %swap3A_233] {strides = array<i32>} : memref<64x128xf32, #tpu.memory_space<vmem>>, vector<16xf32>,
          tpu.vector_store %arg7[%swap3A_232, %swap3A_233], %gather3A_167 {strides = array<i32>} : memref<64x128xf32, #tpu.memory_space<vmem>>, vector<16xf32>,
          %add3A_235 = arith.constant 1 : i32
          %add3A_236 = arith.addi %add3A_97, %add3A_235 : i32
          %swap3A_237 = arith.index_cast %add3A_236 : i32 to index
          %swap3A_238 = arith.constant 64 : index
          %swap3A_239 = tpu.vector_load %arg7[%swap3A_237, %swap3A_238] {strides = array<i32>} : memref<64x128xf32, #tpu.memory_space<vmem>>, vector<16xf32>,
          tpu.vector_store %arg7[%swap3A_237, %swap3A_238], %gather3A_173 {strides = array<i32>} : memref<64x128xf32, #tpu.memory_space<vmem>>, vector<16xf32>,
          %add3A_240 = arith.constant 1 : i32
          %add3A_241 = arith.addi %add3A_97, %add3A_240 : i32
          %swap3A_242 = arith.index_cast %add3A_241 : i32 to index
          %swap3A_243 = arith.constant 80 : index
          %swap3A_244 = tpu.vector_load %arg7[%swap3A_242, %swap3A_243] {strides = array<i32>} : memref<64x128xf32, #tpu.memory_space<vmem>>, vector<16xf32>,
          tpu.vector_store %arg7[%swap3A_242, %swap3A_243], %gather3A_179 {strides = array<i32>} : memref<64x128xf32, #tpu.memory_space<vmem>>, vector<16xf32>,
          %add3A_245 = arith.constant 1 : i32
          %add3A_246 = arith.addi %add3A_97, %add3A_245 : i32
          %swap3A_247 = arith.index_cast %add3A_246 : i32 to index
          %swap3A_248 = arith.constant 96 : index
          %swap3A_249 = tpu.vector_load %arg7[%swap3A_247, %swap3A_248] {strides = array<i32>} : memref<64x128xf32, #tpu.memory_space<vmem>>, vector<16xf32>,
          tpu.vector_store %arg7[%swap3A_247, %swap3A_248], %gather3A_185 {strides = array<i32>} : memref<64x128xf32, #tpu.memory_space<vmem>>, vector<16xf32>,
          %add3A_250 = arith.constant 1 : i32
          %add3A_251 = arith.addi %add3A_97, %add3A_250 : i32
          %swap3A_252 = arith.index_cast %add3A_251 : i32 to index
          %swap3A_253 = arith.constant 112 : index
          %swap3A_254 = tpu.vector_load %arg7[%swap3A_252, %swap3A_253] {strides = array<i32>} : memref<64x128xf32, #tpu.memory_space<vmem>>, vector<16xf32>,
          tpu.vector_store %arg7[%swap3A_252, %swap3A_253], %gather3A_191 {strides = array<i32>} : memref<64x128xf32, #tpu.memory_space<vmem>>, vector<16xf32>,
        }
        %scan3A_87 = arith.constant 32 : i32
        %mul3A_88 = arith.constant 64 : i32
        %mul3A_89 = arith.muli %add3A_41, %mul3A_88 : i32
        %dma_start3A = arith.constant 0 : i32
        %dma_start3A_90 = tpu.memref_slice %arg4[%mul3A_89, %dma_start3A] : memref<125000x128xf32, #tpu.memory_space<hbm>> -> memref<64x128xf32, #tpu.memory_space<hbm>>
        %dma_start3A_91 = arith.constant 0 : i32
        %dma_start3A_92 = tpu.memref_slice %arg4[%mul3A_89, %dma_start3A_91] : memref<125000x128xf32, #tpu.memory_space<hbm>> -> memref<64x128xf32, #tpu.memory_space<hbm>>
        tpu.enqueue_dma source(%arg7 : memref<64x128xf32, #tpu.memory_space<vmem>>) target(%dma_start3A_92 : memref<64x128xf32, #tpu.memory_space<hbm>>) target_semaphore(%arg12 : memref<!tpu.dma_semaphore, #tpu.memory_space<semaphore_mem>>)
      } else {
      }
      %add3A_47 = arith.constant 1 : i32
      %add3A_48 = arith.addi %add3A_28, %add3A_47 : i32
      %add3A_49 = arith.constant 1 : i32
      %add3A_50 = arith.addi %add3A_48, %add3A_49 : i32
      %mul3A_51 = arith.constant 32 : i32
      %mul3A_52 = arith.muli %mul3A_51, %add3A_50 : i32
      %add3A_53 = arith.addi %add3A, %mul3A_52 : i32
      %lt3A_54 = arith.constant 1953 : i32
      %lt3A_55 = arith.cmpi slt, %add3A_53, %lt3A_54 : i32
      %convert_element_type3A_56 = arith.extui %lt3A_55 : i1 to i32
      %cond3A_57 = arith.constant 0 : i32
      %cond3A_58 = arith.cmpi ne, %convert_element_type3A_56, %cond3A_57 : i32
      scf.if %cond3A_58 {
        %mul3A_67 = arith.constant 512 : i32
        %mul3A_68 = arith.muli %add3A_53, %mul3A_67 : i32
        %dma_start3A = arith.constant 0 : i32
        %dma_start3A_69 = arith.constant 0 : i32
        %dma_start3A_70 = tpu.memref_slice %arg5[%dma_start3A, %dma_start3A_69] : memref<16x517xf32, #tpu.memory_space<vmem>> -> memref<16x512xf32, #tpu.memory_space<vmem>>
        %dma_start3A_71 = arith.constant 0 : i32
        %dma_start3A_72 = tpu.memref_slice %arg2[%dma_start3A_71, %mul3A_68] : memref<16x1000000xf32, #tpu.memory_space<hbm>> -> memref<16x512xf32, #tpu.memory_space<hbm>>
        %dma_start3A_73 = arith.constant 0 : i32
        %dma_start3A_74 = arith.constant 0 : i32
        %dma_start3A_75 = tpu.memref_slice %arg5[%dma_start3A_73, %dma_start3A_74] : memref<16x517xf32, #tpu.memory_space<vmem>> -> memref<16x512xf32, #tpu.memory_space<vmem>>
        %dma_start3A_76 = arith.constant 0 : i32
        %dma_start3A_77 = tpu.memref_slice %arg2[%dma_start3A_76, %mul3A_68] : memref<16x1000000xf32, #tpu.memory_space<hbm>> -> memref<16x512xf32, #tpu.memory_space<hbm>>
        tpu.enqueue_dma source(%dma_start3A_77 : memref<16x512xf32, #tpu.memory_space<hbm>>) target(%dma_start3A_75 : memref<16x512xf32, #tpu.memory_space<vmem>>) target_semaphore(%arg10 : memref<!tpu.dma_semaphore, #tpu.memory_space<semaphore_mem>>)
      } else {
      }
      %mul3A_59 = arith.constant 32 : i32
      %mul3A_60 = arith.muli %mul3A_59, %add3A_48 : i32
      %add3A_61 = arith.addi %add3A, %mul3A_60 : i32
      %lt3A_62 = arith.constant 1953 : i32
      %lt3A_63 = arith.cmpi slt, %add3A_61, %lt3A_62 : i32
      %convert_element_type3A_64 = arith.extui %lt3A_63 : i1 to i32
      %cond3A_65 = arith.constant 0 : i32
      %cond3A_66 = arith.cmpi ne, %convert_element_type3A_64, %cond3A_65 : i32
      scf.if %cond3A_66 {
        %dma_wait3A_67 = arith.constant 0 : i32
        %dma_wait3A_68 = arith.constant 0 : i32
        %dma_wait3A_69 = tpu.memref_slice %arg6[%dma_wait3A_67, %dma_wait3A_68] : memref<16x517xf32, #tpu.memory_space<vmem>> -> memref<16x512xf32, #tpu.memory_space<vmem>>
        %dma_wait3A_70 = arith.constant 0 : i32
        %dma_wait3A_71 = arith.constant 0 : i32
        %dma_wait3A_72 = tpu.memref_slice %arg2[%dma_wait3A_70, %dma_wait3A_71] : memref<16x1000000xf32, #tpu.memory_space<hbm>> -> memref<16x512xf32, #tpu.memory_space<hbm>>
        %dma_wait3A_73 = arith.constant 0 : i32
        %dma_wait3A_74 = arith.constant 0 : i32
        %dma_wait3A_75 = tpu.memref_slice %arg6[%dma_wait3A_73, %dma_wait3A_74] : memref<16x517xf32, #tpu.memory_space<vmem>> -> memref<16x512xf32, #tpu.memory_space<vmem>>
        %dma_wait3A_76 = arith.constant 0 : i32
        %dma_wait3A_77 = arith.constant 0 : i32
        %dma_wait3A_78 = tpu.memref_slice %arg2[%dma_wait3A_76, %dma_wait3A_77] : memref<16x1000000xf32, #tpu.memory_space<hbm>> -> memref<16x512xf32, #tpu.memory_space<hbm>>
        tpu.wait_dma2 semaphore(%arg11 : memref<!tpu.dma_semaphore, #tpu.memory_space<semaphore_mem>>) src(%dma_wait3A_78 : memref<16x512xf32, #tpu.memory_space<hbm>>) dst(%dma_wait3A_75 : memref<16x512xf32, #tpu.memory_space<vmem>>)
        %ge3A = arith.constant 2 : i32
        %ge3A_79 = arith.cmpi sge, %add3A_48, %ge3A : i32
        %convert_element_type3A_80 = arith.extui %ge3A_79 : i1 to i32
        %cond3A_81 = arith.constant 0 : i32
        %cond3A_82 = arith.cmpi ne, %convert_element_type3A_80, %cond3A_81 : i32
        scf.if %cond3A_82 {
          %dma_wait3A_93 = arith.constant 0 : i32
          %dma_wait3A_94 = arith.constant 0 : i32
          %dma_wait3A_95 = tpu.memref_slice %arg4[%dma_wait3A_93, %dma_wait3A_94] : memref<125000x128xf32, #tpu.memory_space<hbm>> -> memref<64x128xf32, #tpu.memory_space<hbm>>
          %dma_wait3A_96 = arith.constant 0 : i32
          %dma_wait3A_97 = arith.constant 0 : i32
          %dma_wait3A_98 = tpu.memref_slice %arg4[%dma_wait3A_96, %dma_wait3A_97] : memref<125000x128xf32, #tpu.memory_space<hbm>> -> memref<64x128xf32, #tpu.memory_space<hbm>>
          tpu.wait_dma2 semaphore(%arg13 : memref<!tpu.dma_semaphore, #tpu.memory_space<semaphore_mem>>) src(%dma_wait3A_98 : memref<64x128xf32, #tpu.memory_space<hbm>>) dst(%arg8 : memref<64x128xf32, #tpu.memory_space<vmem>>)
        } else {
        }
        %scan3A_83 = arith.constant 0 : i32
        %scan3A_84 = arith.constant 32 : i32
        %scan3A_85 = arith.addi %scan3A_83, %scan3A_84 : i32
        %scan3A_86 = arith.constant 1 : i32
        scf.for %scan3A_93 = %scan3A_83 to %scan3A_85 step %scan3A_86  : i32 {
          %mul3A_94 = arith.constant 2 : i32
          %mul3A_95 = arith.muli %scan3A_93, %mul3A_94 : i32
          %add3A_96 = arith.constant 0 : i32
          %add3A_97 = arith.addi %add3A_96, %mul3A_95 : i32
          %mul3A_98 = arith.constant 8 : i32
          %mul3A_99 = arith.muli %mul3A_98, %add3A_97 : i32
          %add3A_100 = arith.constant 0 : i32
          %add3A_101 = arith.addi %mul3A_99, %add3A_100 : i32
          %broadcast_in_dim3A = vector.broadcast %add3A_101 : i32 to vector<16xi32>
          %gather3A = tpu.vector_load_idx %arg6[%iota3A, %broadcast_in_dim3A] : memref<16x517xf32, #tpu.memory_space<vmem>>[vector<16xi32>, vector<16xi32>], vector<16xf32>,
          %mul3A_102 = arith.constant 8 : i32
          %mul3A_103 = arith.muli %mul3A_102, %add3A_97 : i32
          %add3A_104 = arith.constant 1 : i32
          %add3A_105 = arith.addi %mul3A_103, %add3A_104 : i32
          %broadcast_in_dim3A_106 = vector.broadcast %add3A_105 : i32 to vector<16xi32>
          %gather3A_107 = tpu.vector_load_idx %arg6[%iota3A, %broadcast_in_dim3A_106] : memref<16x517xf32, #tpu.memory_space<vmem>>[vector<16xi32>, vector<16xi32>], vector<16xf32>,
          %mul3A_108 = arith.constant 8 : i32
          %mul3A_109 = arith.muli %mul3A_108, %add3A_97 : i32
          %add3A_110 = arith.constant 2 : i32
          %add3A_111 = arith.addi %mul3A_109, %add3A_110 : i32
          %broadcast_in_dim3A_112 = vector.broadcast %add3A_111 : i32 to vector<16xi32>
          %gather3A_113 = tpu.vector_load_idx %arg6[%iota3A, %broadcast_in_dim3A_112] : memref<16x517xf32, #tpu.memory_space<vmem>>[vector<16xi32>, vector<16xi32>], vector<16xf32>,
          %mul3A_114 = arith.constant 8 : i32
          %mul3A_115 = arith.muli %mul3A_114, %add3A_97 : i32
          %add3A_116 = arith.constant 3 : i32
          %add3A_117 = arith.addi %mul3A_115, %add3A_116 : i32
          %broadcast_in_dim3A_118 = vector.broadcast %add3A_117 : i32 to vector<16xi32>
          %gather3A_119 = tpu.vector_load_idx %arg6[%iota3A, %broadcast_in_dim3A_118] : memref<16x517xf32, #tpu.memory_space<vmem>>[vector<16xi32>, vector<16xi32>], vector<16xf32>,
          %mul3A_120 = arith.constant 8 : i32
          %mul3A_121 = arith.muli %mul3A_120, %add3A_97 : i32
          %add3A_122 = arith.constant 4 : i32
          %add3A_123 = arith.addi %mul3A_121, %add3A_122 : i32
          %broadcast_in_dim3A_124 = vector.broadcast %add3A_123 : i32 to vector<16xi32>
          %gather3A_125 = tpu.vector_load_idx %arg6[%iota3A, %broadcast_in_dim3A_124] : memref<16x517xf32, #tpu.memory_space<vmem>>[vector<16xi32>, vector<16xi32>], vector<16xf32>,
          %mul3A_126 = arith.constant 8 : i32
          %mul3A_127 = arith.muli %mul3A_126, %add3A_97 : i32
          %add3A_128 = arith.constant 5 : i32
          %add3A_129 = arith.addi %mul3A_127, %add3A_128 : i32
          %broadcast_in_dim3A_130 = vector.broadcast %add3A_129 : i32 to vector<16xi32>
          %gather3A_131 = tpu.vector_load_idx %arg6[%iota3A, %broadcast_in_dim3A_130] : memref<16x517xf32, #tpu.memory_space<vmem>>[vector<16xi32>, vector<16xi32>], vector<16xf32>,
          %mul3A_132 = arith.constant 8 : i32
          %mul3A_133 = arith.muli %mul3A_132, %add3A_97 : i32
          %add3A_134 = arith.constant 6 : i32
          %add3A_135 = arith.addi %mul3A_133, %add3A_134 : i32
          %broadcast_in_dim3A_136 = vector.broadcast %add3A_135 : i32 to vector<16xi32>
          %gather3A_137 = tpu.vector_load_idx %arg6[%iota3A, %broadcast_in_dim3A_136] : memref<16x517xf32, #tpu.memory_space<vmem>>[vector<16xi32>, vector<16xi32>], vector<16xf32>,
          %mul3A_138 = arith.constant 8 : i32
          %mul3A_139 = arith.muli %mul3A_138, %add3A_97 : i32
          %add3A_140 = arith.constant 7 : i32
          %add3A_141 = arith.addi %mul3A_139, %add3A_140 : i32
          %broadcast_in_dim3A_142 = vector.broadcast %add3A_141 : i32 to vector<16xi32>
          %gather3A_143 = tpu.vector_load_idx %arg6[%iota3A, %broadcast_in_dim3A_142] : memref<16x517xf32, #tpu.memory_space<vmem>>[vector<16xi32>, vector<16xi32>], vector<16xf32>,
          %mul3A_144 = arith.constant 8 : i32
          %mul3A_145 = arith.muli %mul3A_144, %add3A_97 : i32
          %add3A_146 = arith.constant 8 : i32
          %add3A_147 = arith.addi %mul3A_145, %add3A_146 : i32
          %broadcast_in_dim3A_148 = vector.broadcast %add3A_147 : i32 to vector<16xi32>
          %gather3A_149 = tpu.vector_load_idx %arg6[%iota3A, %broadcast_in_dim3A_148] : memref<16x517xf32, #tpu.memory_space<vmem>>[vector<16xi32>, vector<16xi32>], vector<16xf32>,
          %mul3A_150 = arith.constant 8 : i32
          %mul3A_151 = arith.muli %mul3A_150, %add3A_97 : i32
          %add3A_152 = arith.constant 9 : i32
          %add3A_153 = arith.addi %mul3A_151, %add3A_152 : i32
          %broadcast_in_dim3A_154 = vector.broadcast %add3A_153 : i32 to vector<16xi32>
          %gather3A_155 = tpu.vector_load_idx %arg6[%iota3A, %broadcast_in_dim3A_154] : memref<16x517xf32, #tpu.memory_space<vmem>>[vector<16xi32>, vector<16xi32>], vector<16xf32>,
          %mul3A_156 = arith.constant 8 : i32
          %mul3A_157 = arith.muli %mul3A_156, %add3A_97 : i32
          %add3A_158 = arith.constant 10 : i32
          %add3A_159 = arith.addi %mul3A_157, %add3A_158 : i32
          %broadcast_in_dim3A_160 = vector.broadcast %add3A_159 : i32 to vector<16xi32>
          %gather3A_161 = tpu.vector_load_idx %arg6[%iota3A, %broadcast_in_dim3A_160] : memref<16x517xf32, #tpu.memory_space<vmem>>[vector<16xi32>, vector<16xi32>], vector<16xf32>,
          %mul3A_162 = arith.constant 8 : i32
          %mul3A_163 = arith.muli %mul3A_162, %add3A_97 : i32
          %add3A_164 = arith.constant 11 : i32
          %add3A_165 = arith.addi %mul3A_163, %add3A_164 : i32
          %broadcast_in_dim3A_166 = vector.broadcast %add3A_165 : i32 to vector<16xi32>
          %gather3A_167 = tpu.vector_load_idx %arg6[%iota3A, %broadcast_in_dim3A_166] : memref<16x517xf32, #tpu.memory_space<vmem>>[vector<16xi32>, vector<16xi32>], vector<16xf32>,
          %mul3A_168 = arith.constant 8 : i32
          %mul3A_169 = arith.muli %mul3A_168, %add3A_97 : i32
          %add3A_170 = arith.constant 12 : i32
          %add3A_171 = arith.addi %mul3A_169, %add3A_170 : i32
          %broadcast_in_dim3A_172 = vector.broadcast %add3A_171 : i32 to vector<16xi32>
          %gather3A_173 = tpu.vector_load_idx %arg6[%iota3A, %broadcast_in_dim3A_172] : memref<16x517xf32, #tpu.memory_space<vmem>>[vector<16xi32>, vector<16xi32>], vector<16xf32>,
          %mul3A_174 = arith.constant 8 : i32
          %mul3A_175 = arith.muli %mul3A_174, %add3A_97 : i32
          %add3A_176 = arith.constant 13 : i32
          %add3A_177 = arith.addi %mul3A_175, %add3A_176 : i32
          %broadcast_in_dim3A_178 = vector.broadcast %add3A_177 : i32 to vector<16xi32>
          %gather3A_179 = tpu.vector_load_idx %arg6[%iota3A, %broadcast_in_dim3A_178] : memref<16x517xf32, #tpu.memory_space<vmem>>[vector<16xi32>, vector<16xi32>], vector<16xf32>,
          %mul3A_180 = arith.constant 8 : i32
          %mul3A_181 = arith.muli %mul3A_180, %add3A_97 : i32
          %add3A_182 = arith.constant 14 : i32
          %add3A_183 = arith.addi %mul3A_181, %add3A_182 : i32
          %broadcast_in_dim3A_184 = vector.broadcast %add3A_183 : i32 to vector<16xi32>
          %gather3A_185 = tpu.vector_load_idx %arg6[%iota3A, %broadcast_in_dim3A_184] : memref<16x517xf32, #tpu.memory_space<vmem>>[vector<16xi32>, vector<16xi32>], vector<16xf32>,
          %mul3A_186 = arith.constant 8 : i32
          %mul3A_187 = arith.muli %mul3A_186, %add3A_97 : i32
          %add3A_188 = arith.constant 15 : i32
          %add3A_189 = arith.addi %mul3A_187, %add3A_188 : i32
          %broadcast_in_dim3A_190 = vector.broadcast %add3A_189 : i32 to vector<16xi32>
          %gather3A_191 = tpu.vector_load_idx %arg6[%iota3A, %broadcast_in_dim3A_190] : memref<16x517xf32, #tpu.memory_space<vmem>>[vector<16xi32>, vector<16xi32>], vector<16xf32>,
          %swap3A = arith.index_cast %add3A_97 : i32 to index
          %swap3A_192 = arith.constant 0 : index
          %swap3A_193 = tpu.vector_load %arg8[%swap3A, %swap3A_192] {strides = array<i32>} : memref<64x128xf32, #tpu.memory_space<vmem>>, vector<16xf32>,
          tpu.vector_store %arg8[%swap3A, %swap3A_192], %gather3A {strides = array<i32>} : memref<64x128xf32, #tpu.memory_space<vmem>>, vector<16xf32>,
          %swap3A_194 = arith.index_cast %add3A_97 : i32 to index
          %swap3A_195 = arith.constant 16 : index
          %swap3A_196 = tpu.vector_load %arg8[%swap3A_194, %swap3A_195] {strides = array<i32>} : memref<64x128xf32, #tpu.memory_space<vmem>>, vector<16xf32>,
          tpu.vector_store %arg8[%swap3A_194, %swap3A_195], %gather3A_107 {strides = array<i32>} : memref<64x128xf32, #tpu.memory_space<vmem>>, vector<16xf32>,
          %swap3A_197 = arith.index_cast %add3A_97 : i32 to index
          %swap3A_198 = arith.constant 32 : index
          %swap3A_199 = tpu.vector_load %arg8[%swap3A_197, %swap3A_198] {strides = array<i32>} : memref<64x128xf32, #tpu.memory_space<vmem>>, vector<16xf32>,
          tpu.vector_store %arg8[%swap3A_197, %swap3A_198], %gather3A_113 {strides = array<i32>} : memref<64x128xf32, #tpu.memory_space<vmem>>, vector<16xf32>,
          %swap3A_200 = arith.index_cast %add3A_97 : i32 to index
          %swap3A_201 = arith.constant 48 : index
          %swap3A_202 = tpu.vector_load %arg8[%swap3A_200, %swap3A_201] {strides = array<i32>} : memref<64x128xf32, #tpu.memory_space<vmem>>, vector<16xf32>,
          tpu.vector_store %arg8[%swap3A_200, %swap3A_201], %gather3A_119 {strides = array<i32>} : memref<64x128xf32, #tpu.memory_space<vmem>>, vector<16xf32>,
          %swap3A_203 = arith.index_cast %add3A_97 : i32 to index
          %swap3A_204 = arith.constant 64 : index
          %swap3A_205 = tpu.vector_load %arg8[%swap3A_203, %swap3A_204] {strides = array<i32>} : memref<64x128xf32, #tpu.memory_space<vmem>>, vector<16xf32>,
          tpu.vector_store %arg8[%swap3A_203, %swap3A_204], %gather3A_125 {strides = array<i32>} : memref<64x128xf32, #tpu.memory_space<vmem>>, vector<16xf32>,
          %swap3A_206 = arith.index_cast %add3A_97 : i32 to index
          %swap3A_207 = arith.constant 80 : index
          %swap3A_208 = tpu.vector_load %arg8[%swap3A_206, %swap3A_207] {strides = array<i32>} : memref<64x128xf32, #tpu.memory_space<vmem>>, vector<16xf32>,
          tpu.vector_store %arg8[%swap3A_206, %swap3A_207], %gather3A_131 {strides = array<i32>} : memref<64x128xf32, #tpu.memory_space<vmem>>, vector<16xf32>,
          %swap3A_209 = arith.index_cast %add3A_97 : i32 to index
          %swap3A_210 = arith.constant 96 : index
          %swap3A_211 = tpu.vector_load %arg8[%swap3A_209, %swap3A_210] {strides = array<i32>} : memref<64x128xf32, #tpu.memory_space<vmem>>, vector<16xf32>,
          tpu.vector_store %arg8[%swap3A_209, %swap3A_210], %gather3A_137 {strides = array<i32>} : memref<64x128xf32, #tpu.memory_space<vmem>>, vector<16xf32>,
          %swap3A_212 = arith.index_cast %add3A_97 : i32 to index
          %swap3A_213 = arith.constant 112 : index
          %swap3A_214 = tpu.vector_load %arg8[%swap3A_212, %swap3A_213] {strides = array<i32>} : memref<64x128xf32, #tpu.memory_space<vmem>>, vector<16xf32>,
          tpu.vector_store %arg8[%swap3A_212, %swap3A_213], %gather3A_143 {strides = array<i32>} : memref<64x128xf32, #tpu.memory_space<vmem>>, vector<16xf32>,
          %add3A_215 = arith.constant 1 : i32
          %add3A_216 = arith.addi %add3A_97, %add3A_215 : i32
          %swap3A_217 = arith.index_cast %add3A_216 : i32 to index
          %swap3A_218 = arith.constant 0 : index
          %swap3A_219 = tpu.vector_load %arg8[%swap3A_217, %swap3A_218] {strides = array<i32>} : memref<64x128xf32, #tpu.memory_space<vmem>>, vector<16xf32>,
          tpu.vector_store %arg8[%swap3A_217, %swap3A_218], %gather3A_149 {strides = array<i32>} : memref<64x128xf32, #tpu.memory_space<vmem>>, vector<16xf32>,
          %add3A_220 = arith.constant 1 : i32
          %add3A_221 = arith.addi %add3A_97, %add3A_220 : i32
          %swap3A_222 = arith.index_cast %add3A_221 : i32 to index
          %swap3A_223 = arith.constant 16 : index
          %swap3A_224 = tpu.vector_load %arg8[%swap3A_222, %swap3A_223] {strides = array<i32>} : memref<64x128xf32, #tpu.memory_space<vmem>>, vector<16xf32>,
          tpu.vector_store %arg8[%swap3A_222, %swap3A_223], %gather3A_155 {strides = array<i32>} : memref<64x128xf32, #tpu.memory_space<vmem>>, vector<16xf32>,
          %add3A_225 = arith.constant 1 : i32
          %add3A_226 = arith.addi %add3A_97, %add3A_225 : i32
          %swap3A_227 = arith.index_cast %add3A_226 : i32 to index
          %swap3A_228 = arith.constant 32 : index
          %swap3A_229 = tpu.vector_load %arg8[%swap3A_227, %swap3A_228] {strides = array<i32>} : memref<64x128xf32, #tpu.memory_space<vmem>>, vector<16xf32>,
          tpu.vector_store %arg8[%swap3A_227, %swap3A_228], %gather3A_161 {strides = array<i32>} : memref<64x128xf32, #tpu.memory_space<vmem>>, vector<16xf32>,
          %add3A_230 = arith.constant 1 : i32
          %add3A_231 = arith.addi %add3A_97, %add3A_230 : i32
          %swap3A_232 = arith.index_cast %add3A_231 : i32 to index
          %swap3A_233 = arith.constant 48 : index
          %swap3A_234 = tpu.vector_load %arg8[%swap3A_232, %swap3A_233] {strides = array<i32>} : memref<64x128xf32, #tpu.memory_space<vmem>>, vector<16xf32>,
          tpu.vector_store %arg8[%swap3A_232, %swap3A_233], %gather3A_167 {strides = array<i32>} : memref<64x128xf32, #tpu.memory_space<vmem>>, vector<16xf32>,
          %add3A_235 = arith.constant 1 : i32
          %add3A_236 = arith.addi %add3A_97, %add3A_235 : i32
          %swap3A_237 = arith.index_cast %add3A_236 : i32 to index
          %swap3A_238 = arith.constant 64 : index
          %swap3A_239 = tpu.vector_load %arg8[%swap3A_237, %swap3A_238] {strides = array<i32>} : memref<64x128xf32, #tpu.memory_space<vmem>>, vector<16xf32>,
          tpu.vector_store %arg8[%swap3A_237, %swap3A_238], %gather3A_173 {strides = array<i32>} : memref<64x128xf32, #tpu.memory_space<vmem>>, vector<16xf32>,
          %add3A_240 = arith.constant 1 : i32
          %add3A_241 = arith.addi %add3A_97, %add3A_240 : i32
          %swap3A_242 = arith.index_cast %add3A_241 : i32 to index
          %swap3A_243 = arith.constant 80 : index
          %swap3A_244 = tpu.vector_load %arg8[%swap3A_242, %swap3A_243] {strides = array<i32>} : memref<64x128xf32, #tpu.memory_space<vmem>>, vector<16xf32>,
          tpu.vector_store %arg8[%swap3A_242, %swap3A_243], %gather3A_179 {strides = array<i32>} : memref<64x128xf32, #tpu.memory_space<vmem>>, vector<16xf32>,
          %add3A_245 = arith.constant 1 : i32
          %add3A_246 = arith.addi %add3A_97, %add3A_245 : i32
          %swap3A_247 = arith.index_cast %add3A_246 : i32 to index
          %swap3A_248 = arith.constant 96 : index
          %swap3A_249 = tpu.vector_load %arg8[%swap3A_247, %swap3A_248] {strides = array<i32>} : memref<64x128xf32, #tpu.memory_space<vmem>>, vector<16xf32>,
          tpu.vector_store %arg8[%swap3A_247, %swap3A_248], %gather3A_185 {strides = array<i32>} : memref<64x128xf32, #tpu.memory_space<vmem>>, vector<16xf32>,
          %add3A_250 = arith.constant 1 : i32
          %add3A_251 = arith.addi %add3A_97, %add3A_250 : i32
          %swap3A_252 = arith.index_cast %add3A_251 : i32 to index
          %swap3A_253 = arith.constant 112 : index
          %swap3A_254 = tpu.vector_load %arg8[%swap3A_252, %swap3A_253] {strides = array<i32>} : memref<64x128xf32, #tpu.memory_space<vmem>>, vector<16xf32>,
          tpu.vector_store %arg8[%swap3A_252, %swap3A_253], %gather3A_191 {strides = array<i32>} : memref<64x128xf32, #tpu.memory_space<vmem>>, vector<16xf32>,
        }
        %scan3A_87 = arith.constant 32 : i32
        %mul3A_88 = arith.constant 64 : i32
        %mul3A_89 = arith.muli %add3A_61, %mul3A_88 : i32
        %dma_start3A = arith.constant 0 : i32
        %dma_start3A_90 = tpu.memref_slice %arg4[%mul3A_89, %dma_start3A] : memref<125000x128xf32, #tpu.memory_space<hbm>> -> memref<64x128xf32, #tpu.memory_space<hbm>>
        %dma_start3A_91 = arith.constant 0 : i32
        %dma_start3A_92 = tpu.memref_slice %arg4[%mul3A_89, %dma_start3A_91] : memref<125000x128xf32, #tpu.memory_space<hbm>> -> memref<64x128xf32, #tpu.memory_space<hbm>>
        tpu.enqueue_dma source(%arg8 : memref<64x128xf32, #tpu.memory_space<vmem>>) target(%dma_start3A_92 : memref<64x128xf32, #tpu.memory_space<hbm>>) target_semaphore(%arg13 : memref<!tpu.dma_semaphore, #tpu.memory_space<semaphore_mem>>)
      } else {
      }
    }
    %scan3A_8 = arith.constant 32 : i32
    %dma_wait3A = arith.constant 0 : i32
    %dma_wait3A_9 = arith.constant 0 : i32
    %dma_wait3A_10 = tpu.memref_slice %arg4[%dma_wait3A, %dma_wait3A_9] : memref<125000x128xf32, #tpu.memory_space<hbm>> -> memref<64x128xf32, #tpu.memory_space<hbm>>
    %dma_wait3A_11 = arith.constant 0 : i32
    %dma_wait3A_12 = arith.constant 0 : i32
    %dma_wait3A_13 = tpu.memref_slice %arg4[%dma_wait3A_11, %dma_wait3A_12] : memref<125000x128xf32, #tpu.memory_space<hbm>> -> memref<64x128xf32, #tpu.memory_space<hbm>>
    tpu.wait_dma2 semaphore(%arg12 : memref<!tpu.dma_semaphore, #tpu.memory_space<semaphore_mem>>) src(%dma_wait3A_13 : memref<64x128xf32, #tpu.memory_space<hbm>>) dst(%arg7 : memref<64x128xf32, #tpu.memory_space<vmem>>)
    %dma_wait3A_14 = arith.constant 0 : i32
    %dma_wait3A_15 = arith.constant 0 : i32
    %dma_wait3A_16 = tpu.memref_slice %arg4[%dma_wait3A_14, %dma_wait3A_15] : memref<125000x128xf32, #tpu.memory_space<hbm>> -> memref<64x128xf32, #tpu.memory_space<hbm>>
    %dma_wait3A_17 = arith.constant 0 : i32
    %dma_wait3A_18 = arith.constant 0 : i32
    %dma_wait3A_19 = tpu.memref_slice %arg4[%dma_wait3A_17, %dma_wait3A_18] : memref<125000x128xf32, #tpu.memory_space<hbm>> -> memref<64x128xf32, #tpu.memory_space<hbm>>
    tpu.wait_dma2 semaphore(%arg13 : memref<!tpu.dma_semaphore, #tpu.memory_space<semaphore_mem>>) src(%dma_wait3A_19 : memref<64x128xf32, #tpu.memory_space<hbm>>) dst(%arg8 : memref<64x128xf32, #tpu.memory_space<vmem>>)
    %eq3A = arith.constant 31 : i32
    %eq3A_20 = arith.cmpi eq, %add3A, %eq3A : i32
    %convert_element_type3A_21 = arith.extui %eq3A_20 : i1 to i32
    %cond3A_22 = arith.constant 0 : i32
    %cond3A_23 = arith.cmpi ne, %convert_element_type3A_21, %cond3A_22 : i32
    scf.if %cond3A_23 {
      "tpu.region"() ({
        %run_scoped3A = tpu.sem_alloc : memref<!tpu.dma_semaphore, #tpu.memory_space<semaphore_mem>>
        tpu.enqueue_dma source(%arg3 : memref<64x16xf32, #tpu.memory_space<hbm>>) target(%arg9 : memref<64x16xf32, #tpu.memory_space<vmem>>) target_semaphore(%run_scoped3A : memref<!tpu.dma_semaphore, #tpu.memory_space<semaphore_mem>>)
        tpu.wait_dma2 semaphore(%run_scoped3A : memref<!tpu.dma_semaphore, #tpu.memory_space<semaphore_mem>>) src(%arg3 : memref<64x16xf32, #tpu.memory_space<hbm>>) dst(%arg9 : memref<64x16xf32, #tpu.memory_space<vmem>>)
        tpu.yield
      }) : () -> ()
      %get3A = arith.constant 0 : i32
      %get3A_24 = arith.index_cast %get3A : i32 to index
      %get3A_25 = arith.constant 0 : index
      %get3A_26 = tpu.vector_load %arg9[%get3A_24, %get3A_25] {strides = array<i32>} : memref<64x16xf32, #tpu.memory_space<vmem>>, vector<16xf32>,
      %broadcast_in_dim3A = arith.constant 0 : i32
      %broadcast_in_dim3A_27 = vector.broadcast %broadcast_in_dim3A : i32 to vector<16xi32>
      %add3A_28 = arith.constant 0 : i32
      %add3A_29 = vector.broadcast %add3A_28 : i32 to vector<16xi32>
      %add3A_30 = arith.addi %add3A_29, %iota3A : vector<16xi32>
      tpu.vector_store_idx %arg7[%broadcast_in_dim3A_27, %add3A_30], %get3A_26 : memref<64x128xf32, #tpu.memory_space<vmem>>[vector<16xi32>, vector<16xi32>], vector<16xf32>,
      %get3A_31 = arith.constant 1 : i32
      %get3A_32 = arith.index_cast %get3A_31 : i32 to index
      %get3A_33 = arith.constant 0 : index
      %get3A_34 = tpu.vector_load %arg9[%get3A_32, %get3A_33] {strides = array<i32>} : memref<64x16xf32, #tpu.memory_space<vmem>>, vector<16xf32>,
      %broadcast_in_dim3A_35 = arith.constant 0 : i32
      %broadcast_in_dim3A_36 = vector.broadcast %broadcast_in_dim3A_35 : i32 to vector<16xi32>
      %add3A_37 = arith.constant 16 : i32
      %add3A_38 = vector.broadcast %add3A_37 : i32 to vector<16xi32>
      %add3A_39 = arith.addi %add3A_38, %iota3A : vector<16xi32>
      tpu.vector_store_idx %arg7[%broadcast_in_dim3A_36, %add3A_39], %get3A_34 : memref<64x128xf32, #tpu.memory_space<vmem>>[vector<16xi32>, vector<16xi32>], vector<16xf32>,
      %get3A_40 = arith.constant 2 : i32
      %get3A_41 = arith.index_cast %get3A_40 : i32 to index
      %get3A_42 = arith.constant 0 : index
      %get3A_43 = tpu.vector_load %arg9[%get3A_41, %get3A_42] {strides = array<i32>} : memref<64x16xf32, #tpu.memory_space<vmem>>, vector<16xf32>,
      %broadcast_in_dim3A_44 = arith.constant 0 : i32
      %broadcast_in_dim3A_45 = vector.broadcast %broadcast_in_dim3A_44 : i32 to vector<16xi32>
      %add3A_46 = arith.constant 32 : i32
      %add3A_47 = vector.broadcast %add3A_46 : i32 to vector<16xi32>
      %add3A_48 = arith.addi %add3A_47, %iota3A : vector<16xi32>
      tpu.vector_store_idx %arg7[%broadcast_in_dim3A_45, %add3A_48], %get3A_43 : memref<64x128xf32, #tpu.memory_space<vmem>>[vector<16xi32>, vector<16xi32>], vector<16xf32>,
      %get3A_49 = arith.constant 3 : i32
      %get3A_50 = arith.index_cast %get3A_49 : i32 to index
      %get3A_51 = arith.constant 0 : index
      %get3A_52 = tpu.vector_load %arg9[%get3A_50, %get3A_51] {strides = array<i32>} : memref<64x16xf32, #tpu.memory_space<vmem>>, vector<16xf32>,
      %broadcast_in_dim3A_53 = arith.constant 0 : i32
      %broadcast_in_dim3A_54 = vector.broadcast %broadcast_in_dim3A_53 : i32 to vector<16xi32>
      %add3A_55 = arith.constant 48 : i32
      %add3A_56 = vector.broadcast %add3A_55 : i32 to vector<16xi32>
      %add3A_57 = arith.addi %add3A_56, %iota3A : vector<16xi32>
      tpu.vector_store_idx %arg7[%broadcast_in_dim3A_54, %add3A_57], %get3A_52 : memref<64x128xf32, #tpu.memory_space<vmem>>[vector<16xi32>, vector<16xi32>], vector<16xf32>,
      %get3A_58 = arith.constant 4 : i32
      %get3A_59 = arith.index_cast %get3A_58 : i32 to index
      %get3A_60 = arith.constant 0 : index
      %get3A_61 = tpu.vector_load %arg9[%get3A_59, %get3A_60] {strides = array<i32>} : memref<64x16xf32, #tpu.memory_space<vmem>>, vector<16xf32>,
      %broadcast_in_dim3A_62 = arith.constant 0 : i32
      %broadcast_in_dim3A_63 = vector.broadcast %broadcast_in_dim3A_62 : i32 to vector<16xi32>
      %add3A_64 = arith.constant 64 : i32
      %add3A_65 = vector.broadcast %add3A_64 : i32 to vector<16xi32>
      %add3A_66 = arith.addi %add3A_65, %iota3A : vector<16xi32>
      tpu.vector_store_idx %arg7[%broadcast_in_dim3A_63, %add3A_66], %get3A_61 : memref<64x128xf32, #tpu.memory_space<vmem>>[vector<16xi32>, vector<16xi32>], vector<16xf32>,
      %get3A_67 = arith.constant 5 : i32
      %get3A_68 = arith.index_cast %get3A_67 : i32 to index
      %get3A_69 = arith.constant 0 : index
      %get3A_70 = tpu.vector_load %arg9[%get3A_68, %get3A_69] {strides = array<i32>} : memref<64x16xf32, #tpu.memory_space<vmem>>, vector<16xf32>,
      %broadcast_in_dim3A_71 = arith.constant 0 : i32
      %broadcast_in_dim3A_72 = vector.broadcast %broadcast_in_dim3A_71 : i32 to vector<16xi32>
      %add3A_73 = arith.constant 80 : i32
      %add3A_74 = vector.broadcast %add3A_73 : i32 to vector<16xi32>
      %add3A_75 = arith.addi %add3A_74, %iota3A : vector<16xi32>
      tpu.vector_store_idx %arg7[%broadcast_in_dim3A_72, %add3A_75], %get3A_70 : memref<64x128xf32, #tpu.memory_space<vmem>>[vector<16xi32>, vector<16xi32>], vector<16xf32>,
      %get3A_76 = arith.constant 6 : i32
      %get3A_77 = arith.index_cast %get3A_76 : i32 to index
      %get3A_78 = arith.constant 0 : index
      %get3A_79 = tpu.vector_load %arg9[%get3A_77, %get3A_78] {strides = array<i32>} : memref<64x16xf32, #tpu.memory_space<vmem>>, vector<16xf32>,
      %broadcast_in_dim3A_80 = arith.constant 0 : i32
      %broadcast_in_dim3A_81 = vector.broadcast %broadcast_in_dim3A_80 : i32 to vector<16xi32>
      %add3A_82 = arith.constant 96 : i32
      %add3A_83 = vector.broadcast %add3A_82 : i32 to vector<16xi32>
      %add3A_84 = arith.addi %add3A_83, %iota3A : vector<16xi32>
      tpu.vector_store_idx %arg7[%broadcast_in_dim3A_81, %add3A_84], %get3A_79 : memref<64x128xf32, #tpu.memory_space<vmem>>[vector<16xi32>, vector<16xi32>], vector<16xf32>,
      %get3A_85 = arith.constant 7 : i32
      %get3A_86 = arith.index_cast %get3A_85 : i32 to index
      %get3A_87 = arith.constant 0 : index
      %get3A_88 = tpu.vector_load %arg9[%get3A_86, %get3A_87] {strides = array<i32>} : memref<64x16xf32, #tpu.memory_space<vmem>>, vector<16xf32>,
      %broadcast_in_dim3A_89 = arith.constant 0 : i32
      %broadcast_in_dim3A_90 = vector.broadcast %broadcast_in_dim3A_89 : i32 to vector<16xi32>
      %add3A_91 = arith.constant 112 : i32
      %add3A_92 = vector.broadcast %add3A_91 : i32 to vector<16xi32>
      %add3A_93 = arith.addi %add3A_92, %iota3A : vector<16xi32>
      tpu.vector_store_idx %arg7[%broadcast_in_dim3A_90, %add3A_93], %get3A_88 : memref<64x128xf32, #tpu.memory_space<vmem>>[vector<16xi32>, vector<16xi32>], vector<16xf32>,
      %get3A_94 = arith.constant 8 : i32
      %get3A_95 = arith.index_cast %get3A_94 : i32 to index
      %get3A_96 = arith.constant 0 : index
      %get3A_97 = tpu.vector_load %arg9[%get3A_95, %get3A_96] {strides = array<i32>} : memref<64x16xf32, #tpu.memory_space<vmem>>, vector<16xf32>,
      %broadcast_in_dim3A_98 = arith.constant 1 : i32
      %broadcast_in_dim3A_99 = vector.broadcast %broadcast_in_dim3A_98 : i32 to vector<16xi32>
      %add3A_100 = arith.constant 0 : i32
      %add3A_101 = vector.broadcast %add3A_100 : i32 to vector<16xi32>
      %add3A_102 = arith.addi %add3A_101, %iota3A : vector<16xi32>
      tpu.vector_store_idx %arg7[%broadcast_in_dim3A_99, %add3A_102], %get3A_97 : memref<64x128xf32, #tpu.memory_space<vmem>>[vector<16xi32>, vector<16xi32>], vector<16xf32>,
      %get3A_103 = arith.constant 9 : i32
      %get3A_104 = arith.index_cast %get3A_103 : i32 to index
      %get3A_105 = arith.constant 0 : index
      %get3A_106 = tpu.vector_load %arg9[%get3A_104, %get3A_105] {strides = array<i32>} : memref<64x16xf32, #tpu.memory_space<vmem>>, vector<16xf32>,
      %broadcast_in_dim3A_107 = arith.constant 1 : i32
      %broadcast_in_dim3A_108 = vector.broadcast %broadcast_in_dim3A_107 : i32 to vector<16xi32>
      %add3A_109 = arith.constant 16 : i32
      %add3A_110 = vector.broadcast %add3A_109 : i32 to vector<16xi32>
      %add3A_111 = arith.addi %add3A_110, %iota3A : vector<16xi32>
      tpu.vector_store_idx %arg7[%broadcast_in_dim3A_108, %add3A_111], %get3A_106 : memref<64x128xf32, #tpu.memory_space<vmem>>[vector<16xi32>, vector<16xi32>], vector<16xf32>,
      %get3A_112 = arith.constant 10 : i32
      %get3A_113 = arith.index_cast %get3A_112 : i32 to index
      %get3A_114 = arith.constant 0 : index
      %get3A_115 = tpu.vector_load %arg9[%get3A_113, %get3A_114] {strides = array<i32>} : memref<64x16xf32, #tpu.memory_space<vmem>>, vector<16xf32>,
      %broadcast_in_dim3A_116 = arith.constant 1 : i32
      %broadcast_in_dim3A_117 = vector.broadcast %broadcast_in_dim3A_116 : i32 to vector<16xi32>
      %add3A_118 = arith.constant 32 : i32
      %add3A_119 = vector.broadcast %add3A_118 : i32 to vector<16xi32>
      %add3A_120 = arith.addi %add3A_119, %iota3A : vector<16xi32>
      tpu.vector_store_idx %arg7[%broadcast_in_dim3A_117, %add3A_120], %get3A_115 : memref<64x128xf32, #tpu.memory_space<vmem>>[vector<16xi32>, vector<16xi32>], vector<16xf32>,
      %get3A_121 = arith.constant 11 : i32
      %get3A_122 = arith.index_cast %get3A_121 : i32 to index
      %get3A_123 = arith.constant 0 : index
      %get3A_124 = tpu.vector_load %arg9[%get3A_122, %get3A_123] {strides = array<i32>} : memref<64x16xf32, #tpu.memory_space<vmem>>, vector<16xf32>,
      %broadcast_in_dim3A_125 = arith.constant 1 : i32
      %broadcast_in_dim3A_126 = vector.broadcast %broadcast_in_dim3A_125 : i32 to vector<16xi32>
      %add3A_127 = arith.constant 48 : i32
      %add3A_128 = vector.broadcast %add3A_127 : i32 to vector<16xi32>
      %add3A_129 = arith.addi %add3A_128, %iota3A : vector<16xi32>
      tpu.vector_store_idx %arg7[%broadcast_in_dim3A_126, %add3A_129], %get3A_124 : memref<64x128xf32, #tpu.memory_space<vmem>>[vector<16xi32>, vector<16xi32>], vector<16xf32>,
      %get3A_130 = arith.constant 12 : i32
      %get3A_131 = arith.index_cast %get3A_130 : i32 to index
      %get3A_132 = arith.constant 0 : index
      %get3A_133 = tpu.vector_load %arg9[%get3A_131, %get3A_132] {strides = array<i32>} : memref<64x16xf32, #tpu.memory_space<vmem>>, vector<16xf32>,
      %broadcast_in_dim3A_134 = arith.constant 1 : i32
      %broadcast_in_dim3A_135 = vector.broadcast %broadcast_in_dim3A_134 : i32 to vector<16xi32>
      %add3A_136 = arith.constant 64 : i32
      %add3A_137 = vector.broadcast %add3A_136 : i32 to vector<16xi32>
      %add3A_138 = arith.addi %add3A_137, %iota3A : vector<16xi32>
      tpu.vector_store_idx %arg7[%broadcast_in_dim3A_135, %add3A_138], %get3A_133 : memref<64x128xf32, #tpu.memory_space<vmem>>[vector<16xi32>, vector<16xi32>], vector<16xf32>,
      %get3A_139 = arith.constant 13 : i32
      %get3A_140 = arith.index_cast %get3A_139 : i32 to index
      %get3A_141 = arith.constant 0 : index
      %get3A_142 = tpu.vector_load %arg9[%get3A_140, %get3A_141] {strides = array<i32>} : memref<64x16xf32, #tpu.memory_space<vmem>>, vector<16xf32>,
      %broadcast_in_dim3A_143 = arith.constant 1 : i32
      %broadcast_in_dim3A_144 = vector.broadcast %broadcast_in_dim3A_143 : i32 to vector<16xi32>
      %add3A_145 = arith.constant 80 : i32
      %add3A_146 = vector.broadcast %add3A_145 : i32 to vector<16xi32>
      %add3A_147 = arith.addi %add3A_146, %iota3A : vector<16xi32>
      tpu.vector_store_idx %arg7[%broadcast_in_dim3A_144, %add3A_147], %get3A_142 : memref<64x128xf32, #tpu.memory_space<vmem>>[vector<16xi32>, vector<16xi32>], vector<16xf32>,
      %get3A_148 = arith.constant 14 : i32
      %get3A_149 = arith.index_cast %get3A_148 : i32 to index
      %get3A_150 = arith.constant 0 : index
      %get3A_151 = tpu.vector_load %arg9[%get3A_149, %get3A_150] {strides = array<i32>} : memref<64x16xf32, #tpu.memory_space<vmem>>, vector<16xf32>,
      %broadcast_in_dim3A_152 = arith.constant 1 : i32
      %broadcast_in_dim3A_153 = vector.broadcast %broadcast_in_dim3A_152 : i32 to vector<16xi32>
      %add3A_154 = arith.constant 96 : i32
      %add3A_155 = vector.broadcast %add3A_154 : i32 to vector<16xi32>
      %add3A_156 = arith.addi %add3A_155, %iota3A : vector<16xi32>
      tpu.vector_store_idx %arg7[%broadcast_in_dim3A_153, %add3A_156], %get3A_151 : memref<64x128xf32, #tpu.memory_space<vmem>>[vector<16xi32>, vector<16xi32>], vector<16xf32>,
      %get3A_157 = arith.constant 15 : i32
      %get3A_158 = arith.index_cast %get3A_157 : i32 to index
      %get3A_159 = arith.constant 0 : index
      %get3A_160 = tpu.vector_load %arg9[%get3A_158, %get3A_159] {strides = array<i32>} : memref<64x16xf32, #tpu.memory_space<vmem>>, vector<16xf32>,
      %broadcast_in_dim3A_161 = arith.constant 1 : i32
      %broadcast_in_dim3A_162 = vector.broadcast %broadcast_in_dim3A_161 : i32 to vector<16xi32>
      %add3A_163 = arith.constant 112 : i32
      %add3A_164 = vector.broadcast %add3A_163 : i32 to vector<16xi32>
      %add3A_165 = arith.addi %add3A_164, %iota3A : vector<16xi32>
      tpu.vector_store_idx %arg7[%broadcast_in_dim3A_162, %add3A_165], %get3A_160 : memref<64x128xf32, #tpu.memory_space<vmem>>[vector<16xi32>, vector<16xi32>], vector<16xf32>,
      %get3A_166 = arith.constant 16 : i32
      %get3A_167 = arith.index_cast %get3A_166 : i32 to index
      %get3A_168 = arith.constant 0 : index
      %get3A_169 = tpu.vector_load %arg9[%get3A_167, %get3A_168] {strides = array<i32>} : memref<64x16xf32, #tpu.memory_space<vmem>>, vector<16xf32>,
      %broadcast_in_dim3A_170 = arith.constant 2 : i32
      %broadcast_in_dim3A_171 = vector.broadcast %broadcast_in_dim3A_170 : i32 to vector<16xi32>
      %add3A_172 = arith.constant 0 : i32
      %add3A_173 = vector.broadcast %add3A_172 : i32 to vector<16xi32>
      %add3A_174 = arith.addi %add3A_173, %iota3A : vector<16xi32>
      tpu.vector_store_idx %arg7[%broadcast_in_dim3A_171, %add3A_174], %get3A_169 : memref<64x128xf32, #tpu.memory_space<vmem>>[vector<16xi32>, vector<16xi32>], vector<16xf32>,
      %get3A_175 = arith.constant 17 : i32
      %get3A_176 = arith.index_cast %get3A_175 : i32 to index
      %get3A_177 = arith.constant 0 : index
      %get3A_178 = tpu.vector_load %arg9[%get3A_176, %get3A_177] {strides = array<i32>} : memref<64x16xf32, #tpu.memory_space<vmem>>, vector<16xf32>,
      %broadcast_in_dim3A_179 = arith.constant 2 : i32
      %broadcast_in_dim3A_180 = vector.broadcast %broadcast_in_dim3A_179 : i32 to vector<16xi32>
      %add3A_181 = arith.constant 16 : i32
      %add3A_182 = vector.broadcast %add3A_181 : i32 to vector<16xi32>
      %add3A_183 = arith.addi %add3A_182, %iota3A : vector<16xi32>
      tpu.vector_store_idx %arg7[%broadcast_in_dim3A_180, %add3A_183], %get3A_178 : memref<64x128xf32, #tpu.memory_space<vmem>>[vector<16xi32>, vector<16xi32>], vector<16xf32>,
      %get3A_184 = arith.constant 18 : i32
      %get3A_185 = arith.index_cast %get3A_184 : i32 to index
      %get3A_186 = arith.constant 0 : index
      %get3A_187 = tpu.vector_load %arg9[%get3A_185, %get3A_186] {strides = array<i32>} : memref<64x16xf32, #tpu.memory_space<vmem>>, vector<16xf32>,
      %broadcast_in_dim3A_188 = arith.constant 2 : i32
      %broadcast_in_dim3A_189 = vector.broadcast %broadcast_in_dim3A_188 : i32 to vector<16xi32>
      %add3A_190 = arith.constant 32 : i32
      %add3A_191 = vector.broadcast %add3A_190 : i32 to vector<16xi32>
      %add3A_192 = arith.addi %add3A_191, %iota3A : vector<16xi32>
      tpu.vector_store_idx %arg7[%broadcast_in_dim3A_189, %add3A_192], %get3A_187 : memref<64x128xf32, #tpu.memory_space<vmem>>[vector<16xi32>, vector<16xi32>], vector<16xf32>,
      %get3A_193 = arith.constant 19 : i32
      %get3A_194 = arith.index_cast %get3A_193 : i32 to index
      %get3A_195 = arith.constant 0 : index
      %get3A_196 = tpu.vector_load %arg9[%get3A_194, %get3A_195] {strides = array<i32>} : memref<64x16xf32, #tpu.memory_space<vmem>>, vector<16xf32>,
      %broadcast_in_dim3A_197 = arith.constant 2 : i32
      %broadcast_in_dim3A_198 = vector.broadcast %broadcast_in_dim3A_197 : i32 to vector<16xi32>
      %add3A_199 = arith.constant 48 : i32
      %add3A_200 = vector.broadcast %add3A_199 : i32 to vector<16xi32>
      %add3A_201 = arith.addi %add3A_200, %iota3A : vector<16xi32>
      tpu.vector_store_idx %arg7[%broadcast_in_dim3A_198, %add3A_201], %get3A_196 : memref<64x128xf32, #tpu.memory_space<vmem>>[vector<16xi32>, vector<16xi32>], vector<16xf32>,
      %get3A_202 = arith.constant 20 : i32
      %get3A_203 = arith.index_cast %get3A_202 : i32 to index
      %get3A_204 = arith.constant 0 : index
      %get3A_205 = tpu.vector_load %arg9[%get3A_203, %get3A_204] {strides = array<i32>} : memref<64x16xf32, #tpu.memory_space<vmem>>, vector<16xf32>,
      %broadcast_in_dim3A_206 = arith.constant 2 : i32
      %broadcast_in_dim3A_207 = vector.broadcast %broadcast_in_dim3A_206 : i32 to vector<16xi32>
      %add3A_208 = arith.constant 64 : i32
      %add3A_209 = vector.broadcast %add3A_208 : i32 to vector<16xi32>
      %add3A_210 = arith.addi %add3A_209, %iota3A : vector<16xi32>
      tpu.vector_store_idx %arg7[%broadcast_in_dim3A_207, %add3A_210], %get3A_205 : memref<64x128xf32, #tpu.memory_space<vmem>>[vector<16xi32>, vector<16xi32>], vector<16xf32>,
      %get3A_211 = arith.constant 21 : i32
      %get3A_212 = arith.index_cast %get3A_211 : i32 to index
      %get3A_213 = arith.constant 0 : index
      %get3A_214 = tpu.vector_load %arg9[%get3A_212, %get3A_213] {strides = array<i32>} : memref<64x16xf32, #tpu.memory_space<vmem>>, vector<16xf32>,
      %broadcast_in_dim3A_215 = arith.constant 2 : i32
      %broadcast_in_dim3A_216 = vector.broadcast %broadcast_in_dim3A_215 : i32 to vector<16xi32>
      %add3A_217 = arith.constant 80 : i32
      %add3A_218 = vector.broadcast %add3A_217 : i32 to vector<16xi32>
      %add3A_219 = arith.addi %add3A_218, %iota3A : vector<16xi32>
      tpu.vector_store_idx %arg7[%broadcast_in_dim3A_216, %add3A_219], %get3A_214 : memref<64x128xf32, #tpu.memory_space<vmem>>[vector<16xi32>, vector<16xi32>], vector<16xf32>,
      %get3A_220 = arith.constant 22 : i32
      %get3A_221 = arith.index_cast %get3A_220 : i32 to index
      %get3A_222 = arith.constant 0 : index
      %get3A_223 = tpu.vector_load %arg9[%get3A_221, %get3A_222] {strides = array<i32>} : memref<64x16xf32, #tpu.memory_space<vmem>>, vector<16xf32>,
      %broadcast_in_dim3A_224 = arith.constant 2 : i32
      %broadcast_in_dim3A_225 = vector.broadcast %broadcast_in_dim3A_224 : i32 to vector<16xi32>
      %add3A_226 = arith.constant 96 : i32
      %add3A_227 = vector.broadcast %add3A_226 : i32 to vector<16xi32>
      %add3A_228 = arith.addi %add3A_227, %iota3A : vector<16xi32>
      tpu.vector_store_idx %arg7[%broadcast_in_dim3A_225, %add3A_228], %get3A_223 : memref<64x128xf32, #tpu.memory_space<vmem>>[vector<16xi32>, vector<16xi32>], vector<16xf32>,
      %get3A_229 = arith.constant 23 : i32
      %get3A_230 = arith.index_cast %get3A_229 : i32 to index
      %get3A_231 = arith.constant 0 : index
      %get3A_232 = tpu.vector_load %arg9[%get3A_230, %get3A_231] {strides = array<i32>} : memref<64x16xf32, #tpu.memory_space<vmem>>, vector<16xf32>,
      %broadcast_in_dim3A_233 = arith.constant 2 : i32
      %broadcast_in_dim3A_234 = vector.broadcast %broadcast_in_dim3A_233 : i32 to vector<16xi32>
      %add3A_235 = arith.constant 112 : i32
      %add3A_236 = vector.broadcast %add3A_235 : i32 to vector<16xi32>
      %add3A_237 = arith.addi %add3A_236, %iota3A : vector<16xi32>
      tpu.vector_store_idx %arg7[%broadcast_in_dim3A_234, %add3A_237], %get3A_232 : memref<64x128xf32, #tpu.memory_space<vmem>>[vector<16xi32>, vector<16xi32>], vector<16xf32>,
      %get3A_238 = arith.constant 24 : i32
      %get3A_239 = arith.index_cast %get3A_238 : i32 to index
      %get3A_240 = arith.constant 0 : index
      %get3A_241 = tpu.vector_load %arg9[%get3A_239, %get3A_240] {strides = array<i32>} : memref<64x16xf32, #tpu.memory_space<vmem>>, vector<16xf32>,
      %broadcast_in_dim3A_242 = arith.constant 3 : i32
      %broadcast_in_dim3A_243 = vector.broadcast %broadcast_in_dim3A_242 : i32 to vector<16xi32>
      %add3A_244 = arith.constant 0 : i32
      %add3A_245 = vector.broadcast %add3A_244 : i32 to vector<16xi32>
      %add3A_246 = arith.addi %add3A_245, %iota3A : vector<16xi32>
      tpu.vector_store_idx %arg7[%broadcast_in_dim3A_243, %add3A_246], %get3A_241 : memref<64x128xf32, #tpu.memory_space<vmem>>[vector<16xi32>, vector<16xi32>], vector<16xf32>,
      %get3A_247 = arith.constant 25 : i32
      %get3A_248 = arith.index_cast %get3A_247 : i32 to index
      %get3A_249 = arith.constant 0 : index
      %get3A_250 = tpu.vector_load %arg9[%get3A_248, %get3A_249] {strides = array<i32>} : memref<64x16xf32, #tpu.memory_space<vmem>>, vector<16xf32>,
      %broadcast_in_dim3A_251 = arith.constant 3 : i32
      %broadcast_in_dim3A_252 = vector.broadcast %broadcast_in_dim3A_251 : i32 to vector<16xi32>
      %add3A_253 = arith.constant 16 : i32
      %add3A_254 = vector.broadcast %add3A_253 : i32 to vector<16xi32>
      %add3A_255 = arith.addi %add3A_254, %iota3A : vector<16xi32>
      tpu.vector_store_idx %arg7[%broadcast_in_dim3A_252, %add3A_255], %get3A_250 : memref<64x128xf32, #tpu.memory_space<vmem>>[vector<16xi32>, vector<16xi32>], vector<16xf32>,
      %get3A_256 = arith.constant 26 : i32
      %get3A_257 = arith.index_cast %get3A_256 : i32 to index
      %get3A_258 = arith.constant 0 : index
      %get3A_259 = tpu.vector_load %arg9[%get3A_257, %get3A_258] {strides = array<i32>} : memref<64x16xf32, #tpu.memory_space<vmem>>, vector<16xf32>,
      %broadcast_in_dim3A_260 = arith.constant 3 : i32
      %broadcast_in_dim3A_261 = vector.broadcast %broadcast_in_dim3A_260 : i32 to vector<16xi32>
      %add3A_262 = arith.constant 32 : i32
      %add3A_263 = vector.broadcast %add3A_262 : i32 to vector<16xi32>
      %add3A_264 = arith.addi %add3A_263, %iota3A : vector<16xi32>
      tpu.vector_store_idx %arg7[%broadcast_in_dim3A_261, %add3A_264], %get3A_259 : memref<64x128xf32, #tpu.memory_space<vmem>>[vector<16xi32>, vector<16xi32>], vector<16xf32>,
      %get3A_265 = arith.constant 27 : i32
      %get3A_266 = arith.index_cast %get3A_265 : i32 to index
      %get3A_267 = arith.constant 0 : index
      %get3A_268 = tpu.vector_load %arg9[%get3A_266, %get3A_267] {strides = array<i32>} : memref<64x16xf32, #tpu.memory_space<vmem>>, vector<16xf32>,
      %broadcast_in_dim3A_269 = arith.constant 3 : i32
      %broadcast_in_dim3A_270 = vector.broadcast %broadcast_in_dim3A_269 : i32 to vector<16xi32>
      %add3A_271 = arith.constant 48 : i32
      %add3A_272 = vector.broadcast %add3A_271 : i32 to vector<16xi32>
      %add3A_273 = arith.addi %add3A_272, %iota3A : vector<16xi32>
      tpu.vector_store_idx %arg7[%broadcast_in_dim3A_270, %add3A_273], %get3A_268 : memref<64x128xf32, #tpu.memory_space<vmem>>[vector<16xi32>, vector<16xi32>], vector<16xf32>,
      %get3A_274 = arith.constant 28 : i32
      %get3A_275 = arith.index_cast %get3A_274 : i32 to index
      %get3A_276 = arith.constant 0 : index
      %get3A_277 = tpu.vector_load %arg9[%get3A_275, %get3A_276] {strides = array<i32>} : memref<64x16xf32, #tpu.memory_space<vmem>>, vector<16xf32>,
      %broadcast_in_dim3A_278 = arith.constant 3 : i32
      %broadcast_in_dim3A_279 = vector.broadcast %broadcast_in_dim3A_278 : i32 to vector<16xi32>
      %add3A_280 = arith.constant 64 : i32
      %add3A_281 = vector.broadcast %add3A_280 : i32 to vector<16xi32>
      %add3A_282 = arith.addi %add3A_281, %iota3A : vector<16xi32>
      tpu.vector_store_idx %arg7[%broadcast_in_dim3A_279, %add3A_282], %get3A_277 : memref<64x128xf32, #tpu.memory_space<vmem>>[vector<16xi32>, vector<16xi32>], vector<16xf32>,
      %get3A_283 = arith.constant 29 : i32
      %get3A_284 = arith.index_cast %get3A_283 : i32 to index
      %get3A_285 = arith.constant 0 : index
      %get3A_286 = tpu.vector_load %arg9[%get3A_284, %get3A_285] {strides = array<i32>} : memref<64x16xf32, #tpu.memory_space<vmem>>, vector<16xf32>,
      %broadcast_in_dim3A_287 = arith.constant 3 : i32
      %broadcast_in_dim3A_288 = vector.broadcast %broadcast_in_dim3A_287 : i32 to vector<16xi32>
      %add3A_289 = arith.constant 80 : i32
      %add3A_290 = vector.broadcast %add3A_289 : i32 to vector<16xi32>
      %add3A_291 = arith.addi %add3A_290, %iota3A : vector<16xi32>
      tpu.vector_store_idx %arg7[%broadcast_in_dim3A_288, %add3A_291], %get3A_286 : memref<64x128xf32, #tpu.memory_space<vmem>>[vector<16xi32>, vector<16xi32>], vector<16xf32>,
      %get3A_292 = arith.constant 30 : i32
      %get3A_293 = arith.index_cast %get3A_292 : i32 to index
      %get3A_294 = arith.constant 0 : index
      %get3A_295 = tpu.vector_load %arg9[%get3A_293, %get3A_294] {strides = array<i32>} : memref<64x16xf32, #tpu.memory_space<vmem>>, vector<16xf32>,
      %broadcast_in_dim3A_296 = arith.constant 3 : i32
      %broadcast_in_dim3A_297 = vector.broadcast %broadcast_in_dim3A_296 : i32 to vector<16xi32>
      %add3A_298 = arith.constant 96 : i32
      %add3A_299 = vector.broadcast %add3A_298 : i32 to vector<16xi32>
      %add3A_300 = arith.addi %add3A_299, %iota3A : vector<16xi32>
      tpu.vector_store_idx %arg7[%broadcast_in_dim3A_297, %add3A_300], %get3A_295 : memref<64x128xf32, #tpu.memory_space<vmem>>[vector<16xi32>, vector<16xi32>], vector<16xf32>,
      %get3A_301 = arith.constant 31 : i32
      %get3A_302 = arith.index_cast %get3A_301 : i32 to index
      %get3A_303 = arith.constant 0 : index
      %get3A_304 = tpu.vector_load %arg9[%get3A_302, %get3A_303] {strides = array<i32>} : memref<64x16xf32, #tpu.memory_space<vmem>>, vector<16xf32>,
      %broadcast_in_dim3A_305 = arith.constant 3 : i32
      %broadcast_in_dim3A_306 = vector.broadcast %broadcast_in_dim3A_305 : i32 to vector<16xi32>
      %add3A_307 = arith.constant 112 : i32
      %add3A_308 = vector.broadcast %add3A_307 : i32 to vector<16xi32>
      %add3A_309 = arith.addi %add3A_308, %iota3A : vector<16xi32>
      tpu.vector_store_idx %arg7[%broadcast_in_dim3A_306, %add3A_309], %get3A_304 : memref<64x128xf32, #tpu.memory_space<vmem>>[vector<16xi32>, vector<16xi32>], vector<16xf32>,
      %get3A_310 = arith.constant 32 : i32
      %get3A_311 = arith.index_cast %get3A_310 : i32 to index
      %get3A_312 = arith.constant 0 : index
      %get3A_313 = tpu.vector_load %arg9[%get3A_311, %get3A_312] {strides = array<i32>} : memref<64x16xf32, #tpu.memory_space<vmem>>, vector<16xf32>,
      %broadcast_in_dim3A_314 = arith.constant 4 : i32
      %broadcast_in_dim3A_315 = vector.broadcast %broadcast_in_dim3A_314 : i32 to vector<16xi32>
      %add3A_316 = arith.constant 0 : i32
      %add3A_317 = vector.broadcast %add3A_316 : i32 to vector<16xi32>
      %add3A_318 = arith.addi %add3A_317, %iota3A : vector<16xi32>
      tpu.vector_store_idx %arg7[%broadcast_in_dim3A_315, %add3A_318], %get3A_313 : memref<64x128xf32, #tpu.memory_space<vmem>>[vector<16xi32>, vector<16xi32>], vector<16xf32>,
      %get3A_319 = arith.constant 33 : i32
      %get3A_320 = arith.index_cast %get3A_319 : i32 to index
      %get3A_321 = arith.constant 0 : index
      %get3A_322 = tpu.vector_load %arg9[%get3A_320, %get3A_321] {strides = array<i32>} : memref<64x16xf32, #tpu.memory_space<vmem>>, vector<16xf32>,
      %broadcast_in_dim3A_323 = arith.constant 4 : i32
      %broadcast_in_dim3A_324 = vector.broadcast %broadcast_in_dim3A_323 : i32 to vector<16xi32>
      %add3A_325 = arith.constant 16 : i32
      %add3A_326 = vector.broadcast %add3A_325 : i32 to vector<16xi32>
      %add3A_327 = arith.addi %add3A_326, %iota3A : vector<16xi32>
      tpu.vector_store_idx %arg7[%broadcast_in_dim3A_324, %add3A_327], %get3A_322 : memref<64x128xf32, #tpu.memory_space<vmem>>[vector<16xi32>, vector<16xi32>], vector<16xf32>,
      %get3A_328 = arith.constant 34 : i32
      %get3A_329 = arith.index_cast %get3A_328 : i32 to index
      %get3A_330 = arith.constant 0 : index
      %get3A_331 = tpu.vector_load %arg9[%get3A_329, %get3A_330] {strides = array<i32>} : memref<64x16xf32, #tpu.memory_space<vmem>>, vector<16xf32>,
      %broadcast_in_dim3A_332 = arith.constant 4 : i32
      %broadcast_in_dim3A_333 = vector.broadcast %broadcast_in_dim3A_332 : i32 to vector<16xi32>
      %add3A_334 = arith.constant 32 : i32
      %add3A_335 = vector.broadcast %add3A_334 : i32 to vector<16xi32>
      %add3A_336 = arith.addi %add3A_335, %iota3A : vector<16xi32>
      tpu.vector_store_idx %arg7[%broadcast_in_dim3A_333, %add3A_336], %get3A_331 : memref<64x128xf32, #tpu.memory_space<vmem>>[vector<16xi32>, vector<16xi32>], vector<16xf32>,
      %get3A_337 = arith.constant 35 : i32
      %get3A_338 = arith.index_cast %get3A_337 : i32 to index
      %get3A_339 = arith.constant 0 : index
      %get3A_340 = tpu.vector_load %arg9[%get3A_338, %get3A_339] {strides = array<i32>} : memref<64x16xf32, #tpu.memory_space<vmem>>, vector<16xf32>,
      %broadcast_in_dim3A_341 = arith.constant 4 : i32
      %broadcast_in_dim3A_342 = vector.broadcast %broadcast_in_dim3A_341 : i32 to vector<16xi32>
      %add3A_343 = arith.constant 48 : i32
      %add3A_344 = vector.broadcast %add3A_343 : i32 to vector<16xi32>
      %add3A_345 = arith.addi %add3A_344, %iota3A : vector<16xi32>
      tpu.vector_store_idx %arg7[%broadcast_in_dim3A_342, %add3A_345], %get3A_340 : memref<64x128xf32, #tpu.memory_space<vmem>>[vector<16xi32>, vector<16xi32>], vector<16xf32>,
      %get3A_346 = arith.constant 36 : i32
      %get3A_347 = arith.index_cast %get3A_346 : i32 to index
      %get3A_348 = arith.constant 0 : index
      %get3A_349 = tpu.vector_load %arg9[%get3A_347, %get3A_348] {strides = array<i32>} : memref<64x16xf32, #tpu.memory_space<vmem>>, vector<16xf32>,
      %broadcast_in_dim3A_350 = arith.constant 4 : i32
      %broadcast_in_dim3A_351 = vector.broadcast %broadcast_in_dim3A_350 : i32 to vector<16xi32>
      %add3A_352 = arith.constant 64 : i32
      %add3A_353 = vector.broadcast %add3A_352 : i32 to vector<16xi32>
      %add3A_354 = arith.addi %add3A_353, %iota3A : vector<16xi32>
      tpu.vector_store_idx %arg7[%broadcast_in_dim3A_351, %add3A_354], %get3A_349 : memref<64x128xf32, #tpu.memory_space<vmem>>[vector<16xi32>, vector<16xi32>], vector<16xf32>,
      %get3A_355 = arith.constant 37 : i32
      %get3A_356 = arith.index_cast %get3A_355 : i32 to index
      %get3A_357 = arith.constant 0 : index
      %get3A_358 = tpu.vector_load %arg9[%get3A_356, %get3A_357] {strides = array<i32>} : memref<64x16xf32, #tpu.memory_space<vmem>>, vector<16xf32>,
      %broadcast_in_dim3A_359 = arith.constant 4 : i32
      %broadcast_in_dim3A_360 = vector.broadcast %broadcast_in_dim3A_359 : i32 to vector<16xi32>
      %add3A_361 = arith.constant 80 : i32
      %add3A_362 = vector.broadcast %add3A_361 : i32 to vector<16xi32>
      %add3A_363 = arith.addi %add3A_362, %iota3A : vector<16xi32>
      tpu.vector_store_idx %arg7[%broadcast_in_dim3A_360, %add3A_363], %get3A_358 : memref<64x128xf32, #tpu.memory_space<vmem>>[vector<16xi32>, vector<16xi32>], vector<16xf32>,
      %get3A_364 = arith.constant 38 : i32
      %get3A_365 = arith.index_cast %get3A_364 : i32 to index
      %get3A_366 = arith.constant 0 : index
      %get3A_367 = tpu.vector_load %arg9[%get3A_365, %get3A_366] {strides = array<i32>} : memref<64x16xf32, #tpu.memory_space<vmem>>, vector<16xf32>,
      %broadcast_in_dim3A_368 = arith.constant 4 : i32
      %broadcast_in_dim3A_369 = vector.broadcast %broadcast_in_dim3A_368 : i32 to vector<16xi32>
      %add3A_370 = arith.constant 96 : i32
      %add3A_371 = vector.broadcast %add3A_370 : i32 to vector<16xi32>
      %add3A_372 = arith.addi %add3A_371, %iota3A : vector<16xi32>
      tpu.vector_store_idx %arg7[%broadcast_in_dim3A_369, %add3A_372], %get3A_367 : memref<64x128xf32, #tpu.memory_space<vmem>>[vector<16xi32>, vector<16xi32>], vector<16xf32>,
      %get3A_373 = arith.constant 39 : i32
      %get3A_374 = arith.index_cast %get3A_373 : i32 to index
      %get3A_375 = arith.constant 0 : index
      %get3A_376 = tpu.vector_load %arg9[%get3A_374, %get3A_375] {strides = array<i32>} : memref<64x16xf32, #tpu.memory_space<vmem>>, vector<16xf32>,
      %broadcast_in_dim3A_377 = arith.constant 4 : i32
      %broadcast_in_dim3A_378 = vector.broadcast %broadcast_in_dim3A_377 : i32 to vector<16xi32>
      %add3A_379 = arith.constant 112 : i32
      %add3A_380 = vector.broadcast %add3A_379 : i32 to vector<16xi32>
      %add3A_381 = arith.addi %add3A_380, %iota3A : vector<16xi32>
      tpu.vector_store_idx %arg7[%broadcast_in_dim3A_378, %add3A_381], %get3A_376 : memref<64x128xf32, #tpu.memory_space<vmem>>[vector<16xi32>, vector<16xi32>], vector<16xf32>,
      %get3A_382 = arith.constant 40 : i32
      %get3A_383 = arith.index_cast %get3A_382 : i32 to index
      %get3A_384 = arith.constant 0 : index
      %get3A_385 = tpu.vector_load %arg9[%get3A_383, %get3A_384] {strides = array<i32>} : memref<64x16xf32, #tpu.memory_space<vmem>>, vector<16xf32>,
      %broadcast_in_dim3A_386 = arith.constant 5 : i32
      %broadcast_in_dim3A_387 = vector.broadcast %broadcast_in_dim3A_386 : i32 to vector<16xi32>
      %add3A_388 = arith.constant 0 : i32
      %add3A_389 = vector.broadcast %add3A_388 : i32 to vector<16xi32>
      %add3A_390 = arith.addi %add3A_389, %iota3A : vector<16xi32>
      tpu.vector_store_idx %arg7[%broadcast_in_dim3A_387, %add3A_390], %get3A_385 : memref<64x128xf32, #tpu.memory_space<vmem>>[vector<16xi32>, vector<16xi32>], vector<16xf32>,
      %get3A_391 = arith.constant 41 : i32
      %get3A_392 = arith.index_cast %get3A_391 : i32 to index
      %get3A_393 = arith.constant 0 : index
      %get3A_394 = tpu.vector_load %arg9[%get3A_392, %get3A_393] {strides = array<i32>} : memref<64x16xf32, #tpu.memory_space<vmem>>, vector<16xf32>,
      %broadcast_in_dim3A_395 = arith.constant 5 : i32
      %broadcast_in_dim3A_396 = vector.broadcast %broadcast_in_dim3A_395 : i32 to vector<16xi32>
      %add3A_397 = arith.constant 16 : i32
      %add3A_398 = vector.broadcast %add3A_397 : i32 to vector<16xi32>
      %add3A_399 = arith.addi %add3A_398, %iota3A : vector<16xi32>
      tpu.vector_store_idx %arg7[%broadcast_in_dim3A_396, %add3A_399], %get3A_394 : memref<64x128xf32, #tpu.memory_space<vmem>>[vector<16xi32>, vector<16xi32>], vector<16xf32>,
      %get3A_400 = arith.constant 42 : i32
      %get3A_401 = arith.index_cast %get3A_400 : i32 to index
      %get3A_402 = arith.constant 0 : index
      %get3A_403 = tpu.vector_load %arg9[%get3A_401, %get3A_402] {strides = array<i32>} : memref<64x16xf32, #tpu.memory_space<vmem>>, vector<16xf32>,
      %broadcast_in_dim3A_404 = arith.constant 5 : i32
      %broadcast_in_dim3A_405 = vector.broadcast %broadcast_in_dim3A_404 : i32 to vector<16xi32>
      %add3A_406 = arith.constant 32 : i32
      %add3A_407 = vector.broadcast %add3A_406 : i32 to vector<16xi32>
      %add3A_408 = arith.addi %add3A_407, %iota3A : vector<16xi32>
      tpu.vector_store_idx %arg7[%broadcast_in_dim3A_405, %add3A_408], %get3A_403 : memref<64x128xf32, #tpu.memory_space<vmem>>[vector<16xi32>, vector<16xi32>], vector<16xf32>,
      %get3A_409 = arith.constant 43 : i32
      %get3A_410 = arith.index_cast %get3A_409 : i32 to index
      %get3A_411 = arith.constant 0 : index
      %get3A_412 = tpu.vector_load %arg9[%get3A_410, %get3A_411] {strides = array<i32>} : memref<64x16xf32, #tpu.memory_space<vmem>>, vector<16xf32>,
      %broadcast_in_dim3A_413 = arith.constant 5 : i32
      %broadcast_in_dim3A_414 = vector.broadcast %broadcast_in_dim3A_413 : i32 to vector<16xi32>
      %add3A_415 = arith.constant 48 : i32
      %add3A_416 = vector.broadcast %add3A_415 : i32 to vector<16xi32>
      %add3A_417 = arith.addi %add3A_416, %iota3A : vector<16xi32>
      tpu.vector_store_idx %arg7[%broadcast_in_dim3A_414, %add3A_417], %get3A_412 : memref<64x128xf32, #tpu.memory_space<vmem>>[vector<16xi32>, vector<16xi32>], vector<16xf32>,
      %get3A_418 = arith.constant 44 : i32
      %get3A_419 = arith.index_cast %get3A_418 : i32 to index
      %get3A_420 = arith.constant 0 : index
      %get3A_421 = tpu.vector_load %arg9[%get3A_419, %get3A_420] {strides = array<i32>} : memref<64x16xf32, #tpu.memory_space<vmem>>, vector<16xf32>,
      %broadcast_in_dim3A_422 = arith.constant 5 : i32
      %broadcast_in_dim3A_423 = vector.broadcast %broadcast_in_dim3A_422 : i32 to vector<16xi32>
      %add3A_424 = arith.constant 64 : i32
      %add3A_425 = vector.broadcast %add3A_424 : i32 to vector<16xi32>
      %add3A_426 = arith.addi %add3A_425, %iota3A : vector<16xi32>
      tpu.vector_store_idx %arg7[%broadcast_in_dim3A_423, %add3A_426], %get3A_421 : memref<64x128xf32, #tpu.memory_space<vmem>>[vector<16xi32>, vector<16xi32>], vector<16xf32>,
      %get3A_427 = arith.constant 45 : i32
      %get3A_428 = arith.index_cast %get3A_427 : i32 to index
      %get3A_429 = arith.constant 0 : index
      %get3A_430 = tpu.vector_load %arg9[%get3A_428, %get3A_429] {strides = array<i32>} : memref<64x16xf32, #tpu.memory_space<vmem>>, vector<16xf32>,
      %broadcast_in_dim3A_431 = arith.constant 5 : i32
      %broadcast_in_dim3A_432 = vector.broadcast %broadcast_in_dim3A_431 : i32 to vector<16xi32>
      %add3A_433 = arith.constant 80 : i32
      %add3A_434 = vector.broadcast %add3A_433 : i32 to vector<16xi32>
      %add3A_435 = arith.addi %add3A_434, %iota3A : vector<16xi32>
      tpu.vector_store_idx %arg7[%broadcast_in_dim3A_432, %add3A_435], %get3A_430 : memref<64x128xf32, #tpu.memory_space<vmem>>[vector<16xi32>, vector<16xi32>], vector<16xf32>,
      %get3A_436 = arith.constant 46 : i32
      %get3A_437 = arith.index_cast %get3A_436 : i32 to index
      %get3A_438 = arith.constant 0 : index
      %get3A_439 = tpu.vector_load %arg9[%get3A_437, %get3A_438] {strides = array<i32>} : memref<64x16xf32, #tpu.memory_space<vmem>>, vector<16xf32>,
      %broadcast_in_dim3A_440 = arith.constant 5 : i32
      %broadcast_in_dim3A_441 = vector.broadcast %broadcast_in_dim3A_440 : i32 to vector<16xi32>
      %add3A_442 = arith.constant 96 : i32
      %add3A_443 = vector.broadcast %add3A_442 : i32 to vector<16xi32>
      %add3A_444 = arith.addi %add3A_443, %iota3A : vector<16xi32>
      tpu.vector_store_idx %arg7[%broadcast_in_dim3A_441, %add3A_444], %get3A_439 : memref<64x128xf32, #tpu.memory_space<vmem>>[vector<16xi32>, vector<16xi32>], vector<16xf32>,
      %get3A_445 = arith.constant 47 : i32
      %get3A_446 = arith.index_cast %get3A_445 : i32 to index
      %get3A_447 = arith.constant 0 : index
      %get3A_448 = tpu.vector_load %arg9[%get3A_446, %get3A_447] {strides = array<i32>} : memref<64x16xf32, #tpu.memory_space<vmem>>, vector<16xf32>,
      %broadcast_in_dim3A_449 = arith.constant 5 : i32
      %broadcast_in_dim3A_450 = vector.broadcast %broadcast_in_dim3A_449 : i32 to vector<16xi32>
      %add3A_451 = arith.constant 112 : i32
      %add3A_452 = vector.broadcast %add3A_451 : i32 to vector<16xi32>
      %add3A_453 = arith.addi %add3A_452, %iota3A : vector<16xi32>
      tpu.vector_store_idx %arg7[%broadcast_in_dim3A_450, %add3A_453], %get3A_448 : memref<64x128xf32, #tpu.memory_space<vmem>>[vector<16xi32>, vector<16xi32>], vector<16xf32>,
      %get3A_454 = arith.constant 48 : i32
      %get3A_455 = arith.index_cast %get3A_454 : i32 to index
      %get3A_456 = arith.constant 0 : index
      %get3A_457 = tpu.vector_load %arg9[%get3A_455, %get3A_456] {strides = array<i32>} : memref<64x16xf32, #tpu.memory_space<vmem>>, vector<16xf32>,
      %broadcast_in_dim3A_458 = arith.constant 6 : i32
      %broadcast_in_dim3A_459 = vector.broadcast %broadcast_in_dim3A_458 : i32 to vector<16xi32>
      %add3A_460 = arith.constant 0 : i32
      %add3A_461 = vector.broadcast %add3A_460 : i32 to vector<16xi32>
      %add3A_462 = arith.addi %add3A_461, %iota3A : vector<16xi32>
      tpu.vector_store_idx %arg7[%broadcast_in_dim3A_459, %add3A_462], %get3A_457 : memref<64x128xf32, #tpu.memory_space<vmem>>[vector<16xi32>, vector<16xi32>], vector<16xf32>,
      %get3A_463 = arith.constant 49 : i32
      %get3A_464 = arith.index_cast %get3A_463 : i32 to index
      %get3A_465 = arith.constant 0 : index
      %get3A_466 = tpu.vector_load %arg9[%get3A_464, %get3A_465] {strides = array<i32>} : memref<64x16xf32, #tpu.memory_space<vmem>>, vector<16xf32>,
      %broadcast_in_dim3A_467 = arith.constant 6 : i32
      %broadcast_in_dim3A_468 = vector.broadcast %broadcast_in_dim3A_467 : i32 to vector<16xi32>
      %add3A_469 = arith.constant 16 : i32
      %add3A_470 = vector.broadcast %add3A_469 : i32 to vector<16xi32>
      %add3A_471 = arith.addi %add3A_470, %iota3A : vector<16xi32>
      tpu.vector_store_idx %arg7[%broadcast_in_dim3A_468, %add3A_471], %get3A_466 : memref<64x128xf32, #tpu.memory_space<vmem>>[vector<16xi32>, vector<16xi32>], vector<16xf32>,
      %get3A_472 = arith.constant 50 : i32
      %get3A_473 = arith.index_cast %get3A_472 : i32 to index
      %get3A_474 = arith.constant 0 : index
      %get3A_475 = tpu.vector_load %arg9[%get3A_473, %get3A_474] {strides = array<i32>} : memref<64x16xf32, #tpu.memory_space<vmem>>, vector<16xf32>,
      %broadcast_in_dim3A_476 = arith.constant 6 : i32
      %broadcast_in_dim3A_477 = vector.broadcast %broadcast_in_dim3A_476 : i32 to vector<16xi32>
      %add3A_478 = arith.constant 32 : i32
      %add3A_479 = vector.broadcast %add3A_478 : i32 to vector<16xi32>
      %add3A_480 = arith.addi %add3A_479, %iota3A : vector<16xi32>
      tpu.vector_store_idx %arg7[%broadcast_in_dim3A_477, %add3A_480], %get3A_475 : memref<64x128xf32, #tpu.memory_space<vmem>>[vector<16xi32>, vector<16xi32>], vector<16xf32>,
      %get3A_481 = arith.constant 51 : i32
      %get3A_482 = arith.index_cast %get3A_481 : i32 to index
      %get3A_483 = arith.constant 0 : index
      %get3A_484 = tpu.vector_load %arg9[%get3A_482, %get3A_483] {strides = array<i32>} : memref<64x16xf32, #tpu.memory_space<vmem>>, vector<16xf32>,
      %broadcast_in_dim3A_485 = arith.constant 6 : i32
      %broadcast_in_dim3A_486 = vector.broadcast %broadcast_in_dim3A_485 : i32 to vector<16xi32>
      %add3A_487 = arith.constant 48 : i32
      %add3A_488 = vector.broadcast %add3A_487 : i32 to vector<16xi32>
      %add3A_489 = arith.addi %add3A_488, %iota3A : vector<16xi32>
      tpu.vector_store_idx %arg7[%broadcast_in_dim3A_486, %add3A_489], %get3A_484 : memref<64x128xf32, #tpu.memory_space<vmem>>[vector<16xi32>, vector<16xi32>], vector<16xf32>,
      %get3A_490 = arith.constant 52 : i32
      %get3A_491 = arith.index_cast %get3A_490 : i32 to index
      %get3A_492 = arith.constant 0 : index
      %get3A_493 = tpu.vector_load %arg9[%get3A_491, %get3A_492] {strides = array<i32>} : memref<64x16xf32, #tpu.memory_space<vmem>>, vector<16xf32>,
      %broadcast_in_dim3A_494 = arith.constant 6 : i32
      %broadcast_in_dim3A_495 = vector.broadcast %broadcast_in_dim3A_494 : i32 to vector<16xi32>
      %add3A_496 = arith.constant 64 : i32
      %add3A_497 = vector.broadcast %add3A_496 : i32 to vector<16xi32>
      %add3A_498 = arith.addi %add3A_497, %iota3A : vector<16xi32>
      tpu.vector_store_idx %arg7[%broadcast_in_dim3A_495, %add3A_498], %get3A_493 : memref<64x128xf32, #tpu.memory_space<vmem>>[vector<16xi32>, vector<16xi32>], vector<16xf32>,
      %get3A_499 = arith.constant 53 : i32
      %get3A_500 = arith.index_cast %get3A_499 : i32 to index
      %get3A_501 = arith.constant 0 : index
      %get3A_502 = tpu.vector_load %arg9[%get3A_500, %get3A_501] {strides = array<i32>} : memref<64x16xf32, #tpu.memory_space<vmem>>, vector<16xf32>,
      %broadcast_in_dim3A_503 = arith.constant 6 : i32
      %broadcast_in_dim3A_504 = vector.broadcast %broadcast_in_dim3A_503 : i32 to vector<16xi32>
      %add3A_505 = arith.constant 80 : i32
      %add3A_506 = vector.broadcast %add3A_505 : i32 to vector<16xi32>
      %add3A_507 = arith.addi %add3A_506, %iota3A : vector<16xi32>
      tpu.vector_store_idx %arg7[%broadcast_in_dim3A_504, %add3A_507], %get3A_502 : memref<64x128xf32, #tpu.memory_space<vmem>>[vector<16xi32>, vector<16xi32>], vector<16xf32>,
      %get3A_508 = arith.constant 54 : i32
      %get3A_509 = arith.index_cast %get3A_508 : i32 to index
      %get3A_510 = arith.constant 0 : index
      %get3A_511 = tpu.vector_load %arg9[%get3A_509, %get3A_510] {strides = array<i32>} : memref<64x16xf32, #tpu.memory_space<vmem>>, vector<16xf32>,
      %broadcast_in_dim3A_512 = arith.constant 6 : i32
      %broadcast_in_dim3A_513 = vector.broadcast %broadcast_in_dim3A_512 : i32 to vector<16xi32>
      %add3A_514 = arith.constant 96 : i32
      %add3A_515 = vector.broadcast %add3A_514 : i32 to vector<16xi32>
      %add3A_516 = arith.addi %add3A_515, %iota3A : vector<16xi32>
      tpu.vector_store_idx %arg7[%broadcast_in_dim3A_513, %add3A_516], %get3A_511 : memref<64x128xf32, #tpu.memory_space<vmem>>[vector<16xi32>, vector<16xi32>], vector<16xf32>,
      %get3A_517 = arith.constant 55 : i32
      %get3A_518 = arith.index_cast %get3A_517 : i32 to index
      %get3A_519 = arith.constant 0 : index
      %get3A_520 = tpu.vector_load %arg9[%get3A_518, %get3A_519] {strides = array<i32>} : memref<64x16xf32, #tpu.memory_space<vmem>>, vector<16xf32>,
      %broadcast_in_dim3A_521 = arith.constant 6 : i32
      %broadcast_in_dim3A_522 = vector.broadcast %broadcast_in_dim3A_521 : i32 to vector<16xi32>
      %add3A_523 = arith.constant 112 : i32
      %add3A_524 = vector.broadcast %add3A_523 : i32 to vector<16xi32>
      %add3A_525 = arith.addi %add3A_524, %iota3A : vector<16xi32>
      tpu.vector_store_idx %arg7[%broadcast_in_dim3A_522, %add3A_525], %get3A_520 : memref<64x128xf32, #tpu.memory_space<vmem>>[vector<16xi32>, vector<16xi32>], vector<16xf32>,
      %get3A_526 = arith.constant 56 : i32
      %get3A_527 = arith.index_cast %get3A_526 : i32 to index
      %get3A_528 = arith.constant 0 : index
      %get3A_529 = tpu.vector_load %arg9[%get3A_527, %get3A_528] {strides = array<i32>} : memref<64x16xf32, #tpu.memory_space<vmem>>, vector<16xf32>,
      %broadcast_in_dim3A_530 = arith.constant 7 : i32
      %broadcast_in_dim3A_531 = vector.broadcast %broadcast_in_dim3A_530 : i32 to vector<16xi32>
      %add3A_532 = arith.constant 0 : i32
      %add3A_533 = vector.broadcast %add3A_532 : i32 to vector<16xi32>
      %add3A_534 = arith.addi %add3A_533, %iota3A : vector<16xi32>
      tpu.vector_store_idx %arg7[%broadcast_in_dim3A_531, %add3A_534], %get3A_529 : memref<64x128xf32, #tpu.memory_space<vmem>>[vector<16xi32>, vector<16xi32>], vector<16xf32>,
      %get3A_535 = arith.constant 57 : i32
      %get3A_536 = arith.index_cast %get3A_535 : i32 to index
      %get3A_537 = arith.constant 0 : index
      %get3A_538 = tpu.vector_load %arg9[%get3A_536, %get3A_537] {strides = array<i32>} : memref<64x16xf32, #tpu.memory_space<vmem>>, vector<16xf32>,
      %broadcast_in_dim3A_539 = arith.constant 7 : i32
      %broadcast_in_dim3A_540 = vector.broadcast %broadcast_in_dim3A_539 : i32 to vector<16xi32>
      %add3A_541 = arith.constant 16 : i32
      %add3A_542 = vector.broadcast %add3A_541 : i32 to vector<16xi32>
      %add3A_543 = arith.addi %add3A_542, %iota3A : vector<16xi32>
      tpu.vector_store_idx %arg7[%broadcast_in_dim3A_540, %add3A_543], %get3A_538 : memref<64x128xf32, #tpu.memory_space<vmem>>[vector<16xi32>, vector<16xi32>], vector<16xf32>,
      %get3A_544 = arith.constant 58 : i32
      %get3A_545 = arith.index_cast %get3A_544 : i32 to index
      %get3A_546 = arith.constant 0 : index
      %get3A_547 = tpu.vector_load %arg9[%get3A_545, %get3A_546] {strides = array<i32>} : memref<64x16xf32, #tpu.memory_space<vmem>>, vector<16xf32>,
      %broadcast_in_dim3A_548 = arith.constant 7 : i32
      %broadcast_in_dim3A_549 = vector.broadcast %broadcast_in_dim3A_548 : i32 to vector<16xi32>
      %add3A_550 = arith.constant 32 : i32
      %add3A_551 = vector.broadcast %add3A_550 : i32 to vector<16xi32>
      %add3A_552 = arith.addi %add3A_551, %iota3A : vector<16xi32>
      tpu.vector_store_idx %arg7[%broadcast_in_dim3A_549, %add3A_552], %get3A_547 : memref<64x128xf32, #tpu.memory_space<vmem>>[vector<16xi32>, vector<16xi32>], vector<16xf32>,
      %get3A_553 = arith.constant 59 : i32
      %get3A_554 = arith.index_cast %get3A_553 : i32 to index
      %get3A_555 = arith.constant 0 : index
      %get3A_556 = tpu.vector_load %arg9[%get3A_554, %get3A_555] {strides = array<i32>} : memref<64x16xf32, #tpu.memory_space<vmem>>, vector<16xf32>,
      %broadcast_in_dim3A_557 = arith.constant 7 : i32
      %broadcast_in_dim3A_558 = vector.broadcast %broadcast_in_dim3A_557 : i32 to vector<16xi32>
      %add3A_559 = arith.constant 48 : i32
      %add3A_560 = vector.broadcast %add3A_559 : i32 to vector<16xi32>
      %add3A_561 = arith.addi %add3A_560, %iota3A : vector<16xi32>
      tpu.vector_store_idx %arg7[%broadcast_in_dim3A_558, %add3A_561], %get3A_556 : memref<64x128xf32, #tpu.memory_space<vmem>>[vector<16xi32>, vector<16xi32>], vector<16xf32>,
      %get3A_562 = arith.constant 60 : i32
      %get3A_563 = arith.index_cast %get3A_562 : i32 to index
      %get3A_564 = arith.constant 0 : index
      %get3A_565 = tpu.vector_load %arg9[%get3A_563, %get3A_564] {strides = array<i32>} : memref<64x16xf32, #tpu.memory_space<vmem>>, vector<16xf32>,
      %broadcast_in_dim3A_566 = arith.constant 7 : i32
      %broadcast_in_dim3A_567 = vector.broadcast %broadcast_in_dim3A_566 : i32 to vector<16xi32>
      %add3A_568 = arith.constant 64 : i32
      %add3A_569 = vector.broadcast %add3A_568 : i32 to vector<16xi32>
      %add3A_570 = arith.addi %add3A_569, %iota3A : vector<16xi32>
      tpu.vector_store_idx %arg7[%broadcast_in_dim3A_567, %add3A_570], %get3A_565 : memref<64x128xf32, #tpu.memory_space<vmem>>[vector<16xi32>, vector<16xi32>], vector<16xf32>,
      %get3A_571 = arith.constant 61 : i32
      %get3A_572 = arith.index_cast %get3A_571 : i32 to index
      %get3A_573 = arith.constant 0 : index
      %get3A_574 = tpu.vector_load %arg9[%get3A_572, %get3A_573] {strides = array<i32>} : memref<64x16xf32, #tpu.memory_space<vmem>>, vector<16xf32>,
      %broadcast_in_dim3A_575 = arith.constant 7 : i32
      %broadcast_in_dim3A_576 = vector.broadcast %broadcast_in_dim3A_575 : i32 to vector<16xi32>
      %add3A_577 = arith.constant 80 : i32
      %add3A_578 = vector.broadcast %add3A_577 : i32 to vector<16xi32>
      %add3A_579 = arith.addi %add3A_578, %iota3A : vector<16xi32>
      tpu.vector_store_idx %arg7[%broadcast_in_dim3A_576, %add3A_579], %get3A_574 : memref<64x128xf32, #tpu.memory_space<vmem>>[vector<16xi32>, vector<16xi32>], vector<16xf32>,
      %get3A_580 = arith.constant 62 : i32
      %get3A_581 = arith.index_cast %get3A_580 : i32 to index
      %get3A_582 = arith.constant 0 : index
      %get3A_583 = tpu.vector_load %arg9[%get3A_581, %get3A_582] {strides = array<i32>} : memref<64x16xf32, #tpu.memory_space<vmem>>, vector<16xf32>,
      %broadcast_in_dim3A_584 = arith.constant 7 : i32
      %broadcast_in_dim3A_585 = vector.broadcast %broadcast_in_dim3A_584 : i32 to vector<16xi32>
      %add3A_586 = arith.constant 96 : i32
      %add3A_587 = vector.broadcast %add3A_586 : i32 to vector<16xi32>
      %add3A_588 = arith.addi %add3A_587, %iota3A : vector<16xi32>
      tpu.vector_store_idx %arg7[%broadcast_in_dim3A_585, %add3A_588], %get3A_583 : memref<64x128xf32, #tpu.memory_space<vmem>>[vector<16xi32>, vector<16xi32>], vector<16xf32>,
      %get3A_589 = arith.constant 63 : i32
      %get3A_590 = arith.index_cast %get3A_589 : i32 to index
      %get3A_591 = arith.constant 0 : index
      %get3A_592 = tpu.vector_load %arg9[%get3A_590, %get3A_591] {strides = array<i32>} : memref<64x16xf32, #tpu.memory_space<vmem>>, vector<16xf32>,
      %broadcast_in_dim3A_593 = arith.constant 7 : i32
      %broadcast_in_dim3A_594 = vector.broadcast %broadcast_in_dim3A_593 : i32 to vector<16xi32>
      %add3A_595 = arith.constant 112 : i32
      %add3A_596 = vector.broadcast %add3A_595 : i32 to vector<16xi32>
      %add3A_597 = arith.addi %add3A_596, %iota3A : vector<16xi32>
      tpu.vector_store_idx %arg7[%broadcast_in_dim3A_594, %add3A_597], %get3A_592 : memref<64x128xf32, #tpu.memory_space<vmem>>[vector<16xi32>, vector<16xi32>], vector<16xf32>,
      "tpu.region"() ({
        %run_scoped3A = tpu.sem_alloc : memref<!tpu.dma_semaphore, #tpu.memory_space<semaphore_mem>>
        %dma_start3A = arith.constant 0 : i32
        %dma_start3A_598 = arith.constant 0 : i32
        %dma_start3A_599 = tpu.memref_slice %arg7[%dma_start3A, %dma_start3A_598] : memref<64x128xf32, #tpu.memory_space<vmem>> -> memref<8x128xf32, #tpu.memory_space<vmem>>
        %dma_start3A_600 = arith.constant 124992 : i32
        %dma_start3A_601 = arith.constant 0 : i32
        %dma_start3A_602 = tpu.memref_slice %arg4[%dma_start3A_600, %dma_start3A_601] : memref<125000x128xf32, #tpu.memory_space<hbm>> -> memref<8x128xf32, #tpu.memory_space<hbm>>
        %dma_start3A_603 = arith.constant 124992 : i32
        %dma_start3A_604 = arith.constant 0 : i32
        %dma_start3A_605 = tpu.memref_slice %arg4[%dma_start3A_603, %dma_start3A_604] : memref<125000x128xf32, #tpu.memory_space<hbm>> -> memref<8x128xf32, #tpu.memory_space<hbm>>
        %dma_start3A_606 = arith.constant 0 : i32
        %dma_start3A_607 = arith.constant 0 : i32
        %dma_start3A_608 = tpu.memref_slice %arg7[%dma_start3A_606, %dma_start3A_607] : memref<64x128xf32, #tpu.memory_space<vmem>> -> memref<8x128xf32, #tpu.memory_space<vmem>>
        tpu.enqueue_dma source(%dma_start3A_608 : memref<8x128xf32, #tpu.memory_space<vmem>>) target(%dma_start3A_605 : memref<8x128xf32, #tpu.memory_space<hbm>>) target_semaphore(%run_scoped3A : memref<!tpu.dma_semaphore, #tpu.memory_space<semaphore_mem>>)
        %dma_wait3A_609 = arith.constant 0 : i32
        %dma_wait3A_610 = arith.constant 0 : i32
        %dma_wait3A_611 = tpu.memref_slice %arg7[%dma_wait3A_609, %dma_wait3A_610] : memref<64x128xf32, #tpu.memory_space<vmem>> -> memref<8x128xf32, #tpu.memory_space<vmem>>
        %dma_wait3A_612 = arith.constant 124992 : i32
        %dma_wait3A_613 = arith.constant 0 : i32
        %dma_wait3A_614 = tpu.memref_slice %arg4[%dma_wait3A_612, %dma_wait3A_613] : memref<125000x128xf32, #tpu.memory_space<hbm>> -> memref<8x128xf32, #tpu.memory_space<hbm>>
        %dma_wait3A_615 = arith.constant 124992 : i32
        %dma_wait3A_616 = arith.constant 0 : i32
        %dma_wait3A_617 = tpu.memref_slice %arg4[%dma_wait3A_615, %dma_wait3A_616] : memref<125000x128xf32, #tpu.memory_space<hbm>> -> memref<8x128xf32, #tpu.memory_space<hbm>>
        %dma_wait3A_618 = arith.constant 0 : i32
        %dma_wait3A_619 = arith.constant 0 : i32
        %dma_wait3A_620 = tpu.memref_slice %arg7[%dma_wait3A_618, %dma_wait3A_619] : memref<64x128xf32, #tpu.memory_space<vmem>> -> memref<8x128xf32, #tpu.memory_space<vmem>>
        tpu.wait_dma2 semaphore(%run_scoped3A : memref<!tpu.dma_semaphore, #tpu.memory_space<semaphore_mem>>) src(%dma_wait3A_620 : memref<8x128xf32, #tpu.memory_space<vmem>>) dst(%dma_wait3A_617 : memref<8x128xf32, #tpu.memory_space<hbm>>)
        tpu.yield
      }) : () -> ()
    } else {
    }
    return
  }
}

#map = affine_map<(d0, d1) -> (0, 0)>
module attributes {stable_mosaic.version = 14 : i64} {
  func.func @_pool_body(%arg0: i32, %arg1: i32, %arg2: memref<16384x50xi32, #tpu.memory_space<hbm>>, %arg3: memref<16384x50xf32, #tpu.memory_space<hbm>>, %arg4: memref<1000000x16xf32, #tpu.memory_space<hbm>>, %arg5: memref<16384x16xf32, #tpu.memory_space<hbm>>, %arg6: memref<512x50xi32, #tpu.memory_space<vmem>>, %arg7: memref<512x50xf32, #tpu.memory_space<vmem>>, %arg8: memref<3200x16xf32, #tpu.memory_space<vmem>>, %arg9: memref<512x16xf32, #tpu.memory_space<vmem>>, %arg10: memref<!tpu.dma_semaphore, #tpu.memory_space<semaphore_mem>>, %arg11: memref<!tpu.dma_semaphore, #tpu.memory_space<semaphore_mem>>) attributes {dimension_semantics = [#tpu.dimension_semantics<core_parallel>, #tpu.dimension_semantics<subcore_parallel>], iteration_bounds = array<i64: 2, 16>, scalar_prefetch = 0 : i64, scratch_operands = 6 : i64, tpu.core_type = #tpu.core_type<sc_vector_subcore>, window_params = [{transform_indices = #map}, {transform_indices = #map}, {transform_indices = #map}, {transform_indices = #map}]} {
    %mul3A = arith.constant 2 : i32
    %mul3A_0 = arith.muli %arg1, %mul3A : i32
    %add3A = arith.addi %mul3A_0, %arg0 : i32
    %mul3A_1 = arith.constant 512 : i32
    %mul3A_2 = arith.muli %add3A, %mul3A_1 : i32
    "tpu.region"() ({
      %run_scoped3A = tpu.sem_alloc : memref<!tpu.dma_semaphore, #tpu.memory_space<semaphore_mem>>
      %dma_start3A = arith.constant 0 : i32
      %dma_start3A_12 = tpu.memref_slice %arg2[%mul3A_2, %dma_start3A] : memref<16384x50xi32, #tpu.memory_space<hbm>> -> memref<512x50xi32, #tpu.memory_space<hbm>>
      %dma_start3A_13 = arith.constant 0 : i32
      %dma_start3A_14 = tpu.memref_slice %arg2[%mul3A_2, %dma_start3A_13] : memref<16384x50xi32, #tpu.memory_space<hbm>> -> memref<512x50xi32, #tpu.memory_space<hbm>>
      tpu.enqueue_dma source(%dma_start3A_14 : memref<512x50xi32, #tpu.memory_space<hbm>>) target(%arg6 : memref<512x50xi32, #tpu.memory_space<vmem>>) target_semaphore(%run_scoped3A : memref<!tpu.dma_semaphore, #tpu.memory_space<semaphore_mem>>)
      %dma_wait3A = arith.constant 0 : i32
      %dma_wait3A_15 = tpu.memref_slice %arg2[%mul3A_2, %dma_wait3A] : memref<16384x50xi32, #tpu.memory_space<hbm>> -> memref<512x50xi32, #tpu.memory_space<hbm>>
      %dma_wait3A_16 = arith.constant 0 : i32
      %dma_wait3A_17 = tpu.memref_slice %arg2[%mul3A_2, %dma_wait3A_16] : memref<16384x50xi32, #tpu.memory_space<hbm>> -> memref<512x50xi32, #tpu.memory_space<hbm>>
      tpu.wait_dma2 semaphore(%run_scoped3A : memref<!tpu.dma_semaphore, #tpu.memory_space<semaphore_mem>>) src(%dma_wait3A_17 : memref<512x50xi32, #tpu.memory_space<hbm>>) dst(%arg6 : memref<512x50xi32, #tpu.memory_space<vmem>>)
      tpu.yield
    }) : () -> ()
    "tpu.region"() ({
      %run_scoped3A = tpu.sem_alloc : memref<!tpu.dma_semaphore, #tpu.memory_space<semaphore_mem>>
      %dma_start3A = arith.constant 0 : i32
      %dma_start3A_12 = tpu.memref_slice %arg3[%mul3A_2, %dma_start3A] : memref<16384x50xf32, #tpu.memory_space<hbm>> -> memref<512x50xf32, #tpu.memory_space<hbm>>
      %dma_start3A_13 = arith.constant 0 : i32
      %dma_start3A_14 = tpu.memref_slice %arg3[%mul3A_2, %dma_start3A_13] : memref<16384x50xf32, #tpu.memory_space<hbm>> -> memref<512x50xf32, #tpu.memory_space<hbm>>
      tpu.enqueue_dma source(%dma_start3A_14 : memref<512x50xf32, #tpu.memory_space<hbm>>) target(%arg7 : memref<512x50xf32, #tpu.memory_space<vmem>>) target_semaphore(%run_scoped3A : memref<!tpu.dma_semaphore, #tpu.memory_space<semaphore_mem>>)
      %dma_wait3A = arith.constant 0 : i32
      %dma_wait3A_15 = tpu.memref_slice %arg3[%mul3A_2, %dma_wait3A] : memref<16384x50xf32, #tpu.memory_space<hbm>> -> memref<512x50xf32, #tpu.memory_space<hbm>>
      %dma_wait3A_16 = arith.constant 0 : i32
      %dma_wait3A_17 = tpu.memref_slice %arg3[%mul3A_2, %dma_wait3A_16] : memref<16384x50xf32, #tpu.memory_space<hbm>> -> memref<512x50xf32, #tpu.memory_space<hbm>>
      tpu.wait_dma2 semaphore(%run_scoped3A : memref<!tpu.dma_semaphore, #tpu.memory_space<semaphore_mem>>) src(%dma_wait3A_17 : memref<512x50xf32, #tpu.memory_space<hbm>>) dst(%arg7 : memref<512x50xf32, #tpu.memory_space<vmem>>)
      tpu.yield
    }) : () -> ()
    %scan3A = arith.constant 0 : i32
    %scan3A_3 = arith.constant 32 : i32
    %scan3A_4 = arith.addi %scan3A, %scan3A_3 : i32
    %scan3A_5 = arith.constant 1 : i32
    scf.for %scan3A_12 = %scan3A to %scan3A_4 step %scan3A_5  : i32 {
      %mul3A_13 = arith.constant 1 : i32
      %mul3A_14 = arith.muli %scan3A_12, %mul3A_13 : i32
      %add3A_15 = arith.constant 0 : i32
      %add3A_16 = arith.addi %add3A_15, %mul3A_14 : i32
      %add3A_17 = arith.constant 0 : i32
      %add3A_18 = arith.addi %add3A_17, %add3A_16 : i32
      %mul3A_19 = arith.constant 50 : i32
      %mul3A_20 = arith.muli %add3A_16, %mul3A_19 : i32
      %add3A_21 = arith.constant 0 : i32
      %add3A_22 = arith.addi %add3A_21, %mul3A_20 : i32
      %dma_start3A = arith.constant 0 : i32
      %dma_start3A_23 = tpu.memref_slice %arg8[%add3A_22, %dma_start3A] : memref<3200x16xf32, #tpu.memory_space<vmem>> -> memref<50x16xf32, #tpu.memory_space<vmem>>
      %dma_start3A_24 = arith.constant 0 : i32
      %dma_start3A_25 = tpu.memref_slice %arg6[%add3A_18, %dma_start3A_24] : memref<512x50xi32, #tpu.memory_space<vmem>> -> memref<1x50xi32, #tpu.memory_space<vmem>>
      %dma_start3A_26 = tpu.memref_squeeze %dma_start3A_25 : memref<1x50xi32, #tpu.memory_space<vmem>> -> memref<50xi32, #tpu.memory_space<vmem>>
      %dma_start3A_27 = arith.constant 0 : i32
      %dma_start3A_28 = arith.constant 0 : i32
      %dma_start3A_29 = tpu.memref_slice %arg4[%dma_start3A_27, %dma_start3A_28] : memref<1000000x16xf32, #tpu.memory_space<hbm>> -> memref<1000000x16xf32, #tpu.memory_space<hbm>>
      tpu.enqueue_indirect_dma source(%dma_start3A_29 : memref<1000000x16xf32, #tpu.memory_space<hbm>>) target(%dma_start3A_23 : memref<50x16xf32, #tpu.memory_space<vmem>>) offsets(%dma_start3A_26 : memref<50xi32, #tpu.memory_space<vmem>>) semaphore(%arg10 : memref<!tpu.dma_semaphore, #tpu.memory_space<semaphore_mem>>)
    }
    %scan3A_6 = arith.constant 32 : i32
    %scan3A_7 = arith.constant 0 : i32
    %scan3A_8 = arith.constant 8 : i32
    %scan3A_9 = arith.addi %scan3A_7, %scan3A_8 : i32
    %scan3A_10 = arith.constant 1 : i32
    scf.for %scan3A_12 = %scan3A_7 to %scan3A_9 step %scan3A_10  : i32 {
      %mul3A_13 = arith.constant 2 : i32
      %mul3A_14 = arith.muli %scan3A_12, %mul3A_13 : i32
      %add3A_15 = arith.constant 0 : i32
      %add3A_16 = arith.addi %add3A_15, %mul3A_14 : i32
      %add3A_17 = arith.constant 1 : i32
      %add3A_18 = arith.addi %add3A_16, %add3A_17 : i32
      %scan3A_19 = arith.constant 0 : i32
      %scan3A_20 = arith.constant 32 : i32
      %scan3A_21 = arith.addi %scan3A_19, %scan3A_20 : i32
      %scan3A_22 = arith.constant 1 : i32
      scf.for %scan3A_63 = %scan3A_19 to %scan3A_21 step %scan3A_22  : i32 {
        %mul3A_64 = arith.constant 1 : i32
        %mul3A_65 = arith.muli %scan3A_63, %mul3A_64 : i32
        %add3A_66 = arith.constant 0 : i32
        %add3A_67 = arith.addi %add3A_66, %mul3A_65 : i32
        %mul3A_68 = arith.constant 32 : i32
        %mul3A_69 = arith.muli %add3A_18, %mul3A_68 : i32
        %add3A_70 = arith.addi %mul3A_69, %add3A_67 : i32
        %mul3A_71 = arith.constant 50 : i32
        %mul3A_72 = arith.muli %add3A_67, %mul3A_71 : i32
        %add3A_73 = arith.constant 1600 : i32
        %add3A_74 = arith.addi %add3A_73, %mul3A_72 : i32
        %dma_start3A = arith.constant 0 : i32
        %dma_start3A_75 = tpu.memref_slice %arg8[%add3A_74, %dma_start3A] : memref<3200x16xf32, #tpu.memory_space<vmem>> -> memref<50x16xf32, #tpu.memory_space<vmem>>
        %dma_start3A_76 = arith.constant 0 : i32
        %dma_start3A_77 = tpu.memref_slice %arg6[%add3A_70, %dma_start3A_76] : memref<512x50xi32, #tpu.memory_space<vmem>> -> memref<1x50xi32, #tpu.memory_space<vmem>>
        %dma_start3A_78 = tpu.memref_squeeze %dma_start3A_77 : memref<1x50xi32, #tpu.memory_space<vmem>> -> memref<50xi32, #tpu.memory_space<vmem>>
        %dma_start3A_79 = arith.constant 0 : i32
        %dma_start3A_80 = arith.constant 0 : i32
        %dma_start3A_81 = tpu.memref_slice %arg4[%dma_start3A_79, %dma_start3A_80] : memref<1000000x16xf32, #tpu.memory_space<hbm>> -> memref<1000000x16xf32, #tpu.memory_space<hbm>>
        tpu.enqueue_indirect_dma source(%dma_start3A_81 : memref<1000000x16xf32, #tpu.memory_space<hbm>>) target(%dma_start3A_75 : memref<50x16xf32, #tpu.memory_space<vmem>>) offsets(%dma_start3A_78 : memref<50xi32, #tpu.memory_space<vmem>>) semaphore(%arg11 : memref<!tpu.dma_semaphore, #tpu.memory_space<semaphore_mem>>)
      }
      %scan3A_23 = arith.constant 32 : i32
      %dma_wait3A = arith.constant 0 : i32
      %dma_wait3A_24 = arith.constant 0 : i32
      %dma_wait3A_25 = tpu.memref_slice %arg8[%dma_wait3A, %dma_wait3A_24] : memref<3200x16xf32, #tpu.memory_space<vmem>> -> memref<1600x16xf32, #tpu.memory_space<vmem>>
      %dma_wait3A_26 = arith.constant 0 : i32
      %dma_wait3A_27 = arith.constant 0 : i32
      %dma_wait3A_28 = tpu.memref_slice %arg5[%dma_wait3A_26, %dma_wait3A_27] : memref<16384x16xf32, #tpu.memory_space<hbm>> -> memref<1600x16xf32, #tpu.memory_space<hbm>>
      %dma_wait3A_29 = arith.constant 0 : i32
      %dma_wait3A_30 = arith.constant 0 : i32
      %dma_wait3A_31 = tpu.memref_slice %arg8[%dma_wait3A_29, %dma_wait3A_30] : memref<3200x16xf32, #tpu.memory_space<vmem>> -> memref<1600x16xf32, #tpu.memory_space<vmem>>
      %dma_wait3A_32 = arith.constant 0 : i32
      %dma_wait3A_33 = arith.constant 0 : i32
      %dma_wait3A_34 = tpu.memref_slice %arg5[%dma_wait3A_32, %dma_wait3A_33] : memref<16384x16xf32, #tpu.memory_space<hbm>> -> memref<1600x16xf32, #tpu.memory_space<hbm>>
      tpu.wait_dma2 semaphore(%arg10 : memref<!tpu.dma_semaphore, #tpu.memory_space<semaphore_mem>>) src(%dma_wait3A_34 : memref<1600x16xf32, #tpu.memory_space<hbm>>) dst(%dma_wait3A_31 : memref<1600x16xf32, #tpu.memory_space<vmem>>)
      %scan3A_35 = arith.constant 0 : i32
      %scan3A_36 = arith.constant 32 : i32
      %scan3A_37 = arith.addi %scan3A_35, %scan3A_36 : i32
      %scan3A_38 = arith.constant 1 : i32
      scf.for %scan3A_63 = %scan3A_35 to %scan3A_37 step %scan3A_38  : i32 {
        %mul3A_64 = arith.constant 1 : i32
        %mul3A_65 = arith.muli %scan3A_63, %mul3A_64 : i32
        %add3A_66 = arith.constant 0 : i32
        %add3A_67 = arith.addi %add3A_66, %mul3A_65 : i32
        %mul3A_68 = arith.constant 32 : i32
        %mul3A_69 = arith.muli %add3A_16, %mul3A_68 : i32
        %add3A_70 = arith.addi %mul3A_69, %add3A_67 : i32
        %mul3A_71 = arith.constant 50 : i32
        %mul3A_72 = arith.muli %add3A_67, %mul3A_71 : i32
        %add3A_73 = arith.constant 0 : i32
        %add3A_74 = arith.addi %add3A_73, %mul3A_72 : i32
        %get3A = arith.index_cast %add3A_70 : i32 to index
        %get3A_75 = arith.constant 0 : index
        %get3A_76 = tpu.vector_load %arg7[%get3A, %get3A_75] {strides = array<i32>} : memref<512x50xf32, #tpu.memory_space<vmem>>, vector<1x16xf32>,
        %get3A_77 = vector.shape_cast %get3A_76 : vector<1x16xf32> to vector<16xf32>
        %get3A_78 = arith.index_cast %add3A_70 : i32 to index
        %get3A_79 = arith.constant 16 : index
        %get3A_80 = tpu.vector_load %arg7[%get3A_78, %get3A_79] {strides = array<i32>} : memref<512x50xf32, #tpu.memory_space<vmem>>, vector<1x16xf32>,
        %get3A_81 = vector.shape_cast %get3A_80 : vector<1x16xf32> to vector<16xf32>
        %get3A_82 = arith.index_cast %add3A_70 : i32 to index
        %get3A_83 = arith.constant 32 : index
        %get3A_84 = tpu.vector_load %arg7[%get3A_82, %get3A_83] {strides = array<i32>} : memref<512x50xf32, #tpu.memory_space<vmem>>, vector<1x16xf32>,
        %get3A_85 = vector.shape_cast %get3A_84 : vector<1x16xf32> to vector<16xf32>
        %get3A_86 = arith.index_cast %add3A_70 : i32 to index
        %get3A_87 = arith.constant 34 : index
        %get3A_88 = tpu.vector_load %arg7[%get3A_86, %get3A_87] {strides = array<i32>} : memref<512x50xf32, #tpu.memory_space<vmem>>, vector<1x16xf32>,
        %get3A_89 = vector.shape_cast %get3A_88 : vector<1x16xf32> to vector<16xf32>
        %broadcast_in_dim3A = arith.constant 0.000000e+00 : f32
        %broadcast_in_dim3A_90 = vector.broadcast %broadcast_in_dim3A : f32 to vector<16xf32>
        %slice3A = vector.extract_strided_slice %get3A_77 {offsets = [0], sizes = [1], strides = [1]} : vector<16xf32> to vector<1xf32>
        %squeeze3A = vector.extract %slice3A[0] : f32 from vector<1xf32>
        %add3A_91 = arith.constant 0 : i32
        %add3A_92 = arith.addi %add3A_74, %add3A_91 : i32
        %get3A_93 = arith.index_cast %add3A_92 : i32 to index
        %get3A_94 = arith.constant 0 : index
        %get3A_95 = tpu.vector_load %arg8[%get3A_93, %get3A_94] {strides = array<i32>} : memref<3200x16xf32, #tpu.memory_space<vmem>>, vector<1x16xf32>,
        %get3A_96 = vector.shape_cast %get3A_95 : vector<1x16xf32> to vector<16xf32>
        %mul3A_97 = vector.broadcast %squeeze3A : f32 to vector<16xf32>
        %mul3A_98 = arith.mulf %get3A_96, %mul3A_97 : vector<16xf32>
        %add3A_99 = arith.addf %broadcast_in_dim3A_90, %mul3A_98 : vector<16xf32>
        %slice3A_100 = vector.extract_strided_slice %get3A_77 {offsets = [1], sizes = [1], strides = [1]} : vector<16xf32> to vector<1xf32>
        %squeeze3A_101 = vector.extract %slice3A_100[0] : f32 from vector<1xf32>
        %add3A_102 = arith.constant 1 : i32
        %add3A_103 = arith.addi %add3A_74, %add3A_102 : i32
        %get3A_104 = arith.index_cast %add3A_103 : i32 to index
        %get3A_105 = arith.constant 0 : index
        %get3A_106 = tpu.vector_load %arg8[%get3A_104, %get3A_105] {strides = array<i32>} : memref<3200x16xf32, #tpu.memory_space<vmem>>, vector<1x16xf32>,
        %get3A_107 = vector.shape_cast %get3A_106 : vector<1x16xf32> to vector<16xf32>
        %mul3A_108 = vector.broadcast %squeeze3A_101 : f32 to vector<16xf32>
        %mul3A_109 = arith.mulf %get3A_107, %mul3A_108 : vector<16xf32>
        %add3A_110 = arith.addf %add3A_99, %mul3A_109 : vector<16xf32>
        %slice3A_111 = vector.extract_strided_slice %get3A_77 {offsets = [2], sizes = [1], strides = [1]} : vector<16xf32> to vector<1xf32>
        %squeeze3A_112 = vector.extract %slice3A_111[0] : f32 from vector<1xf32>
        %add3A_113 = arith.constant 2 : i32
        %add3A_114 = arith.addi %add3A_74, %add3A_113 : i32
        %get3A_115 = arith.index_cast %add3A_114 : i32 to index
        %get3A_116 = arith.constant 0 : index
        %get3A_117 = tpu.vector_load %arg8[%get3A_115, %get3A_116] {strides = array<i32>} : memref<3200x16xf32, #tpu.memory_space<vmem>>, vector<1x16xf32>,
        %get3A_118 = vector.shape_cast %get3A_117 : vector<1x16xf32> to vector<16xf32>
        %mul3A_119 = vector.broadcast %squeeze3A_112 : f32 to vector<16xf32>
        %mul3A_120 = arith.mulf %get3A_118, %mul3A_119 : vector<16xf32>
        %add3A_121 = arith.addf %add3A_110, %mul3A_120 : vector<16xf32>
        %slice3A_122 = vector.extract_strided_slice %get3A_77 {offsets = [3], sizes = [1], strides = [1]} : vector<16xf32> to vector<1xf32>
        %squeeze3A_123 = vector.extract %slice3A_122[0] : f32 from vector<1xf32>
        %add3A_124 = arith.constant 3 : i32
        %add3A_125 = arith.addi %add3A_74, %add3A_124 : i32
        %get3A_126 = arith.index_cast %add3A_125 : i32 to index
        %get3A_127 = arith.constant 0 : index
        %get3A_128 = tpu.vector_load %arg8[%get3A_126, %get3A_127] {strides = array<i32>} : memref<3200x16xf32, #tpu.memory_space<vmem>>, vector<1x16xf32>,
        %get3A_129 = vector.shape_cast %get3A_128 : vector<1x16xf32> to vector<16xf32>
        %mul3A_130 = vector.broadcast %squeeze3A_123 : f32 to vector<16xf32>
        %mul3A_131 = arith.mulf %get3A_129, %mul3A_130 : vector<16xf32>
        %add3A_132 = arith.addf %add3A_121, %mul3A_131 : vector<16xf32>
        %slice3A_133 = vector.extract_strided_slice %get3A_77 {offsets = [4], sizes = [1], strides = [1]} : vector<16xf32> to vector<1xf32>
        %squeeze3A_134 = vector.extract %slice3A_133[0] : f32 from vector<1xf32>
        %add3A_135 = arith.constant 4 : i32
        %add3A_136 = arith.addi %add3A_74, %add3A_135 : i32
        %get3A_137 = arith.index_cast %add3A_136 : i32 to index
        %get3A_138 = arith.constant 0 : index
        %get3A_139 = tpu.vector_load %arg8[%get3A_137, %get3A_138] {strides = array<i32>} : memref<3200x16xf32, #tpu.memory_space<vmem>>, vector<1x16xf32>,
        %get3A_140 = vector.shape_cast %get3A_139 : vector<1x16xf32> to vector<16xf32>
        %mul3A_141 = vector.broadcast %squeeze3A_134 : f32 to vector<16xf32>
        %mul3A_142 = arith.mulf %get3A_140, %mul3A_141 : vector<16xf32>
        %add3A_143 = arith.addf %add3A_132, %mul3A_142 : vector<16xf32>
        %slice3A_144 = vector.extract_strided_slice %get3A_77 {offsets = [5], sizes = [1], strides = [1]} : vector<16xf32> to vector<1xf32>
        %squeeze3A_145 = vector.extract %slice3A_144[0] : f32 from vector<1xf32>
        %add3A_146 = arith.constant 5 : i32
        %add3A_147 = arith.addi %add3A_74, %add3A_146 : i32
        %get3A_148 = arith.index_cast %add3A_147 : i32 to index
        %get3A_149 = arith.constant 0 : index
        %get3A_150 = tpu.vector_load %arg8[%get3A_148, %get3A_149] {strides = array<i32>} : memref<3200x16xf32, #tpu.memory_space<vmem>>, vector<1x16xf32>,
        %get3A_151 = vector.shape_cast %get3A_150 : vector<1x16xf32> to vector<16xf32>
        %mul3A_152 = vector.broadcast %squeeze3A_145 : f32 to vector<16xf32>
        %mul3A_153 = arith.mulf %get3A_151, %mul3A_152 : vector<16xf32>
        %add3A_154 = arith.addf %add3A_143, %mul3A_153 : vector<16xf32>
        %slice3A_155 = vector.extract_strided_slice %get3A_77 {offsets = [6], sizes = [1], strides = [1]} : vector<16xf32> to vector<1xf32>
        %squeeze3A_156 = vector.extract %slice3A_155[0] : f32 from vector<1xf32>
        %add3A_157 = arith.constant 6 : i32
        %add3A_158 = arith.addi %add3A_74, %add3A_157 : i32
        %get3A_159 = arith.index_cast %add3A_158 : i32 to index
        %get3A_160 = arith.constant 0 : index
        %get3A_161 = tpu.vector_load %arg8[%get3A_159, %get3A_160] {strides = array<i32>} : memref<3200x16xf32, #tpu.memory_space<vmem>>, vector<1x16xf32>,
        %get3A_162 = vector.shape_cast %get3A_161 : vector<1x16xf32> to vector<16xf32>
        %mul3A_163 = vector.broadcast %squeeze3A_156 : f32 to vector<16xf32>
        %mul3A_164 = arith.mulf %get3A_162, %mul3A_163 : vector<16xf32>
        %add3A_165 = arith.addf %add3A_154, %mul3A_164 : vector<16xf32>
        %slice3A_166 = vector.extract_strided_slice %get3A_77 {offsets = [7], sizes = [1], strides = [1]} : vector<16xf32> to vector<1xf32>
        %squeeze3A_167 = vector.extract %slice3A_166[0] : f32 from vector<1xf32>
        %add3A_168 = arith.constant 7 : i32
        %add3A_169 = arith.addi %add3A_74, %add3A_168 : i32
        %get3A_170 = arith.index_cast %add3A_169 : i32 to index
        %get3A_171 = arith.constant 0 : index
        %get3A_172 = tpu.vector_load %arg8[%get3A_170, %get3A_171] {strides = array<i32>} : memref<3200x16xf32, #tpu.memory_space<vmem>>, vector<1x16xf32>,
        %get3A_173 = vector.shape_cast %get3A_172 : vector<1x16xf32> to vector<16xf32>
        %mul3A_174 = vector.broadcast %squeeze3A_167 : f32 to vector<16xf32>
        %mul3A_175 = arith.mulf %get3A_173, %mul3A_174 : vector<16xf32>
        %add3A_176 = arith.addf %add3A_165, %mul3A_175 : vector<16xf32>
        %slice3A_177 = vector.extract_strided_slice %get3A_77 {offsets = [8], sizes = [1], strides = [1]} : vector<16xf32> to vector<1xf32>
        %squeeze3A_178 = vector.extract %slice3A_177[0] : f32 from vector<1xf32>
        %add3A_179 = arith.constant 8 : i32
        %add3A_180 = arith.addi %add3A_74, %add3A_179 : i32
        %get3A_181 = arith.index_cast %add3A_180 : i32 to index
        %get3A_182 = arith.constant 0 : index
        %get3A_183 = tpu.vector_load %arg8[%get3A_181, %get3A_182] {strides = array<i32>} : memref<3200x16xf32, #tpu.memory_space<vmem>>, vector<1x16xf32>,
        %get3A_184 = vector.shape_cast %get3A_183 : vector<1x16xf32> to vector<16xf32>
        %mul3A_185 = vector.broadcast %squeeze3A_178 : f32 to vector<16xf32>
        %mul3A_186 = arith.mulf %get3A_184, %mul3A_185 : vector<16xf32>
        %add3A_187 = arith.addf %add3A_176, %mul3A_186 : vector<16xf32>
        %slice3A_188 = vector.extract_strided_slice %get3A_77 {offsets = [9], sizes = [1], strides = [1]} : vector<16xf32> to vector<1xf32>
        %squeeze3A_189 = vector.extract %slice3A_188[0] : f32 from vector<1xf32>
        %add3A_190 = arith.constant 9 : i32
        %add3A_191 = arith.addi %add3A_74, %add3A_190 : i32
        %get3A_192 = arith.index_cast %add3A_191 : i32 to index
        %get3A_193 = arith.constant 0 : index
        %get3A_194 = tpu.vector_load %arg8[%get3A_192, %get3A_193] {strides = array<i32>} : memref<3200x16xf32, #tpu.memory_space<vmem>>, vector<1x16xf32>,
        %get3A_195 = vector.shape_cast %get3A_194 : vector<1x16xf32> to vector<16xf32>
        %mul3A_196 = vector.broadcast %squeeze3A_189 : f32 to vector<16xf32>
        %mul3A_197 = arith.mulf %get3A_195, %mul3A_196 : vector<16xf32>
        %add3A_198 = arith.addf %add3A_187, %mul3A_197 : vector<16xf32>
        %slice3A_199 = vector.extract_strided_slice %get3A_77 {offsets = [10], sizes = [1], strides = [1]} : vector<16xf32> to vector<1xf32>
        %squeeze3A_200 = vector.extract %slice3A_199[0] : f32 from vector<1xf32>
        %add3A_201 = arith.constant 10 : i32
        %add3A_202 = arith.addi %add3A_74, %add3A_201 : i32
        %get3A_203 = arith.index_cast %add3A_202 : i32 to index
        %get3A_204 = arith.constant 0 : index
        %get3A_205 = tpu.vector_load %arg8[%get3A_203, %get3A_204] {strides = array<i32>} : memref<3200x16xf32, #tpu.memory_space<vmem>>, vector<1x16xf32>,
        %get3A_206 = vector.shape_cast %get3A_205 : vector<1x16xf32> to vector<16xf32>
        %mul3A_207 = vector.broadcast %squeeze3A_200 : f32 to vector<16xf32>
        %mul3A_208 = arith.mulf %get3A_206, %mul3A_207 : vector<16xf32>
        %add3A_209 = arith.addf %add3A_198, %mul3A_208 : vector<16xf32>
        %slice3A_210 = vector.extract_strided_slice %get3A_77 {offsets = [11], sizes = [1], strides = [1]} : vector<16xf32> to vector<1xf32>
        %squeeze3A_211 = vector.extract %slice3A_210[0] : f32 from vector<1xf32>
        %add3A_212 = arith.constant 11 : i32
        %add3A_213 = arith.addi %add3A_74, %add3A_212 : i32
        %get3A_214 = arith.index_cast %add3A_213 : i32 to index
        %get3A_215 = arith.constant 0 : index
        %get3A_216 = tpu.vector_load %arg8[%get3A_214, %get3A_215] {strides = array<i32>} : memref<3200x16xf32, #tpu.memory_space<vmem>>, vector<1x16xf32>,
        %get3A_217 = vector.shape_cast %get3A_216 : vector<1x16xf32> to vector<16xf32>
        %mul3A_218 = vector.broadcast %squeeze3A_211 : f32 to vector<16xf32>
        %mul3A_219 = arith.mulf %get3A_217, %mul3A_218 : vector<16xf32>
        %add3A_220 = arith.addf %add3A_209, %mul3A_219 : vector<16xf32>
        %slice3A_221 = vector.extract_strided_slice %get3A_77 {offsets = [12], sizes = [1], strides = [1]} : vector<16xf32> to vector<1xf32>
        %squeeze3A_222 = vector.extract %slice3A_221[0] : f32 from vector<1xf32>
        %add3A_223 = arith.constant 12 : i32
        %add3A_224 = arith.addi %add3A_74, %add3A_223 : i32
        %get3A_225 = arith.index_cast %add3A_224 : i32 to index
        %get3A_226 = arith.constant 0 : index
        %get3A_227 = tpu.vector_load %arg8[%get3A_225, %get3A_226] {strides = array<i32>} : memref<3200x16xf32, #tpu.memory_space<vmem>>, vector<1x16xf32>,
        %get3A_228 = vector.shape_cast %get3A_227 : vector<1x16xf32> to vector<16xf32>
        %mul3A_229 = vector.broadcast %squeeze3A_222 : f32 to vector<16xf32>
        %mul3A_230 = arith.mulf %get3A_228, %mul3A_229 : vector<16xf32>
        %add3A_231 = arith.addf %add3A_220, %mul3A_230 : vector<16xf32>
        %slice3A_232 = vector.extract_strided_slice %get3A_77 {offsets = [13], sizes = [1], strides = [1]} : vector<16xf32> to vector<1xf32>
        %squeeze3A_233 = vector.extract %slice3A_232[0] : f32 from vector<1xf32>
        %add3A_234 = arith.constant 13 : i32
        %add3A_235 = arith.addi %add3A_74, %add3A_234 : i32
        %get3A_236 = arith.index_cast %add3A_235 : i32 to index
        %get3A_237 = arith.constant 0 : index
        %get3A_238 = tpu.vector_load %arg8[%get3A_236, %get3A_237] {strides = array<i32>} : memref<3200x16xf32, #tpu.memory_space<vmem>>, vector<1x16xf32>,
        %get3A_239 = vector.shape_cast %get3A_238 : vector<1x16xf32> to vector<16xf32>
        %mul3A_240 = vector.broadcast %squeeze3A_233 : f32 to vector<16xf32>
        %mul3A_241 = arith.mulf %get3A_239, %mul3A_240 : vector<16xf32>
        %add3A_242 = arith.addf %add3A_231, %mul3A_241 : vector<16xf32>
        %slice3A_243 = vector.extract_strided_slice %get3A_77 {offsets = [14], sizes = [1], strides = [1]} : vector<16xf32> to vector<1xf32>
        %squeeze3A_244 = vector.extract %slice3A_243[0] : f32 from vector<1xf32>
        %add3A_245 = arith.constant 14 : i32
        %add3A_246 = arith.addi %add3A_74, %add3A_245 : i32
        %get3A_247 = arith.index_cast %add3A_246 : i32 to index
        %get3A_248 = arith.constant 0 : index
        %get3A_249 = tpu.vector_load %arg8[%get3A_247, %get3A_248] {strides = array<i32>} : memref<3200x16xf32, #tpu.memory_space<vmem>>, vector<1x16xf32>,
        %get3A_250 = vector.shape_cast %get3A_249 : vector<1x16xf32> to vector<16xf32>
        %mul3A_251 = vector.broadcast %squeeze3A_244 : f32 to vector<16xf32>
        %mul3A_252 = arith.mulf %get3A_250, %mul3A_251 : vector<16xf32>
        %add3A_253 = arith.addf %add3A_242, %mul3A_252 : vector<16xf32>
        %slice3A_254 = vector.extract_strided_slice %get3A_77 {offsets = [15], sizes = [1], strides = [1]} : vector<16xf32> to vector<1xf32>
        %squeeze3A_255 = vector.extract %slice3A_254[0] : f32 from vector<1xf32>
        %add3A_256 = arith.constant 15 : i32
        %add3A_257 = arith.addi %add3A_74, %add3A_256 : i32
        %get3A_258 = arith.index_cast %add3A_257 : i32 to index
        %get3A_259 = arith.constant 0 : index
        %get3A_260 = tpu.vector_load %arg8[%get3A_258, %get3A_259] {strides = array<i32>} : memref<3200x16xf32, #tpu.memory_space<vmem>>, vector<1x16xf32>,
        %get3A_261 = vector.shape_cast %get3A_260 : vector<1x16xf32> to vector<16xf32>
        %mul3A_262 = vector.broadcast %squeeze3A_255 : f32 to vector<16xf32>
        %mul3A_263 = arith.mulf %get3A_261, %mul3A_262 : vector<16xf32>
        %add3A_264 = arith.addf %add3A_253, %mul3A_263 : vector<16xf32>
        %slice3A_265 = vector.extract_strided_slice %get3A_81 {offsets = [0], sizes = [1], strides = [1]} : vector<16xf32> to vector<1xf32>
        %squeeze3A_266 = vector.extract %slice3A_265[0] : f32 from vector<1xf32>
        %add3A_267 = arith.constant 16 : i32
        %add3A_268 = arith.addi %add3A_74, %add3A_267 : i32
        %get3A_269 = arith.index_cast %add3A_268 : i32 to index
        %get3A_270 = arith.constant 0 : index
        %get3A_271 = tpu.vector_load %arg8[%get3A_269, %get3A_270] {strides = array<i32>} : memref<3200x16xf32, #tpu.memory_space<vmem>>, vector<1x16xf32>,
        %get3A_272 = vector.shape_cast %get3A_271 : vector<1x16xf32> to vector<16xf32>
        %mul3A_273 = vector.broadcast %squeeze3A_266 : f32 to vector<16xf32>
        %mul3A_274 = arith.mulf %get3A_272, %mul3A_273 : vector<16xf32>
        %add3A_275 = arith.addf %add3A_264, %mul3A_274 : vector<16xf32>
        %slice3A_276 = vector.extract_strided_slice %get3A_81 {offsets = [1], sizes = [1], strides = [1]} : vector<16xf32> to vector<1xf32>
        %squeeze3A_277 = vector.extract %slice3A_276[0] : f32 from vector<1xf32>
        %add3A_278 = arith.constant 17 : i32
        %add3A_279 = arith.addi %add3A_74, %add3A_278 : i32
        %get3A_280 = arith.index_cast %add3A_279 : i32 to index
        %get3A_281 = arith.constant 0 : index
        %get3A_282 = tpu.vector_load %arg8[%get3A_280, %get3A_281] {strides = array<i32>} : memref<3200x16xf32, #tpu.memory_space<vmem>>, vector<1x16xf32>,
        %get3A_283 = vector.shape_cast %get3A_282 : vector<1x16xf32> to vector<16xf32>
        %mul3A_284 = vector.broadcast %squeeze3A_277 : f32 to vector<16xf32>
        %mul3A_285 = arith.mulf %get3A_283, %mul3A_284 : vector<16xf32>
        %add3A_286 = arith.addf %add3A_275, %mul3A_285 : vector<16xf32>
        %slice3A_287 = vector.extract_strided_slice %get3A_81 {offsets = [2], sizes = [1], strides = [1]} : vector<16xf32> to vector<1xf32>
        %squeeze3A_288 = vector.extract %slice3A_287[0] : f32 from vector<1xf32>
        %add3A_289 = arith.constant 18 : i32
        %add3A_290 = arith.addi %add3A_74, %add3A_289 : i32
        %get3A_291 = arith.index_cast %add3A_290 : i32 to index
        %get3A_292 = arith.constant 0 : index
        %get3A_293 = tpu.vector_load %arg8[%get3A_291, %get3A_292] {strides = array<i32>} : memref<3200x16xf32, #tpu.memory_space<vmem>>, vector<1x16xf32>,
        %get3A_294 = vector.shape_cast %get3A_293 : vector<1x16xf32> to vector<16xf32>
        %mul3A_295 = vector.broadcast %squeeze3A_288 : f32 to vector<16xf32>
        %mul3A_296 = arith.mulf %get3A_294, %mul3A_295 : vector<16xf32>
        %add3A_297 = arith.addf %add3A_286, %mul3A_296 : vector<16xf32>
        %slice3A_298 = vector.extract_strided_slice %get3A_81 {offsets = [3], sizes = [1], strides = [1]} : vector<16xf32> to vector<1xf32>
        %squeeze3A_299 = vector.extract %slice3A_298[0] : f32 from vector<1xf32>
        %add3A_300 = arith.constant 19 : i32
        %add3A_301 = arith.addi %add3A_74, %add3A_300 : i32
        %get3A_302 = arith.index_cast %add3A_301 : i32 to index
        %get3A_303 = arith.constant 0 : index
        %get3A_304 = tpu.vector_load %arg8[%get3A_302, %get3A_303] {strides = array<i32>} : memref<3200x16xf32, #tpu.memory_space<vmem>>, vector<1x16xf32>,
        %get3A_305 = vector.shape_cast %get3A_304 : vector<1x16xf32> to vector<16xf32>
        %mul3A_306 = vector.broadcast %squeeze3A_299 : f32 to vector<16xf32>
        %mul3A_307 = arith.mulf %get3A_305, %mul3A_306 : vector<16xf32>
        %add3A_308 = arith.addf %add3A_297, %mul3A_307 : vector<16xf32>
        %slice3A_309 = vector.extract_strided_slice %get3A_81 {offsets = [4], sizes = [1], strides = [1]} : vector<16xf32> to vector<1xf32>
        %squeeze3A_310 = vector.extract %slice3A_309[0] : f32 from vector<1xf32>
        %add3A_311 = arith.constant 20 : i32
        %add3A_312 = arith.addi %add3A_74, %add3A_311 : i32
        %get3A_313 = arith.index_cast %add3A_312 : i32 to index
        %get3A_314 = arith.constant 0 : index
        %get3A_315 = tpu.vector_load %arg8[%get3A_313, %get3A_314] {strides = array<i32>} : memref<3200x16xf32, #tpu.memory_space<vmem>>, vector<1x16xf32>,
        %get3A_316 = vector.shape_cast %get3A_315 : vector<1x16xf32> to vector<16xf32>
        %mul3A_317 = vector.broadcast %squeeze3A_310 : f32 to vector<16xf32>
        %mul3A_318 = arith.mulf %get3A_316, %mul3A_317 : vector<16xf32>
        %add3A_319 = arith.addf %add3A_308, %mul3A_318 : vector<16xf32>
        %slice3A_320 = vector.extract_strided_slice %get3A_81 {offsets = [5], sizes = [1], strides = [1]} : vector<16xf32> to vector<1xf32>
        %squeeze3A_321 = vector.extract %slice3A_320[0] : f32 from vector<1xf32>
        %add3A_322 = arith.constant 21 : i32
        %add3A_323 = arith.addi %add3A_74, %add3A_322 : i32
        %get3A_324 = arith.index_cast %add3A_323 : i32 to index
        %get3A_325 = arith.constant 0 : index
        %get3A_326 = tpu.vector_load %arg8[%get3A_324, %get3A_325] {strides = array<i32>} : memref<3200x16xf32, #tpu.memory_space<vmem>>, vector<1x16xf32>,
        %get3A_327 = vector.shape_cast %get3A_326 : vector<1x16xf32> to vector<16xf32>
        %mul3A_328 = vector.broadcast %squeeze3A_321 : f32 to vector<16xf32>
        %mul3A_329 = arith.mulf %get3A_327, %mul3A_328 : vector<16xf32>
        %add3A_330 = arith.addf %add3A_319, %mul3A_329 : vector<16xf32>
        %slice3A_331 = vector.extract_strided_slice %get3A_81 {offsets = [6], sizes = [1], strides = [1]} : vector<16xf32> to vector<1xf32>
        %squeeze3A_332 = vector.extract %slice3A_331[0] : f32 from vector<1xf32>
        %add3A_333 = arith.constant 22 : i32
        %add3A_334 = arith.addi %add3A_74, %add3A_333 : i32
        %get3A_335 = arith.index_cast %add3A_334 : i32 to index
        %get3A_336 = arith.constant 0 : index
        %get3A_337 = tpu.vector_load %arg8[%get3A_335, %get3A_336] {strides = array<i32>} : memref<3200x16xf32, #tpu.memory_space<vmem>>, vector<1x16xf32>,
        %get3A_338 = vector.shape_cast %get3A_337 : vector<1x16xf32> to vector<16xf32>
        %mul3A_339 = vector.broadcast %squeeze3A_332 : f32 to vector<16xf32>
        %mul3A_340 = arith.mulf %get3A_338, %mul3A_339 : vector<16xf32>
        %add3A_341 = arith.addf %add3A_330, %mul3A_340 : vector<16xf32>
        %slice3A_342 = vector.extract_strided_slice %get3A_81 {offsets = [7], sizes = [1], strides = [1]} : vector<16xf32> to vector<1xf32>
        %squeeze3A_343 = vector.extract %slice3A_342[0] : f32 from vector<1xf32>
        %add3A_344 = arith.constant 23 : i32
        %add3A_345 = arith.addi %add3A_74, %add3A_344 : i32
        %get3A_346 = arith.index_cast %add3A_345 : i32 to index
        %get3A_347 = arith.constant 0 : index
        %get3A_348 = tpu.vector_load %arg8[%get3A_346, %get3A_347] {strides = array<i32>} : memref<3200x16xf32, #tpu.memory_space<vmem>>, vector<1x16xf32>,
        %get3A_349 = vector.shape_cast %get3A_348 : vector<1x16xf32> to vector<16xf32>
        %mul3A_350 = vector.broadcast %squeeze3A_343 : f32 to vector<16xf32>
        %mul3A_351 = arith.mulf %get3A_349, %mul3A_350 : vector<16xf32>
        %add3A_352 = arith.addf %add3A_341, %mul3A_351 : vector<16xf32>
        %slice3A_353 = vector.extract_strided_slice %get3A_81 {offsets = [8], sizes = [1], strides = [1]} : vector<16xf32> to vector<1xf32>
        %squeeze3A_354 = vector.extract %slice3A_353[0] : f32 from vector<1xf32>
        %add3A_355 = arith.constant 24 : i32
        %add3A_356 = arith.addi %add3A_74, %add3A_355 : i32
        %get3A_357 = arith.index_cast %add3A_356 : i32 to index
        %get3A_358 = arith.constant 0 : index
        %get3A_359 = tpu.vector_load %arg8[%get3A_357, %get3A_358] {strides = array<i32>} : memref<3200x16xf32, #tpu.memory_space<vmem>>, vector<1x16xf32>,
        %get3A_360 = vector.shape_cast %get3A_359 : vector<1x16xf32> to vector<16xf32>
        %mul3A_361 = vector.broadcast %squeeze3A_354 : f32 to vector<16xf32>
        %mul3A_362 = arith.mulf %get3A_360, %mul3A_361 : vector<16xf32>
        %add3A_363 = arith.addf %add3A_352, %mul3A_362 : vector<16xf32>
        %slice3A_364 = vector.extract_strided_slice %get3A_81 {offsets = [9], sizes = [1], strides = [1]} : vector<16xf32> to vector<1xf32>
        %squeeze3A_365 = vector.extract %slice3A_364[0] : f32 from vector<1xf32>
        %add3A_366 = arith.constant 25 : i32
        %add3A_367 = arith.addi %add3A_74, %add3A_366 : i32
        %get3A_368 = arith.index_cast %add3A_367 : i32 to index
        %get3A_369 = arith.constant 0 : index
        %get3A_370 = tpu.vector_load %arg8[%get3A_368, %get3A_369] {strides = array<i32>} : memref<3200x16xf32, #tpu.memory_space<vmem>>, vector<1x16xf32>,
        %get3A_371 = vector.shape_cast %get3A_370 : vector<1x16xf32> to vector<16xf32>
        %mul3A_372 = vector.broadcast %squeeze3A_365 : f32 to vector<16xf32>
        %mul3A_373 = arith.mulf %get3A_371, %mul3A_372 : vector<16xf32>
        %add3A_374 = arith.addf %add3A_363, %mul3A_373 : vector<16xf32>
        %slice3A_375 = vector.extract_strided_slice %get3A_81 {offsets = [10], sizes = [1], strides = [1]} : vector<16xf32> to vector<1xf32>
        %squeeze3A_376 = vector.extract %slice3A_375[0] : f32 from vector<1xf32>
        %add3A_377 = arith.constant 26 : i32
        %add3A_378 = arith.addi %add3A_74, %add3A_377 : i32
        %get3A_379 = arith.index_cast %add3A_378 : i32 to index
        %get3A_380 = arith.constant 0 : index
        %get3A_381 = tpu.vector_load %arg8[%get3A_379, %get3A_380] {strides = array<i32>} : memref<3200x16xf32, #tpu.memory_space<vmem>>, vector<1x16xf32>,
        %get3A_382 = vector.shape_cast %get3A_381 : vector<1x16xf32> to vector<16xf32>
        %mul3A_383 = vector.broadcast %squeeze3A_376 : f32 to vector<16xf32>
        %mul3A_384 = arith.mulf %get3A_382, %mul3A_383 : vector<16xf32>
        %add3A_385 = arith.addf %add3A_374, %mul3A_384 : vector<16xf32>
        %slice3A_386 = vector.extract_strided_slice %get3A_81 {offsets = [11], sizes = [1], strides = [1]} : vector<16xf32> to vector<1xf32>
        %squeeze3A_387 = vector.extract %slice3A_386[0] : f32 from vector<1xf32>
        %add3A_388 = arith.constant 27 : i32
        %add3A_389 = arith.addi %add3A_74, %add3A_388 : i32
        %get3A_390 = arith.index_cast %add3A_389 : i32 to index
        %get3A_391 = arith.constant 0 : index
        %get3A_392 = tpu.vector_load %arg8[%get3A_390, %get3A_391] {strides = array<i32>} : memref<3200x16xf32, #tpu.memory_space<vmem>>, vector<1x16xf32>,
        %get3A_393 = vector.shape_cast %get3A_392 : vector<1x16xf32> to vector<16xf32>
        %mul3A_394 = vector.broadcast %squeeze3A_387 : f32 to vector<16xf32>
        %mul3A_395 = arith.mulf %get3A_393, %mul3A_394 : vector<16xf32>
        %add3A_396 = arith.addf %add3A_385, %mul3A_395 : vector<16xf32>
        %slice3A_397 = vector.extract_strided_slice %get3A_81 {offsets = [12], sizes = [1], strides = [1]} : vector<16xf32> to vector<1xf32>
        %squeeze3A_398 = vector.extract %slice3A_397[0] : f32 from vector<1xf32>
        %add3A_399 = arith.constant 28 : i32
        %add3A_400 = arith.addi %add3A_74, %add3A_399 : i32
        %get3A_401 = arith.index_cast %add3A_400 : i32 to index
        %get3A_402 = arith.constant 0 : index
        %get3A_403 = tpu.vector_load %arg8[%get3A_401, %get3A_402] {strides = array<i32>} : memref<3200x16xf32, #tpu.memory_space<vmem>>, vector<1x16xf32>,
        %get3A_404 = vector.shape_cast %get3A_403 : vector<1x16xf32> to vector<16xf32>
        %mul3A_405 = vector.broadcast %squeeze3A_398 : f32 to vector<16xf32>
        %mul3A_406 = arith.mulf %get3A_404, %mul3A_405 : vector<16xf32>
        %add3A_407 = arith.addf %add3A_396, %mul3A_406 : vector<16xf32>
        %slice3A_408 = vector.extract_strided_slice %get3A_81 {offsets = [13], sizes = [1], strides = [1]} : vector<16xf32> to vector<1xf32>
        %squeeze3A_409 = vector.extract %slice3A_408[0] : f32 from vector<1xf32>
        %add3A_410 = arith.constant 29 : i32
        %add3A_411 = arith.addi %add3A_74, %add3A_410 : i32
        %get3A_412 = arith.index_cast %add3A_411 : i32 to index
        %get3A_413 = arith.constant 0 : index
        %get3A_414 = tpu.vector_load %arg8[%get3A_412, %get3A_413] {strides = array<i32>} : memref<3200x16xf32, #tpu.memory_space<vmem>>, vector<1x16xf32>,
        %get3A_415 = vector.shape_cast %get3A_414 : vector<1x16xf32> to vector<16xf32>
        %mul3A_416 = vector.broadcast %squeeze3A_409 : f32 to vector<16xf32>
        %mul3A_417 = arith.mulf %get3A_415, %mul3A_416 : vector<16xf32>
        %add3A_418 = arith.addf %add3A_407, %mul3A_417 : vector<16xf32>
        %slice3A_419 = vector.extract_strided_slice %get3A_81 {offsets = [14], sizes = [1], strides = [1]} : vector<16xf32> to vector<1xf32>
        %squeeze3A_420 = vector.extract %slice3A_419[0] : f32 from vector<1xf32>
        %add3A_421 = arith.constant 30 : i32
        %add3A_422 = arith.addi %add3A_74, %add3A_421 : i32
        %get3A_423 = arith.index_cast %add3A_422 : i32 to index
        %get3A_424 = arith.constant 0 : index
        %get3A_425 = tpu.vector_load %arg8[%get3A_423, %get3A_424] {strides = array<i32>} : memref<3200x16xf32, #tpu.memory_space<vmem>>, vector<1x16xf32>,
        %get3A_426 = vector.shape_cast %get3A_425 : vector<1x16xf32> to vector<16xf32>
        %mul3A_427 = vector.broadcast %squeeze3A_420 : f32 to vector<16xf32>
        %mul3A_428 = arith.mulf %get3A_426, %mul3A_427 : vector<16xf32>
        %add3A_429 = arith.addf %add3A_418, %mul3A_428 : vector<16xf32>
        %slice3A_430 = vector.extract_strided_slice %get3A_81 {offsets = [15], sizes = [1], strides = [1]} : vector<16xf32> to vector<1xf32>
        %squeeze3A_431 = vector.extract %slice3A_430[0] : f32 from vector<1xf32>
        %add3A_432 = arith.constant 31 : i32
        %add3A_433 = arith.addi %add3A_74, %add3A_432 : i32
        %get3A_434 = arith.index_cast %add3A_433 : i32 to index
        %get3A_435 = arith.constant 0 : index
        %get3A_436 = tpu.vector_load %arg8[%get3A_434, %get3A_435] {strides = array<i32>} : memref<3200x16xf32, #tpu.memory_space<vmem>>, vector<1x16xf32>,
        %get3A_437 = vector.shape_cast %get3A_436 : vector<1x16xf32> to vector<16xf32>
        %mul3A_438 = vector.broadcast %squeeze3A_431 : f32 to vector<16xf32>
        %mul3A_439 = arith.mulf %get3A_437, %mul3A_438 : vector<16xf32>
        %add3A_440 = arith.addf %add3A_429, %mul3A_439 : vector<16xf32>
        %slice3A_441 = vector.extract_strided_slice %get3A_85 {offsets = [0], sizes = [1], strides = [1]} : vector<16xf32> to vector<1xf32>
        %squeeze3A_442 = vector.extract %slice3A_441[0] : f32 from vector<1xf32>
        %add3A_443 = arith.constant 32 : i32
        %add3A_444 = arith.addi %add3A_74, %add3A_443 : i32
        %get3A_445 = arith.index_cast %add3A_444 : i32 to index
        %get3A_446 = arith.constant 0 : index
        %get3A_447 = tpu.vector_load %arg8[%get3A_445, %get3A_446] {strides = array<i32>} : memref<3200x16xf32, #tpu.memory_space<vmem>>, vector<1x16xf32>,
        %get3A_448 = vector.shape_cast %get3A_447 : vector<1x16xf32> to vector<16xf32>
        %mul3A_449 = vector.broadcast %squeeze3A_442 : f32 to vector<16xf32>
        %mul3A_450 = arith.mulf %get3A_448, %mul3A_449 : vector<16xf32>
        %add3A_451 = arith.addf %add3A_440, %mul3A_450 : vector<16xf32>
        %slice3A_452 = vector.extract_strided_slice %get3A_85 {offsets = [1], sizes = [1], strides = [1]} : vector<16xf32> to vector<1xf32>
        %squeeze3A_453 = vector.extract %slice3A_452[0] : f32 from vector<1xf32>
        %add3A_454 = arith.constant 33 : i32
        %add3A_455 = arith.addi %add3A_74, %add3A_454 : i32
        %get3A_456 = arith.index_cast %add3A_455 : i32 to index
        %get3A_457 = arith.constant 0 : index
        %get3A_458 = tpu.vector_load %arg8[%get3A_456, %get3A_457] {strides = array<i32>} : memref<3200x16xf32, #tpu.memory_space<vmem>>, vector<1x16xf32>,
        %get3A_459 = vector.shape_cast %get3A_458 : vector<1x16xf32> to vector<16xf32>
        %mul3A_460 = vector.broadcast %squeeze3A_453 : f32 to vector<16xf32>
        %mul3A_461 = arith.mulf %get3A_459, %mul3A_460 : vector<16xf32>
        %add3A_462 = arith.addf %add3A_451, %mul3A_461 : vector<16xf32>
        %slice3A_463 = vector.extract_strided_slice %get3A_85 {offsets = [2], sizes = [1], strides = [1]} : vector<16xf32> to vector<1xf32>
        %squeeze3A_464 = vector.extract %slice3A_463[0] : f32 from vector<1xf32>
        %add3A_465 = arith.constant 34 : i32
        %add3A_466 = arith.addi %add3A_74, %add3A_465 : i32
        %get3A_467 = arith.index_cast %add3A_466 : i32 to index
        %get3A_468 = arith.constant 0 : index
        %get3A_469 = tpu.vector_load %arg8[%get3A_467, %get3A_468] {strides = array<i32>} : memref<3200x16xf32, #tpu.memory_space<vmem>>, vector<1x16xf32>,
        %get3A_470 = vector.shape_cast %get3A_469 : vector<1x16xf32> to vector<16xf32>
        %mul3A_471 = vector.broadcast %squeeze3A_464 : f32 to vector<16xf32>
        %mul3A_472 = arith.mulf %get3A_470, %mul3A_471 : vector<16xf32>
        %add3A_473 = arith.addf %add3A_462, %mul3A_472 : vector<16xf32>
        %slice3A_474 = vector.extract_strided_slice %get3A_85 {offsets = [3], sizes = [1], strides = [1]} : vector<16xf32> to vector<1xf32>
        %squeeze3A_475 = vector.extract %slice3A_474[0] : f32 from vector<1xf32>
        %add3A_476 = arith.constant 35 : i32
        %add3A_477 = arith.addi %add3A_74, %add3A_476 : i32
        %get3A_478 = arith.index_cast %add3A_477 : i32 to index
        %get3A_479 = arith.constant 0 : index
        %get3A_480 = tpu.vector_load %arg8[%get3A_478, %get3A_479] {strides = array<i32>} : memref<3200x16xf32, #tpu.memory_space<vmem>>, vector<1x16xf32>,
        %get3A_481 = vector.shape_cast %get3A_480 : vector<1x16xf32> to vector<16xf32>
        %mul3A_482 = vector.broadcast %squeeze3A_475 : f32 to vector<16xf32>
        %mul3A_483 = arith.mulf %get3A_481, %mul3A_482 : vector<16xf32>
        %add3A_484 = arith.addf %add3A_473, %mul3A_483 : vector<16xf32>
        %slice3A_485 = vector.extract_strided_slice %get3A_85 {offsets = [4], sizes = [1], strides = [1]} : vector<16xf32> to vector<1xf32>
        %squeeze3A_486 = vector.extract %slice3A_485[0] : f32 from vector<1xf32>
        %add3A_487 = arith.constant 36 : i32
        %add3A_488 = arith.addi %add3A_74, %add3A_487 : i32
        %get3A_489 = arith.index_cast %add3A_488 : i32 to index
        %get3A_490 = arith.constant 0 : index
        %get3A_491 = tpu.vector_load %arg8[%get3A_489, %get3A_490] {strides = array<i32>} : memref<3200x16xf32, #tpu.memory_space<vmem>>, vector<1x16xf32>,
        %get3A_492 = vector.shape_cast %get3A_491 : vector<1x16xf32> to vector<16xf32>
        %mul3A_493 = vector.broadcast %squeeze3A_486 : f32 to vector<16xf32>
        %mul3A_494 = arith.mulf %get3A_492, %mul3A_493 : vector<16xf32>
        %add3A_495 = arith.addf %add3A_484, %mul3A_494 : vector<16xf32>
        %slice3A_496 = vector.extract_strided_slice %get3A_85 {offsets = [5], sizes = [1], strides = [1]} : vector<16xf32> to vector<1xf32>
        %squeeze3A_497 = vector.extract %slice3A_496[0] : f32 from vector<1xf32>
        %add3A_498 = arith.constant 37 : i32
        %add3A_499 = arith.addi %add3A_74, %add3A_498 : i32
        %get3A_500 = arith.index_cast %add3A_499 : i32 to index
        %get3A_501 = arith.constant 0 : index
        %get3A_502 = tpu.vector_load %arg8[%get3A_500, %get3A_501] {strides = array<i32>} : memref<3200x16xf32, #tpu.memory_space<vmem>>, vector<1x16xf32>,
        %get3A_503 = vector.shape_cast %get3A_502 : vector<1x16xf32> to vector<16xf32>
        %mul3A_504 = vector.broadcast %squeeze3A_497 : f32 to vector<16xf32>
        %mul3A_505 = arith.mulf %get3A_503, %mul3A_504 : vector<16xf32>
        %add3A_506 = arith.addf %add3A_495, %mul3A_505 : vector<16xf32>
        %slice3A_507 = vector.extract_strided_slice %get3A_85 {offsets = [6], sizes = [1], strides = [1]} : vector<16xf32> to vector<1xf32>
        %squeeze3A_508 = vector.extract %slice3A_507[0] : f32 from vector<1xf32>
        %add3A_509 = arith.constant 38 : i32
        %add3A_510 = arith.addi %add3A_74, %add3A_509 : i32
        %get3A_511 = arith.index_cast %add3A_510 : i32 to index
        %get3A_512 = arith.constant 0 : index
        %get3A_513 = tpu.vector_load %arg8[%get3A_511, %get3A_512] {strides = array<i32>} : memref<3200x16xf32, #tpu.memory_space<vmem>>, vector<1x16xf32>,
        %get3A_514 = vector.shape_cast %get3A_513 : vector<1x16xf32> to vector<16xf32>
        %mul3A_515 = vector.broadcast %squeeze3A_508 : f32 to vector<16xf32>
        %mul3A_516 = arith.mulf %get3A_514, %mul3A_515 : vector<16xf32>
        %add3A_517 = arith.addf %add3A_506, %mul3A_516 : vector<16xf32>
        %slice3A_518 = vector.extract_strided_slice %get3A_85 {offsets = [7], sizes = [1], strides = [1]} : vector<16xf32> to vector<1xf32>
        %squeeze3A_519 = vector.extract %slice3A_518[0] : f32 from vector<1xf32>
        %add3A_520 = arith.constant 39 : i32
        %add3A_521 = arith.addi %add3A_74, %add3A_520 : i32
        %get3A_522 = arith.index_cast %add3A_521 : i32 to index
        %get3A_523 = arith.constant 0 : index
        %get3A_524 = tpu.vector_load %arg8[%get3A_522, %get3A_523] {strides = array<i32>} : memref<3200x16xf32, #tpu.memory_space<vmem>>, vector<1x16xf32>,
        %get3A_525 = vector.shape_cast %get3A_524 : vector<1x16xf32> to vector<16xf32>
        %mul3A_526 = vector.broadcast %squeeze3A_519 : f32 to vector<16xf32>
        %mul3A_527 = arith.mulf %get3A_525, %mul3A_526 : vector<16xf32>
        %add3A_528 = arith.addf %add3A_517, %mul3A_527 : vector<16xf32>
        %slice3A_529 = vector.extract_strided_slice %get3A_85 {offsets = [8], sizes = [1], strides = [1]} : vector<16xf32> to vector<1xf32>
        %squeeze3A_530 = vector.extract %slice3A_529[0] : f32 from vector<1xf32>
        %add3A_531 = arith.constant 40 : i32
        %add3A_532 = arith.addi %add3A_74, %add3A_531 : i32
        %get3A_533 = arith.index_cast %add3A_532 : i32 to index
        %get3A_534 = arith.constant 0 : index
        %get3A_535 = tpu.vector_load %arg8[%get3A_533, %get3A_534] {strides = array<i32>} : memref<3200x16xf32, #tpu.memory_space<vmem>>, vector<1x16xf32>,
        %get3A_536 = vector.shape_cast %get3A_535 : vector<1x16xf32> to vector<16xf32>
        %mul3A_537 = vector.broadcast %squeeze3A_530 : f32 to vector<16xf32>
        %mul3A_538 = arith.mulf %get3A_536, %mul3A_537 : vector<16xf32>
        %add3A_539 = arith.addf %add3A_528, %mul3A_538 : vector<16xf32>
        %slice3A_540 = vector.extract_strided_slice %get3A_85 {offsets = [9], sizes = [1], strides = [1]} : vector<16xf32> to vector<1xf32>
        %squeeze3A_541 = vector.extract %slice3A_540[0] : f32 from vector<1xf32>
        %add3A_542 = arith.constant 41 : i32
        %add3A_543 = arith.addi %add3A_74, %add3A_542 : i32
        %get3A_544 = arith.index_cast %add3A_543 : i32 to index
        %get3A_545 = arith.constant 0 : index
        %get3A_546 = tpu.vector_load %arg8[%get3A_544, %get3A_545] {strides = array<i32>} : memref<3200x16xf32, #tpu.memory_space<vmem>>, vector<1x16xf32>,
        %get3A_547 = vector.shape_cast %get3A_546 : vector<1x16xf32> to vector<16xf32>
        %mul3A_548 = vector.broadcast %squeeze3A_541 : f32 to vector<16xf32>
        %mul3A_549 = arith.mulf %get3A_547, %mul3A_548 : vector<16xf32>
        %add3A_550 = arith.addf %add3A_539, %mul3A_549 : vector<16xf32>
        %slice3A_551 = vector.extract_strided_slice %get3A_85 {offsets = [10], sizes = [1], strides = [1]} : vector<16xf32> to vector<1xf32>
        %squeeze3A_552 = vector.extract %slice3A_551[0] : f32 from vector<1xf32>
        %add3A_553 = arith.constant 42 : i32
        %add3A_554 = arith.addi %add3A_74, %add3A_553 : i32
        %get3A_555 = arith.index_cast %add3A_554 : i32 to index
        %get3A_556 = arith.constant 0 : index
        %get3A_557 = tpu.vector_load %arg8[%get3A_555, %get3A_556] {strides = array<i32>} : memref<3200x16xf32, #tpu.memory_space<vmem>>, vector<1x16xf32>,
        %get3A_558 = vector.shape_cast %get3A_557 : vector<1x16xf32> to vector<16xf32>
        %mul3A_559 = vector.broadcast %squeeze3A_552 : f32 to vector<16xf32>
        %mul3A_560 = arith.mulf %get3A_558, %mul3A_559 : vector<16xf32>
        %add3A_561 = arith.addf %add3A_550, %mul3A_560 : vector<16xf32>
        %slice3A_562 = vector.extract_strided_slice %get3A_85 {offsets = [11], sizes = [1], strides = [1]} : vector<16xf32> to vector<1xf32>
        %squeeze3A_563 = vector.extract %slice3A_562[0] : f32 from vector<1xf32>
        %add3A_564 = arith.constant 43 : i32
        %add3A_565 = arith.addi %add3A_74, %add3A_564 : i32
        %get3A_566 = arith.index_cast %add3A_565 : i32 to index
        %get3A_567 = arith.constant 0 : index
        %get3A_568 = tpu.vector_load %arg8[%get3A_566, %get3A_567] {strides = array<i32>} : memref<3200x16xf32, #tpu.memory_space<vmem>>, vector<1x16xf32>,
        %get3A_569 = vector.shape_cast %get3A_568 : vector<1x16xf32> to vector<16xf32>
        %mul3A_570 = vector.broadcast %squeeze3A_563 : f32 to vector<16xf32>
        %mul3A_571 = arith.mulf %get3A_569, %mul3A_570 : vector<16xf32>
        %add3A_572 = arith.addf %add3A_561, %mul3A_571 : vector<16xf32>
        %slice3A_573 = vector.extract_strided_slice %get3A_85 {offsets = [12], sizes = [1], strides = [1]} : vector<16xf32> to vector<1xf32>
        %squeeze3A_574 = vector.extract %slice3A_573[0] : f32 from vector<1xf32>
        %add3A_575 = arith.constant 44 : i32
        %add3A_576 = arith.addi %add3A_74, %add3A_575 : i32
        %get3A_577 = arith.index_cast %add3A_576 : i32 to index
        %get3A_578 = arith.constant 0 : index
        %get3A_579 = tpu.vector_load %arg8[%get3A_577, %get3A_578] {strides = array<i32>} : memref<3200x16xf32, #tpu.memory_space<vmem>>, vector<1x16xf32>,
        %get3A_580 = vector.shape_cast %get3A_579 : vector<1x16xf32> to vector<16xf32>
        %mul3A_581 = vector.broadcast %squeeze3A_574 : f32 to vector<16xf32>
        %mul3A_582 = arith.mulf %get3A_580, %mul3A_581 : vector<16xf32>
        %add3A_583 = arith.addf %add3A_572, %mul3A_582 : vector<16xf32>
        %slice3A_584 = vector.extract_strided_slice %get3A_85 {offsets = [13], sizes = [1], strides = [1]} : vector<16xf32> to vector<1xf32>
        %squeeze3A_585 = vector.extract %slice3A_584[0] : f32 from vector<1xf32>
        %add3A_586 = arith.constant 45 : i32
        %add3A_587 = arith.addi %add3A_74, %add3A_586 : i32
        %get3A_588 = arith.index_cast %add3A_587 : i32 to index
        %get3A_589 = arith.constant 0 : index
        %get3A_590 = tpu.vector_load %arg8[%get3A_588, %get3A_589] {strides = array<i32>} : memref<3200x16xf32, #tpu.memory_space<vmem>>, vector<1x16xf32>,
        %get3A_591 = vector.shape_cast %get3A_590 : vector<1x16xf32> to vector<16xf32>
        %mul3A_592 = vector.broadcast %squeeze3A_585 : f32 to vector<16xf32>
        %mul3A_593 = arith.mulf %get3A_591, %mul3A_592 : vector<16xf32>
        %add3A_594 = arith.addf %add3A_583, %mul3A_593 : vector<16xf32>
        %slice3A_595 = vector.extract_strided_slice %get3A_85 {offsets = [14], sizes = [1], strides = [1]} : vector<16xf32> to vector<1xf32>
        %squeeze3A_596 = vector.extract %slice3A_595[0] : f32 from vector<1xf32>
        %add3A_597 = arith.constant 46 : i32
        %add3A_598 = arith.addi %add3A_74, %add3A_597 : i32
        %get3A_599 = arith.index_cast %add3A_598 : i32 to index
        %get3A_600 = arith.constant 0 : index
        %get3A_601 = tpu.vector_load %arg8[%get3A_599, %get3A_600] {strides = array<i32>} : memref<3200x16xf32, #tpu.memory_space<vmem>>, vector<1x16xf32>,
        %get3A_602 = vector.shape_cast %get3A_601 : vector<1x16xf32> to vector<16xf32>
        %mul3A_603 = vector.broadcast %squeeze3A_596 : f32 to vector<16xf32>
        %mul3A_604 = arith.mulf %get3A_602, %mul3A_603 : vector<16xf32>
        %add3A_605 = arith.addf %add3A_594, %mul3A_604 : vector<16xf32>
        %slice3A_606 = vector.extract_strided_slice %get3A_85 {offsets = [15], sizes = [1], strides = [1]} : vector<16xf32> to vector<1xf32>
        %squeeze3A_607 = vector.extract %slice3A_606[0] : f32 from vector<1xf32>
        %add3A_608 = arith.constant 47 : i32
        %add3A_609 = arith.addi %add3A_74, %add3A_608 : i32
        %get3A_610 = arith.index_cast %add3A_609 : i32 to index
        %get3A_611 = arith.constant 0 : index
        %get3A_612 = tpu.vector_load %arg8[%get3A_610, %get3A_611] {strides = array<i32>} : memref<3200x16xf32, #tpu.memory_space<vmem>>, vector<1x16xf32>,
        %get3A_613 = vector.shape_cast %get3A_612 : vector<1x16xf32> to vector<16xf32>
        %mul3A_614 = vector.broadcast %squeeze3A_607 : f32 to vector<16xf32>
        %mul3A_615 = arith.mulf %get3A_613, %mul3A_614 : vector<16xf32>
        %add3A_616 = arith.addf %add3A_605, %mul3A_615 : vector<16xf32>
        %slice3A_617 = vector.extract_strided_slice %get3A_89 {offsets = [14], sizes = [1], strides = [1]} : vector<16xf32> to vector<1xf32>
        %squeeze3A_618 = vector.extract %slice3A_617[0] : f32 from vector<1xf32>
        %add3A_619 = arith.constant 48 : i32
        %add3A_620 = arith.addi %add3A_74, %add3A_619 : i32
        %get3A_621 = arith.index_cast %add3A_620 : i32 to index
        %get3A_622 = arith.constant 0 : index
        %get3A_623 = tpu.vector_load %arg8[%get3A_621, %get3A_622] {strides = array<i32>} : memref<3200x16xf32, #tpu.memory_space<vmem>>, vector<1x16xf32>,
        %get3A_624 = vector.shape_cast %get3A_623 : vector<1x16xf32> to vector<16xf32>
        %mul3A_625 = vector.broadcast %squeeze3A_618 : f32 to vector<16xf32>
        %mul3A_626 = arith.mulf %get3A_624, %mul3A_625 : vector<16xf32>
        %add3A_627 = arith.addf %add3A_616, %mul3A_626 : vector<16xf32>
        %slice3A_628 = vector.extract_strided_slice %get3A_89 {offsets = [15], sizes = [1], strides = [1]} : vector<16xf32> to vector<1xf32>
        %squeeze3A_629 = vector.extract %slice3A_628[0] : f32 from vector<1xf32>
        %add3A_630 = arith.constant 49 : i32
        %add3A_631 = arith.addi %add3A_74, %add3A_630 : i32
        %get3A_632 = arith.index_cast %add3A_631 : i32 to index
        %get3A_633 = arith.constant 0 : index
        %get3A_634 = tpu.vector_load %arg8[%get3A_632, %get3A_633] {strides = array<i32>} : memref<3200x16xf32, #tpu.memory_space<vmem>>, vector<1x16xf32>,
        %get3A_635 = vector.shape_cast %get3A_634 : vector<1x16xf32> to vector<16xf32>
        %mul3A_636 = vector.broadcast %squeeze3A_629 : f32 to vector<16xf32>
        %mul3A_637 = arith.mulf %get3A_635, %mul3A_636 : vector<16xf32>
        %add3A_638 = arith.addf %add3A_627, %mul3A_637 : vector<16xf32>
        %swap3A = arith.index_cast %add3A_70 : i32 to index
        %swap3A_639 = arith.constant 0 : index
        %swap3A_640 = tpu.vector_load %arg9[%swap3A, %swap3A_639] {strides = array<i32>} : memref<512x16xf32, #tpu.memory_space<vmem>>, vector<1x16xf32>,
        %swap3A_641 = vector.shape_cast %swap3A_640 : vector<1x16xf32> to vector<16xf32>
        %swap3A_642 = vector.shape_cast %add3A_638 : vector<16xf32> to vector<1x16xf32>
        tpu.vector_store %arg9[%swap3A, %swap3A_639], %swap3A_642 {strides = array<i32>} : memref<512x16xf32, #tpu.memory_space<vmem>>, vector<1x16xf32>,
      }
      %scan3A_39 = arith.constant 32 : i32
      %add3A_40 = arith.constant 2 : i32
      %add3A_41 = arith.addi %add3A_16, %add3A_40 : i32
      %lt3A = arith.constant 16 : i32
      %lt3A_42 = arith.cmpi slt, %add3A_41, %lt3A : i32
      %convert_element_type3A = arith.extui %lt3A_42 : i1 to i32
      %cond3A = arith.constant 0 : i32
      %cond3A_43 = arith.cmpi ne, %convert_element_type3A, %cond3A : i32
      scf.if %cond3A_43 {
        %add3A_63 = arith.constant 2 : i32
        %add3A_64 = arith.addi %add3A_16, %add3A_63 : i32
        %scan3A_65 = arith.constant 0 : i32
        %scan3A_66 = arith.constant 32 : i32
        %scan3A_67 = arith.addi %scan3A_65, %scan3A_66 : i32
        %scan3A_68 = arith.constant 1 : i32
        scf.for %scan3A_70 = %scan3A_65 to %scan3A_67 step %scan3A_68  : i32 {
          %mul3A_71 = arith.constant 1 : i32
          %mul3A_72 = arith.muli %scan3A_70, %mul3A_71 : i32
          %add3A_73 = arith.constant 0 : i32
          %add3A_74 = arith.addi %add3A_73, %mul3A_72 : i32
          %mul3A_75 = arith.constant 32 : i32
          %mul3A_76 = arith.muli %add3A_64, %mul3A_75 : i32
          %add3A_77 = arith.addi %mul3A_76, %add3A_74 : i32
          %mul3A_78 = arith.constant 50 : i32
          %mul3A_79 = arith.muli %add3A_74, %mul3A_78 : i32
          %add3A_80 = arith.constant 0 : i32
          %add3A_81 = arith.addi %add3A_80, %mul3A_79 : i32
          %dma_start3A = arith.constant 0 : i32
          %dma_start3A_82 = tpu.memref_slice %arg8[%add3A_81, %dma_start3A] : memref<3200x16xf32, #tpu.memory_space<vmem>> -> memref<50x16xf32, #tpu.memory_space<vmem>>
          %dma_start3A_83 = arith.constant 0 : i32
          %dma_start3A_84 = tpu.memref_slice %arg6[%add3A_77, %dma_start3A_83] : memref<512x50xi32, #tpu.memory_space<vmem>> -> memref<1x50xi32, #tpu.memory_space<vmem>>
          %dma_start3A_85 = tpu.memref_squeeze %dma_start3A_84 : memref<1x50xi32, #tpu.memory_space<vmem>> -> memref<50xi32, #tpu.memory_space<vmem>>
          %dma_start3A_86 = arith.constant 0 : i32
          %dma_start3A_87 = arith.constant 0 : i32
          %dma_start3A_88 = tpu.memref_slice %arg4[%dma_start3A_86, %dma_start3A_87] : memref<1000000x16xf32, #tpu.memory_space<hbm>> -> memref<1000000x16xf32, #tpu.memory_space<hbm>>
          tpu.enqueue_indirect_dma source(%dma_start3A_88 : memref<1000000x16xf32, #tpu.memory_space<hbm>>) target(%dma_start3A_82 : memref<50x16xf32, #tpu.memory_space<vmem>>) offsets(%dma_start3A_85 : memref<50xi32, #tpu.memory_space<vmem>>) semaphore(%arg10 : memref<!tpu.dma_semaphore, #tpu.memory_space<semaphore_mem>>)
        }
        %scan3A_69 = arith.constant 32 : i32
      } else {
      }
      %dma_wait3A_44 = arith.constant 1600 : i32
      %dma_wait3A_45 = arith.constant 0 : i32
      %dma_wait3A_46 = tpu.memref_slice %arg8[%dma_wait3A_44, %dma_wait3A_45] : memref<3200x16xf32, #tpu.memory_space<vmem>> -> memref<1600x16xf32, #tpu.memory_space<vmem>>
      %dma_wait3A_47 = arith.constant 0 : i32
      %dma_wait3A_48 = arith.constant 0 : i32
      %dma_wait3A_49 = tpu.memref_slice %arg5[%dma_wait3A_47, %dma_wait3A_48] : memref<16384x16xf32, #tpu.memory_space<hbm>> -> memref<1600x16xf32, #tpu.memory_space<hbm>>
      %dma_wait3A_50 = arith.constant 1600 : i32
      %dma_wait3A_51 = arith.constant 0 : i32
      %dma_wait3A_52 = tpu.memref_slice %arg8[%dma_wait3A_50, %dma_wait3A_51] : memref<3200x16xf32, #tpu.memory_space<vmem>> -> memref<1600x16xf32, #tpu.memory_space<vmem>>
      %dma_wait3A_53 = arith.constant 0 : i32
      %dma_wait3A_54 = arith.constant 0 : i32
      %dma_wait3A_55 = tpu.memref_slice %arg5[%dma_wait3A_53, %dma_wait3A_54] : memref<16384x16xf32, #tpu.memory_space<hbm>> -> memref<1600x16xf32, #tpu.memory_space<hbm>>
      tpu.wait_dma2 semaphore(%arg11 : memref<!tpu.dma_semaphore, #tpu.memory_space<semaphore_mem>>) src(%dma_wait3A_55 : memref<1600x16xf32, #tpu.memory_space<hbm>>) dst(%dma_wait3A_52 : memref<1600x16xf32, #tpu.memory_space<vmem>>)
      %add3A_56 = arith.constant 1 : i32
      %add3A_57 = arith.addi %add3A_16, %add3A_56 : i32
      %scan3A_58 = arith.constant 0 : i32
      %scan3A_59 = arith.constant 32 : i32
      %scan3A_60 = arith.addi %scan3A_58, %scan3A_59 : i32
      %scan3A_61 = arith.constant 1 : i32
      scf.for %scan3A_63 = %scan3A_58 to %scan3A_60 step %scan3A_61  : i32 {
        %mul3A_64 = arith.constant 1 : i32
        %mul3A_65 = arith.muli %scan3A_63, %mul3A_64 : i32
        %add3A_66 = arith.constant 0 : i32
        %add3A_67 = arith.addi %add3A_66, %mul3A_65 : i32
        %mul3A_68 = arith.constant 32 : i32
        %mul3A_69 = arith.muli %add3A_57, %mul3A_68 : i32
        %add3A_70 = arith.addi %mul3A_69, %add3A_67 : i32
        %mul3A_71 = arith.constant 50 : i32
        %mul3A_72 = arith.muli %add3A_67, %mul3A_71 : i32
        %add3A_73 = arith.constant 1600 : i32
        %add3A_74 = arith.addi %add3A_73, %mul3A_72 : i32
        %get3A = arith.index_cast %add3A_70 : i32 to index
        %get3A_75 = arith.constant 0 : index
        %get3A_76 = tpu.vector_load %arg7[%get3A, %get3A_75] {strides = array<i32>} : memref<512x50xf32, #tpu.memory_space<vmem>>, vector<1x16xf32>,
        %get3A_77 = vector.shape_cast %get3A_76 : vector<1x16xf32> to vector<16xf32>
        %get3A_78 = arith.index_cast %add3A_70 : i32 to index
        %get3A_79 = arith.constant 16 : index
        %get3A_80 = tpu.vector_load %arg7[%get3A_78, %get3A_79] {strides = array<i32>} : memref<512x50xf32, #tpu.memory_space<vmem>>, vector<1x16xf32>,
        %get3A_81 = vector.shape_cast %get3A_80 : vector<1x16xf32> to vector<16xf32>
        %get3A_82 = arith.index_cast %add3A_70 : i32 to index
        %get3A_83 = arith.constant 32 : index
        %get3A_84 = tpu.vector_load %arg7[%get3A_82, %get3A_83] {strides = array<i32>} : memref<512x50xf32, #tpu.memory_space<vmem>>, vector<1x16xf32>,
        %get3A_85 = vector.shape_cast %get3A_84 : vector<1x16xf32> to vector<16xf32>
        %get3A_86 = arith.index_cast %add3A_70 : i32 to index
        %get3A_87 = arith.constant 34 : index
        %get3A_88 = tpu.vector_load %arg7[%get3A_86, %get3A_87] {strides = array<i32>} : memref<512x50xf32, #tpu.memory_space<vmem>>, vector<1x16xf32>,
        %get3A_89 = vector.shape_cast %get3A_88 : vector<1x16xf32> to vector<16xf32>
        %broadcast_in_dim3A = arith.constant 0.000000e+00 : f32
        %broadcast_in_dim3A_90 = vector.broadcast %broadcast_in_dim3A : f32 to vector<16xf32>
        %slice3A = vector.extract_strided_slice %get3A_77 {offsets = [0], sizes = [1], strides = [1]} : vector<16xf32> to vector<1xf32>
        %squeeze3A = vector.extract %slice3A[0] : f32 from vector<1xf32>
        %add3A_91 = arith.constant 0 : i32
        %add3A_92 = arith.addi %add3A_74, %add3A_91 : i32
        %get3A_93 = arith.index_cast %add3A_92 : i32 to index
        %get3A_94 = arith.constant 0 : index
        %get3A_95 = tpu.vector_load %arg8[%get3A_93, %get3A_94] {strides = array<i32>} : memref<3200x16xf32, #tpu.memory_space<vmem>>, vector<1x16xf32>,
        %get3A_96 = vector.shape_cast %get3A_95 : vector<1x16xf32> to vector<16xf32>
        %mul3A_97 = vector.broadcast %squeeze3A : f32 to vector<16xf32>
        %mul3A_98 = arith.mulf %get3A_96, %mul3A_97 : vector<16xf32>
        %add3A_99 = arith.addf %broadcast_in_dim3A_90, %mul3A_98 : vector<16xf32>
        %slice3A_100 = vector.extract_strided_slice %get3A_77 {offsets = [1], sizes = [1], strides = [1]} : vector<16xf32> to vector<1xf32>
        %squeeze3A_101 = vector.extract %slice3A_100[0] : f32 from vector<1xf32>
        %add3A_102 = arith.constant 1 : i32
        %add3A_103 = arith.addi %add3A_74, %add3A_102 : i32
        %get3A_104 = arith.index_cast %add3A_103 : i32 to index
        %get3A_105 = arith.constant 0 : index
        %get3A_106 = tpu.vector_load %arg8[%get3A_104, %get3A_105] {strides = array<i32>} : memref<3200x16xf32, #tpu.memory_space<vmem>>, vector<1x16xf32>,
        %get3A_107 = vector.shape_cast %get3A_106 : vector<1x16xf32> to vector<16xf32>
        %mul3A_108 = vector.broadcast %squeeze3A_101 : f32 to vector<16xf32>
        %mul3A_109 = arith.mulf %get3A_107, %mul3A_108 : vector<16xf32>
        %add3A_110 = arith.addf %add3A_99, %mul3A_109 : vector<16xf32>
        %slice3A_111 = vector.extract_strided_slice %get3A_77 {offsets = [2], sizes = [1], strides = [1]} : vector<16xf32> to vector<1xf32>
        %squeeze3A_112 = vector.extract %slice3A_111[0] : f32 from vector<1xf32>
        %add3A_113 = arith.constant 2 : i32
        %add3A_114 = arith.addi %add3A_74, %add3A_113 : i32
        %get3A_115 = arith.index_cast %add3A_114 : i32 to index
        %get3A_116 = arith.constant 0 : index
        %get3A_117 = tpu.vector_load %arg8[%get3A_115, %get3A_116] {strides = array<i32>} : memref<3200x16xf32, #tpu.memory_space<vmem>>, vector<1x16xf32>,
        %get3A_118 = vector.shape_cast %get3A_117 : vector<1x16xf32> to vector<16xf32>
        %mul3A_119 = vector.broadcast %squeeze3A_112 : f32 to vector<16xf32>
        %mul3A_120 = arith.mulf %get3A_118, %mul3A_119 : vector<16xf32>
        %add3A_121 = arith.addf %add3A_110, %mul3A_120 : vector<16xf32>
        %slice3A_122 = vector.extract_strided_slice %get3A_77 {offsets = [3], sizes = [1], strides = [1]} : vector<16xf32> to vector<1xf32>
        %squeeze3A_123 = vector.extract %slice3A_122[0] : f32 from vector<1xf32>
        %add3A_124 = arith.constant 3 : i32
        %add3A_125 = arith.addi %add3A_74, %add3A_124 : i32
        %get3A_126 = arith.index_cast %add3A_125 : i32 to index
        %get3A_127 = arith.constant 0 : index
        %get3A_128 = tpu.vector_load %arg8[%get3A_126, %get3A_127] {strides = array<i32>} : memref<3200x16xf32, #tpu.memory_space<vmem>>, vector<1x16xf32>,
        %get3A_129 = vector.shape_cast %get3A_128 : vector<1x16xf32> to vector<16xf32>
        %mul3A_130 = vector.broadcast %squeeze3A_123 : f32 to vector<16xf32>
        %mul3A_131 = arith.mulf %get3A_129, %mul3A_130 : vector<16xf32>
        %add3A_132 = arith.addf %add3A_121, %mul3A_131 : vector<16xf32>
        %slice3A_133 = vector.extract_strided_slice %get3A_77 {offsets = [4], sizes = [1], strides = [1]} : vector<16xf32> to vector<1xf32>
        %squeeze3A_134 = vector.extract %slice3A_133[0] : f32 from vector<1xf32>
        %add3A_135 = arith.constant 4 : i32
        %add3A_136 = arith.addi %add3A_74, %add3A_135 : i32
        %get3A_137 = arith.index_cast %add3A_136 : i32 to index
        %get3A_138 = arith.constant 0 : index
        %get3A_139 = tpu.vector_load %arg8[%get3A_137, %get3A_138] {strides = array<i32>} : memref<3200x16xf32, #tpu.memory_space<vmem>>, vector<1x16xf32>,
        %get3A_140 = vector.shape_cast %get3A_139 : vector<1x16xf32> to vector<16xf32>
        %mul3A_141 = vector.broadcast %squeeze3A_134 : f32 to vector<16xf32>
        %mul3A_142 = arith.mulf %get3A_140, %mul3A_141 : vector<16xf32>
        %add3A_143 = arith.addf %add3A_132, %mul3A_142 : vector<16xf32>
        %slice3A_144 = vector.extract_strided_slice %get3A_77 {offsets = [5], sizes = [1], strides = [1]} : vector<16xf32> to vector<1xf32>
        %squeeze3A_145 = vector.extract %slice3A_144[0] : f32 from vector<1xf32>
        %add3A_146 = arith.constant 5 : i32
        %add3A_147 = arith.addi %add3A_74, %add3A_146 : i32
        %get3A_148 = arith.index_cast %add3A_147 : i32 to index
        %get3A_149 = arith.constant 0 : index
        %get3A_150 = tpu.vector_load %arg8[%get3A_148, %get3A_149] {strides = array<i32>} : memref<3200x16xf32, #tpu.memory_space<vmem>>, vector<1x16xf32>,
        %get3A_151 = vector.shape_cast %get3A_150 : vector<1x16xf32> to vector<16xf32>
        %mul3A_152 = vector.broadcast %squeeze3A_145 : f32 to vector<16xf32>
        %mul3A_153 = arith.mulf %get3A_151, %mul3A_152 : vector<16xf32>
        %add3A_154 = arith.addf %add3A_143, %mul3A_153 : vector<16xf32>
        %slice3A_155 = vector.extract_strided_slice %get3A_77 {offsets = [6], sizes = [1], strides = [1]} : vector<16xf32> to vector<1xf32>
        %squeeze3A_156 = vector.extract %slice3A_155[0] : f32 from vector<1xf32>
        %add3A_157 = arith.constant 6 : i32
        %add3A_158 = arith.addi %add3A_74, %add3A_157 : i32
        %get3A_159 = arith.index_cast %add3A_158 : i32 to index
        %get3A_160 = arith.constant 0 : index
        %get3A_161 = tpu.vector_load %arg8[%get3A_159, %get3A_160] {strides = array<i32>} : memref<3200x16xf32, #tpu.memory_space<vmem>>, vector<1x16xf32>,
        %get3A_162 = vector.shape_cast %get3A_161 : vector<1x16xf32> to vector<16xf32>
        %mul3A_163 = vector.broadcast %squeeze3A_156 : f32 to vector<16xf32>
        %mul3A_164 = arith.mulf %get3A_162, %mul3A_163 : vector<16xf32>
        %add3A_165 = arith.addf %add3A_154, %mul3A_164 : vector<16xf32>
        %slice3A_166 = vector.extract_strided_slice %get3A_77 {offsets = [7], sizes = [1], strides = [1]} : vector<16xf32> to vector<1xf32>
        %squeeze3A_167 = vector.extract %slice3A_166[0] : f32 from vector<1xf32>
        %add3A_168 = arith.constant 7 : i32
        %add3A_169 = arith.addi %add3A_74, %add3A_168 : i32
        %get3A_170 = arith.index_cast %add3A_169 : i32 to index
        %get3A_171 = arith.constant 0 : index
        %get3A_172 = tpu.vector_load %arg8[%get3A_170, %get3A_171] {strides = array<i32>} : memref<3200x16xf32, #tpu.memory_space<vmem>>, vector<1x16xf32>,
        %get3A_173 = vector.shape_cast %get3A_172 : vector<1x16xf32> to vector<16xf32>
        %mul3A_174 = vector.broadcast %squeeze3A_167 : f32 to vector<16xf32>
        %mul3A_175 = arith.mulf %get3A_173, %mul3A_174 : vector<16xf32>
        %add3A_176 = arith.addf %add3A_165, %mul3A_175 : vector<16xf32>
        %slice3A_177 = vector.extract_strided_slice %get3A_77 {offsets = [8], sizes = [1], strides = [1]} : vector<16xf32> to vector<1xf32>
        %squeeze3A_178 = vector.extract %slice3A_177[0] : f32 from vector<1xf32>
        %add3A_179 = arith.constant 8 : i32
        %add3A_180 = arith.addi %add3A_74, %add3A_179 : i32
        %get3A_181 = arith.index_cast %add3A_180 : i32 to index
        %get3A_182 = arith.constant 0 : index
        %get3A_183 = tpu.vector_load %arg8[%get3A_181, %get3A_182] {strides = array<i32>} : memref<3200x16xf32, #tpu.memory_space<vmem>>, vector<1x16xf32>,
        %get3A_184 = vector.shape_cast %get3A_183 : vector<1x16xf32> to vector<16xf32>
        %mul3A_185 = vector.broadcast %squeeze3A_178 : f32 to vector<16xf32>
        %mul3A_186 = arith.mulf %get3A_184, %mul3A_185 : vector<16xf32>
        %add3A_187 = arith.addf %add3A_176, %mul3A_186 : vector<16xf32>
        %slice3A_188 = vector.extract_strided_slice %get3A_77 {offsets = [9], sizes = [1], strides = [1]} : vector<16xf32> to vector<1xf32>
        %squeeze3A_189 = vector.extract %slice3A_188[0] : f32 from vector<1xf32>
        %add3A_190 = arith.constant 9 : i32
        %add3A_191 = arith.addi %add3A_74, %add3A_190 : i32
        %get3A_192 = arith.index_cast %add3A_191 : i32 to index
        %get3A_193 = arith.constant 0 : index
        %get3A_194 = tpu.vector_load %arg8[%get3A_192, %get3A_193] {strides = array<i32>} : memref<3200x16xf32, #tpu.memory_space<vmem>>, vector<1x16xf32>,
        %get3A_195 = vector.shape_cast %get3A_194 : vector<1x16xf32> to vector<16xf32>
        %mul3A_196 = vector.broadcast %squeeze3A_189 : f32 to vector<16xf32>
        %mul3A_197 = arith.mulf %get3A_195, %mul3A_196 : vector<16xf32>
        %add3A_198 = arith.addf %add3A_187, %mul3A_197 : vector<16xf32>
        %slice3A_199 = vector.extract_strided_slice %get3A_77 {offsets = [10], sizes = [1], strides = [1]} : vector<16xf32> to vector<1xf32>
        %squeeze3A_200 = vector.extract %slice3A_199[0] : f32 from vector<1xf32>
        %add3A_201 = arith.constant 10 : i32
        %add3A_202 = arith.addi %add3A_74, %add3A_201 : i32
        %get3A_203 = arith.index_cast %add3A_202 : i32 to index
        %get3A_204 = arith.constant 0 : index
        %get3A_205 = tpu.vector_load %arg8[%get3A_203, %get3A_204] {strides = array<i32>} : memref<3200x16xf32, #tpu.memory_space<vmem>>, vector<1x16xf32>,
        %get3A_206 = vector.shape_cast %get3A_205 : vector<1x16xf32> to vector<16xf32>
        %mul3A_207 = vector.broadcast %squeeze3A_200 : f32 to vector<16xf32>
        %mul3A_208 = arith.mulf %get3A_206, %mul3A_207 : vector<16xf32>
        %add3A_209 = arith.addf %add3A_198, %mul3A_208 : vector<16xf32>
        %slice3A_210 = vector.extract_strided_slice %get3A_77 {offsets = [11], sizes = [1], strides = [1]} : vector<16xf32> to vector<1xf32>
        %squeeze3A_211 = vector.extract %slice3A_210[0] : f32 from vector<1xf32>
        %add3A_212 = arith.constant 11 : i32
        %add3A_213 = arith.addi %add3A_74, %add3A_212 : i32
        %get3A_214 = arith.index_cast %add3A_213 : i32 to index
        %get3A_215 = arith.constant 0 : index
        %get3A_216 = tpu.vector_load %arg8[%get3A_214, %get3A_215] {strides = array<i32>} : memref<3200x16xf32, #tpu.memory_space<vmem>>, vector<1x16xf32>,
        %get3A_217 = vector.shape_cast %get3A_216 : vector<1x16xf32> to vector<16xf32>
        %mul3A_218 = vector.broadcast %squeeze3A_211 : f32 to vector<16xf32>
        %mul3A_219 = arith.mulf %get3A_217, %mul3A_218 : vector<16xf32>
        %add3A_220 = arith.addf %add3A_209, %mul3A_219 : vector<16xf32>
        %slice3A_221 = vector.extract_strided_slice %get3A_77 {offsets = [12], sizes = [1], strides = [1]} : vector<16xf32> to vector<1xf32>
        %squeeze3A_222 = vector.extract %slice3A_221[0] : f32 from vector<1xf32>
        %add3A_223 = arith.constant 12 : i32
        %add3A_224 = arith.addi %add3A_74, %add3A_223 : i32
        %get3A_225 = arith.index_cast %add3A_224 : i32 to index
        %get3A_226 = arith.constant 0 : index
        %get3A_227 = tpu.vector_load %arg8[%get3A_225, %get3A_226] {strides = array<i32>} : memref<3200x16xf32, #tpu.memory_space<vmem>>, vector<1x16xf32>,
        %get3A_228 = vector.shape_cast %get3A_227 : vector<1x16xf32> to vector<16xf32>
        %mul3A_229 = vector.broadcast %squeeze3A_222 : f32 to vector<16xf32>
        %mul3A_230 = arith.mulf %get3A_228, %mul3A_229 : vector<16xf32>
        %add3A_231 = arith.addf %add3A_220, %mul3A_230 : vector<16xf32>
        %slice3A_232 = vector.extract_strided_slice %get3A_77 {offsets = [13], sizes = [1], strides = [1]} : vector<16xf32> to vector<1xf32>
        %squeeze3A_233 = vector.extract %slice3A_232[0] : f32 from vector<1xf32>
        %add3A_234 = arith.constant 13 : i32
        %add3A_235 = arith.addi %add3A_74, %add3A_234 : i32
        %get3A_236 = arith.index_cast %add3A_235 : i32 to index
        %get3A_237 = arith.constant 0 : index
        %get3A_238 = tpu.vector_load %arg8[%get3A_236, %get3A_237] {strides = array<i32>} : memref<3200x16xf32, #tpu.memory_space<vmem>>, vector<1x16xf32>,
        %get3A_239 = vector.shape_cast %get3A_238 : vector<1x16xf32> to vector<16xf32>
        %mul3A_240 = vector.broadcast %squeeze3A_233 : f32 to vector<16xf32>
        %mul3A_241 = arith.mulf %get3A_239, %mul3A_240 : vector<16xf32>
        %add3A_242 = arith.addf %add3A_231, %mul3A_241 : vector<16xf32>
        %slice3A_243 = vector.extract_strided_slice %get3A_77 {offsets = [14], sizes = [1], strides = [1]} : vector<16xf32> to vector<1xf32>
        %squeeze3A_244 = vector.extract %slice3A_243[0] : f32 from vector<1xf32>
        %add3A_245 = arith.constant 14 : i32
        %add3A_246 = arith.addi %add3A_74, %add3A_245 : i32
        %get3A_247 = arith.index_cast %add3A_246 : i32 to index
        %get3A_248 = arith.constant 0 : index
        %get3A_249 = tpu.vector_load %arg8[%get3A_247, %get3A_248] {strides = array<i32>} : memref<3200x16xf32, #tpu.memory_space<vmem>>, vector<1x16xf32>,
        %get3A_250 = vector.shape_cast %get3A_249 : vector<1x16xf32> to vector<16xf32>
        %mul3A_251 = vector.broadcast %squeeze3A_244 : f32 to vector<16xf32>
        %mul3A_252 = arith.mulf %get3A_250, %mul3A_251 : vector<16xf32>
        %add3A_253 = arith.addf %add3A_242, %mul3A_252 : vector<16xf32>
        %slice3A_254 = vector.extract_strided_slice %get3A_77 {offsets = [15], sizes = [1], strides = [1]} : vector<16xf32> to vector<1xf32>
        %squeeze3A_255 = vector.extract %slice3A_254[0] : f32 from vector<1xf32>
        %add3A_256 = arith.constant 15 : i32
        %add3A_257 = arith.addi %add3A_74, %add3A_256 : i32
        %get3A_258 = arith.index_cast %add3A_257 : i32 to index
        %get3A_259 = arith.constant 0 : index
        %get3A_260 = tpu.vector_load %arg8[%get3A_258, %get3A_259] {strides = array<i32>} : memref<3200x16xf32, #tpu.memory_space<vmem>>, vector<1x16xf32>,
        %get3A_261 = vector.shape_cast %get3A_260 : vector<1x16xf32> to vector<16xf32>
        %mul3A_262 = vector.broadcast %squeeze3A_255 : f32 to vector<16xf32>
        %mul3A_263 = arith.mulf %get3A_261, %mul3A_262 : vector<16xf32>
        %add3A_264 = arith.addf %add3A_253, %mul3A_263 : vector<16xf32>
        %slice3A_265 = vector.extract_strided_slice %get3A_81 {offsets = [0], sizes = [1], strides = [1]} : vector<16xf32> to vector<1xf32>
        %squeeze3A_266 = vector.extract %slice3A_265[0] : f32 from vector<1xf32>
        %add3A_267 = arith.constant 16 : i32
        %add3A_268 = arith.addi %add3A_74, %add3A_267 : i32
        %get3A_269 = arith.index_cast %add3A_268 : i32 to index
        %get3A_270 = arith.constant 0 : index
        %get3A_271 = tpu.vector_load %arg8[%get3A_269, %get3A_270] {strides = array<i32>} : memref<3200x16xf32, #tpu.memory_space<vmem>>, vector<1x16xf32>,
        %get3A_272 = vector.shape_cast %get3A_271 : vector<1x16xf32> to vector<16xf32>
        %mul3A_273 = vector.broadcast %squeeze3A_266 : f32 to vector<16xf32>
        %mul3A_274 = arith.mulf %get3A_272, %mul3A_273 : vector<16xf32>
        %add3A_275 = arith.addf %add3A_264, %mul3A_274 : vector<16xf32>
        %slice3A_276 = vector.extract_strided_slice %get3A_81 {offsets = [1], sizes = [1], strides = [1]} : vector<16xf32> to vector<1xf32>
        %squeeze3A_277 = vector.extract %slice3A_276[0] : f32 from vector<1xf32>
        %add3A_278 = arith.constant 17 : i32
        %add3A_279 = arith.addi %add3A_74, %add3A_278 : i32
        %get3A_280 = arith.index_cast %add3A_279 : i32 to index
        %get3A_281 = arith.constant 0 : index
        %get3A_282 = tpu.vector_load %arg8[%get3A_280, %get3A_281] {strides = array<i32>} : memref<3200x16xf32, #tpu.memory_space<vmem>>, vector<1x16xf32>,
        %get3A_283 = vector.shape_cast %get3A_282 : vector<1x16xf32> to vector<16xf32>
        %mul3A_284 = vector.broadcast %squeeze3A_277 : f32 to vector<16xf32>
        %mul3A_285 = arith.mulf %get3A_283, %mul3A_284 : vector<16xf32>
        %add3A_286 = arith.addf %add3A_275, %mul3A_285 : vector<16xf32>
        %slice3A_287 = vector.extract_strided_slice %get3A_81 {offsets = [2], sizes = [1], strides = [1]} : vector<16xf32> to vector<1xf32>
        %squeeze3A_288 = vector.extract %slice3A_287[0] : f32 from vector<1xf32>
        %add3A_289 = arith.constant 18 : i32
        %add3A_290 = arith.addi %add3A_74, %add3A_289 : i32
        %get3A_291 = arith.index_cast %add3A_290 : i32 to index
        %get3A_292 = arith.constant 0 : index
        %get3A_293 = tpu.vector_load %arg8[%get3A_291, %get3A_292] {strides = array<i32>} : memref<3200x16xf32, #tpu.memory_space<vmem>>, vector<1x16xf32>,
        %get3A_294 = vector.shape_cast %get3A_293 : vector<1x16xf32> to vector<16xf32>
        %mul3A_295 = vector.broadcast %squeeze3A_288 : f32 to vector<16xf32>
        %mul3A_296 = arith.mulf %get3A_294, %mul3A_295 : vector<16xf32>
        %add3A_297 = arith.addf %add3A_286, %mul3A_296 : vector<16xf32>
        %slice3A_298 = vector.extract_strided_slice %get3A_81 {offsets = [3], sizes = [1], strides = [1]} : vector<16xf32> to vector<1xf32>
        %squeeze3A_299 = vector.extract %slice3A_298[0] : f32 from vector<1xf32>
        %add3A_300 = arith.constant 19 : i32
        %add3A_301 = arith.addi %add3A_74, %add3A_300 : i32
        %get3A_302 = arith.index_cast %add3A_301 : i32 to index
        %get3A_303 = arith.constant 0 : index
        %get3A_304 = tpu.vector_load %arg8[%get3A_302, %get3A_303] {strides = array<i32>} : memref<3200x16xf32, #tpu.memory_space<vmem>>, vector<1x16xf32>,
        %get3A_305 = vector.shape_cast %get3A_304 : vector<1x16xf32> to vector<16xf32>
        %mul3A_306 = vector.broadcast %squeeze3A_299 : f32 to vector<16xf32>
        %mul3A_307 = arith.mulf %get3A_305, %mul3A_306 : vector<16xf32>
        %add3A_308 = arith.addf %add3A_297, %mul3A_307 : vector<16xf32>
        %slice3A_309 = vector.extract_strided_slice %get3A_81 {offsets = [4], sizes = [1], strides = [1]} : vector<16xf32> to vector<1xf32>
        %squeeze3A_310 = vector.extract %slice3A_309[0] : f32 from vector<1xf32>
        %add3A_311 = arith.constant 20 : i32
        %add3A_312 = arith.addi %add3A_74, %add3A_311 : i32
        %get3A_313 = arith.index_cast %add3A_312 : i32 to index
        %get3A_314 = arith.constant 0 : index
        %get3A_315 = tpu.vector_load %arg8[%get3A_313, %get3A_314] {strides = array<i32>} : memref<3200x16xf32, #tpu.memory_space<vmem>>, vector<1x16xf32>,
        %get3A_316 = vector.shape_cast %get3A_315 : vector<1x16xf32> to vector<16xf32>
        %mul3A_317 = vector.broadcast %squeeze3A_310 : f32 to vector<16xf32>
        %mul3A_318 = arith.mulf %get3A_316, %mul3A_317 : vector<16xf32>
        %add3A_319 = arith.addf %add3A_308, %mul3A_318 : vector<16xf32>
        %slice3A_320 = vector.extract_strided_slice %get3A_81 {offsets = [5], sizes = [1], strides = [1]} : vector<16xf32> to vector<1xf32>
        %squeeze3A_321 = vector.extract %slice3A_320[0] : f32 from vector<1xf32>
        %add3A_322 = arith.constant 21 : i32
        %add3A_323 = arith.addi %add3A_74, %add3A_322 : i32
        %get3A_324 = arith.index_cast %add3A_323 : i32 to index
        %get3A_325 = arith.constant 0 : index
        %get3A_326 = tpu.vector_load %arg8[%get3A_324, %get3A_325] {strides = array<i32>} : memref<3200x16xf32, #tpu.memory_space<vmem>>, vector<1x16xf32>,
        %get3A_327 = vector.shape_cast %get3A_326 : vector<1x16xf32> to vector<16xf32>
        %mul3A_328 = vector.broadcast %squeeze3A_321 : f32 to vector<16xf32>
        %mul3A_329 = arith.mulf %get3A_327, %mul3A_328 : vector<16xf32>
        %add3A_330 = arith.addf %add3A_319, %mul3A_329 : vector<16xf32>
        %slice3A_331 = vector.extract_strided_slice %get3A_81 {offsets = [6], sizes = [1], strides = [1]} : vector<16xf32> to vector<1xf32>
        %squeeze3A_332 = vector.extract %slice3A_331[0] : f32 from vector<1xf32>
        %add3A_333 = arith.constant 22 : i32
        %add3A_334 = arith.addi %add3A_74, %add3A_333 : i32
        %get3A_335 = arith.index_cast %add3A_334 : i32 to index
        %get3A_336 = arith.constant 0 : index
        %get3A_337 = tpu.vector_load %arg8[%get3A_335, %get3A_336] {strides = array<i32>} : memref<3200x16xf32, #tpu.memory_space<vmem>>, vector<1x16xf32>,
        %get3A_338 = vector.shape_cast %get3A_337 : vector<1x16xf32> to vector<16xf32>
        %mul3A_339 = vector.broadcast %squeeze3A_332 : f32 to vector<16xf32>
        %mul3A_340 = arith.mulf %get3A_338, %mul3A_339 : vector<16xf32>
        %add3A_341 = arith.addf %add3A_330, %mul3A_340 : vector<16xf32>
        %slice3A_342 = vector.extract_strided_slice %get3A_81 {offsets = [7], sizes = [1], strides = [1]} : vector<16xf32> to vector<1xf32>
        %squeeze3A_343 = vector.extract %slice3A_342[0] : f32 from vector<1xf32>
        %add3A_344 = arith.constant 23 : i32
        %add3A_345 = arith.addi %add3A_74, %add3A_344 : i32
        %get3A_346 = arith.index_cast %add3A_345 : i32 to index
        %get3A_347 = arith.constant 0 : index
        %get3A_348 = tpu.vector_load %arg8[%get3A_346, %get3A_347] {strides = array<i32>} : memref<3200x16xf32, #tpu.memory_space<vmem>>, vector<1x16xf32>,
        %get3A_349 = vector.shape_cast %get3A_348 : vector<1x16xf32> to vector<16xf32>
        %mul3A_350 = vector.broadcast %squeeze3A_343 : f32 to vector<16xf32>
        %mul3A_351 = arith.mulf %get3A_349, %mul3A_350 : vector<16xf32>
        %add3A_352 = arith.addf %add3A_341, %mul3A_351 : vector<16xf32>
        %slice3A_353 = vector.extract_strided_slice %get3A_81 {offsets = [8], sizes = [1], strides = [1]} : vector<16xf32> to vector<1xf32>
        %squeeze3A_354 = vector.extract %slice3A_353[0] : f32 from vector<1xf32>
        %add3A_355 = arith.constant 24 : i32
        %add3A_356 = arith.addi %add3A_74, %add3A_355 : i32
        %get3A_357 = arith.index_cast %add3A_356 : i32 to index
        %get3A_358 = arith.constant 0 : index
        %get3A_359 = tpu.vector_load %arg8[%get3A_357, %get3A_358] {strides = array<i32>} : memref<3200x16xf32, #tpu.memory_space<vmem>>, vector<1x16xf32>,
        %get3A_360 = vector.shape_cast %get3A_359 : vector<1x16xf32> to vector<16xf32>
        %mul3A_361 = vector.broadcast %squeeze3A_354 : f32 to vector<16xf32>
        %mul3A_362 = arith.mulf %get3A_360, %mul3A_361 : vector<16xf32>
        %add3A_363 = arith.addf %add3A_352, %mul3A_362 : vector<16xf32>
        %slice3A_364 = vector.extract_strided_slice %get3A_81 {offsets = [9], sizes = [1], strides = [1]} : vector<16xf32> to vector<1xf32>
        %squeeze3A_365 = vector.extract %slice3A_364[0] : f32 from vector<1xf32>
        %add3A_366 = arith.constant 25 : i32
        %add3A_367 = arith.addi %add3A_74, %add3A_366 : i32
        %get3A_368 = arith.index_cast %add3A_367 : i32 to index
        %get3A_369 = arith.constant 0 : index
        %get3A_370 = tpu.vector_load %arg8[%get3A_368, %get3A_369] {strides = array<i32>} : memref<3200x16xf32, #tpu.memory_space<vmem>>, vector<1x16xf32>,
        %get3A_371 = vector.shape_cast %get3A_370 : vector<1x16xf32> to vector<16xf32>
        %mul3A_372 = vector.broadcast %squeeze3A_365 : f32 to vector<16xf32>
        %mul3A_373 = arith.mulf %get3A_371, %mul3A_372 : vector<16xf32>
        %add3A_374 = arith.addf %add3A_363, %mul3A_373 : vector<16xf32>
        %slice3A_375 = vector.extract_strided_slice %get3A_81 {offsets = [10], sizes = [1], strides = [1]} : vector<16xf32> to vector<1xf32>
        %squeeze3A_376 = vector.extract %slice3A_375[0] : f32 from vector<1xf32>
        %add3A_377 = arith.constant 26 : i32
        %add3A_378 = arith.addi %add3A_74, %add3A_377 : i32
        %get3A_379 = arith.index_cast %add3A_378 : i32 to index
        %get3A_380 = arith.constant 0 : index
        %get3A_381 = tpu.vector_load %arg8[%get3A_379, %get3A_380] {strides = array<i32>} : memref<3200x16xf32, #tpu.memory_space<vmem>>, vector<1x16xf32>,
        %get3A_382 = vector.shape_cast %get3A_381 : vector<1x16xf32> to vector<16xf32>
        %mul3A_383 = vector.broadcast %squeeze3A_376 : f32 to vector<16xf32>
        %mul3A_384 = arith.mulf %get3A_382, %mul3A_383 : vector<16xf32>
        %add3A_385 = arith.addf %add3A_374, %mul3A_384 : vector<16xf32>
        %slice3A_386 = vector.extract_strided_slice %get3A_81 {offsets = [11], sizes = [1], strides = [1]} : vector<16xf32> to vector<1xf32>
        %squeeze3A_387 = vector.extract %slice3A_386[0] : f32 from vector<1xf32>
        %add3A_388 = arith.constant 27 : i32
        %add3A_389 = arith.addi %add3A_74, %add3A_388 : i32
        %get3A_390 = arith.index_cast %add3A_389 : i32 to index
        %get3A_391 = arith.constant 0 : index
        %get3A_392 = tpu.vector_load %arg8[%get3A_390, %get3A_391] {strides = array<i32>} : memref<3200x16xf32, #tpu.memory_space<vmem>>, vector<1x16xf32>,
        %get3A_393 = vector.shape_cast %get3A_392 : vector<1x16xf32> to vector<16xf32>
        %mul3A_394 = vector.broadcast %squeeze3A_387 : f32 to vector<16xf32>
        %mul3A_395 = arith.mulf %get3A_393, %mul3A_394 : vector<16xf32>
        %add3A_396 = arith.addf %add3A_385, %mul3A_395 : vector<16xf32>
        %slice3A_397 = vector.extract_strided_slice %get3A_81 {offsets = [12], sizes = [1], strides = [1]} : vector<16xf32> to vector<1xf32>
        %squeeze3A_398 = vector.extract %slice3A_397[0] : f32 from vector<1xf32>
        %add3A_399 = arith.constant 28 : i32
        %add3A_400 = arith.addi %add3A_74, %add3A_399 : i32
        %get3A_401 = arith.index_cast %add3A_400 : i32 to index
        %get3A_402 = arith.constant 0 : index
        %get3A_403 = tpu.vector_load %arg8[%get3A_401, %get3A_402] {strides = array<i32>} : memref<3200x16xf32, #tpu.memory_space<vmem>>, vector<1x16xf32>,
        %get3A_404 = vector.shape_cast %get3A_403 : vector<1x16xf32> to vector<16xf32>
        %mul3A_405 = vector.broadcast %squeeze3A_398 : f32 to vector<16xf32>
        %mul3A_406 = arith.mulf %get3A_404, %mul3A_405 : vector<16xf32>
        %add3A_407 = arith.addf %add3A_396, %mul3A_406 : vector<16xf32>
        %slice3A_408 = vector.extract_strided_slice %get3A_81 {offsets = [13], sizes = [1], strides = [1]} : vector<16xf32> to vector<1xf32>
        %squeeze3A_409 = vector.extract %slice3A_408[0] : f32 from vector<1xf32>
        %add3A_410 = arith.constant 29 : i32
        %add3A_411 = arith.addi %add3A_74, %add3A_410 : i32
        %get3A_412 = arith.index_cast %add3A_411 : i32 to index
        %get3A_413 = arith.constant 0 : index
        %get3A_414 = tpu.vector_load %arg8[%get3A_412, %get3A_413] {strides = array<i32>} : memref<3200x16xf32, #tpu.memory_space<vmem>>, vector<1x16xf32>,
        %get3A_415 = vector.shape_cast %get3A_414 : vector<1x16xf32> to vector<16xf32>
        %mul3A_416 = vector.broadcast %squeeze3A_409 : f32 to vector<16xf32>
        %mul3A_417 = arith.mulf %get3A_415, %mul3A_416 : vector<16xf32>
        %add3A_418 = arith.addf %add3A_407, %mul3A_417 : vector<16xf32>
        %slice3A_419 = vector.extract_strided_slice %get3A_81 {offsets = [14], sizes = [1], strides = [1]} : vector<16xf32> to vector<1xf32>
        %squeeze3A_420 = vector.extract %slice3A_419[0] : f32 from vector<1xf32>
        %add3A_421 = arith.constant 30 : i32
        %add3A_422 = arith.addi %add3A_74, %add3A_421 : i32
        %get3A_423 = arith.index_cast %add3A_422 : i32 to index
        %get3A_424 = arith.constant 0 : index
        %get3A_425 = tpu.vector_load %arg8[%get3A_423, %get3A_424] {strides = array<i32>} : memref<3200x16xf32, #tpu.memory_space<vmem>>, vector<1x16xf32>,
        %get3A_426 = vector.shape_cast %get3A_425 : vector<1x16xf32> to vector<16xf32>
        %mul3A_427 = vector.broadcast %squeeze3A_420 : f32 to vector<16xf32>
        %mul3A_428 = arith.mulf %get3A_426, %mul3A_427 : vector<16xf32>
        %add3A_429 = arith.addf %add3A_418, %mul3A_428 : vector<16xf32>
        %slice3A_430 = vector.extract_strided_slice %get3A_81 {offsets = [15], sizes = [1], strides = [1]} : vector<16xf32> to vector<1xf32>
        %squeeze3A_431 = vector.extract %slice3A_430[0] : f32 from vector<1xf32>
        %add3A_432 = arith.constant 31 : i32
        %add3A_433 = arith.addi %add3A_74, %add3A_432 : i32
        %get3A_434 = arith.index_cast %add3A_433 : i32 to index
        %get3A_435 = arith.constant 0 : index
        %get3A_436 = tpu.vector_load %arg8[%get3A_434, %get3A_435] {strides = array<i32>} : memref<3200x16xf32, #tpu.memory_space<vmem>>, vector<1x16xf32>,
        %get3A_437 = vector.shape_cast %get3A_436 : vector<1x16xf32> to vector<16xf32>
        %mul3A_438 = vector.broadcast %squeeze3A_431 : f32 to vector<16xf32>
        %mul3A_439 = arith.mulf %get3A_437, %mul3A_438 : vector<16xf32>
        %add3A_440 = arith.addf %add3A_429, %mul3A_439 : vector<16xf32>
        %slice3A_441 = vector.extract_strided_slice %get3A_85 {offsets = [0], sizes = [1], strides = [1]} : vector<16xf32> to vector<1xf32>
        %squeeze3A_442 = vector.extract %slice3A_441[0] : f32 from vector<1xf32>
        %add3A_443 = arith.constant 32 : i32
        %add3A_444 = arith.addi %add3A_74, %add3A_443 : i32
        %get3A_445 = arith.index_cast %add3A_444 : i32 to index
        %get3A_446 = arith.constant 0 : index
        %get3A_447 = tpu.vector_load %arg8[%get3A_445, %get3A_446] {strides = array<i32>} : memref<3200x16xf32, #tpu.memory_space<vmem>>, vector<1x16xf32>,
        %get3A_448 = vector.shape_cast %get3A_447 : vector<1x16xf32> to vector<16xf32>
        %mul3A_449 = vector.broadcast %squeeze3A_442 : f32 to vector<16xf32>
        %mul3A_450 = arith.mulf %get3A_448, %mul3A_449 : vector<16xf32>
        %add3A_451 = arith.addf %add3A_440, %mul3A_450 : vector<16xf32>
        %slice3A_452 = vector.extract_strided_slice %get3A_85 {offsets = [1], sizes = [1], strides = [1]} : vector<16xf32> to vector<1xf32>
        %squeeze3A_453 = vector.extract %slice3A_452[0] : f32 from vector<1xf32>
        %add3A_454 = arith.constant 33 : i32
        %add3A_455 = arith.addi %add3A_74, %add3A_454 : i32
        %get3A_456 = arith.index_cast %add3A_455 : i32 to index
        %get3A_457 = arith.constant 0 : index
        %get3A_458 = tpu.vector_load %arg8[%get3A_456, %get3A_457] {strides = array<i32>} : memref<3200x16xf32, #tpu.memory_space<vmem>>, vector<1x16xf32>,
        %get3A_459 = vector.shape_cast %get3A_458 : vector<1x16xf32> to vector<16xf32>
        %mul3A_460 = vector.broadcast %squeeze3A_453 : f32 to vector<16xf32>
        %mul3A_461 = arith.mulf %get3A_459, %mul3A_460 : vector<16xf32>
        %add3A_462 = arith.addf %add3A_451, %mul3A_461 : vector<16xf32>
        %slice3A_463 = vector.extract_strided_slice %get3A_85 {offsets = [2], sizes = [1], strides = [1]} : vector<16xf32> to vector<1xf32>
        %squeeze3A_464 = vector.extract %slice3A_463[0] : f32 from vector<1xf32>
        %add3A_465 = arith.constant 34 : i32
        %add3A_466 = arith.addi %add3A_74, %add3A_465 : i32
        %get3A_467 = arith.index_cast %add3A_466 : i32 to index
        %get3A_468 = arith.constant 0 : index
        %get3A_469 = tpu.vector_load %arg8[%get3A_467, %get3A_468] {strides = array<i32>} : memref<3200x16xf32, #tpu.memory_space<vmem>>, vector<1x16xf32>,
        %get3A_470 = vector.shape_cast %get3A_469 : vector<1x16xf32> to vector<16xf32>
        %mul3A_471 = vector.broadcast %squeeze3A_464 : f32 to vector<16xf32>
        %mul3A_472 = arith.mulf %get3A_470, %mul3A_471 : vector<16xf32>
        %add3A_473 = arith.addf %add3A_462, %mul3A_472 : vector<16xf32>
        %slice3A_474 = vector.extract_strided_slice %get3A_85 {offsets = [3], sizes = [1], strides = [1]} : vector<16xf32> to vector<1xf32>
        %squeeze3A_475 = vector.extract %slice3A_474[0] : f32 from vector<1xf32>
        %add3A_476 = arith.constant 35 : i32
        %add3A_477 = arith.addi %add3A_74, %add3A_476 : i32
        %get3A_478 = arith.index_cast %add3A_477 : i32 to index
        %get3A_479 = arith.constant 0 : index
        %get3A_480 = tpu.vector_load %arg8[%get3A_478, %get3A_479] {strides = array<i32>} : memref<3200x16xf32, #tpu.memory_space<vmem>>, vector<1x16xf32>,
        %get3A_481 = vector.shape_cast %get3A_480 : vector<1x16xf32> to vector<16xf32>
        %mul3A_482 = vector.broadcast %squeeze3A_475 : f32 to vector<16xf32>
        %mul3A_483 = arith.mulf %get3A_481, %mul3A_482 : vector<16xf32>
        %add3A_484 = arith.addf %add3A_473, %mul3A_483 : vector<16xf32>
        %slice3A_485 = vector.extract_strided_slice %get3A_85 {offsets = [4], sizes = [1], strides = [1]} : vector<16xf32> to vector<1xf32>
        %squeeze3A_486 = vector.extract %slice3A_485[0] : f32 from vector<1xf32>
        %add3A_487 = arith.constant 36 : i32
        %add3A_488 = arith.addi %add3A_74, %add3A_487 : i32
        %get3A_489 = arith.index_cast %add3A_488 : i32 to index
        %get3A_490 = arith.constant 0 : index
        %get3A_491 = tpu.vector_load %arg8[%get3A_489, %get3A_490] {strides = array<i32>} : memref<3200x16xf32, #tpu.memory_space<vmem>>, vector<1x16xf32>,
        %get3A_492 = vector.shape_cast %get3A_491 : vector<1x16xf32> to vector<16xf32>
        %mul3A_493 = vector.broadcast %squeeze3A_486 : f32 to vector<16xf32>
        %mul3A_494 = arith.mulf %get3A_492, %mul3A_493 : vector<16xf32>
        %add3A_495 = arith.addf %add3A_484, %mul3A_494 : vector<16xf32>
        %slice3A_496 = vector.extract_strided_slice %get3A_85 {offsets = [5], sizes = [1], strides = [1]} : vector<16xf32> to vector<1xf32>
        %squeeze3A_497 = vector.extract %slice3A_496[0] : f32 from vector<1xf32>
        %add3A_498 = arith.constant 37 : i32
        %add3A_499 = arith.addi %add3A_74, %add3A_498 : i32
        %get3A_500 = arith.index_cast %add3A_499 : i32 to index
        %get3A_501 = arith.constant 0 : index
        %get3A_502 = tpu.vector_load %arg8[%get3A_500, %get3A_501] {strides = array<i32>} : memref<3200x16xf32, #tpu.memory_space<vmem>>, vector<1x16xf32>,
        %get3A_503 = vector.shape_cast %get3A_502 : vector<1x16xf32> to vector<16xf32>
        %mul3A_504 = vector.broadcast %squeeze3A_497 : f32 to vector<16xf32>
        %mul3A_505 = arith.mulf %get3A_503, %mul3A_504 : vector<16xf32>
        %add3A_506 = arith.addf %add3A_495, %mul3A_505 : vector<16xf32>
        %slice3A_507 = vector.extract_strided_slice %get3A_85 {offsets = [6], sizes = [1], strides = [1]} : vector<16xf32> to vector<1xf32>
        %squeeze3A_508 = vector.extract %slice3A_507[0] : f32 from vector<1xf32>
        %add3A_509 = arith.constant 38 : i32
        %add3A_510 = arith.addi %add3A_74, %add3A_509 : i32
        %get3A_511 = arith.index_cast %add3A_510 : i32 to index
        %get3A_512 = arith.constant 0 : index
        %get3A_513 = tpu.vector_load %arg8[%get3A_511, %get3A_512] {strides = array<i32>} : memref<3200x16xf32, #tpu.memory_space<vmem>>, vector<1x16xf32>,
        %get3A_514 = vector.shape_cast %get3A_513 : vector<1x16xf32> to vector<16xf32>
        %mul3A_515 = vector.broadcast %squeeze3A_508 : f32 to vector<16xf32>
        %mul3A_516 = arith.mulf %get3A_514, %mul3A_515 : vector<16xf32>
        %add3A_517 = arith.addf %add3A_506, %mul3A_516 : vector<16xf32>
        %slice3A_518 = vector.extract_strided_slice %get3A_85 {offsets = [7], sizes = [1], strides = [1]} : vector<16xf32> to vector<1xf32>
        %squeeze3A_519 = vector.extract %slice3A_518[0] : f32 from vector<1xf32>
        %add3A_520 = arith.constant 39 : i32
        %add3A_521 = arith.addi %add3A_74, %add3A_520 : i32
        %get3A_522 = arith.index_cast %add3A_521 : i32 to index
        %get3A_523 = arith.constant 0 : index
        %get3A_524 = tpu.vector_load %arg8[%get3A_522, %get3A_523] {strides = array<i32>} : memref<3200x16xf32, #tpu.memory_space<vmem>>, vector<1x16xf32>,
        %get3A_525 = vector.shape_cast %get3A_524 : vector<1x16xf32> to vector<16xf32>
        %mul3A_526 = vector.broadcast %squeeze3A_519 : f32 to vector<16xf32>
        %mul3A_527 = arith.mulf %get3A_525, %mul3A_526 : vector<16xf32>
        %add3A_528 = arith.addf %add3A_517, %mul3A_527 : vector<16xf32>
        %slice3A_529 = vector.extract_strided_slice %get3A_85 {offsets = [8], sizes = [1], strides = [1]} : vector<16xf32> to vector<1xf32>
        %squeeze3A_530 = vector.extract %slice3A_529[0] : f32 from vector<1xf32>
        %add3A_531 = arith.constant 40 : i32
        %add3A_532 = arith.addi %add3A_74, %add3A_531 : i32
        %get3A_533 = arith.index_cast %add3A_532 : i32 to index
        %get3A_534 = arith.constant 0 : index
        %get3A_535 = tpu.vector_load %arg8[%get3A_533, %get3A_534] {strides = array<i32>} : memref<3200x16xf32, #tpu.memory_space<vmem>>, vector<1x16xf32>,
        %get3A_536 = vector.shape_cast %get3A_535 : vector<1x16xf32> to vector<16xf32>
        %mul3A_537 = vector.broadcast %squeeze3A_530 : f32 to vector<16xf32>
        %mul3A_538 = arith.mulf %get3A_536, %mul3A_537 : vector<16xf32>
        %add3A_539 = arith.addf %add3A_528, %mul3A_538 : vector<16xf32>
        %slice3A_540 = vector.extract_strided_slice %get3A_85 {offsets = [9], sizes = [1], strides = [1]} : vector<16xf32> to vector<1xf32>
        %squeeze3A_541 = vector.extract %slice3A_540[0] : f32 from vector<1xf32>
        %add3A_542 = arith.constant 41 : i32
        %add3A_543 = arith.addi %add3A_74, %add3A_542 : i32
        %get3A_544 = arith.index_cast %add3A_543 : i32 to index
        %get3A_545 = arith.constant 0 : index
        %get3A_546 = tpu.vector_load %arg8[%get3A_544, %get3A_545] {strides = array<i32>} : memref<3200x16xf32, #tpu.memory_space<vmem>>, vector<1x16xf32>,
        %get3A_547 = vector.shape_cast %get3A_546 : vector<1x16xf32> to vector<16xf32>
        %mul3A_548 = vector.broadcast %squeeze3A_541 : f32 to vector<16xf32>
        %mul3A_549 = arith.mulf %get3A_547, %mul3A_548 : vector<16xf32>
        %add3A_550 = arith.addf %add3A_539, %mul3A_549 : vector<16xf32>
        %slice3A_551 = vector.extract_strided_slice %get3A_85 {offsets = [10], sizes = [1], strides = [1]} : vector<16xf32> to vector<1xf32>
        %squeeze3A_552 = vector.extract %slice3A_551[0] : f32 from vector<1xf32>
        %add3A_553 = arith.constant 42 : i32
        %add3A_554 = arith.addi %add3A_74, %add3A_553 : i32
        %get3A_555 = arith.index_cast %add3A_554 : i32 to index
        %get3A_556 = arith.constant 0 : index
        %get3A_557 = tpu.vector_load %arg8[%get3A_555, %get3A_556] {strides = array<i32>} : memref<3200x16xf32, #tpu.memory_space<vmem>>, vector<1x16xf32>,
        %get3A_558 = vector.shape_cast %get3A_557 : vector<1x16xf32> to vector<16xf32>
        %mul3A_559 = vector.broadcast %squeeze3A_552 : f32 to vector<16xf32>
        %mul3A_560 = arith.mulf %get3A_558, %mul3A_559 : vector<16xf32>
        %add3A_561 = arith.addf %add3A_550, %mul3A_560 : vector<16xf32>
        %slice3A_562 = vector.extract_strided_slice %get3A_85 {offsets = [11], sizes = [1], strides = [1]} : vector<16xf32> to vector<1xf32>
        %squeeze3A_563 = vector.extract %slice3A_562[0] : f32 from vector<1xf32>
        %add3A_564 = arith.constant 43 : i32
        %add3A_565 = arith.addi %add3A_74, %add3A_564 : i32
        %get3A_566 = arith.index_cast %add3A_565 : i32 to index
        %get3A_567 = arith.constant 0 : index
        %get3A_568 = tpu.vector_load %arg8[%get3A_566, %get3A_567] {strides = array<i32>} : memref<3200x16xf32, #tpu.memory_space<vmem>>, vector<1x16xf32>,
        %get3A_569 = vector.shape_cast %get3A_568 : vector<1x16xf32> to vector<16xf32>
        %mul3A_570 = vector.broadcast %squeeze3A_563 : f32 to vector<16xf32>
        %mul3A_571 = arith.mulf %get3A_569, %mul3A_570 : vector<16xf32>
        %add3A_572 = arith.addf %add3A_561, %mul3A_571 : vector<16xf32>
        %slice3A_573 = vector.extract_strided_slice %get3A_85 {offsets = [12], sizes = [1], strides = [1]} : vector<16xf32> to vector<1xf32>
        %squeeze3A_574 = vector.extract %slice3A_573[0] : f32 from vector<1xf32>
        %add3A_575 = arith.constant 44 : i32
        %add3A_576 = arith.addi %add3A_74, %add3A_575 : i32
        %get3A_577 = arith.index_cast %add3A_576 : i32 to index
        %get3A_578 = arith.constant 0 : index
        %get3A_579 = tpu.vector_load %arg8[%get3A_577, %get3A_578] {strides = array<i32>} : memref<3200x16xf32, #tpu.memory_space<vmem>>, vector<1x16xf32>,
        %get3A_580 = vector.shape_cast %get3A_579 : vector<1x16xf32> to vector<16xf32>
        %mul3A_581 = vector.broadcast %squeeze3A_574 : f32 to vector<16xf32>
        %mul3A_582 = arith.mulf %get3A_580, %mul3A_581 : vector<16xf32>
        %add3A_583 = arith.addf %add3A_572, %mul3A_582 : vector<16xf32>
        %slice3A_584 = vector.extract_strided_slice %get3A_85 {offsets = [13], sizes = [1], strides = [1]} : vector<16xf32> to vector<1xf32>
        %squeeze3A_585 = vector.extract %slice3A_584[0] : f32 from vector<1xf32>
        %add3A_586 = arith.constant 45 : i32
        %add3A_587 = arith.addi %add3A_74, %add3A_586 : i32
        %get3A_588 = arith.index_cast %add3A_587 : i32 to index
        %get3A_589 = arith.constant 0 : index
        %get3A_590 = tpu.vector_load %arg8[%get3A_588, %get3A_589] {strides = array<i32>} : memref<3200x16xf32, #tpu.memory_space<vmem>>, vector<1x16xf32>,
        %get3A_591 = vector.shape_cast %get3A_590 : vector<1x16xf32> to vector<16xf32>
        %mul3A_592 = vector.broadcast %squeeze3A_585 : f32 to vector<16xf32>
        %mul3A_593 = arith.mulf %get3A_591, %mul3A_592 : vector<16xf32>
        %add3A_594 = arith.addf %add3A_583, %mul3A_593 : vector<16xf32>
        %slice3A_595 = vector.extract_strided_slice %get3A_85 {offsets = [14], sizes = [1], strides = [1]} : vector<16xf32> to vector<1xf32>
        %squeeze3A_596 = vector.extract %slice3A_595[0] : f32 from vector<1xf32>
        %add3A_597 = arith.constant 46 : i32
        %add3A_598 = arith.addi %add3A_74, %add3A_597 : i32
        %get3A_599 = arith.index_cast %add3A_598 : i32 to index
        %get3A_600 = arith.constant 0 : index
        %get3A_601 = tpu.vector_load %arg8[%get3A_599, %get3A_600] {strides = array<i32>} : memref<3200x16xf32, #tpu.memory_space<vmem>>, vector<1x16xf32>,
        %get3A_602 = vector.shape_cast %get3A_601 : vector<1x16xf32> to vector<16xf32>
        %mul3A_603 = vector.broadcast %squeeze3A_596 : f32 to vector<16xf32>
        %mul3A_604 = arith.mulf %get3A_602, %mul3A_603 : vector<16xf32>
        %add3A_605 = arith.addf %add3A_594, %mul3A_604 : vector<16xf32>
        %slice3A_606 = vector.extract_strided_slice %get3A_85 {offsets = [15], sizes = [1], strides = [1]} : vector<16xf32> to vector<1xf32>
        %squeeze3A_607 = vector.extract %slice3A_606[0] : f32 from vector<1xf32>
        %add3A_608 = arith.constant 47 : i32
        %add3A_609 = arith.addi %add3A_74, %add3A_608 : i32
        %get3A_610 = arith.index_cast %add3A_609 : i32 to index
        %get3A_611 = arith.constant 0 : index
        %get3A_612 = tpu.vector_load %arg8[%get3A_610, %get3A_611] {strides = array<i32>} : memref<3200x16xf32, #tpu.memory_space<vmem>>, vector<1x16xf32>,
        %get3A_613 = vector.shape_cast %get3A_612 : vector<1x16xf32> to vector<16xf32>
        %mul3A_614 = vector.broadcast %squeeze3A_607 : f32 to vector<16xf32>
        %mul3A_615 = arith.mulf %get3A_613, %mul3A_614 : vector<16xf32>
        %add3A_616 = arith.addf %add3A_605, %mul3A_615 : vector<16xf32>
        %slice3A_617 = vector.extract_strided_slice %get3A_89 {offsets = [14], sizes = [1], strides = [1]} : vector<16xf32> to vector<1xf32>
        %squeeze3A_618 = vector.extract %slice3A_617[0] : f32 from vector<1xf32>
        %add3A_619 = arith.constant 48 : i32
        %add3A_620 = arith.addi %add3A_74, %add3A_619 : i32
        %get3A_621 = arith.index_cast %add3A_620 : i32 to index
        %get3A_622 = arith.constant 0 : index
        %get3A_623 = tpu.vector_load %arg8[%get3A_621, %get3A_622] {strides = array<i32>} : memref<3200x16xf32, #tpu.memory_space<vmem>>, vector<1x16xf32>,
        %get3A_624 = vector.shape_cast %get3A_623 : vector<1x16xf32> to vector<16xf32>
        %mul3A_625 = vector.broadcast %squeeze3A_618 : f32 to vector<16xf32>
        %mul3A_626 = arith.mulf %get3A_624, %mul3A_625 : vector<16xf32>
        %add3A_627 = arith.addf %add3A_616, %mul3A_626 : vector<16xf32>
        %slice3A_628 = vector.extract_strided_slice %get3A_89 {offsets = [15], sizes = [1], strides = [1]} : vector<16xf32> to vector<1xf32>
        %squeeze3A_629 = vector.extract %slice3A_628[0] : f32 from vector<1xf32>
        %add3A_630 = arith.constant 49 : i32
        %add3A_631 = arith.addi %add3A_74, %add3A_630 : i32
        %get3A_632 = arith.index_cast %add3A_631 : i32 to index
        %get3A_633 = arith.constant 0 : index
        %get3A_634 = tpu.vector_load %arg8[%get3A_632, %get3A_633] {strides = array<i32>} : memref<3200x16xf32, #tpu.memory_space<vmem>>, vector<1x16xf32>,
        %get3A_635 = vector.shape_cast %get3A_634 : vector<1x16xf32> to vector<16xf32>
        %mul3A_636 = vector.broadcast %squeeze3A_629 : f32 to vector<16xf32>
        %mul3A_637 = arith.mulf %get3A_635, %mul3A_636 : vector<16xf32>
        %add3A_638 = arith.addf %add3A_627, %mul3A_637 : vector<16xf32>
        %swap3A = arith.index_cast %add3A_70 : i32 to index
        %swap3A_639 = arith.constant 0 : index
        %swap3A_640 = tpu.vector_load %arg9[%swap3A, %swap3A_639] {strides = array<i32>} : memref<512x16xf32, #tpu.memory_space<vmem>>, vector<1x16xf32>,
        %swap3A_641 = vector.shape_cast %swap3A_640 : vector<1x16xf32> to vector<16xf32>
        %swap3A_642 = vector.shape_cast %add3A_638 : vector<16xf32> to vector<1x16xf32>
        tpu.vector_store %arg9[%swap3A, %swap3A_639], %swap3A_642 {strides = array<i32>} : memref<512x16xf32, #tpu.memory_space<vmem>>, vector<1x16xf32>,
      }
      %scan3A_62 = arith.constant 32 : i32
    }
    %scan3A_11 = arith.constant 8 : i32
    "tpu.region"() ({
      %run_scoped3A = tpu.sem_alloc : memref<!tpu.dma_semaphore, #tpu.memory_space<semaphore_mem>>
      %dma_start3A = arith.constant 0 : i32
      %dma_start3A_12 = tpu.memref_slice %arg5[%mul3A_2, %dma_start3A] : memref<16384x16xf32, #tpu.memory_space<hbm>> -> memref<512x16xf32, #tpu.memory_space<hbm>>
      %dma_start3A_13 = arith.constant 0 : i32
      %dma_start3A_14 = tpu.memref_slice %arg5[%mul3A_2, %dma_start3A_13] : memref<16384x16xf32, #tpu.memory_space<hbm>> -> memref<512x16xf32, #tpu.memory_space<hbm>>
      tpu.enqueue_dma source(%arg9 : memref<512x16xf32, #tpu.memory_space<vmem>>) target(%dma_start3A_14 : memref<512x16xf32, #tpu.memory_space<hbm>>) target_semaphore(%run_scoped3A : memref<!tpu.dma_semaphore, #tpu.memory_space<semaphore_mem>>)
      %dma_wait3A = arith.constant 0 : i32
      %dma_wait3A_15 = tpu.memref_slice %arg5[%mul3A_2, %dma_wait3A] : memref<16384x16xf32, #tpu.memory_space<hbm>> -> memref<512x16xf32, #tpu.memory_space<hbm>>
      %dma_wait3A_16 = arith.constant 0 : i32
      %dma_wait3A_17 = tpu.memref_slice %arg5[%mul3A_2, %dma_wait3A_16] : memref<16384x16xf32, #tpu.memory_space<hbm>> -> memref<512x16xf32, #tpu.memory_space<hbm>>
      tpu.wait_dma2 semaphore(%run_scoped3A : memref<!tpu.dma_semaphore, #tpu.memory_space<semaphore_mem>>) src(%arg9 : memref<512x16xf32, #tpu.memory_space<vmem>>) dst(%dma_wait3A_17 : memref<512x16xf32, #tpu.memory_space<hbm>>)
      tpu.yield
    }) : () -> ()
    return
  }
}

</mosaic_0001>

<sc_bundles>
// kernel: kernel.4.cloned.1.call-start
scs
__scs_entry_jumppad:
0x0: {  	(pc) =	sbr.rel $0x88, $3  }
0x1: {  	(tag) =	ssettag $0x0;
	lr =	simm.s32 $0x1  }
0x2: {  	[smem:$0x3F9E] =	sst lr;
	_ =	strace $0xD0000000  }
0x3: {  	_ = 	snop  }
0x4: {  	_ = 	snop  }
0x5: {  	_ = 	snop  }
0x6: {  	_ = 	snop  }
0x7: {  	_ = 	snop  }
__scs_overlays_trampoline_lowered:
0x8: {  	[smem:$0x3FAD] =	sst s0  }
0x9: {  	[smem:$0x3FAE] =	sst s1  }
0xa: {  	[smem:$0x3FAF] =	sst s2  }
0xb: {  	[smem:$0x3FB0] =	sst s3  }
0xc: {  	[smem:$0x3FB1] =	sst s4  }
0xd: {  	[smem:$0x3FB2] =	sst s5  }
0xe: {  	[smem:$0x3FB3] =	sst s6  }
0xf: {  	[smem:$0x3FB4] =	sst s7  }
0x10: {  	[smem:$0x3FB5] =	sst s8  }
0x11: {  	[smem:$0x3FB6] =	sst s9;
	s0 =	simm.s32 @!p0 $0x0  }
0x12: {  	s1 =	sld [smem:$0x3F9C];
	s0 =	simm.s32 @p0 $0x1  }
0x13: {  	[smem:$0x3FB7] =	sst s0;
	s0 =	simm.s32 @!p1 $0x0  }
0x14: {  	s2 =	sld [smem:$0x3F9B];
	s0 =	simm.s32 @p1 $0x1  }
0x15: {  	[smem:$0x3FB8] =	sst s0;
	s0 =	simm.s32 @!p2 $0x0  }
0x16: {  	s3 =	sld [smem:$0x3FDB];
	s0 =	simm.s32 @p2 $0x1  }
0x17: {  	s4 =	simm.s32 $0x1BF5;
	[smem:$0x3FBA] =	sst s0  }
0x18: {  	s0 =	sld [smem:$0x3F9D];
	_ =	swait.ge [sflag:s4], $0x0  }
0x19: {  	s7 =	sld [smem:$0x3F9E]  }
0x1a: {  	s8 =	sadd.s32 $0xFFFFE003, lr  }
0x1b: {  	s9 =	sadd.s32 $0xFFFFFEF7, lr;
	s5 =	simm.s32 $0xFFFFFFFF;
	p2 =	slt.u32 s8, $0xFFFFF086  }
0x1c: {  	p1 =	slt.u32 s9, $0xF7A;
	s5 =	simm.s32 @!p2 $0x0  }
0x1d: {  	s5 =	simm.s32 @p1 $0x1;
	p0 =	seq.s32 s7, s2  }
0x1e: {  	s7 =	smul.u32 @!p0 $0xF7A, s2;
	p2 =	seq.s32 @!p0 s5, $0x0  }
0x1f: {  	s9 =	smul.u32 $0xF7A, s1;
	s8 =	simm.s32 @!p0 $0x1BF5;
	p2 =	por !p2, p0  }
0x20: {  	[sflag:s8] =	ssyncset.s32 @!p0 $0xFFFFF086;
	s6 =	sadd.s32 @!p0 s3, s7;
	s7 =	simm.s32 @!p0 $0x108  }
0x21: {  	s3 =	sadd.s32 s3, s9;
	s6 =	sadd.s32 @!p0 $0x88, s6;
	s7 =	simm.s32 @p2 $0x1082  }
0x22: {  	[simem:s7], [sflag:s8] =	dma.local @!p0 [hbm:s6], $0xF7A  }
0x23: {  	s9 =	sor.u32 $0xD0000000, s2;
	s6 =	simm.s32 $0x108;
	_ =	swait.ge @!p0 [sflag:s8], $0x0  }
0x24: {  	s3 =	sadd.s32 $0x88, s3;
	s6 =	simm.s32 @!p1 $0x1082;
	[sflag:s4] =	ssyncset.s32 $0xFFFFF086  }
0x25: {  	[simem:s6], [sflag:s4] =	dma.local [hbm:s3], $0xF7A  }
0x26: {  	[smem:$0x3F9E] =	sst s1;
	(tag) =	ssettag s2;
	_ =	strace s9  }
0x27: {  	s1 =	sld [smem:$0x3FAE]  }
0x28: {  	s2 =	sld [smem:$0x3FAF]  }
0x29: {  	s4 =	sld [smem:$0x3FB1]  }
0x2a: {  	p0 =	seq.s32 s5, $0x0;
	s5 =	sld [smem:$0x3FB2]  }
0x2b: {  	s6 =	sld [smem:$0x3FB3]  }
0x2c: {  	s7 =	sld [smem:$0x3FB4]  }
0x2d: {  	s3 =	simm.s32 $0x108;
	s8 =	sld [smem:$0x3FB5]  }
0x2e: {  	s3 =	simm.s32 @!p0 $0x1082;
	s9 =	sld [smem:$0x3FB6]  }
0x2f: {  	lr =	sadd.s32 s0, s3;
	s0 =	sld [smem:$0x3FAD]  }
0x30: {  	s3 =	sld [smem:$0x3FB0]  }
0x31: {  	[smem:$0x3FB9] =	sst s10  }
0x32: {  	s10 =	sld [smem:$0x3FB7];
	_ =	sdelay $0x3  }
0x33: {  	p0 =	seq.s32 s10, $0x1;
	s10 =	sld [smem:$0x3FB9];
	_ =	sdelay $0x3  }
0x34: {  	[smem:$0x3FB9] =	sst s10  }
0x35: {  	s10 =	sld [smem:$0x3FB8];
	_ =	sdelay $0x3  }
0x36: {  	p1 =	seq.s32 s10, $0x1;
	s10 =	sld [smem:$0x3FB9];
	_ =	sdelay $0x3  }
0x37: {  	[smem:$0x3FB9] =	sst s10  }
0x38: {  	s10 =	sld [smem:$0x3FBA]  }
0x39: {  	_ = 	snop;
	(pc) =	sbr.ind lr, $3  }
0x3a: {  	_ = 	snop  }
0x3b: {  	_ = 	snop  }
0x3c: {  	p2 =	seq.s32 s10, $0x1;
	s10 =	sld [smem:$0x3FB9]  }
0x3d: {  	_ =	shalt  }
0x3e: {  	_ =	shalt  }
0x3f: {  	_ =	shalt  }
0x40: {  	_ =	shalt  }
0x41: {  	_ =	shalt  }
0x42: {  	_ =	shalt  }
0x43: {  	_ =	shalt  }
0x44: {  	_ =	shalt  }
0x45: {  	_ =	shalt  }
0x46: {  	_ =	shalt  }
0x47: {  	_ =	shalt  }
0x48: {  	_ =	shalt  }
0x49: {  	_ =	shalt  }
0x4a: {  	_ =	shalt  }
0x4b: {  	_ =	shalt  }
0x4c: {  	_ =	shalt  }
0x4d: {  	_ =	shalt  }
0x4e: {  	_ =	shalt  }
0x4f: {  	_ =	shalt  }
0x50: {  	_ =	shalt  }
0x51: {  	_ =	shalt  }
0x52: {  	_ =	shalt  }
0x53: {  	_ =	shalt  }
0x54: {  	_ =	shalt  }
0x55: {  	_ =	shalt  }
0x56: {  	_ =	shalt  }
0x57: {  	_ =	shalt  }
0x58: {  	_ =	shalt  }
0x59: {  	_ =	shalt  }
0x5a: {  	_ =	shalt  }
0x5b: {  	_ =	shalt  }
0x5c: {  	_ =	shalt  }
0x5d: {  	_ =	shalt  }
0x5e: {  	_ =	shalt  }
0x5f: {  	_ =	shalt  }
0x60: {  	_ =	shalt  }
0x61: {  	_ =	shalt  }
0x62: {  	_ =	shalt  }
0x63: {  	_ =	shalt  }
0x64: {  	_ =	shalt  }
0x65: {  	_ =	shalt  }
0x66: {  	_ =	shalt  }
0x67: {  	_ =	shalt  }
0x68: {  	_ =	shalt  }
0x69: {  	_ =	shalt  }
0x6a: {  	_ =	shalt  }
0x6b: {  	_ =	shalt  }
0x6c: {  	_ =	shalt  }
0x6d: {  	_ =	shalt  }
0x6e: {  	_ =	shalt  }
0x6f: {  	_ =	shalt  }
0x70: {  	_ =	shalt  }
0x71: {  	_ =	shalt  }
0x72: {  	_ =	shalt  }
0x73: {  	_ =	shalt  }
0x74: {  	_ =	shalt  }
0x75: {  	_ =	shalt  }
0x76: {  	_ =	shalt  }
0x77: {  	_ =	shalt  }
0x78: {  	_ =	shalt  }
0x79: {  	_ =	shalt  }
0x7a: {  	_ =	shalt  }
0x7b: {  	_ =	shalt  }
0x7c: {  	_ =	shalt  }
0x7d: {  	_ =	shalt  }
0x7e: {  	_ =	shalt  }
0x7f: {  	_ =	shalt  }
0x80: {  	_ =	shalt  }
0x81: {  	_ =	shalt  }
0x82: {  	_ =	shalt  }
0x83: {  	_ =	shalt  }
0x84: {  	_ =	shalt  }
0x85: {  	_ =	shalt  }
0x86: {  	_ =	shalt  }
0x87: {  	_ =	shalt  }
.Lfunc_end0:
.L_simem_size_0:
called_computation_lowered:
.L_overlay_start_0:
0x88: {  	s2 =	sld [smem:$0x3FD9]  }
0x89: {  	s3 =	sld [smem:$0x3FFE];
	_ =	sdelay $0x1  }
0x8a: {  	s1 =	srdreg.scid  }
0x8b: {  	s0 =	sand.u32 $0x1, s1  }
0x8c: {  	s17 =	sshll.u32 s0, $0xA;
	s2 =	sadd.s32 s3, s2  }
0x8d: {  	s2 =	sadd.s32 s2, s17  }
0x8e: {  	[smem:$0x3FC5] =	sst s2  }
0x8f: {  	_ = 	snop  }
0x90: {  	s2 =	sld [smem:$0x3FC7]  }
0x91: {  	s18 =	sld [smem:$0x3FD0];
	(tm) =	ssettm $0x1  }
0x92: {  	s4 =	sld [smem:$0x3FFB];
	_ =	sdelay $0x3  }
0x93: {  	_ =	strace s4  }
0x94: {  	s4 =	sld [smem:$0x3FFC];
	_ =	sdelay $0x3  }
0x95: {  	_ =	strace s4  }
0x96: {  	s4 =	sld [smem:$0x3FFD];
	_ =	sdelay $0x3  }
0x97: {  	_ =	strace s4  }
0x98: {  	_ =	strace $0x8FFFFFFF  }
0x99: {  	s19 =	sld [smem:$0x3FDB];
	_ =	sdelay $0x1  }
0x9a: {  	s5 =	simm.s32 $_scs_section_size  }
0x9b: {  	s6 =	simm.s32 $_size__tile_overlayer_lowered;
	s7 =	simm.s32 $_tile_overlayer_lowered  }
0x9c: {  	s22 =	simm.s32 $0x1BFF;
	s21 =	sshll.u32 s7, $0x1;
	s4 =	sadd.s32 s5, s19  }
0x9d: {  	s8 =	simm.s32 $0x0;
	s20 =	sshll.u32 s6, $0x1;
	s6 =	sadd.s32 s21, s4  }
0x9e: {  	[timem:s8], [sflag:s22] =	dma.local [hbm:s6], s20  }
0x9f: {  	_ =	swait.ge [sflag:s22], s20  }
0xa0: {  	s5 =	ssub.s32 $0x0, s20;
	[sflag:s22] =	ssyncset.done $0x0  }
0xa1: {  	[sflag:s22] =	ssyncadd.s32 s5;
	_ =	sdelay $0x1  }
0xa2: {  	s23 =	simm.s32 $0x1B8B  }
0xa3: {  	_ =	swait.ge [sflag:s23], $0x1  }
0xa4: {  	[sflag:s23] =	ssyncset.done $0x0  }
0xa5: {  	s25 =	simm.s32 $0x1B8E;
	s24 =	sld [smem:$0x3FFE];
	[sflag:s23] =	ssyncadd.s32 $0xFFFFFFFF  }
0xa6: {  	s26 =	simm.s32 $execute0_lowered;
	[smem:$0x3FD2] =	sst s25  }
0xa7: {  	s6 =	sshll.u32 s26, $0x1;
	_ =	strace $0x80000046;
	[dreg:$0x1] =	wrdreg $0xFFFFFFFF  }
0xa8: {  	s28 =	simm.s32 $_size_execute0_lowered;
	s4 =	sadd.s32 s4, s6;
	[dreg:$0x0] =	wrdreg $0x0  }
0xa9: {  	s6 =	sshll.u32 s28, $0x1;
	[dreg:$0x2] =	wrdreg s4  }
0xaa: {  	[dreg:$0x3] =	wrdreg s6  }
0xab: {  	[dreg:$0x4] =	wrdreg $0xC0  }
0xac: {  	_ =	task [dreg:s8], $0x5FFFF  }
0xad: {  	[dreg:$0x1] =	wrdreg $0xFFFFFFFF  }
0xae: {  	[dreg:$0x0] =	wrdreg $0x60  }
0xaf: {  	[dreg:$0x2] =	wrdreg s2  }
0xb0: {  	[dreg:$0x3] =	wrdreg s18  }
0xb1: {  	[dreg:$0x4] =	wrdreg s24  }
0xb2: {  	[dreg:$0x5] =	wrdreg $0x9  }
0xb3: {  	_ =	task.clear_ibuf [dreg:s8], $0x6FFFF;
	_ =	strace $0x90000046  }
0xb4: {  	s29 =	simm.s32 $0x9;
	_ =	strace $0x80000048  }
0xb5: {  	_ =	swait.ge [sflag:s29], $0x1  }
0xb6: {  	[sflag:s29] =	ssyncadd.s32 $0xFFFFFFFF  }
0xb7: {  	_ =	strace $0x90000048  }
0xb8: {  	_ =	sfence  }
0xb9: {  	s30 =	sld [smem:$0x0];
	_ =	sdelay $0x2  }
0xba: {  	s31 =	sshll.u32 s1, $0xD;
	s1 =	sshrl.u32 s1, $0x2  }
0xbb: {  	s3 =	sand.u32 $0x4000, s31;
	s1 =	sadd.s32 s1, s30  }
0xbc: {  	s0 =	sor.u32 s3, s0;
	s1 =	sshll.u32 s1, $0x11  }
0xbd: {  	s0 =	sor.u32 s1, s0  }
0xbe: {  	s0 =	sadd.s32 $0x8F2B, s0  }
0xbf: {  	[sflag:s0] =	ssyncadd.remote.s32 $0x1  }
0xc0: {  	_ =	sfence.sel $0xFFFF  }
0xc1: {  	[dreg:$0x0] =	wrdreg $0xFFFFFFFF;
	(pc) =	sbr.abs _section_cstart, $3  }
0xc2: {  	[dreg:$0x1] =	wrdreg $0xFFFFFFFF  }
0xc3: {  	_ =	task.clear_ibuf [dreg:s8], $0x2FFFF;
	_ =	strace $0x9FFFFFFF  }
0xc4: {  	(tm) =	ssettm $0x7FFFFFFF  }
0xc5: {  	_ =	shalt  }
tec
execute0_lowered:
.L_overlay_start_1:
0x0: {  	(tag) =	ssettag $0x1  }
0x1: {  	v0 =	vimm.s32 $0x1780;
	vm0 =	vcmask $0x300  }
0x2: {  	vm14 =	vcmask $0x704;
	vm15 =	vcmask $0xB08;
	v1 =	vlaneseq.u32  }
0x3: {  	vm4 =	vcmask $0xF0C;
	vm5 =	vcmask $0x1310;
	v2 =	vor.u32 $0x10, v1  }
0x4: {  	vm6 =	vcmask $0x1714;
	vm7 =	vcmask $0x1B18;
	[tilespmem:$0x1FEE0] =	vst v2;
	v2 =	vor.u32 $0x20, v1  }
0x5: {  	vm8 =	vcmask $0x1F1C;
	vm9 =	vcmask $0x2320;
	[tilespmem:$0x1FEF0] =	vst v2;
	v2 =	vor.u32 $0x30, v1  }
0x6: {  	vm10 =	vcmask $0x2724;
	vm11 =	vcmask $0x2B28;
	[tilespmem:$0x1FF00] =	vst v2;
	v2 =	vor.u32 $0x40, v1  }
0x7: {  	vm12 =	vcmask $0x2F2C;
	s0 =	rddreg [dreg:$0x0];
	v0 =	vsel vm0, $0x0, v0;
	[tilespmem:$0x1FF10] =	vst v2;
	v2 =	vor.u32 $0x50, v1  }
0x8: {  	vm13 =	vcmask $0x3330;
	s2 =	rddreg [dreg:$0x1];
	s4 =	simm.s32 $0x0;
	v0 =	vsel vm14, $0x80, v0;
	[tilespmem:$0x1FF20] =	vst v2;
	v2 =	vor.u32 $0x60, v1  }
0x9: {  	[smem:$0x7FF] =	sst s4;
	v20 =	vor.u32 $0x130, v1;
	v0 =	vsel vm15, $0x100, v0;
	[tilespmem:$0x1FF30] =	vst v2;
	v2 =	vor.u32 $0x70, v1  }
0xa: {  	s9 =	rddreg [dreg:$0x2];
	v21 =	vor.u32 $0x140, v1;
	v0 =	vsel vm4, $0x180, v0;
	_ =	strace $0x80000047;
	[tilespmem:$0x1FF40] =	vst v2;
	v2 =	vor.u32 $0x80, v1  }
0xb: {  	v22 =	vor.u32 $0x150, v1;
	v0 =	vsel vm5, $0x200, v0;
	[tilespmem:$0x1FF50] =	vst v2;
	v2 =	vor.u32 $0x90, v1  }
0xc: {  	s5 =	srdreg.scid;
	v23 =	vor.u32 $0x160, v1;
	v0 =	vsel vm6, $0x280, v0;
	[tilespmem:$0x1FF60] =	vst v2;
	v2 =	vor.u32 $0xA0, v1  }
0xd: {  	s3 =	stileid.u32;
	s12 =	simm.s32 $0x1400;
	s13 =	simm.s32 $0x1;
	v24 =	vor.u32 $0x170, v1;
	v0 =	vsel vm7, $0x300, v0;
	[tilespmem:$0x1FF70] =	vst v2;
	v2 =	vor.u32 $0xB0, v1  }
0xe: {  	s14 =	simm.s32 $0x5000;
	s15 =	simm.s32 $0x2;
	s16 =	simm.s32 $0x2800;
	v25 =	vor.u32 $0x180, v1;
	v0 =	vsel vm8, $0x380, v0;
	[tilespmem:$0x1FF80] =	vst v2;
	v2 =	vor.u32 $0xC0, v1  }
0xf: {  	s17 =	simm.s32 $0x7000;
	s18 =	simm.s32 $0x3;
	s19 =	simm.s32 $0x4;
	v26 =	vor.u32 $0x190, v1;
	v0 =	vsel vm9, $0x1400, v0;
	[tilespmem:$0x1FF90] =	vst v2;
	v2 =	vor.u32 $0xD0, v1  }
0x10: {  	s20 =	simm.s32 $0x9000;
	s21 =	simm.s32 $0x5;
	s22 =	simm.s32 $0x0;
	v27 =	vor.u32 $0x1A0, v1;
	v0 =	vsel vm10, $0x1480, v0;
	[tilespmem:$0x1FFA0] =	vst v2;
	v2 =	vor.u32 $0xE0, v1  }
.Ltmp0:
0x11: {  	s5 =	sand.u32 $0x1, s5;
	s6 =	sshll.u32 s3, $0x1;
	v28 =	vor.u32 $0x1B0, v1;
	v0 =	vsel vm11, $0x1500, v0;
	[tilespmem:$0x1FFB0] =	vst v2;
	v2 =	vor.u32 $0xF0, v1;
	(pc) =	sbr.rel .LBB2_1-.Ltmp0, $4  }
0x12: {  	v29 =	vor.u32 $0x1C0, v1;
	s7 =	ssub.s32 $0x2, s5;
	s5 =	sor.u32 s5, s6;
	s6 =	sadd.s32 $0xC00, s9;
	v0 =	vsel vm12, $0x1580, v0;
	[tilespmem:$0x1FFC0] =	vst v2;
	v2 =	vor.u32 $0x100, v1  }
0x13: {  	vm14 =	vcmask $0x3734;
	s9 =	sadd.s32 $0x1E9000, s9;
	s8 =	sshrl.u32 s7, $0x1;
	s10 =	sshll.u32 s5, $0x9;
	v0 =	vsel vm13, $0x1600, v0;
	[tilespmem:$0x1FFD0] =	vst v2;
	v2 =	vor.u32 $0x110, v1  }
0x14: {  	vm15 =	vcmask $0x3B38;
	p0 =	sne.s32 s5, $0x1F;
	s11 =	ssub.s32 s7, s8;
	s7 =	sadd.s32 s0, s10;
	v0 =	vsel vm14, $0x1680, v0;
	[tilespmem:$0x1FFE0] =	vst v2;
	v2 =	vor.u32 $0x120, v1  }
0x15: {  	v30 =	vor.u32 $0x1D0, v1;
	v31 =	vor.u32 $0x1E0, v1;
	s8 =	sor.u32 $0x40, s5;
	s10 =	smax.u32 s11, $0x1;
	s11 =	sadd.s32 $0xF4280, s7;
	v0 =	vsel vm15, $0x1700, v0;
	[tilespmem:$0x1FFF0] =	vst v2  }
.LBB2_13:
0x16: {  	s22 =	sadd.s32 $0x1, s22  }
0x17: {  	p1 =	sne.s32 s22, s10  }
.Ltmp1:
0x18: {  	_ = 	snop;
	(pc) =	sbr.rel @!p1 .LBB2_14-.Ltmp1, $1  }
0x19: {  	_ =	sdelay $0x3  }
.LBB2_1:
.Ltmp2:
0x1a: {  	(pc) =	sbr.rel .LBB2_2-.Ltmp2, $4  }
0x1b: {  	_ = 	snop  }
0x1c: {  	[tilespmem:s4], [sflag:$0x1] =	stream.linear.gather [hbm4b:s7+s4], $0x1000, $0x38;
	[tilespmem:$0xB000] =	vst v63  }
0x1d: {  	s23 =	simm.s32 $0x0  }
0x1e: {  	[tilespmem:s12], [sflag:$0x1] =	stream.linear.gather [hbm4b:s11+s4], $0x1000, $0x38;
	[tilespmem:$0xB000] =	vst v63  }
.LBB2_10:
0x1f: {  	s23 =	sadd.s32 $0x1, s23  }
0x20: {  	p1 =	sne.s32 s23, $0x20  }
.Ltmp3:
0x21: {  	_ = 	snop;
	(pc) =	sbr.rel @!p1 .LBB2_11-.Ltmp3, $1  }
0x22: {  	_ =	sdelay $0x3  }
.LBB2_2:
0x23: {  	s25 =	sshll.u32 s23, $0x6  }
0x24: {  	s26 =	sor.u32 s25, s5  }
0x25: {  	s24 =	sor.u32 $0x20, s26  }
0x26: {  	p3 =	sgt.u32 s26, $0x7A0;
	p2 =	sgt.u32 s24, $0x7A0  }
.Ltmp4:
0x27: {  	s28 =	sshll.u32 @!p2 s24, $0x9;
	(pc) =	sbr.rel @p3 .LBB2_6-.Ltmp4, $4  }
0x28: {  	s29 =	simm.s32 @!p2 $0x0;
	s30 =	simm.s32 @!p2 $0x2800;
	s28 =	sadd.s32 @!p2 s0, s28  }
0x29: {  	[tilespmem:s30], [sflag:$0x2] =	stream.linear.gather @!p2 [hbm4b:s28+s29], $0x1000, $0x38;
	[tilespmem:$0xB000] =	vst v63  }
0x2a: {  	p1 =	seq.s32 s23, $0x0;
	s28 =	sadd.s32 @!p2 $0xF4280, s28;
	s30 =	simm.s32 @!p2 $0x3C00  }
0x2b: {  	[tilespmem:s30], [sflag:$0x2] =	stream.linear.gather @!p2 [hbm4b:s28+s29], $0x1000, $0x38;
	[tilespmem:$0xB000] =	vst v63  }
0x2c: {  	s28 =	simm.s32 $0xF;
	s29 =	simm.s32 $0x0;
	s30 =	simm.s32 $0x3  }
0x2d: {  	s1 =	simm.s32 $0x6;
	s31 =	simm.s32 $0x9;
	v32 =	vmov s28;
	v33 =	vmov s29;
	v37 =	vmov s30  }
0x2e: {  	s28 =	simm.s32 $0x1;
	s29 =	simm.s32 $0x2;
	v40 =	vmov s1;
	v43 =	vmov s31;
	s1 =	simm.s32 $0xC;
	v34 =	vand.u32 $0x7F, v32  }
0x2f: {  	v35 =	vmov s28;
	v36 =	vmov s29;
	v46 =	vmov s1  }
0x30: {  	v32 =	vshll.u32 v32, $0x3;
	v49 =	vand.u32 $0x70, v33;
	v52 =	vand.u32 $0x73, v37  }
0x31: {  	v55 =	vand.u32 $0x76, v40;
	v58 =	vand.u32 $0x79, v43;
	v33 =	vshll.u32 v33, $0x3  }
0x32: {  	s28 =	simm.s32 $0x4;
	s29 =	simm.s32 $0x5;
	v37 =	vshll.u32 v37, $0x3;
	v40 =	vshll.u32 v40, $0x3;
	v43 =	vshll.u32 v43, $0x3  }
0x33: {  	v38 =	vmov s28;
	v39 =	vmov s29;
	v50 =	vand.u32 $0x71, v35  }
0x34: {  	v51 =	vand.u32 $0x72, v36;
	v61 =	vand.u32 $0x7C, v46;
	v35 =	vshll.u32 v35, $0x3  }
0x35: {  	v32 =	vand.u32 $0xC00, v32;
	v36 =	vshll.u32 v36, $0x3;
	v46 =	vshll.u32 v46, $0x3  }
0x36: {  	s28 =	simm.s32 $0x7;
	s29 =	simm.s32 $0x8;
	v33 =	vand.u32 $0xC00, v33;
	v40 =	vand.u32 $0xC00, v40;
	v4 =	vand.u32 $0xC00, v43  }
0x37: {  	v41 =	vmov s28;
	v42 =	vmov s29;
	v53 =	vand.u32 $0x74, v38  }
0x38: {  	v54 =	vand.u32 $0x75, v39;
	v38 =	vshll.u32 v38, $0x3;
	v39 =	vshll.u32 v39, $0x3  }
0x39: {  	v32 =	vor.u32 v34, v32;
	v33 =	vor.u32 v49, v33;
	v17 =	vand.u32 $0xC00, v35  }
0x3a: {  	s28 =	simm.s32 $0xA;
	s29 =	simm.s32 $0xB;
	v36 =	vand.u32 $0xC00, v36;
	v49 =	vand.u32 $0xC00, v37;
	v5 =	vor.u32 v58, v4  }
0x3b: {  	v12 =	vand.u32 $0xC00, v46;
	v44 =	vmov s28;
	v45 =	vmov s29  }
0x3c: {  	v56 =	vand.u32 $0x77, v41;
	v57 =	vand.u32 $0x78, v42;
	v41 =	vshll.u32 v41, $0x3  }
0x3d: {  	v42 =	vshll.u32 v42, $0x3;
	v32 =	vadd.s32 v0, v32;
	v33 =	vadd.s32 v0, v33  }
0x3e: {  	_ =	swait.ge [sflag:s13], $0x2000;
	v34 =	vor.u32 v50, v17;
	v35 =	vor.u32 v51, v36;
	v36 =	vor.u32 v52, v49  }
0x3f: {  	[sflag:s13] =	ssyncset.done $0x0;
	s28 =	simm.s32 $0xD;
	s29 =	simm.s32 $0xE;
	v50 =	vand.u32 $0xC00, v38;
	v51 =	vand.u32 $0xC00, v39;
	v7 =	vadd.s32 v0, v5  }
0x40: {  	[sflag:s13] =	ssyncadd.s32 $0xFFFFE000;
	v47 =	vmov s28;
	v48 =	vmov s29;
	v59 =	vand.u32 $0x7A, v44;
	s28 =	simm.s32 @!p1 $0x3  }
0x41: {  	v60 =	vand.u32 $0x7B, v45;
	v44 =	vshll.u32 v44, $0x3;
	v45 =	vshll.u32 v45, $0x3;
	_ =	swait.ge @!p1 [sflag:s28], $0x2000  }
0x42: {  	v34 =	vadd.s32 v0, v34;
	v35 =	vadd.s32 v0, v35;
	v36 =	vadd.s32 v0, v36;
	[sflag:s28] =	ssyncset.done @!p1 $0x0  }
0x43: {  	v37 =	vor.u32 v53, v50;
	v38 =	vor.u32 v54, v51;
	v54 =	vor.u32 v55, v40;
	[sflag:s28] =	ssyncadd.s32 @!p1 $0xFFFFE000  }
0x44: {  	v55 =	vand.u32 $0xC00, v41;
	v42 =	vand.u32 $0xC00, v42;
	v52 =	vadd.s32 v0, v37;
	v37 =	vld.idx.msk [tilespmem:v32+s4+$0x0], $0xffff  }
0x45: {  	v62 =	vand.u32 $0x7D, v47;
	v63 =	vand.u32 $0x7E, v48;
	v47 =	vshll.u32 v47, $0x3;
	v32 =	vld.idx.msk [tilespmem:v33+s4+$0x0], $0xffff  }
0x46: {  	v48 =	vshll.u32 v48, $0x3;
	v53 =	vadd.s32 v0, v38;
	v38 =	vadd.s32 v0, v54;
	v54 =	vld.idx.msk [tilespmem:v7+s4+$0x0], $0xffff  }
0x47: {  	v40 =	vor.u32 v56, v55;
	v6 =	vand.u32 $0xC00, v44;
	v9 =	vand.u32 $0xC00, v45;
	v34 =	vld.idx.msk [tilespmem:v34+s4+$0x0], $0xffff  }
0x48: {  	v56 =	vand.u32 $0xC00, v48;
	v40 =	vadd.s32 v0, v40;
	v8 =	vor.u32 v59, v6;
	v35 =	vld.idx.msk [tilespmem:v35+s4+$0x0], $0xffff  }
0x49: {  	s29 =	simm.s32 $0x10;
	v11 =	vor.u32 v60, v9;
	v14 =	vand.u32 $0xC00, v47;
	v10 =	vadd.s32 v0, v8;
	v48 =	vld.idx.msk [tilespmem:v36+s4+$0x0], $0xffff  }
0x4a: {  	v47 =	vmov s29;
	v41 =	vor.u32 v63, v56;
	v39 =	vadd.s32 v0, v11;
	v49 =	vld.idx.msk [tilespmem:v52+s4+$0x0], $0xffff  }
0x4b: {  	s29 =	simm.s32 $0x12;
	v63 =	vor.u32 v57, v42;
	v42 =	vor.u32 v62, v14;
	v41 =	vadd.s32 v0, v41;
	v44 =	vld.idx.msk [tilespmem:v53+s4+$0x0], $0xffff  }
0x4c: {  	s1 =	simm.s32 $0x16;
	v13 =	vor.u32 v61, v12;
	v50 =	vmov s29;
	v16 =	vadd.s32 v0, v42;
	v45 =	vld.idx.msk [tilespmem:v38+s4+$0x0], $0xffff  }
0x4d: {  	s28 =	simm.s32 $0x1F;
	v57 =	vmov s1;
	v9 =	vand.u32 $0x70, v47;
	v36 =	vadd.s32 v0, v63;
	v46 =	vld.idx.msk [tilespmem:v40+s4+$0x0], $0xffff  }
0x4e: {  	s29 =	simm.s32 $0x15;
	s1 =	simm.s32 $0x1C;
	v14 =	vshll.u32 v47, $0x3;
	v15 =	vmov s28;
	s28 =	simm.s32 $0x11;
	v40 =	vadd.s32 v0, v13;
	v58 =	vld.idx.msk [tilespmem:v10+s4+$0x0], $0xffff  }
0x4f: {  	v56 =	vmov s29;
	s29 =	simm.s32 $0x18;
	v3 =	vmov s1;
	v17 =	vmov s28;
	s28 =	simm.s32 $0x14;
	v62 =	vld.idx.msk [tilespmem:v39+s4+$0x0], $0xffff  }
0x50: {  	v11 =	vand.u32 $0x72, v50;
	v60 =	vmov s29;
	v55 =	vmov s28;
	s28 =	simm.s32 $0x17;
	v41 =	vld.idx.msk [tilespmem:v41+s4+$0x0], $0xffff  }
0x51: {  	v7 =	vshll.u32 v15, $0x3;
	v43 =	vand.u32 $0x75, v56;
	v59 =	vmov s28;
	s28 =	simm.s32 $0x1A;
	v8 =	vld.idx.msk [tilespmem:v16+s4+$0x0], $0xffff  }
0x52: {  	s31 =	simm.s32 $0x13;
	s29 =	simm.s32 $0x1B;
	v33 =	vand.u32 $0x7C, v3;
	v19 =	vshll.u32 v56, $0x3;
	v63 =	vmov s28;
	s28 =	simm.s32 $0x5080;
	v51 =	vld.idx.msk [tilespmem:v36+s4+$0x0], $0xffff  }
0x53: {  	v52 =	vand.u32 $0x7F, v15;
	v53 =	vmov s31;
	v2 =	vmov s29;
	v4 =	vld.idx.msk [tilespmem:v40+s4+$0x0], $0xffff;
	[tilespmem:s28+$0xFFFFFF80] =	vst v32  }
0x54: {  	s31 =	simm.s32 $0x19;
	s29 =	simm.s32 $0x1D;
	v38 =	vand.u32 $0x78, v60;
	v15 =	vshll.u32 v17, $0x3;
	v7 =	vand.u32 $0xC00, v7;
	[tilespmem:s28+$0xFFFFFF90] =	vst v34  }
0x55: {  	v61 =	vmov s31;
	s31 =	simm.s32 $0x1E;
	v5 =	vmov s29;
	v12 =	vand.u32 $0x73, v53;
	[tilespmem:s28+$0xFFFFFFA0] =	vst v35  }
0x56: {  	v13 =	vand.u32 $0x74, v55;
	v18 =	vshll.u32 v55, $0x3;
	v6 =	vmov s31;
	[tilespmem:s28+$0xFFFFFFB0] =	vst v48  }
0x57: {  	v10 =	vand.u32 $0x71, v17;
	v39 =	vand.u32 $0x77, v59;
	v17 =	vshll.u32 v53, $0x3;
	[tilespmem:s28+$0xFFFFFFC0] =	vst v49  }
0x58: {  	v47 =	vshll.u32 v61, $0x3;
	v42 =	vshll.u32 v5, $0x3;
	v16 =	vshll.u32 v50, $0x3;
	[tilespmem:s28+$0xFFFFFFD0] =	vst v44  }
0x59: {  	v50 =	vshll.u32 v57, $0x3;
	v36 =	vand.u32 $0x79, v61;
	v40 =	vand.u32 $0x76, v57;
	[tilespmem:s28+$0xFFFFFFE0] =	vst v45  }
0x5a: {  	v35 =	vand.u32 $0x7A, v63;
	v34 =	vand.u32 $0x7B, v2;
	v32 =	vand.u32 $0x7D, v5;
	[tilespmem:s28+$0xFFFFFFF0] =	vst v46  }
0x5b: {  	v49 =	vshll.u32 v59, $0x3;
	v48 =	vshll.u32 v60, $0x3;
	v46 =	vshll.u32 v63, $0x3;
	[tilespmem:s28+$0x10] =	vst v54  }
0x5c: {  	v45 =	vshll.u32 v2, $0x3;
	v44 =	vshll.u32 v3, $0x3;
	v2 =	vand.u32 $0xC00, v14;
	[tilespmem:s28+$0x70] =	vst v37  }
0x5d: {  	v3 =	vor.u32 v52, v7;
	v63 =	vand.u32 $0xC00, v15;
	v57 =	vand.u32 $0xC00, v19;
	[tilespmem:s28+$0x20] =	vst v58  }
0x5e: {  	v2 =	vor.u32 v9, v2;
	v52 =	vadd.s32 v0, v3;
	[tilespmem:s28+$0x30] =	vst v62;
	v3 =	vand.u32 $0xC00, v16  }
0x5f: {  	[tilespmem:s28+$0x60] =	vst v41;
	v41 =	vand.u32 $0x7E, v6;
	v53 =	vadd.s32 v0, v2;
	v2 =	vor.u32 v10, v63  }
0x60: {  	[tilespmem:s28+$0x50] =	vst v8;
	v54 =	vadd.s32 v0, v2;
	v2 =	vor.u32 v11, v3;
	v3 =	vand.u32 $0xC00, v17  }
0x61: {  	[tilespmem:s28+$0x0] =	vst v51;
	v55 =	vadd.s32 v0, v2;
	v2 =	vor.u32 v12, v3;
	v3 =	vand.u32 $0xC00, v18  }
0x62: {  	s29 =	simm.s32 $0x2F;
	v51 =	vshll.u32 v6, $0x3;
	[tilespmem:s28+$0x40] =	vst v4;
	v56 =	vadd.s32 v0, v2;
	v37 =	vor.u32 v13, v3  }
.LBB2_4:
0x63: {  	p3 =	sne.s32 s29, $0x1FF;
	v2 =	vadd.s32 v0, v37;
	v3 =	vor.u32 v43, v57;
	v4 =	vand.u32 $0xC00, v50;
	v37 =	vld.idx.msk [tilespmem:v52+s4+$0x0], $0xffff  }
0x64: {  	v6 =	vand.u32 $0xC00, v49;
	v5 =	vld.idx.msk [tilespmem:v53+s4+$0x0], $0xffff;
	v3 =	vadd.s32 v0, v3;
	v4 =	vor.u32 v40, v4  }
0x65: {  	v8 =	vand.u32 $0xC00, v51;
	v6 =	vor.u32 v39, v6;
	v7 =	vld.idx.msk [tilespmem:v54+s4+$0x0], $0xffff;
	v4 =	vadd.s32 v0, v4  }
0x66: {  	v10 =	vand.u32 $0xC00, v48;
	v8 =	vor.u32 v41, v8;
	v6 =	vadd.s32 v0, v6;
	v9 =	vld.idx.msk [tilespmem:v55+s4+$0x0], $0xffff  }
0x67: {  	v12 =	vand.u32 $0xC00, v47;
	v10 =	vor.u32 v38, v10;
	v8 =	vadd.s32 v0, v8;
	v11 =	vld.idx.msk [tilespmem:v56+s4+$0x0], $0xffff  }
0x68: {  	v13 =	vand.u32 $0xC00, v46;
	v12 =	vor.u32 v36, v12;
	v10 =	vadd.s32 v0, v10;
	v2 =	vld.idx.msk [tilespmem:v2+s4+$0x0], $0xffff  }
0x69: {  	v14 =	vand.u32 $0xC00, v45;
	v13 =	vor.u32 v35, v13;
	v12 =	vadd.s32 v0, v12;
	v3 =	vld.idx.msk [tilespmem:v3+s4+$0x0], $0xffff  }
0x6a: {  	v15 =	vand.u32 $0xC00, v44;
	v14 =	vor.u32 v34, v14;
	v13 =	vadd.s32 v0, v13;
	v4 =	vld.idx.msk [tilespmem:v4+s4+$0x0], $0xffff  }
0x6b: {  	v16 =	vand.u32 $0xC00, v42;
	v15 =	vor.u32 v33, v15;
	v14 =	vadd.s32 v0, v14;
	v6 =	vld.idx.msk [tilespmem:v6+s4+$0x0], $0xffff  }
0x6c: {  	s30 =	sadd.s32 $0xFFFFFFF1, s29;
	v17 =	vmov s29;
	v16 =	vor.u32 v32, v16;
	v15 =	vadd.s32 v0, v15;
	v8 =	vld.idx.msk [tilespmem:v8+s4+$0x0], $0xffff  }
0x6d: {  	s31 =	sadd.s32 $0xFFFFFFF3, s29;
	s1 =	sadd.s32 $0xFFFFFFF4, s29;
	v18 =	vmov s30;
	s30 =	sadd.s32 $0xFFFFFFF2, s29;
	v19 =	vand.u32 $0x7F, v17;
	v16 =	vadd.s32 v0, v16;
	v10 =	vld.idx.msk [tilespmem:v10+s4+$0x0], $0xffff  }
0x6e: {  	v44 =	vmov s31;
	v45 =	vmov s1;
	s1 =	sadd.s32 $0xFFFFFFF5, s29;
	s31 =	sadd.s32 $0xFFFFFFF7, s29;
	v42 =	vmov s30;
	s30 =	sadd.s32 $0xFFFFFFF6, s29;
	v12 =	vld.idx.msk [tilespmem:v12+s4+$0x0], $0xffff  }
0x6f: {  	v46 =	vmov s1;
	v48 =	vmov s31;
	s1 =	sadd.s32 $0xFFFFFFF8, s29;
	s31 =	sadd.s32 $0xFFFFFFFA, s29;
	v47 =	vmov s30;
	s30 =	sadd.s32 $0xFFFFFFF9, s29;
	v13 =	vld.idx.msk [tilespmem:v13+s4+$0x0], $0xffff  }
0x70: {  	v49 =	vmov s1;
	v52 =	vmov s31;
	s1 =	sadd.s32 $0xFFFFFFFB, s29;
	s31 =	sadd.s32 $0xFFFFFFFD, s29;
	v51 =	vmov s30;
	s30 =	sadd.s32 $0xFFFFFFFC, s29;
	v14 =	vld.idx.msk [tilespmem:v14+s4+$0x0], $0xffff  }
0x71: {  	s28 =	sadd.s32 $0x100, s28;
	v53 =	vmov s1;
	v55 =	vmov s31;
	s1 =	sadd.s32 $0xFFFFFFFE, s29;
	v54 =	vmov s30;
	s30 =	sadd.s32 $0xFFFFFFFF, s29;
	v15 =	vld.idx.msk [tilespmem:v15+s4+$0x0], $0xffff  }
0x72: {  	v17 =	vshll.u32 v17, $0x3;
	v56 =	vmov s1;
	v57 =	vmov s30;
	v16 =	vld.idx.msk [tilespmem:v16+s4+$0x0], $0xffff;
	[tilespmem:s28+$0x60] =	vst v8  }
0x73: {  	v59 =	vand.u32 $0x72, v44;
	v58 =	vand.u32 $0x71, v42;
	v8 =	vand.u32 $0x70, v18;
	[tilespmem:s28+$0xFFFFFF80] =	vst v5  }
0x74: {  	v60 =	vand.u32 $0x74, v46;
	v43 =	vand.u32 $0x75, v47;
	v5 =	vand.u32 $0x73, v45;
	[tilespmem:s28+$0xFFFFFF90] =	vst v7  }
0x75: {  	v40 =	vand.u32 $0x76, v48;
	v39 =	vand.u32 $0x77, v49;
	v38 =	vand.u32 $0x78, v51;
	[tilespmem:s28+$0xFFFFFFA0] =	vst v9  }
0x76: {  	v36 =	vand.u32 $0x79, v52;
	v35 =	vand.u32 $0x7A, v53;
	v34 =	vand.u32 $0x7B, v54;
	[tilespmem:s28+$0xFFFFFFB0] =	vst v11  }
0x77: {  	v33 =	vand.u32 $0x7C, v55;
	v32 =	vand.u32 $0x7D, v56;
	v41 =	vand.u32 $0x7E, v57;
	[tilespmem:s28+$0xFFFFFFC0] =	vst v2  }
0x78: {  	v7 =	vshll.u32 v42, $0x3;
	v9 =	vand.u32 $0xC00, v17;
	v2 =	vshll.u32 v18, $0x3;
	[tilespmem:s28+$0xFFFFFFD0] =	vst v3  }
0x79: {  	v17 =	vshll.u32 v46, $0x3;
	v11 =	vshll.u32 v45, $0x3;
	v3 =	vshll.u32 v44, $0x3;
	[tilespmem:s28+$0xFFFFFFE0] =	vst v4  }
0x7a: {  	v50 =	vshll.u32 v48, $0x3;
	v49 =	vshll.u32 v49, $0x3;
	v4 =	vshll.u32 v47, $0x3;
	[tilespmem:s28+$0xFFFFFFF0] =	vst v6  }
0x7b: {  	v48 =	vshll.u32 v51, $0x3;
	v46 =	vshll.u32 v53, $0x3;
	v47 =	vshll.u32 v52, $0x3;
	[tilespmem:s28+$0x0] =	vst v10  }
0x7c: {  	v42 =	vshll.u32 v56, $0x3;
	v45 =	vshll.u32 v54, $0x3;
	v44 =	vshll.u32 v55, $0x3;
	[tilespmem:s28+$0x10] =	vst v12  }
0x7d: {  	v51 =	vshll.u32 v57, $0x3;
	v2 =	vand.u32 $0xC00, v2;
	v6 =	vor.u32 v19, v9;
	[tilespmem:s28+$0x20] =	vst v13  }
.Ltmp5:
0x7e: {  	v7 =	vand.u32 $0xC00, v7;
	v2 =	vor.u32 v8, v2;
	v52 =	vadd.s32 v0, v6;
	[tilespmem:s28+$0x30] =	vst v14;
	(pc) =	sbr.rel @p3 .LBB2_4-.Ltmp5, $4  }
0x7f: {  	v3 =	vand.u32 $0xC00, v3;
	v53 =	vadd.s32 v0, v2;
	v2 =	vor.u32 v58, v7;
	[tilespmem:s28+$0x40] =	vst v15  }
0x80: {  	v54 =	vadd.s32 v0, v2;
	v2 =	vor.u32 v59, v3;
	v3 =	vand.u32 $0xC00, v11;
	[tilespmem:s28+$0x50] =	vst v16  }
0x81: {  	v55 =	vadd.s32 v0, v2;
	v2 =	vor.u32 v5, v3;
	v3 =	vand.u32 $0xC00, v17;
	[tilespmem:s28+$0x70] =	vst v37  }
0x82: {  	s29 =	sadd.s32 $0x10, s29;
	v57 =	vand.u32 $0xC00, v4;
	v56 =	vadd.s32 v0, v2;
	v37 =	vor.u32 v60, v3  }
0x83: {  	_ =	sdelay $0x3  }
0x84: {  	v2 =	vadd.s32 v0, v37;
	v3 =	vor.u32 v43, v57;
	v4 =	vand.u32 $0xC00, v50;
	v5 =	vld.idx.msk [tilespmem:v52+s4+$0x0], $0xffff  }
0x85: {  	v6 =	vld.idx.msk [tilespmem:v53+s4+$0x0], $0xffff;
	v7 =	vand.u32 $0xC00, v49;
	v3 =	vadd.s32 v0, v3;
	v4 =	vor.u32 v40, v4  }
0x86: {  	v8 =	vld.idx.msk [tilespmem:v54+s4+$0x0], $0xffff;
	v9 =	vand.u32 $0xC00, v51;
	v7 =	vor.u32 v39, v7;
	v4 =	vadd.s32 v0, v4  }
0x87: {  	v10 =	vld.idx.msk [tilespmem:v55+s4+$0x0], $0xffff;
	v11 =	vand.u32 $0xC00, v48;
	v9 =	vor.u32 v41, v9;
	v7 =	vadd.s32 v0, v7  }
0x88: {  	v12 =	vld.idx.msk [tilespmem:v56+s4+$0x0], $0xffff;
	v13 =	vand.u32 $0xC00, v47;
	v11 =	vor.u32 v38, v11;
	v9 =	vadd.s32 v0, v9  }
0x89: {  	v14 =	vand.u32 $0xC00, v46;
	v13 =	vor.u32 v36, v13;
	v11 =	vadd.s32 v0, v11;
	v2 =	vld.idx.msk [tilespmem:v2+s4+$0x0], $0xffff  }
0x8a: {  	v15 =	vand.u32 $0xC00, v45;
	v14 =	vor.u32 v35, v14;
	v13 =	vadd.s32 v0, v13;
	v3 =	vld.idx.msk [tilespmem:v3+s4+$0x0], $0xffff  }
0x8b: {  	v16 =	vand.u32 $0xC00, v44;
	v15 =	vor.u32 v34, v15;
	v14 =	vadd.s32 v0, v14;
	v4 =	vld.idx.msk [tilespmem:v4+s4+$0x0], $0xffff  }
0x8c: {  	v17 =	vand.u32 $0xC00, v42;
	v16 =	vor.u32 v33, v16;
	v15 =	vadd.s32 v0, v15;
	v7 =	vld.idx.msk [tilespmem:v7+s4+$0x0], $0xffff  }
0x8d: {  	v17 =	vor.u32 v32, v17;
	v16 =	vadd.s32 v0, v16;
	v9 =	vld.idx.msk [tilespmem:v9+s4+$0x0], $0xffff  }
0x8e: {  	v17 =	vadd.s32 v0, v17;
	v11 =	vld.idx.msk [tilespmem:v11+s4+$0x0], $0xffff  }
0x8f: {  	v13 =	vld.idx.msk [tilespmem:v13+s4+$0x0], $0xffff  }
0x90: {  	v14 =	vld.idx.msk [tilespmem:v14+s4+$0x0], $0xffff  }
0x91: {  	v15 =	vld.idx.msk [tilespmem:v15+s4+$0x0], $0xffff  }
0x92: {  	s1 =	sadd.s32 $0x100, s28;
	v16 =	vld.idx.msk [tilespmem:v16+s4+$0x0], $0xffff  }
0x93: {  	v17 =	vld.idx.msk [tilespmem:v17+s4+$0x0], $0xffff;
	[tilespmem:s1+$0xFFFFFF80] =	vst v6  }
0x94: {  	[tilespmem:s1+$0xFFFFFF90] =	vst v8  }
0x95: {  	[tilespmem:s1+$0xFFFFFFA0] =	vst v10  }
0x96: {  	[tilespmem:s1+$0xFFFFFFB0] =	vst v12  }
0x97: {  	[tilespmem:s1+$0x70] =	vst v5  }
0x98: {  	[tilespmem:s1+$0xFFFFFFC0] =	vst v2  }
0x99: {  	[tilespmem:s1+$0xFFFFFFD0] =	vst v3  }
0x9a: {  	[tilespmem:s1+$0x60] =	vst v9  }
0x9b: {  	[tilespmem:s1+$0xFFFFFFE0] =	vst v4  }
0x9c: {  	[tilespmem:s1+$0xFFFFFFF0] =	vst v7  }
0x9d: {  	[tilespmem:s1+$0x0] =	vst v11  }
0x9e: {  	[tilespmem:s1+$0x10] =	vst v13  }
0x9f: {  	[tilespmem:s1+$0x20] =	vst v14  }
0xa0: {  	[tilespmem:s1+$0x30] =	vst v15  }
0xa1: {  	s26 =	sshll.u32 s26, $0xA;
	[tilespmem:s1+$0x40] =	vst v16  }
0xa2: {  	s31 =	sadd.s32 s6, s26;
	[tilespmem:s1+$0x50] =	vst v17  }
0xa3: {  	[hbm4b:s31+s4] =	stream.linear.scatter [tilespmem:s14], [sflag:$0x3], $0x2000, $0x38;
	[tilespmem:$0xB000] =	vst v63  }
.LBB2_6:
0xa4: {  	s1 =	sadd.s32 s8, s25  }
0xa5: {  	p3 =	sgt.u32 s1, $0x7A0  }
.Ltmp6:
0xa6: {  	s1 =	sshll.u32 @!p3 s1, $0x9;
	(pc) =	sbr.rel @p2 .LBB2_10-.Ltmp6, $4  }
0xa7: {  	s25 =	simm.s32 @!p3 $0x0;
	s1 =	sadd.s32 @!p3 s0, s1  }
0xa8: {  	[tilespmem:s25], [sflag:$0x1] =	stream.linear.gather @!p3 [hbm4b:s1+s25], $0x1000, $0x38;
	[tilespmem:$0xB000] =	vst v63  }
0xa9: {  	s26 =	simm.s32 @!p3 $0x1400;
	s1 =	sadd.s32 @!p3 $0xF4280, s1  }
0xaa: {  	[tilespmem:s26], [sflag:$0x1] =	stream.linear.gather @!p3 [hbm4b:s1+s25], $0x1000, $0x38;
	[tilespmem:$0xB000] =	vst v63  }
0xab: {  	s1 =	simm.s32 $0xF;
	s25 =	simm.s32 $0x0;
	s30 =	simm.s32 $0x1  }
0xac: {  	s31 =	simm.s32 $0x2;
	s26 =	simm.s32 $0x3;
	s28 =	simm.s32 $0x6;
	v2 =	vmov s1;
	v3 =	vmov s25;
	v5 =	vmov s30  }
0xad: {  	s29 =	simm.s32 $0x7;
	v6 =	vmov s31;
	v7 =	vmov s26;
	s25 =	simm.s32 $0x4;
	v10 =	vmov s28  }
0xae: {  	s26 =	simm.s32 $0x5;
	s30 =	simm.s32 $0x8;
	s31 =	simm.s32 $0x9;
	v11 =	vmov s29;
	v4 =	vand.u32 $0x7F, v2;
	v8 =	vmov s25  }
0xaf: {  	s28 =	simm.s32 $0xB;
	s29 =	simm.s32 $0xC;
	v9 =	vmov s26;
	v12 =	vmov s30;
	v13 =	vmov s31  }
0xb0: {  	v15 =	vmov s28;
	v16 =	vmov s29;
	v2 =	vshll.u32 v2, $0x3  }
0xb1: {  	v19 =	vand.u32 $0x70, v3;
	v32 =	vand.u32 $0x71, v5;
	v33 =	vand.u32 $0x72, v6  }
0xb2: {  	v34 =	vand.u32 $0x73, v7;
	v38 =	vand.u32 $0x76, v10;
	v39 =	vand.u32 $0x77, v11  }
0xb3: {  	v3 =	vshll.u32 v3, $0x3;
	v5 =	vshll.u32 v5, $0x3;
	v6 =	vshll.u32 v6, $0x3  }
0xb4: {  	s26 =	simm.s32 $0xA;
	s30 =	simm.s32 $0xD;
	s31 =	simm.s32 $0xE;
	v7 =	vshll.u32 v7, $0x3;
	v10 =	vshll.u32 v10, $0x3;
	v11 =	vshll.u32 v11, $0x3  }
0xb5: {  	v14 =	vmov s26;
	v17 =	vmov s30;
	v18 =	vmov s31  }
0xb6: {  	v35 =	vand.u32 $0x74, v8;
	v36 =	vand.u32 $0x75, v9;
	v40 =	vand.u32 $0x78, v12  }
0xb7: {  	v41 =	vand.u32 $0x79, v13;
	v43 =	vand.u32 $0x7B, v15;
	v44 =	vand.u32 $0x7C, v16  }
0xb8: {  	v2 =	vand.u32 $0xC00, v2;
	v8 =	vshll.u32 v8, $0x3;
	v9 =	vshll.u32 v9, $0x3  }
0xb9: {  	v12 =	vshll.u32 v12, $0x3;
	v13 =	vshll.u32 v13, $0x3;
	v15 =	vshll.u32 v15, $0x3  }
0xba: {  	v16 =	vshll.u32 v16, $0x3;
	v3 =	vand.u32 $0xC00, v3;
	v37 =	vand.u32 $0xC00, v5  }
0xbb: {  	v47 =	vand.u32 $0xC00, v6;
	v48 =	vand.u32 $0xC00, v7;
	v51 =	vand.u32 $0xC00, v10  }
0xbc: {  	v53 =	vand.u32 $0xC00, v11;
	v42 =	vand.u32 $0x7A, v14;
	v45 =	vand.u32 $0x7D, v17  }
0xbd: {  	_ =	swait.ge [sflag:s15], $0x2000;
	v46 =	vand.u32 $0x7E, v18;
	v14 =	vshll.u32 v14, $0x3;
	v2 =	vor.u32 v4, v2  }
0xbe: {  	[sflag:s15] =	ssyncset.done $0x0;
	v17 =	vshll.u32 v17, $0x3;
	v3 =	vor.u32 v19, v3;
	v2 =	vadd.s32 v0, v2  }
0xbf: {  	s1 =	simm.s32 @!p1 $0x4;
	[sflag:s15] =	ssyncadd.s32 $0xFFFFE000;
	v18 =	vshll.u32 v18, $0x3;
	v4 =	vor.u32 v32, v37;
	v3 =	vadd.s32 v0, v3  }
0xc0: {  	_ =	swait.ge @!p1 [sflag:s1], $0x2000;
	v5 =	vor.u32 v33, v47;
	v6 =	vor.u32 v34, v48;
	v4 =	vadd.s32 v0, v4  }
0xc1: {  	[sflag:s1] =	ssyncset.done @!p1 $0x0;
	v49 =	vand.u32 $0xC00, v8;
	v50 =	vand.u32 $0xC00, v9;
	v5 =	vadd.s32 v0, v5  }
0xc2: {  	v9 =	vor.u32 v39, v53;
	v55 =	vand.u32 $0xC00, v12;
	[sflag:s1] =	ssyncadd.s32 @!p1 $0xFFFFE000;
	v6 =	vadd.s32 v0, v6  }
0xc3: {  	v56 =	vand.u32 $0xC00, v13;
	v7 =	vor.u32 v35, v49;
	v9 =	vadd.s32 v0, v9;
	v37 =	vld.idx.msk [tilespmem:v2+s16+$0x0], $0xffff  }
0xc4: {  	v58 =	vand.u32 $0xC00, v15;
	v11 =	vor.u32 v40, v55;
	v7 =	vadd.s32 v0, v7;
	v2 =	vld.idx.msk [tilespmem:v3+s16+$0x0], $0xffff  }
0xc5: {  	v59 =	vand.u32 $0xC00, v16;
	v12 =	vor.u32 v41, v56;
	v11 =	vadd.s32 v0, v11;
	v4 =	vld.idx.msk [tilespmem:v4+s16+$0x0], $0xffff  }
0xc6: {  	v57 =	vand.u32 $0xC00, v14;
	v14 =	vor.u32 v43, v58;
	v12 =	vadd.s32 v0, v12;
	v5 =	vld.idx.msk [tilespmem:v5+s16+$0x0], $0xffff  }
0xc7: {  	v54 =	vand.u32 $0xC00, v18;
	v15 =	vor.u32 v44, v59;
	v14 =	vadd.s32 v0, v14;
	v6 =	vld.idx.msk [tilespmem:v6+s16+$0x0], $0xffff  }
0xc8: {  	v52 =	vor.u32 v38, v51;
	v10 =	vor.u32 v46, v54;
	v15 =	vadd.s32 v0, v15;
	v9 =	vld.idx.msk [tilespmem:v9+s16+$0x0], $0xffff  }
0xc9: {  	s26 =	simm.s32 $0x1F;
	v60 =	vand.u32 $0xC00, v17;
	v13 =	vor.u32 v42, v57;
	v10 =	vadd.s32 v0, v10;
	v7 =	vld.idx.msk [tilespmem:v7+s16+$0x0], $0xffff  }
0xca: {  	s28 =	simm.s32 $0x10;
	v61 =	vmov s26;
	v16 =	vor.u32 v45, v60;
	v13 =	vadd.s32 v0, v13;
	v11 =	vld.idx.msk [tilespmem:v11+s16+$0x0], $0xffff  }
0xcb: {  	s30 =	simm.s32 $0x12;
	v8 =	vor.u32 v36, v50;
	v18 =	vmov s28;
	v16 =	vadd.s32 v0, v16;
	v12 =	vld.idx.msk [tilespmem:v12+s16+$0x0], $0xffff  }
0xcc: {  	s26 =	simm.s32 $0x15;
	v19 =	vand.u32 $0x7F, v61;
	v44 =	vmov s30;
	v3 =	vadd.s32 v0, v8;
	v14 =	vld.idx.msk [tilespmem:v14+s16+$0x0], $0xffff  }
0xcd: {  	s29 =	simm.s32 $0x11;
	s25 =	simm.s32 $0x14;
	s31 =	simm.s32 $0x13;
	v47 =	vmov s26;
	v17 =	vshll.u32 v61, $0x3;
	v8 =	vadd.s32 v0, v52;
	v15 =	vld.idx.msk [tilespmem:v15+s16+$0x0], $0xffff  }
0xce: {  	s28 =	simm.s32 $0x16;
	s30 =	simm.s32 $0x18;
	s26 =	simm.s32 $0x1A;
	v42 =	vmov s29;
	v45 =	vmov s31;
	v46 =	vmov s25;
	v10 =	vld.idx.msk [tilespmem:v10+s16+$0x0], $0xffff  }
0xcf: {  	v48 =	vmov s28;
	v51 =	vmov s30;
	v53 =	vmov s26;
	v13 =	vld.idx.msk [tilespmem:v13+s16+$0x0], $0xffff  }
0xd0: {  	s29 =	simm.s32 $0x17;
	s28 =	simm.s32 $0x1B;
	v59 =	vand.u32 $0x72, v44;
	v43 =	vand.u32 $0x75, v47;
	v62 =	vand.u32 $0xC00, v17;
	v16 =	vld.idx.msk [tilespmem:v16+s16+$0x0], $0xffff  }
0xd1: {  	s30 =	simm.s32 $0x1D;
	s25 =	simm.s32 $0x7080;
	v61 =	vshll.u32 v47, $0x3;
	v49 =	vmov s29;
	v54 =	vmov s28;
	v3 =	vld.idx.msk [tilespmem:v3+s16+$0x0], $0xffff  }
0xd2: {  	v56 =	vmov s30;
	v58 =	vand.u32 $0x71, v42;
	v60 =	vand.u32 $0x74, v46;
	v8 =	vld.idx.msk [tilespmem:v8+s16+$0x0], $0xffff;
	[tilespmem:s25+$0xFFFFFF80] =	vst v2  }
0xd3: {  	v40 =	vand.u32 $0x76, v48;
	v38 =	vand.u32 $0x78, v51;
	v35 =	vand.u32 $0x7A, v53;
	[tilespmem:s25+$0xFFFFFF90] =	vst v4  }
0xd4: {  	s29 =	simm.s32 $0x1C;
	v63 =	vshll.u32 v45, $0x3;
	v17 =	vshll.u32 v46, $0x3;
	v50 =	vshll.u32 v48, $0x3;
	[tilespmem:s25+$0xFFFFFFA0] =	vst v5  }
0xd5: {  	v48 =	vshll.u32 v51, $0x3;
	v46 =	vshll.u32 v53, $0x3;
	v55 =	vmov s29;
	[tilespmem:s25+$0xFFFFFFB0] =	vst v6  }
0xd6: {  	s31 =	simm.s32 $0x19;
	v39 =	vand.u32 $0x77, v49;
	v34 =	vand.u32 $0x7B, v54;
	v32 =	vand.u32 $0x7D, v56;
	[tilespmem:s25+$0xFFFFFFF0] =	vst v9  }
0xd7: {  	v49 =	vshll.u32 v49, $0x3;
	v63 =	vand.u32 $0xC00, v63;
	v52 =	vmov s31;
	s31 =	simm.s32 $0x1E;
	[tilespmem:s25+$0x70] =	vst v37  }
0xd8: {  	v33 =	vand.u32 $0x7C, v55;
	v57 =	vmov s31;
	v36 =	vand.u32 $0x79, v52;
	[tilespmem:s25+$0xFFFFFFC0] =	vst v7  }
0xd9: {  	v47 =	vshll.u32 v52, $0x3;
	v41 =	vand.u32 $0x7E, v57;
	v51 =	vshll.u32 v57, $0x3;
	[tilespmem:s25+$0x0] =	vst v11  }
0xda: {  	v57 =	vand.u32 $0xC00, v61;
	v2 =	vand.u32 $0x73, v45;
	v4 =	vshll.u32 v18, $0x3;
	[tilespmem:s25+$0x10] =	vst v12  }
0xdb: {  	v5 =	vshll.u32 v42, $0x3;
	v45 =	vshll.u32 v54, $0x3;
	v6 =	vor.u32 v19, v62;
	[tilespmem:s25+$0x30] =	vst v14  }
0xdc: {  	v4 =	vand.u32 $0xC00, v4;
	v5 =	vand.u32 $0xC00, v5;
	[tilespmem:s25+$0x60] =	vst v10;
	v10 =	vand.u32 $0x70, v18  }
0xdd: {  	v52 =	vadd.s32 v0, v6;
	v4 =	vor.u32 v10, v4;
	[tilespmem:s25+$0xFFFFFFD0] =	vst v3;
	v3 =	vshll.u32 v44, $0x3  }
0xde: {  	[tilespmem:s25+$0x40] =	vst v15;
	v62 =	vor.u32 v58, v5;
	v53 =	vadd.s32 v0, v4;
	v3 =	vand.u32 $0xC00, v3  }
0xdf: {  	v2 =	vor.u32 v2, v63;
	[tilespmem:s25+$0x20] =	vst v13;
	v54 =	vadd.s32 v0, v62;
	v3 =	vor.u32 v59, v3  }
0xe0: {  	[tilespmem:s25+$0x50] =	vst v16;
	v44 =	vshll.u32 v55, $0x3;
	v55 =	vadd.s32 v0, v3;
	v3 =	vand.u32 $0xC00, v17  }
0xe1: {  	s26 =	simm.s32 $0x2F;
	v42 =	vshll.u32 v56, $0x3;
	v56 =	vadd.s32 v0, v2;
	[tilespmem:s25+$0xFFFFFFE0] =	vst v8;
	v37 =	vor.u32 v60, v3  }
.LBB2_8:
0xe2: {  	p1 =	sne.s32 s26, $0x1FF;
	v2 =	vadd.s32 v0, v37;
	v3 =	vor.u32 v43, v57;
	v4 =	vand.u32 $0xC00, v50;
	v37 =	vld.idx.msk [tilespmem:v52+s16+$0x0], $0xffff  }
0xe3: {  	v6 =	vand.u32 $0xC00, v49;
	v5 =	vld.idx.msk [tilespmem:v53+s16+$0x0], $0xffff;
	v3 =	vadd.s32 v0, v3;
	v4 =	vor.u32 v40, v4  }
0xe4: {  	v8 =	vand.u32 $0xC00, v51;
	v6 =	vor.u32 v39, v6;
	v7 =	vld.idx.msk [tilespmem:v54+s16+$0x0], $0xffff;
	v4 =	vadd.s32 v0, v4  }
0xe5: {  	v10 =	vand.u32 $0xC00, v48;
	v8 =	vor.u32 v41, v8;
	v6 =	vadd.s32 v0, v6;
	v9 =	vld.idx.msk [tilespmem:v55+s16+$0x0], $0xffff  }
0xe6: {  	v12 =	vand.u32 $0xC00, v47;
	v10 =	vor.u32 v38, v10;
	v8 =	vadd.s32 v0, v8;
	v11 =	vld.idx.msk [tilespmem:v56+s16+$0x0], $0xffff  }
0xe7: {  	v13 =	vand.u32 $0xC00, v46;
	v12 =	vor.u32 v36, v12;
	v10 =	vadd.s32 v0, v10;
	v2 =	vld.idx.msk [tilespmem:v2+s16+$0x0], $0xffff  }
0xe8: {  	v14 =	vand.u32 $0xC00, v45;
	v13 =	vor.u32 v35, v13;
	v12 =	vadd.s32 v0, v12;
	v3 =	vld.idx.msk [tilespmem:v3+s16+$0x0], $0xffff  }
0xe9: {  	v15 =	vand.u32 $0xC00, v44;
	v14 =	vor.u32 v34, v14;
	v13 =	vadd.s32 v0, v13;
	v4 =	vld.idx.msk [tilespmem:v4+s16+$0x0], $0xffff  }
0xea: {  	v16 =	vand.u32 $0xC00, v42;
	v15 =	vor.u32 v33, v15;
	v14 =	vadd.s32 v0, v14;
	v6 =	vld.idx.msk [tilespmem:v6+s16+$0x0], $0xffff  }
0xeb: {  	s1 =	sadd.s32 $0xFFFFFFF1, s26;
	v17 =	vmov s26;
	v16 =	vor.u32 v32, v16;
	v15 =	vadd.s32 v0, v15;
	v8 =	vld.idx.msk [tilespmem:v8+s16+$0x0], $0xffff  }
0xec: {  	s28 =	sadd.s32 $0xFFFFFFF3, s26;
	s29 =	sadd.s32 $0xFFFFFFF4, s26;
	v18 =	vmov s1;
	s1 =	sadd.s32 $0xFFFFFFF2, s26;
	v19 =	vand.u32 $0x7F, v17;
	v16 =	vadd.s32 v0, v16;
	v10 =	vld.idx.msk [tilespmem:v10+s16+$0x0], $0xffff  }
0xed: {  	v44 =	vmov s28;
	v45 =	vmov s29;
	s28 =	sadd.s32 $0xFFFFFFF6, s26;
	s29 =	sadd.s32 $0xFFFFFFF7, s26;
	v42 =	vmov s1;
	s1 =	sadd.s32 $0xFFFFFFF5, s26;
	v12 =	vld.idx.msk [tilespmem:v12+s16+$0x0], $0xffff  }
0xee: {  	v47 =	vmov s28;
	v48 =	vmov s29;
	s28 =	sadd.s32 $0xFFFFFFF9, s26;
	s29 =	sadd.s32 $0xFFFFFFFA, s26;
	v46 =	vmov s1;
	s1 =	sadd.s32 $0xFFFFFFF8, s26;
	v13 =	vld.idx.msk [tilespmem:v13+s16+$0x0], $0xffff  }
0xef: {  	v51 =	vmov s28;
	v52 =	vmov s29;
	s28 =	sadd.s32 $0xFFFFFFFC, s26;
	s29 =	sadd.s32 $0xFFFFFFFD, s26;
	v49 =	vmov s1;
	s1 =	sadd.s32 $0xFFFFFFFB, s26;
	v14 =	vld.idx.msk [tilespmem:v14+s16+$0x0], $0xffff  }
0xf0: {  	s25 =	sadd.s32 $0x100, s25;
	v54 =	vmov s28;
	v55 =	vmov s29;
	s28 =	sadd.s32 $0xFFFFFFFF, s26;
	v53 =	vmov s1;
	s1 =	sadd.s32 $0xFFFFFFFE, s26;
	v15 =	vld.idx.msk [tilespmem:v15+s16+$0x0], $0xffff  }
0xf1: {  	v17 =	vshll.u32 v17, $0x3;
	v57 =	vmov s28;
	v56 =	vmov s1;
	v16 =	vld.idx.msk [tilespmem:v16+s16+$0x0], $0xffff;
	[tilespmem:s25+$0x60] =	vst v8  }
0xf2: {  	v59 =	vand.u32 $0x72, v44;
	v58 =	vand.u32 $0x71, v42;
	v8 =	vand.u32 $0x70, v18;
	[tilespmem:s25+$0xFFFFFF80] =	vst v5  }
0xf3: {  	v43 =	vand.u32 $0x75, v47;
	v60 =	vand.u32 $0x74, v46;
	v5 =	vand.u32 $0x73, v45;
	[tilespmem:s25+$0xFFFFFF90] =	vst v7  }
0xf4: {  	v40 =	vand.u32 $0x76, v48;
	v38 =	vand.u32 $0x78, v51;
	v39 =	vand.u32 $0x77, v49;
	[tilespmem:s25+$0xFFFFFFA0] =	vst v9  }
0xf5: {  	v36 =	vand.u32 $0x79, v52;
	v34 =	vand.u32 $0x7B, v54;
	v35 =	vand.u32 $0x7A, v53;
	[tilespmem:s25+$0xFFFFFFB0] =	vst v11  }
0xf6: {  	v33 =	vand.u32 $0x7C, v55;
	v41 =	vand.u32 $0x7E, v57;
	v32 =	vand.u32 $0x7D, v56;
	[tilespmem:s25+$0xFFFFFFC0] =	vst v2  }
0xf7: {  	v7 =	vshll.u32 v42, $0x3;
	v9 =	vand.u32 $0xC00, v17;
	v2 =	vshll.u32 v18, $0x3;
	[tilespmem:s25+$0xFFFFFFD0] =	vst v3  }
0xf8: {  	v17 =	vshll.u32 v46, $0x3;
	v11 =	vshll.u32 v45, $0x3;
	v3 =	vshll.u32 v44, $0x3;
	[tilespmem:s25+$0xFFFFFFE0] =	vst v4  }
0xf9: {  	v50 =	vshll.u32 v48, $0x3;
	v49 =	vshll.u32 v49, $0x3;
	v4 =	vshll.u32 v47, $0x3;
	[tilespmem:s25+$0xFFFFFFF0] =	vst v6  }
0xfa: {  	v48 =	vshll.u32 v51, $0x3;
	v46 =	vshll.u32 v53, $0x3;
	v47 =	vshll.u32 v52, $0x3;
	[tilespmem:s25+$0x0] =	vst v10  }
0xfb: {  	v42 =	vshll.u32 v56, $0x3;
	v45 =	vshll.u32 v54, $0x3;
	v44 =	vshll.u32 v55, $0x3;
	[tilespmem:s25+$0x10] =	vst v12  }
0xfc: {  	v51 =	vshll.u32 v57, $0x3;
	v2 =	vand.u32 $0xC00, v2;
	v6 =	vor.u32 v19, v9;
	[tilespmem:s25+$0x20] =	vst v13  }
.Ltmp7:
0xfd: {  	v7 =	vand.u32 $0xC00, v7;
	v2 =	vor.u32 v8, v2;
	v52 =	vadd.s32 v0, v6;
	[tilespmem:s25+$0x30] =	vst v14;
	(pc) =	sbr.rel @p1 .LBB2_8-.Ltmp7, $4  }
0xfe: {  	v3 =	vand.u32 $0xC00, v3;
	v53 =	vadd.s32 v0, v2;
	v2 =	vor.u32 v58, v7;
	[tilespmem:s25+$0x40] =	vst v15  }
0xff: {  	v54 =	vadd.s32 v0, v2;
	v2 =	vor.u32 v59, v3;
	v3 =	vand.u32 $0xC00, v11;
	[tilespmem:s25+$0x50] =	vst v16  }
0x100: {  	v55 =	vadd.s32 v0, v2;
	v2 =	vor.u32 v5, v3;
	v3 =	vand.u32 $0xC00, v17;
	[tilespmem:s25+$0x70] =	vst v37  }
0x101: {  	s26 =	sadd.s32 $0x10, s26;
	v57 =	vand.u32 $0xC00, v4;
	v56 =	vadd.s32 v0, v2;
	v37 =	vor.u32 v60, v3  }
0x102: {  	_ =	sdelay $0x3  }
0x103: {  	v2 =	vadd.s32 v0, v37;
	v3 =	vor.u32 v43, v57;
	v4 =	vand.u32 $0xC00, v50;
	v5 =	vld.idx.msk [tilespmem:v52+s16+$0x0], $0xffff  }
0x104: {  	v6 =	vld.idx.msk [tilespmem:v53+s16+$0x0], $0xffff;
	v7 =	vand.u32 $0xC00, v49;
	v3 =	vadd.s32 v0, v3;
	v4 =	vor.u32 v40, v4  }
0x105: {  	v8 =	vld.idx.msk [tilespmem:v54+s16+$0x0], $0xffff;
	v9 =	vand.u32 $0xC00, v51;
	v7 =	vor.u32 v39, v7;
	v4 =	vadd.s32 v0, v4  }
0x106: {  	v10 =	vld.idx.msk [tilespmem:v55+s16+$0x0], $0xffff;
	v11 =	vand.u32 $0xC00, v48;
	v9 =	vor.u32 v41, v9;
	v7 =	vadd.s32 v0, v7  }
0x107: {  	v12 =	vld.idx.msk [tilespmem:v56+s16+$0x0], $0xffff;
	v13 =	vand.u32 $0xC00, v47;
	v11 =	vor.u32 v38, v11;
	v9 =	vadd.s32 v0, v9  }
0x108: {  	v14 =	vand.u32 $0xC00, v46;
	v13 =	vor.u32 v36, v13;
	v11 =	vadd.s32 v0, v11;
	v2 =	vld.idx.msk [tilespmem:v2+s16+$0x0], $0xffff  }
0x109: {  	v15 =	vand.u32 $0xC00, v45;
	v14 =	vor.u32 v35, v14;
	v13 =	vadd.s32 v0, v13;
	v3 =	vld.idx.msk [tilespmem:v3+s16+$0x0], $0xffff  }
0x10a: {  	v16 =	vand.u32 $0xC00, v44;
	v15 =	vor.u32 v34, v15;
	v14 =	vadd.s32 v0, v14;
	v4 =	vld.idx.msk [tilespmem:v4+s16+$0x0], $0xffff  }
0x10b: {  	v17 =	vand.u32 $0xC00, v42;
	v16 =	vor.u32 v33, v16;
	v15 =	vadd.s32 v0, v15;
	v7 =	vld.idx.msk [tilespmem:v7+s16+$0x0], $0xffff  }
0x10c: {  	v17 =	vor.u32 v32, v17;
	v16 =	vadd.s32 v0, v16;
	v9 =	vld.idx.msk [tilespmem:v9+s16+$0x0], $0xffff  }
0x10d: {  	v17 =	vadd.s32 v0, v17;
	v11 =	vld.idx.msk [tilespmem:v11+s16+$0x0], $0xffff  }
0x10e: {  	v13 =	vld.idx.msk [tilespmem:v13+s16+$0x0], $0xffff  }
0x10f: {  	v14 =	vld.idx.msk [tilespmem:v14+s16+$0x0], $0xffff  }
0x110: {  	v15 =	vld.idx.msk [tilespmem:v15+s16+$0x0], $0xffff  }
0x111: {  	s1 =	sadd.s32 $0x100, s25;
	v16 =	vld.idx.msk [tilespmem:v16+s16+$0x0], $0xffff  }
0x112: {  	v17 =	vld.idx.msk [tilespmem:v17+s16+$0x0], $0xffff;
	[tilespmem:s1+$0xFFFFFF80] =	vst v6  }
0x113: {  	[tilespmem:s1+$0xFFFFFF90] =	vst v8  }
0x114: {  	[tilespmem:s1+$0xFFFFFFA0] =	vst v10  }
0x115: {  	[tilespmem:s1+$0xFFFFFFB0] =	vst v12  }
0x116: {  	[tilespmem:s1+$0x70] =	vst v5  }
0x117: {  	[tilespmem:s1+$0xFFFFFFC0] =	vst v2  }
0x118: {  	[tilespmem:s1+$0xFFFFFFD0] =	vst v3  }
0x119: {  	[tilespmem:s1+$0x60] =	vst v9  }
0x11a: {  	[tilespmem:s1+$0xFFFFFFE0] =	vst v4  }
0x11b: {  	[tilespmem:s1+$0xFFFFFFF0] =	vst v7  }
0x11c: {  	[tilespmem:s1+$0x0] =	vst v11  }
0x11d: {  	[tilespmem:s1+$0x10] =	vst v13  }
.Ltmp8:
0x11e: {  	[tilespmem:s1+$0x20] =	vst v14;
	(pc) =	sbr.rel .LBB2_10-.Ltmp8, $4  }
0x11f: {  	[tilespmem:s1+$0x30] =	vst v15  }
0x120: {  	s24 =	sshll.u32 s24, $0xA;
	[tilespmem:s1+$0x40] =	vst v16  }
0x121: {  	s31 =	sadd.s32 s6, s24;
	[tilespmem:s1+$0x50] =	vst v17  }
0x122: {  	[hbm4b:s31+s4] =	stream.linear.scatter [tilespmem:s17], [sflag:$0x4], $0x2000, $0x38;
	[tilespmem:$0xB000] =	vst v63  }
.LBB2_11:
0x123: {  	_ =	swait.ge [sflag:s18], $0x2000  }
.Ltmp9:
0x124: {  	[sflag:s18] =	ssyncset.done $0x0;
	(pc) =	sbr.rel @p0 .LBB2_13-.Ltmp9, $4  }
0x125: {  	[sflag:s18] =	ssyncadd.s32 $0xFFFFE000  }
0x126: {  	_ =	swait.ge [sflag:s19], $0x2000  }
0x127: {  	[sflag:s19] =	ssyncset.done $0x0  }
0x128: {  	[sflag:s19] =	ssyncadd.s32 $0xFFFFE000  }
0x129: {  	[tilespmem:s20], [sflag:$0x5] =	stream.linear.gather [hbm4b:s2+s4], $0x2000, $0x38;
	[tilespmem:$0xB000] =	vst v63  }
0x12a: {  	_ =	swait.ge [sflag:s21], $0x2000  }
0x12b: {  	[sflag:s21] =	ssyncset.done $0x0  }
0x12c: {  	[sflag:s21] =	ssyncadd.s32 $0xFFFFE000  }
0x12d: {  	v2 =	vld [tilespmem:$0x9000];
	_ =	sdelay $0x2  }
0x12e: {  	v3 =	vld [tilespmem:$0x1FEE0];
	_ =	sdelay $0x1  }
0x12f: {  	[tilespmem:v1+s14+$0x0] =	vst.idx.msk $0xffff, v2  }
0x130: {  	v2 =	vld [tilespmem:$0x9080];
	_ =	sdelay $0x4  }
0x131: {  	[tilespmem:v3+s14+$0x0] =	vst.idx.msk $0xffff, v2;
	v3 =	vld [tilespmem:$0x1FEF0];
	_ =	sdelay $0x2  }
0x132: {  	v2 =	vld [tilespmem:$0x9100];
	_ =	sdelay $0x4  }
0x133: {  	[tilespmem:v3+s14+$0x0] =	vst.idx.msk $0xffff, v2;
	v3 =	vld [tilespmem:$0x1FF00];
	_ =	sdelay $0x2  }
0x134: {  	v2 =	vld [tilespmem:$0x9180];
	_ =	sdelay $0x4  }
0x135: {  	[tilespmem:v3+s14+$0x0] =	vst.idx.msk $0xffff, v2;
	v3 =	vld [tilespmem:$0x1FF10];
	_ =	sdelay $0x2  }
0x136: {  	v2 =	vld [tilespmem:$0x9200];
	_ =	sdelay $0x4  }
0x137: {  	[tilespmem:v3+s14+$0x0] =	vst.idx.msk $0xffff, v2;
	v3 =	vld [tilespmem:$0x1FF20];
	_ =	sdelay $0x2  }
0x138: {  	v2 =	vld [tilespmem:$0x9280];
	_ =	sdelay $0x4  }
0x139: {  	[tilespmem:v3+s14+$0x0] =	vst.idx.msk $0xffff, v2;
	v3 =	vld [tilespmem:$0x1FF30];
	_ =	sdelay $0x2  }
0x13a: {  	v2 =	vld [tilespmem:$0x9300];
	_ =	sdelay $0x4  }
0x13b: {  	[tilespmem:v3+s14+$0x0] =	vst.idx.msk $0xffff, v2;
	v3 =	vld [tilespmem:$0x1FF40];
	_ =	sdelay $0x2  }
0x13c: {  	v2 =	vld [tilespmem:$0x9380];
	_ =	sdelay $0x4  }
0x13d: {  	[tilespmem:v3+s14+$0x0] =	vst.idx.msk $0xffff, v2;
	v3 =	vld [tilespmem:$0x1FF50];
	_ =	sdelay $0x2  }
0x13e: {  	v2 =	vld [tilespmem:$0x9400];
	_ =	sdelay $0x4  }
0x13f: {  	[tilespmem:v3+s14+$0x0] =	vst.idx.msk $0xffff, v2;
	v3 =	vld [tilespmem:$0x1FF60];
	_ =	sdelay $0x2  }
0x140: {  	v2 =	vld [tilespmem:$0x9480];
	_ =	sdelay $0x4  }
0x141: {  	[tilespmem:v3+s14+$0x0] =	vst.idx.msk $0xffff, v2;
	v3 =	vld [tilespmem:$0x1FF70];
	_ =	sdelay $0x2  }
0x142: {  	v2 =	vld [tilespmem:$0x9500];
	_ =	sdelay $0x4  }
0x143: {  	[tilespmem:v3+s14+$0x0] =	vst.idx.msk $0xffff, v2;
	v3 =	vld [tilespmem:$0x1FF80];
	_ =	sdelay $0x2  }
0x144: {  	v2 =	vld [tilespmem:$0x9580];
	_ =	sdelay $0x4  }
0x145: {  	[tilespmem:v3+s14+$0x0] =	vst.idx.msk $0xffff, v2;
	v3 =	vld [tilespmem:$0x1FF90];
	_ =	sdelay $0x2  }
0x146: {  	v2 =	vld [tilespmem:$0x9600];
	_ =	sdelay $0x4  }
0x147: {  	[tilespmem:v3+s14+$0x0] =	vst.idx.msk $0xffff, v2;
	v3 =	vld [tilespmem:$0x1FFA0];
	_ =	sdelay $0x2  }
0x148: {  	v2 =	vld [tilespmem:$0x9680];
	_ =	sdelay $0x4  }
0x149: {  	[tilespmem:v3+s14+$0x0] =	vst.idx.msk $0xffff, v2;
	v3 =	vld [tilespmem:$0x1FFB0];
	_ =	sdelay $0x2  }
0x14a: {  	v2 =	vld [tilespmem:$0x9700];
	_ =	sdelay $0x4  }
0x14b: {  	[tilespmem:v3+s14+$0x0] =	vst.idx.msk $0xffff, v2;
	v3 =	vld [tilespmem:$0x1FFC0];
	_ =	sdelay $0x2  }
0x14c: {  	v2 =	vld [tilespmem:$0x9780];
	_ =	sdelay $0x4  }
0x14d: {  	[tilespmem:v3+s14+$0x0] =	vst.idx.msk $0xffff, v2;
	v3 =	vld [tilespmem:$0x1FFD0];
	_ =	sdelay $0x2  }
0x14e: {  	v2 =	vld [tilespmem:$0x9800];
	_ =	sdelay $0x4  }
0x14f: {  	[tilespmem:v3+s14+$0x0] =	vst.idx.msk $0xffff, v2;
	v3 =	vld [tilespmem:$0x1FFE0];
	_ =	sdelay $0x2  }
0x150: {  	v2 =	vld [tilespmem:$0x9880];
	_ =	sdelay $0x4  }
0x151: {  	[tilespmem:v3+s14+$0x0] =	vst.idx.msk $0xffff, v2;
	v3 =	vld [tilespmem:$0x1FFF0];
	_ =	sdelay $0x2  }
0x152: {  	v2 =	vld [tilespmem:$0x9900];
	_ =	sdelay $0x4  }
0x153: {  	[tilespmem:v3+s14+$0x0] =	vst.idx.msk $0xffff, v2  }
0x154: {  	v2 =	vld [tilespmem:$0x9980];
	_ =	sdelay $0x4  }
0x155: {  	[tilespmem:v20+s14+$0x0] =	vst.idx.msk $0xffff, v2  }
0x156: {  	v2 =	vld [tilespmem:$0x9A00];
	_ =	sdelay $0x4  }
0x157: {  	[tilespmem:v21+s14+$0x0] =	vst.idx.msk $0xffff, v2  }
0x158: {  	v2 =	vld [tilespmem:$0x9A80];
	_ =	sdelay $0x4  }
0x159: {  	[tilespmem:v22+s14+$0x0] =	vst.idx.msk $0xffff, v2  }
0x15a: {  	v2 =	vld [tilespmem:$0x9B00];
	_ =	sdelay $0x4  }
0x15b: {  	[tilespmem:v23+s14+$0x0] =	vst.idx.msk $0xffff, v2  }
0x15c: {  	v2 =	vld [tilespmem:$0x9B80];
	_ =	sdelay $0x4  }
0x15d: {  	[tilespmem:v24+s14+$0x0] =	vst.idx.msk $0xffff, v2  }
0x15e: {  	v2 =	vld [tilespmem:$0x9C00];
	_ =	sdelay $0x4  }
0x15f: {  	[tilespmem:v25+s14+$0x0] =	vst.idx.msk $0xffff, v2  }
0x160: {  	v2 =	vld [tilespmem:$0x9C80];
	_ =	sdelay $0x4  }
0x161: {  	[tilespmem:v26+s14+$0x0] =	vst.idx.msk $0xffff, v2  }
0x162: {  	v2 =	vld [tilespmem:$0x9D00];
	_ =	sdelay $0x4  }
0x163: {  	[tilespmem:v27+s14+$0x0] =	vst.idx.msk $0xffff, v2  }
0x164: {  	v2 =	vld [tilespmem:$0x9D80];
	_ =	sdelay $0x4  }
0x165: {  	[tilespmem:v28+s14+$0x0] =	vst.idx.msk $0xffff, v2  }
0x166: {  	v2 =	vld [tilespmem:$0x9E00];
	_ =	sdelay $0x4  }
0x167: {  	[tilespmem:v29+s14+$0x0] =	vst.idx.msk $0xffff, v2  }
0x168: {  	v2 =	vld [tilespmem:$0x9E80];
	_ =	sdelay $0x4  }
0x169: {  	[tilespmem:v30+s14+$0x0] =	vst.idx.msk $0xffff, v2  }
0x16a: {  	v2 =	vld [tilespmem:$0x9F00];
	_ =	sdelay $0x4  }
0x16b: {  	[tilespmem:v31+s14+$0x0] =	vst.idx.msk $0xffff, v2  }
0x16c: {  	v3 =	vor.u32 $0x1F0, v1;
	v2 =	vld [tilespmem:$0x9F80];
	_ =	sdelay $0x4  }
0x16d: {  	[tilespmem:v3+s14+$0x0] =	vst.idx.msk $0xffff, v2  }
0x16e: {  	v3 =	vor.u32 $0x200, v1;
	v2 =	vld [tilespmem:$0xA000];
	_ =	sdelay $0x4  }
0x16f: {  	[tilespmem:v3+s14+$0x0] =	vst.idx.msk $0xffff, v2  }
0x170: {  	v3 =	vor.u32 $0x210, v1;
	v2 =	vld [tilespmem:$0xA080];
	_ =	sdelay $0x4  }
0x171: {  	[tilespmem:v3+s14+$0x0] =	vst.idx.msk $0xffff, v2  }
0x172: {  	v3 =	vor.u32 $0x220, v1;
	v2 =	vld [tilespmem:$0xA100];
	_ =	sdelay $0x4  }
0x173: {  	[tilespmem:v3+s14+$0x0] =	vst.idx.msk $0xffff, v2  }
0x174: {  	v3 =	vor.u32 $0x230, v1;
	v2 =	vld [tilespmem:$0xA180];
	_ =	sdelay $0x4  }
0x175: {  	[tilespmem:v3+s14+$0x0] =	vst.idx.msk $0xffff, v2  }
0x176: {  	v3 =	vor.u32 $0x240, v1;
	v2 =	vld [tilespmem:$0xA200];
	_ =	sdelay $0x4  }
0x177: {  	[tilespmem:v3+s14+$0x0] =	vst.idx.msk $0xffff, v2  }
0x178: {  	v3 =	vor.u32 $0x250, v1;
	v2 =	vld [tilespmem:$0xA280];
	_ =	sdelay $0x4  }
0x179: {  	[tilespmem:v3+s14+$0x0] =	vst.idx.msk $0xffff, v2  }
0x17a: {  	v3 =	vor.u32 $0x260, v1;
	v2 =	vld [tilespmem:$0xA300];
	_ =	sdelay $0x4  }
0x17b: {  	[tilespmem:v3+s14+$0x0] =	vst.idx.msk $0xffff, v2  }
0x17c: {  	v3 =	vor.u32 $0x270, v1;
	v2 =	vld [tilespmem:$0xA380];
	_ =	sdelay $0x4  }
0x17d: {  	[tilespmem:v3+s14+$0x0] =	vst.idx.msk $0xffff, v2  }
0x17e: {  	v3 =	vor.u32 $0x280, v1;
	v2 =	vld [tilespmem:$0xA400];
	_ =	sdelay $0x4  }
0x17f: {  	[tilespmem:v3+s14+$0x0] =	vst.idx.msk $0xffff, v2  }
0x180: {  	v3 =	vor.u32 $0x290, v1;
	v2 =	vld [tilespmem:$0xA480];
	_ =	sdelay $0x4  }
0x181: {  	[tilespmem:v3+s14+$0x0] =	vst.idx.msk $0xffff, v2  }
0x182: {  	v3 =	vor.u32 $0x2A0, v1;
	v2 =	vld [tilespmem:$0xA500];
	_ =	sdelay $0x4  }
0x183: {  	[tilespmem:v3+s14+$0x0] =	vst.idx.msk $0xffff, v2  }
0x184: {  	v3 =	vor.u32 $0x2B0, v1;
	v2 =	vld [tilespmem:$0xA580];
	_ =	sdelay $0x4  }
0x185: {  	[tilespmem:v3+s14+$0x0] =	vst.idx.msk $0xffff, v2  }
0x186: {  	v3 =	vor.u32 $0x2C0, v1;
	v2 =	vld [tilespmem:$0xA600];
	_ =	sdelay $0x4  }
0x187: {  	[tilespmem:v3+s14+$0x0] =	vst.idx.msk $0xffff, v2  }
0x188: {  	v3 =	vor.u32 $0x2D0, v1;
	v2 =	vld [tilespmem:$0xA680];
	_ =	sdelay $0x4  }
0x189: {  	[tilespmem:v3+s14+$0x0] =	vst.idx.msk $0xffff, v2  }
0x18a: {  	v3 =	vor.u32 $0x2E0, v1;
	v2 =	vld [tilespmem:$0xA700];
	_ =	sdelay $0x4  }
0x18b: {  	[tilespmem:v3+s14+$0x0] =	vst.idx.msk $0xffff, v2  }
0x18c: {  	v3 =	vor.u32 $0x2F0, v1;
	v2 =	vld [tilespmem:$0xA780];
	_ =	sdelay $0x4  }
0x18d: {  	[tilespmem:v3+s14+$0x0] =	vst.idx.msk $0xffff, v2  }
0x18e: {  	v3 =	vor.u32 $0x300, v1;
	v2 =	vld [tilespmem:$0xA800];
	_ =	sdelay $0x4  }
0x18f: {  	[tilespmem:v3+s14+$0x0] =	vst.idx.msk $0xffff, v2  }
0x190: {  	v3 =	vor.u32 $0x310, v1;
	v2 =	vld [tilespmem:$0xA880];
	_ =	sdelay $0x4  }
0x191: {  	[tilespmem:v3+s14+$0x0] =	vst.idx.msk $0xffff, v2  }
0x192: {  	v3 =	vor.u32 $0x320, v1;
	v2 =	vld [tilespmem:$0xA900];
	_ =	sdelay $0x4  }
0x193: {  	[tilespmem:v3+s14+$0x0] =	vst.idx.msk $0xffff, v2  }
0x194: {  	v3 =	vor.u32 $0x330, v1;
	v2 =	vld [tilespmem:$0xA980];
	_ =	sdelay $0x4  }
0x195: {  	[tilespmem:v3+s14+$0x0] =	vst.idx.msk $0xffff, v2  }
0x196: {  	v3 =	vor.u32 $0x340, v1;
	v2 =	vld [tilespmem:$0xAA00];
	_ =	sdelay $0x4  }
0x197: {  	[tilespmem:v3+s14+$0x0] =	vst.idx.msk $0xffff, v2  }
0x198: {  	v3 =	vor.u32 $0x350, v1;
	v2 =	vld [tilespmem:$0xAA80];
	_ =	sdelay $0x4  }
0x199: {  	[tilespmem:v3+s14+$0x0] =	vst.idx.msk $0xffff, v2  }
0x19a: {  	v3 =	vor.u32 $0x360, v1;
	v2 =	vld [tilespmem:$0xAB00];
	_ =	sdelay $0x4  }
0x19b: {  	[tilespmem:v3+s14+$0x0] =	vst.idx.msk $0xffff, v2  }
0x19c: {  	v3 =	vor.u32 $0x370, v1;
	v2 =	vld [tilespmem:$0xAB80];
	_ =	sdelay $0x4  }
0x19d: {  	[tilespmem:v3+s14+$0x0] =	vst.idx.msk $0xffff, v2  }
0x19e: {  	v3 =	vor.u32 $0x380, v1;
	v2 =	vld [tilespmem:$0xAC00];
	_ =	sdelay $0x4  }
0x19f: {  	[tilespmem:v3+s14+$0x0] =	vst.idx.msk $0xffff, v2  }
0x1a0: {  	v3 =	vor.u32 $0x390, v1;
	v2 =	vld [tilespmem:$0xAC80];
	_ =	sdelay $0x4  }
0x1a1: {  	[tilespmem:v3+s14+$0x0] =	vst.idx.msk $0xffff, v2  }
0x1a2: {  	v3 =	vor.u32 $0x3A0, v1;
	v2 =	vld [tilespmem:$0xAD00];
	_ =	sdelay $0x4  }
0x1a3: {  	[tilespmem:v3+s14+$0x0] =	vst.idx.msk $0xffff, v2  }
0x1a4: {  	v3 =	vor.u32 $0x3B0, v1;
	v2 =	vld [tilespmem:$0xAD80];
	_ =	sdelay $0x4  }
0x1a5: {  	[tilespmem:v3+s14+$0x0] =	vst.idx.msk $0xffff, v2  }
0x1a6: {  	v3 =	vor.u32 $0x3C0, v1;
	v2 =	vld [tilespmem:$0xAE00];
	_ =	sdelay $0x4  }
0x1a7: {  	[tilespmem:v3+s14+$0x0] =	vst.idx.msk $0xffff, v2  }
0x1a8: {  	v3 =	vor.u32 $0x3D0, v1;
	v2 =	vld [tilespmem:$0xAE80];
	_ =	sdelay $0x4  }
0x1a9: {  	[tilespmem:v3+s14+$0x0] =	vst.idx.msk $0xffff, v2  }
0x1aa: {  	v3 =	vor.u32 $0x3E0, v1;
	v2 =	vld [tilespmem:$0xAF00];
	_ =	sdelay $0x4  }
0x1ab: {  	[tilespmem:v3+s14+$0x0] =	vst.idx.msk $0xffff, v2  }
0x1ac: {  	v3 =	vor.u32 $0x3F0, v1;
	v2 =	vld [tilespmem:$0xAF80];
	_ =	sdelay $0x4  }
.Ltmp10:
0x1ad: {  	[tilespmem:v3+s14+$0x0] =	vst.idx.msk $0xffff, v2;
	(pc) =	sbr.rel .LBB2_13-.Ltmp10, $4  }
0x1ae: {  	[hbm4b:s9+s4] =	stream.linear.scatter [tilespmem:s14], [sflag:$0x5], $0x400, $0x38;
	[tilespmem:$0xB000] =	vst v63  }
0x1af: {  	_ =	swait.ge [sflag:s21], $0x400  }
0x1b0: {  	[sflag:s21] =	ssyncset.done $0x0  }
0x1b1: {  	[sflag:s21] =	ssyncadd.s32 $0xFFFFFC00  }
.LBB2_14:
0x1b2: {  	_ =	sfence.sel $0x180000  }
0x1b3: {  	[bflag:$0x0] =	sbarrier.arrive $0xFFFF  }
0x1b4: {  	_ =	strace $0x90000047  }
0x1b5: {  	[bflag:$0x2] =	sbarrier.arrive $0xFFFF  }
0x1b6: {  	p0 =	sne.s32 s3, $0x0;
	s0 =	rddreg [dreg:$0x3]  }
0x1b7: {  	s0 =	sadd.s32 @!p0 $0x100000, s0  }
0x1b8: {  	[sflag:s0] =	ssyncadd.tile.s32 @!p0 $0x1;
	_ =	shalt  }
.Lfunc_end2:
_tile_overlayer_lowered:
.L_overlay_start_2:
0x1b9: {  	(tag) =	ssettag $0x2  }
0x1ba: {  	s0 =	rddreg [dreg:$0x0];
	s2 =	stileid.u32  }
0x1bb: {  	s1 =	rddreg [dreg:$0x1];
	p0 =	sne.s32 s2, $0x0  }
0x1bc: {  	s3 =	rddreg [dreg:$0x2];
	[bflag:$0x3] =	sbarrier.arrive $0xFFFF;
	s2 =	simm.s32 @!p0 $0x1C05  }
0x1bd: {  	[timem:s3], [sflag:s2] =	dma.local @!p0 [hbm:s0], s1  }
0x1be: {  	s0 =	simm.s32 @!p0 $0x5  }
0x1bf: {  	_ =	swait.ge @!p0 [sflag:s0], s1  }
0x1c0: {  	s1 =	ssub.s32 @!p0 $0x0, s1;
	[sflag:s0] =	ssyncset.done @!p0 $0x0  }
0x1c1: {  	[sflag:s0] =	ssyncadd.s32 @!p0 s1  }
0x1c2: {  	[bflag:$0x3] =	sbarrier.arrive $0xFFFF  }
0x1c3: {  	_ =	shalt  }

// kernel: kernel.7.cloned.1.call-start
scs
__scs_entry_jumppad:
0x0: {  	(pc) =	sbr.rel $0x88, $3  }
0x1: {  	(tag) =	ssettag $0x0;
	lr =	simm.s32 $0x1  }
0x2: {  	[smem:$0x3F9E] =	sst lr;
	_ =	strace $0xD0000000  }
0x3: {  	_ = 	snop  }
0x4: {  	_ = 	snop  }
0x5: {  	_ = 	snop  }
0x6: {  	_ = 	snop  }
0x7: {  	_ = 	snop  }
__scs_overlays_trampoline_lowered:
0x8: {  	[smem:$0x3FAD] =	sst s0  }
0x9: {  	[smem:$0x3FAE] =	sst s1  }
0xa: {  	[smem:$0x3FAF] =	sst s2  }
0xb: {  	[smem:$0x3FB0] =	sst s3  }
0xc: {  	[smem:$0x3FB1] =	sst s4  }
0xd: {  	[smem:$0x3FB2] =	sst s5  }
0xe: {  	[smem:$0x3FB3] =	sst s6  }
0xf: {  	[smem:$0x3FB4] =	sst s7  }
0x10: {  	[smem:$0x3FB5] =	sst s8  }
0x11: {  	[smem:$0x3FB6] =	sst s9;
	s0 =	simm.s32 @!p0 $0x0  }
0x12: {  	s1 =	sld [smem:$0x3F9C];
	s0 =	simm.s32 @p0 $0x1  }
0x13: {  	[smem:$0x3FB7] =	sst s0;
	s0 =	simm.s32 @!p1 $0x0  }
0x14: {  	s2 =	sld [smem:$0x3F9B];
	s0 =	simm.s32 @p1 $0x1  }
0x15: {  	[smem:$0x3FB8] =	sst s0;
	s0 =	simm.s32 @!p2 $0x0  }
0x16: {  	s3 =	sld [smem:$0x3FDB];
	s0 =	simm.s32 @p2 $0x1  }
0x17: {  	s4 =	simm.s32 $0x1BF5;
	[smem:$0x3FBA] =	sst s0  }
0x18: {  	s0 =	sld [smem:$0x3F9D];
	_ =	swait.ge [sflag:s4], $0x0  }
0x19: {  	s7 =	sld [smem:$0x3F9E]  }
0x1a: {  	s8 =	sadd.s32 $0xFFFFE003, lr  }
0x1b: {  	s9 =	sadd.s32 $0xFFFFFEF7, lr;
	s5 =	simm.s32 $0xFFFFFFFF;
	p2 =	slt.u32 s8, $0xFFFFF086  }
0x1c: {  	p1 =	slt.u32 s9, $0xF7A;
	s5 =	simm.s32 @!p2 $0x0  }
0x1d: {  	s5 =	simm.s32 @p1 $0x1;
	p0 =	seq.s32 s7, s2  }
0x1e: {  	s7 =	smul.u32 @!p0 $0xF7A, s2;
	p2 =	seq.s32 @!p0 s5, $0x0  }
0x1f: {  	s9 =	smul.u32 $0xF7A, s1;
	s8 =	simm.s32 @!p0 $0x1BF5;
	p2 =	por !p2, p0  }
0x20: {  	[sflag:s8] =	ssyncset.s32 @!p0 $0xFFFFF086;
	s6 =	sadd.s32 @!p0 s3, s7;
	s7 =	simm.s32 @!p0 $0x108  }
0x21: {  	s3 =	sadd.s32 s3, s9;
	s6 =	sadd.s32 @!p0 $0x88, s6;
	s7 =	simm.s32 @p2 $0x1082  }
0x22: {  	[simem:s7], [sflag:s8] =	dma.local @!p0 [hbm:s6], $0xF7A  }
0x23: {  	s9 =	sor.u32 $0xD0000000, s2;
	s6 =	simm.s32 $0x108;
	_ =	swait.ge @!p0 [sflag:s8], $0x0  }
0x24: {  	s3 =	sadd.s32 $0x88, s3;
	s6 =	simm.s32 @!p1 $0x1082;
	[sflag:s4] =	ssyncset.s32 $0xFFFFF086  }
0x25: {  	[simem:s6], [sflag:s4] =	dma.local [hbm:s3], $0xF7A  }
0x26: {  	[smem:$0x3F9E] =	sst s1;
	(tag) =	ssettag s2;
	_ =	strace s9  }
0x27: {  	s1 =	sld [smem:$0x3FAE]  }
0x28: {  	s2 =	sld [smem:$0x3FAF]  }
0x29: {  	s4 =	sld [smem:$0x3FB1]  }
0x2a: {  	p0 =	seq.s32 s5, $0x0;
	s5 =	sld [smem:$0x3FB2]  }
0x2b: {  	s6 =	sld [smem:$0x3FB3]  }
0x2c: {  	s7 =	sld [smem:$0x3FB4]  }
0x2d: {  	s3 =	simm.s32 $0x108;
	s8 =	sld [smem:$0x3FB5]  }
0x2e: {  	s3 =	simm.s32 @!p0 $0x1082;
	s9 =	sld [smem:$0x3FB6]  }
0x2f: {  	lr =	sadd.s32 s0, s3;
	s0 =	sld [smem:$0x3FAD]  }
0x30: {  	s3 =	sld [smem:$0x3FB0]  }
0x31: {  	[smem:$0x3FB9] =	sst s10  }
0x32: {  	s10 =	sld [smem:$0x3FB7];
	_ =	sdelay $0x3  }
0x33: {  	p0 =	seq.s32 s10, $0x1;
	s10 =	sld [smem:$0x3FB9];
	_ =	sdelay $0x3  }
0x34: {  	[smem:$0x3FB9] =	sst s10  }
0x35: {  	s10 =	sld [smem:$0x3FB8];
	_ =	sdelay $0x3  }
0x36: {  	p1 =	seq.s32 s10, $0x1;
	s10 =	sld [smem:$0x3FB9];
	_ =	sdelay $0x3  }
0x37: {  	[smem:$0x3FB9] =	sst s10  }
0x38: {  	s10 =	sld [smem:$0x3FBA]  }
0x39: {  	_ = 	snop;
	(pc) =	sbr.ind lr, $3  }
0x3a: {  	_ = 	snop  }
0x3b: {  	_ = 	snop  }
0x3c: {  	p2 =	seq.s32 s10, $0x1;
	s10 =	sld [smem:$0x3FB9]  }
0x3d: {  	_ =	shalt  }
0x3e: {  	_ =	shalt  }
0x3f: {  	_ =	shalt  }
0x40: {  	_ =	shalt  }
0x41: {  	_ =	shalt  }
0x42: {  	_ =	shalt  }
0x43: {  	_ =	shalt  }
0x44: {  	_ =	shalt  }
0x45: {  	_ =	shalt  }
0x46: {  	_ =	shalt  }
0x47: {  	_ =	shalt  }
0x48: {  	_ =	shalt  }
0x49: {  	_ =	shalt  }
0x4a: {  	_ =	shalt  }
0x4b: {  	_ =	shalt  }
0x4c: {  	_ =	shalt  }
0x4d: {  	_ =	shalt  }
0x4e: {  	_ =	shalt  }
0x4f: {  	_ =	shalt  }
0x50: {  	_ =	shalt  }
0x51: {  	_ =	shalt  }
0x52: {  	_ =	shalt  }
0x53: {  	_ =	shalt  }
0x54: {  	_ =	shalt  }
0x55: {  	_ =	shalt  }
0x56: {  	_ =	shalt  }
0x57: {  	_ =	shalt  }
0x58: {  	_ =	shalt  }
0x59: {  	_ =	shalt  }
0x5a: {  	_ =	shalt  }
0x5b: {  	_ =	shalt  }
0x5c: {  	_ =	shalt  }
0x5d: {  	_ =	shalt  }
0x5e: {  	_ =	shalt  }
0x5f: {  	_ =	shalt  }
0x60: {  	_ =	shalt  }
0x61: {  	_ =	shalt  }
0x62: {  	_ =	shalt  }
0x63: {  	_ =	shalt  }
0x64: {  	_ =	shalt  }
0x65: {  	_ =	shalt  }
0x66: {  	_ =	shalt  }
0x67: {  	_ =	shalt  }
0x68: {  	_ =	shalt  }
0x69: {  	_ =	shalt  }
0x6a: {  	_ =	shalt  }
0x6b: {  	_ =	shalt  }
0x6c: {  	_ =	shalt  }
0x6d: {  	_ =	shalt  }
0x6e: {  	_ =	shalt  }
0x6f: {  	_ =	shalt  }
0x70: {  	_ =	shalt  }
0x71: {  	_ =	shalt  }
0x72: {  	_ =	shalt  }
0x73: {  	_ =	shalt  }
0x74: {  	_ =	shalt  }
0x75: {  	_ =	shalt  }
0x76: {  	_ =	shalt  }
0x77: {  	_ =	shalt  }
0x78: {  	_ =	shalt  }
0x79: {  	_ =	shalt  }
0x7a: {  	_ =	shalt  }
0x7b: {  	_ =	shalt  }
0x7c: {  	_ =	shalt  }
0x7d: {  	_ =	shalt  }
0x7e: {  	_ =	shalt  }
0x7f: {  	_ =	shalt  }
0x80: {  	_ =	shalt  }
0x81: {  	_ =	shalt  }
0x82: {  	_ =	shalt  }
0x83: {  	_ =	shalt  }
0x84: {  	_ =	shalt  }
0x85: {  	_ =	shalt  }
0x86: {  	_ =	shalt  }
0x87: {  	_ =	shalt  }
.Lfunc_end0:
.L_simem_size_0:
called_computation.1_lowered:
.L_overlay_start_0:
0x88: {  	s2 =	sld [smem:$0x3FD9]  }
0x89: {  	s3 =	sld [smem:$0x3FFE];
	_ =	sdelay $0x1  }
0x8a: {  	s1 =	srdreg.scid  }
0x8b: {  	s0 =	sand.u32 $0x1, s1  }
0x8c: {  	s17 =	sshll.u32 s0, $0xA;
	s2 =	sadd.s32 s3, s2  }
0x8d: {  	s2 =	sadd.s32 s2, s17  }
0x8e: {  	[smem:$0x3FC5] =	sst s2  }
0x8f: {  	_ = 	snop  }
0x90: {  	s2 =	sld [smem:$0x3FD0];
	(tm) =	ssettm $0x1  }
0x91: {  	s18 =	sld [smem:$0x3FFB];
	_ =	sdelay $0x3  }
0x92: {  	_ =	strace s18  }
0x93: {  	s3 =	sld [smem:$0x3FFC];
	_ =	sdelay $0x3  }
0x94: {  	_ =	strace s3  }
0x95: {  	s3 =	sld [smem:$0x3FFD];
	_ =	sdelay $0x3  }
0x96: {  	_ =	strace s3  }
0x97: {  	_ =	strace $0x8FFFFFFF  }
0x98: {  	s19 =	sld [smem:$0x3FDB];
	_ =	sdelay $0x1  }
0x99: {  	s4 =	simm.s32 $_scs_section_size  }
0x9a: {  	s5 =	simm.s32 $_size__tile_overlayer_lowered;
	s6 =	simm.s32 $_tile_overlayer_lowered  }
0x9b: {  	s22 =	simm.s32 $0x1BFF;
	s21 =	sshll.u32 s6, $0x1;
	s3 =	sadd.s32 s4, s19  }
0x9c: {  	s7 =	simm.s32 $0x0;
	s20 =	sshll.u32 s5, $0x1;
	s5 =	sadd.s32 s21, s3  }
0x9d: {  	[timem:s7], [sflag:s22] =	dma.local [hbm:s5], s20  }
0x9e: {  	_ =	swait.ge [sflag:s22], s20  }
0x9f: {  	s4 =	ssub.s32 $0x0, s20;
	[sflag:s22] =	ssyncset.done $0x0  }
0xa0: {  	[sflag:s22] =	ssyncadd.s32 s4;
	_ =	sdelay $0x1  }
0xa1: {  	s23 =	simm.s32 $0x1B8B  }
0xa2: {  	_ =	swait.ge [sflag:s23], $0x1  }
0xa3: {  	[sflag:s23] =	ssyncset.done $0x0  }
0xa4: {  	s25 =	simm.s32 $0x1B8E;
	s24 =	sld [smem:$0x3FFE];
	[sflag:s23] =	ssyncadd.s32 $0xFFFFFFFF  }
0xa5: {  	s26 =	simm.s32 $execute0_lowered;
	[smem:$0x3FD2] =	sst s25  }
0xa6: {  	s5 =	sshll.u32 s26, $0x1;
	_ =	strace $0x80000049;
	[dreg:$0x1] =	wrdreg $0xFFFFFFFF  }
0xa7: {  	s28 =	simm.s32 $_size_execute0_lowered;
	s3 =	sadd.s32 s3, s5;
	[dreg:$0x0] =	wrdreg $0x0  }
0xa8: {  	s5 =	sshll.u32 s28, $0x1;
	[dreg:$0x2] =	wrdreg s3  }
0xa9: {  	[dreg:$0x3] =	wrdreg s5  }
0xaa: {  	[dreg:$0x4] =	wrdreg $0xC0  }
0xab: {  	_ =	task [dreg:s7], $0x5FFFF  }
0xac: {  	[dreg:$0x1] =	wrdreg $0xFFFFFFFF  }
0xad: {  	[dreg:$0x0] =	wrdreg $0x60  }
0xae: {  	[dreg:$0x2] =	wrdreg s24  }
0xaf: {  	[dreg:$0x3] =	wrdreg s2  }
0xb0: {  	[dreg:$0x4] =	wrdreg $0x9  }
0xb1: {  	_ =	task.clear_ibuf [dreg:s7], $0x5FFFF;
	_ =	strace $0x90000049  }
0xb2: {  	s29 =	simm.s32 $0x9;
	_ =	strace $0x8000004B  }
0xb3: {  	_ =	swait.ge [sflag:s29], $0x1  }
0xb4: {  	[sflag:s29] =	ssyncadd.s32 $0xFFFFFFFF  }
0xb5: {  	_ =	strace $0x9000004B  }
0xb6: {  	_ =	sfence  }
0xb7: {  	s30 =	sld [smem:$0x0];
	_ =	sdelay $0x2  }
0xb8: {  	s31 =	sshll.u32 s1, $0xD;
	s1 =	sshrl.u32 s1, $0x2  }
0xb9: {  	s3 =	sand.u32 $0x4000, s31;
	s1 =	sadd.s32 s1, s30  }
0xba: {  	s0 =	sor.u32 s3, s0;
	s1 =	sshll.u32 s1, $0x11  }
0xbb: {  	s0 =	sor.u32 s1, s0  }
0xbc: {  	s0 =	sadd.s32 $0x8F2B, s0  }
0xbd: {  	[sflag:s0] =	ssyncadd.remote.s32 $0x1  }
0xbe: {  	_ =	sfence.sel $0xFFFF  }
0xbf: {  	[dreg:$0x0] =	wrdreg $0xFFFFFFFF;
	(pc) =	sbr.abs _section_cstart, $3  }
0xc0: {  	[dreg:$0x1] =	wrdreg $0xFFFFFFFF  }
0xc1: {  	_ =	task.clear_ibuf [dreg:s7], $0x2FFFF;
	_ =	strace $0x9FFFFFFF  }
0xc2: {  	(tm) =	ssettm $0x7FFFFFFF  }
0xc3: {  	_ =	shalt  }
tec
execute0_lowered:
.L_overlay_start_1:
0x0: {  	(tag) =	ssettag $0x1  }
0x1: {  	s0 =	srdreg.scid;
	s1 =	rddreg [dreg:$0x0]  }
0x2: {  	s2 =	stileid.u32;
	s6 =	rddreg [dreg:$0x1];
	s8 =	simm.s32 $0x3  }
0x3: {  	s10 =	simm.s32 $0x32;
	s21 =	simm.s32 $0x13780;
	s22 =	simm.s32 $0x658  }
0x4: {  	s23 =	simm.s32 $0x13AA0;
	s24 =	simm.s32 $0x690;
	s28 =	simm.s32 $0x140E0  }
0x5: {  	s29 =	simm.s32 $0x1;
	s30 =	simm.s32 $0x2;
	s31 =	simm.s32 $0x1A800  }
0x6: {  	s0 =	sand.u32 $0x1, s0;
	s3 =	sshll.u32 s2, $0xA;
	s2 =	simm.s32 $0x0  }
0x7: {  	s4 =	sshll.u32 s0, $0x9;
	[smem:$0x7FF] =	sst s2;
	s0 =	ssub.s32 $0x2, s0  }
0x8: {  	s7 =	sor.u32 s4, s3;
	_ =	strace $0x8000004A;
	s25 =	sshrl.u32 s0, $0x1  }
0x9: {  	s3 =	smul.u32 $0x7, s7;
	s0 =	ssub.s32 s0, s25;
	s26 =	sshll.u32 s7, $0x1  }
0xa: {  	s25 =	simm.s32 $0x13DC0;
	s6 =	sadd.s32 s6, s26;
	s7 =	smax.u32 s0, $0x1  }
0xb: {  	s26 =	simm.s32 $0x6C8;
	s5 =	sadd.s32 s3, s1;
	s3 =	sadd.s32 $0xC00, s1  }
0xc: {  	s1 =	simm.s32 $0x0;
	s4 =	sadd.s32 $0x1E9200, s5;
	s5 =	sadd.s32 $0x205200, s5  }
.LBB2_1:
0xd: {  	[tilespmem:s2], [sflag:$0x3] =	stream.linear.gather [hbm4b:s4+s2], $0x7000, $0x38;
	[tilespmem:$0x1C800] =	vst v63  }
0xe: {  	_ =	swait.ge [sflag:s8], $0x7000  }
0xf: {  	[sflag:s8] =	ssyncset.done $0x0  }
0x10: {  	s0 =	simm.s32 $0x7000;
	[sflag:s8] =	ssyncadd.s32 $0xFFFF9000  }
0x11: {  	[tilespmem:s0], [sflag:$0x3] =	stream.linear.gather [hbm4b:s5+s2], $0x7000, $0x38;
	[tilespmem:$0x1C800] =	vst v63  }
0x12: {  	_ =	swait.ge [sflag:s8], $0x7000  }
0x13: {  	[sflag:s8] =	ssyncset.done $0x0  }
0x14: {  	s17 =	simm.s32 $0xE000;
	[sflag:s8] =	ssyncadd.s32 $0xFFFF9000  }
0x15: {  	[tilespmem:s17], [sflag:$0x1] =	stream.indirect.gather [hbm4b:s3+s10], $0x10, s2, s10, $0xb8;
	[tilespmem:$0x1C800] =	vst v63  }
0x16: {  	s18 =	simm.s32 $0x38;
	s9 =	simm.s32 $0xE320  }
0x17: {  	[tilespmem:s9], [sflag:$0x1] =	stream.indirect.gather [hbm4b:s3+s10], $0x10, s18, s10, $0xb8;
	[tilespmem:$0x1C800] =	vst v63  }
0x18: {  	s19 =	simm.s32 $0x70;
	s20 =	simm.s32 $0xE640  }
0x19: {  	[tilespmem:s20], [sflag:$0x1] =	stream.indirect.gather [hbm4b:s3+s10], $0x10, s19, s10, $0xb8;
	[tilespmem:$0x1C800] =	vst v63  }
0x1a: {  	s11 =	simm.s32 $0xA8;
	s12 =	simm.s32 $0xE960  }
0x1b: {  	[tilespmem:s12], [sflag:$0x1] =	stream.indirect.gather [hbm4b:s3+s10], $0x10, s11, s10, $0xb8;
	[tilespmem:$0x1C800] =	vst v63  }
0x1c: {  	s13 =	simm.s32 $0xE0;
	s14 =	simm.s32 $0xEC80  }
0x1d: {  	[tilespmem:s14], [sflag:$0x1] =	stream.indirect.gather [hbm4b:s3+s10], $0x10, s13, s10, $0xb8;
	[tilespmem:$0x1C800] =	vst v63  }
0x1e: {  	s15 =	simm.s32 $0x118;
	s16 =	simm.s32 $0xEFA0  }
0x1f: {  	[tilespmem:s16], [sflag:$0x1] =	stream.indirect.gather [hbm4b:s3+s10], $0x10, s15, s10, $0xb8;
	[tilespmem:$0x1C800] =	vst v63  }
0x20: {  	s17 =	simm.s32 $0x150;
	s18 =	simm.s32 $0xF2C0  }
0x21: {  	[tilespmem:s18], [sflag:$0x1] =	stream.indirect.gather [hbm4b:s3+s10], $0x10, s17, s10, $0xb8;
	[tilespmem:$0x1C800] =	vst v63  }
0x22: {  	s19 =	simm.s32 $0x188;
	s20 =	simm.s32 $0xF5E0  }
0x23: {  	[tilespmem:s20], [sflag:$0x1] =	stream.indirect.gather [hbm4b:s3+s10], $0x10, s19, s10, $0xb8;
	[tilespmem:$0x1C800] =	vst v63  }
0x24: {  	s11 =	simm.s32 $0x1C0;
	s12 =	simm.s32 $0xF900  }
0x25: {  	[tilespmem:s12], [sflag:$0x1] =	stream.indirect.gather [hbm4b:s3+s10], $0x10, s11, s10, $0xb8;
	[tilespmem:$0x1C800] =	vst v63  }
0x26: {  	s13 =	simm.s32 $0x1F8;
	s14 =	simm.s32 $0xFC20  }
0x27: {  	[tilespmem:s14], [sflag:$0x1] =	stream.indirect.gather [hbm4b:s3+s10], $0x10, s13, s10, $0xb8;
	[tilespmem:$0x1C800] =	vst v63  }
0x28: {  	s15 =	simm.s32 $0x230;
	s16 =	simm.s32 $0xFF40  }
0x29: {  	[tilespmem:s16], [sflag:$0x1] =	stream.indirect.gather [hbm4b:s3+s10], $0x10, s15, s10, $0xb8;
	[tilespmem:$0x1C800] =	vst v63  }
0x2a: {  	s17 =	simm.s32 $0x268;
	s18 =	simm.s32 $0x10260  }
0x2b: {  	[tilespmem:s18], [sflag:$0x1] =	stream.indirect.gather [hbm4b:s3+s10], $0x10, s17, s10, $0xb8;
	[tilespmem:$0x1C800] =	vst v63  }
0x2c: {  	s19 =	simm.s32 $0x2A0;
	s20 =	simm.s32 $0x10580  }
0x2d: {  	[tilespmem:s20], [sflag:$0x1] =	stream.indirect.gather [hbm4b:s3+s10], $0x10, s19, s10, $0xb8;
	[tilespmem:$0x1C800] =	vst v63  }
0x2e: {  	s11 =	simm.s32 $0x2D8;
	s12 =	simm.s32 $0x108A0  }
0x2f: {  	[tilespmem:s12], [sflag:$0x1] =	stream.indirect.gather [hbm4b:s3+s10], $0x10, s11, s10, $0xb8;
	[tilespmem:$0x1C800] =	vst v63  }
0x30: {  	s13 =	simm.s32 $0x310;
	s14 =	simm.s32 $0x10BC0  }
0x31: {  	[tilespmem:s14], [sflag:$0x1] =	stream.indirect.gather [hbm4b:s3+s10], $0x10, s13, s10, $0xb8;
	[tilespmem:$0x1C800] =	vst v63  }
0x32: {  	s15 =	simm.s32 $0x348;
	s16 =	simm.s32 $0x10EE0  }
0x33: {  	[tilespmem:s16], [sflag:$0x1] =	stream.indirect.gather [hbm4b:s3+s10], $0x10, s15, s10, $0xb8;
	[tilespmem:$0x1C800] =	vst v63  }
0x34: {  	s17 =	simm.s32 $0x380;
	s18 =	simm.s32 $0x11200  }
0x35: {  	[tilespmem:s18], [sflag:$0x1] =	stream.indirect.gather [hbm4b:s3+s10], $0x10, s17, s10, $0xb8;
	[tilespmem:$0x1C800] =	vst v63  }
0x36: {  	s19 =	simm.s32 $0x3B8;
	s20 =	simm.s32 $0x11520  }
0x37: {  	[tilespmem:s20], [sflag:$0x1] =	stream.indirect.gather [hbm4b:s3+s10], $0x10, s19, s10, $0xb8;
	[tilespmem:$0x1C800] =	vst v63  }
0x38: {  	s11 =	simm.s32 $0x3F0;
	s12 =	simm.s32 $0x11840  }
0x39: {  	[tilespmem:s12], [sflag:$0x1] =	stream.indirect.gather [hbm4b:s3+s10], $0x10, s11, s10, $0xb8;
	[tilespmem:$0x1C800] =	vst v63  }
0x3a: {  	s13 =	simm.s32 $0x428;
	s14 =	simm.s32 $0x11B60  }
0x3b: {  	[tilespmem:s14], [sflag:$0x1] =	stream.indirect.gather [hbm4b:s3+s10], $0x10, s13, s10, $0xb8;
	[tilespmem:$0x1C800] =	vst v63  }
0x3c: {  	s15 =	simm.s32 $0x460;
	s16 =	simm.s32 $0x11E80  }
0x3d: {  	[tilespmem:s16], [sflag:$0x1] =	stream.indirect.gather [hbm4b:s3+s10], $0x10, s15, s10, $0xb8;
	[tilespmem:$0x1C800] =	vst v63  }
0x3e: {  	s17 =	simm.s32 $0x498;
	s18 =	simm.s32 $0x121A0  }
0x3f: {  	[tilespmem:s18], [sflag:$0x1] =	stream.indirect.gather [hbm4b:s3+s10], $0x10, s17, s10, $0xb8;
	[tilespmem:$0x1C800] =	vst v63  }
0x40: {  	s19 =	simm.s32 $0x4D0;
	s20 =	simm.s32 $0x124C0  }
0x41: {  	[tilespmem:s20], [sflag:$0x1] =	stream.indirect.gather [hbm4b:s3+s10], $0x10, s19, s10, $0xb8;
	[tilespmem:$0x1C800] =	vst v63  }
0x42: {  	s9 =	simm.s32 $0x508;
	s11 =	simm.s32 $0x127E0  }
0x43: {  	[tilespmem:s11], [sflag:$0x1] =	stream.indirect.gather [hbm4b:s3+s10], $0x10, s9, s10, $0xb8;
	[tilespmem:$0x1C800] =	vst v63  }
0x44: {  	s12 =	simm.s32 $0x540;
	s13 =	simm.s32 $0x12B00  }
0x45: {  	[tilespmem:s13], [sflag:$0x1] =	stream.indirect.gather [hbm4b:s3+s10], $0x10, s12, s10, $0xb8;
	[tilespmem:$0x1C800] =	vst v63  }
0x46: {  	s14 =	simm.s32 $0x578;
	s15 =	simm.s32 $0x12E20  }
0x47: {  	[tilespmem:s15], [sflag:$0x1] =	stream.indirect.gather [hbm4b:s3+s10], $0x10, s14, s10, $0xb8;
	[tilespmem:$0x1C800] =	vst v63  }
0x48: {  	s16 =	simm.s32 $0x5B0;
	s17 =	simm.s32 $0x13140  }
0x49: {  	[tilespmem:s17], [sflag:$0x1] =	stream.indirect.gather [hbm4b:s3+s10], $0x10, s16, s10, $0xb8;
	[tilespmem:$0x1C800] =	vst v63  }
0x4a: {  	s18 =	simm.s32 $0x5E8;
	s19 =	simm.s32 $0x13460  }
0x4b: {  	[tilespmem:s19], [sflag:$0x1] =	stream.indirect.gather [hbm4b:s3+s10], $0x10, s18, s10, $0xb8;
	[tilespmem:$0x1C800] =	vst v63  }
0x4c: {  	s20 =	simm.s32 $0x620  }
0x4d: {  	[tilespmem:s21], [sflag:$0x1] =	stream.indirect.gather [hbm4b:s3+s10], $0x10, s20, s10, $0xb8;
	[tilespmem:$0x1C800] =	vst v63  }
0x4e: {  	s0 =	simm.s32 $0x700  }
0x4f: {  	[tilespmem:s23], [sflag:$0x1] =	stream.indirect.gather [hbm4b:s3+s10], $0x10, s22, s10, $0xb8;
	[tilespmem:$0x1C800] =	vst v63  }
0x50: {  	s9 =	simm.s32 $0x7020;
	s11 =	simm.s32 $0xE00;
	s12 =	simm.s32 $0x1AA00  }
0x51: {  	[tilespmem:s25], [sflag:$0x1] =	stream.indirect.gather [hbm4b:s3+s10], $0x10, s24, s10, $0xb8;
	[tilespmem:$0x1C800] =	vst v63  }
0x52: {  	s13 =	simm.s32 $0x7722;
	s14 =	simm.s32 $0x1A800;
	s15 =	simm.s32 $0x0  }
0x53: {  	[tilespmem:s28], [sflag:$0x1] =	stream.indirect.gather [hbm4b:s3+s10], $0x10, s26, s10, $0xb8;
	[tilespmem:$0x1C800] =	vst v63  }
.LBB2_2:
0x54: {  	s16 =	simm.s32 $0x14400;
	s17 =	sadd.s32 $0x0, s0  }
0x55: {  	[tilespmem:s16], [sflag:$0x2] =	stream.indirect.gather [hbm4b:s3+s10], $0x10, s17, s10, $0xb8;
	[tilespmem:$0x1C800] =	vst v63  }
0x56: {  	s17 =	simm.s32 $0xE0  }
.LBB2_3:
0x57: {  	p0 =	sne.s32 s17, $0x1B20  }
.Ltmp0:
0x58: {  	_ = 	snop;
	(pc) =	sbr.rel @p0 .LBB2_3-.Ltmp0, $4  }
0x59: {  	_ = 	snop  }
0x5a: {  	s18 =	sshra.s32 s17, $0x2;
	s17 =	sadd.s32 $0xE0, s17  }
0x5b: {  	s16 =	sadd.s32 $0x320, s16;
	s18 =	sadd.s32 s18, s0  }
0x5c: {  	[tilespmem:s16], [sflag:$0x2] =	stream.indirect.gather [hbm4b:s3+s10], $0x10, s18, s10, $0xb8;
	[tilespmem:$0x1C800] =	vst v63  }
0x5d: {  	_ =	swait.ge [sflag:s29], $0x6400  }
0x5e: {  	[sflag:s29] =	ssyncset.done $0x0  }
0x5f: {  	[sflag:s29] =	ssyncadd.s32 $0xFFFF9C00  }
0x60: {  	v0 =	vld [tilespmem:s9+$0xFFFFFFE0]  }
0x61: {  	s16 =	simm.s32 $0xE190  }
0x62: {  	v1 =	vld [tilespmem:s16+$0xFFFFFE70];
	_ =	sdelay $0x1  }
0x63: {  	v2 =	vld [tilespmem:s16+$0xFFFFFE80]  }
0x64: {  	v3 =	vbroadcast v0, $0x0  }
0x65: {  	v4 =	vld [tilespmem:s16+$0xFFFFFE90]  }
0x66: {  	v1 =	vmul.f32 v1, v3;
	v3 =	vbroadcast v0, $0x1  }
0x67: {  	v5 =	vld [tilespmem:s16+$0xFFFFFEA0]  }
0x68: {  	v1 =	vadd.f32 $0.0e+00, v1;
	v2 =	vmul.f32 v2, v3;
	v3 =	vbroadcast v0, $0x2  }
0x69: {  	v6 =	vld [tilespmem:s16+$0xFFFFFEB0]  }
0x6a: {  	v1 =	vadd.f32 v2, v1;
	v2 =	vmul.f32 v4, v3;
	v3 =	vbroadcast v0, $0x3  }
0x6b: {  	v28 =	vld [tilespmem:s16+$0xFFFFFEC0]  }
0x6c: {  	v1 =	vadd.f32 v2, v1;
	v2 =	vmul.f32 v5, v3;
	v3 =	vbroadcast v0, $0x4  }
0x6d: {  	v29 =	vld [tilespmem:s16+$0xFFFFFED0]  }
0x6e: {  	v1 =	vadd.f32 v2, v1;
	v2 =	vmul.f32 v6, v3;
	v3 =	vbroadcast v0, $0x5  }
0x6f: {  	v30 =	vld [tilespmem:s16+$0xFFFFFEE0]  }
0x70: {  	v1 =	vadd.f32 v2, v1;
	v2 =	vmul.f32 v28, v3;
	v3 =	vbroadcast v0, $0x6  }
0x71: {  	v31 =	vld [tilespmem:s16+$0xFFFFFEF0]  }
0x72: {  	v1 =	vadd.f32 v2, v1;
	v2 =	vmul.f32 v29, v3;
	v3 =	vbroadcast v0, $0x7  }
0x73: {  	v32 =	vld [tilespmem:s16+$0xFFFFFF00]  }
0x74: {  	v1 =	vadd.f32 v2, v1;
	v2 =	vmul.f32 v30, v3;
	v3 =	vbroadcast v0, $0x8  }
0x75: {  	v33 =	vld [tilespmem:s16+$0xFFFFFF10]  }
0x76: {  	v1 =	vadd.f32 v2, v1;
	v2 =	vmul.f32 v31, v3;
	v3 =	vbroadcast v0, $0x9  }
0x77: {  	v34 =	vld [tilespmem:s16+$0xFFFFFF20]  }
0x78: {  	v1 =	vadd.f32 v2, v1;
	v2 =	vmul.f32 v32, v3;
	v3 =	vbroadcast v0, $0xA  }
0x79: {  	v35 =	vld [tilespmem:s16+$0xFFFFFF30]  }
0x7a: {  	v1 =	vadd.f32 v2, v1;
	v2 =	vmul.f32 v33, v3;
	v3 =	vbroadcast v0, $0xB  }
0x7b: {  	v36 =	vld [tilespmem:s16+$0xFFFFFF40]  }
0x7c: {  	v1 =	vadd.f32 v2, v1;
	v2 =	vmul.f32 v34, v3;
	v3 =	vbroadcast v0, $0xC  }
0x7d: {  	v37 =	vld [tilespmem:s16+$0xFFFFFF50]  }
0x7e: {  	v38 =	vld [tilespmem:s16+$0xFFFFFF60];
	v1 =	vadd.f32 v2, v1;
	v2 =	vmul.f32 v35, v3;
	v3 =	vbroadcast v0, $0xD  }
0x7f: {  	v7 =	vld [tilespmem:s9+$0xFFFFFFF0]  }
0x80: {  	v1 =	vadd.f32 v2, v1;
	v2 =	vmul.f32 v36, v3;
	v3 =	vbroadcast v0, $0xE  }
0x81: {  	v39 =	vld [tilespmem:s16+$0xFFFFFF70]  }
0x82: {  	v0 =	vbroadcast v0, $0xF;
	v1 =	vadd.f32 v2, v1;
	v2 =	vmul.f32 v37, v3  }
0x83: {  	v3 =	vld [tilespmem:s16+$0xFFFFFF80]  }
0x84: {  	v0 =	vmul.f32 v38, v0;
	v1 =	vadd.f32 v2, v1;
	v2 =	vbroadcast v7, $0x0  }
0x85: {  	v40 =	vld [tilespmem:s16+$0xFFFFFF90]  }
0x86: {  	v0 =	vadd.f32 v0, v1;
	v1 =	vmul.f32 v39, v2;
	v2 =	vbroadcast v7, $0x1  }
0x87: {  	v41 =	vld [tilespmem:s16+$0xFFFFFFA0]  }
0x88: {  	v0 =	vadd.f32 v1, v0;
	v1 =	vmul.f32 v3, v2;
	v2 =	vbroadcast v7, $0x2  }
0x89: {  	v3 =	vld [tilespmem:s16+$0xFFFFFFB0]  }
0x8a: {  	v0 =	vadd.f32 v1, v0;
	v1 =	vmul.f32 v40, v2;
	v2 =	vbroadcast v7, $0x3  }
0x8b: {  	v42 =	vld [tilespmem:s16+$0xFFFFFFC0]  }
0x8c: {  	v0 =	vadd.f32 v1, v0;
	v1 =	vmul.f32 v41, v2;
	v2 =	vbroadcast v7, $0x4  }
0x8d: {  	v43 =	vld [tilespmem:s16+$0xFFFFFFD0]  }
0x8e: {  	v0 =	vadd.f32 v1, v0;
	v1 =	vmul.f32 v3, v2;
	v2 =	vbroadcast v7, $0x5  }
0x8f: {  	v3 =	vld [tilespmem:s16+$0xFFFFFFE0]  }
0x90: {  	v0 =	vadd.f32 v1, v0;
	v1 =	vmul.f32 v42, v2;
	v2 =	vbroadcast v7, $0x6  }
0x91: {  	v44 =	vld [tilespmem:s16+$0xFFFFFFF0]  }
0x92: {  	v0 =	vadd.f32 v1, v0;
	v1 =	vmul.f32 v43, v2;
	v2 =	vbroadcast v7, $0x7  }
0x93: {  	v45 =	vld [tilespmem:s16+$0x0]  }
0x94: {  	v0 =	vadd.f32 v1, v0;
	v1 =	vmul.f32 v3, v2;
	v2 =	vbroadcast v7, $0x8  }
0x95: {  	v3 =	vld [tilespmem:s16+$0x10]  }
0x96: {  	v0 =	vadd.f32 v1, v0;
	v1 =	vmul.f32 v44, v2;
	v2 =	vbroadcast v7, $0x9  }
0x97: {  	v46 =	vld [tilespmem:s16+$0x20]  }
0x98: {  	v0 =	vadd.f32 v1, v0;
	v1 =	vmul.f32 v45, v2;
	v2 =	vbroadcast v7, $0xA  }
0x99: {  	v47 =	vld [tilespmem:s16+$0x30]  }
0x9a: {  	v0 =	vadd.f32 v1, v0;
	v1 =	vmul.f32 v3, v2;
	v2 =	vbroadcast v7, $0xB  }
0x9b: {  	v3 =	vld [tilespmem:s16+$0x40]  }
0x9c: {  	v0 =	vadd.f32 v1, v0;
	v1 =	vmul.f32 v46, v2;
	v2 =	vbroadcast v7, $0xC  }
0x9d: {  	v48 =	vld [tilespmem:s16+$0x50]  }
0x9e: {  	v49 =	vld [tilespmem:s16+$0x60];
	v0 =	vadd.f32 v1, v0;
	v1 =	vmul.f32 v47, v2;
	v2 =	vbroadcast v7, $0xD  }
0x9f: {  	v50 =	vld [tilespmem:s9+$0x0]  }
0xa0: {  	v0 =	vadd.f32 v1, v0;
	v1 =	vmul.f32 v3, v2;
	v2 =	vbroadcast v7, $0xE  }
0xa1: {  	v3 =	vld [tilespmem:s16+$0x70]  }
0xa2: {  	v0 =	vadd.f32 v1, v0;
	v1 =	vmul.f32 v48, v2;
	v2 =	vbroadcast v7, $0xF  }
0xa3: {  	v51 =	vld [tilespmem:s16+$0x80]  }
0xa4: {  	v0 =	vadd.f32 v1, v0;
	v1 =	vmul.f32 v49, v2;
	v2 =	vbroadcast v50, $0x0  }
0xa5: {  	v52 =	vld [tilespmem:s16+$0x90]  }
0xa6: {  	v0 =	vadd.f32 v1, v0;
	v1 =	vmul.f32 v3, v2;
	v2 =	vbroadcast v50, $0x1  }
0xa7: {  	v3 =	vld [tilespmem:s16+$0xA0]  }
0xa8: {  	v0 =	vadd.f32 v1, v0;
	v1 =	vmul.f32 v51, v2;
	v2 =	vbroadcast v50, $0x2  }
0xa9: {  	v53 =	vld [tilespmem:s16+$0xB0]  }
0xaa: {  	v0 =	vadd.f32 v1, v0;
	v1 =	vmul.f32 v52, v2;
	v2 =	vbroadcast v50, $0x3  }
0xab: {  	v54 =	vld [tilespmem:s16+$0xC0]  }
0xac: {  	v0 =	vadd.f32 v1, v0;
	v1 =	vmul.f32 v3, v2;
	v2 =	vbroadcast v50, $0x4  }
0xad: {  	v3 =	vld [tilespmem:s16+$0xD0]  }
0xae: {  	v0 =	vadd.f32 v1, v0;
	v1 =	vmul.f32 v53, v2;
	v2 =	vbroadcast v50, $0x5  }
0xaf: {  	v55 =	vld [tilespmem:s16+$0xE0]  }
0xb0: {  	v0 =	vadd.f32 v1, v0;
	v1 =	vmul.f32 v54, v2;
	v2 =	vbroadcast v50, $0x6  }
0xb1: {  	v56 =	vld [tilespmem:s16+$0xF0]  }
0xb2: {  	v0 =	vadd.f32 v1, v0;
	v1 =	vmul.f32 v3, v2;
	v2 =	vbroadcast v50, $0x7  }
0xb3: {  	v3 =	vld [tilespmem:s16+$0x100]  }
0xb4: {  	v0 =	vadd.f32 v1, v0;
	v1 =	vmul.f32 v55, v2;
	v2 =	vbroadcast v50, $0x8  }
0xb5: {  	v57 =	vld [tilespmem:s16+$0x110]  }
0xb6: {  	v0 =	vadd.f32 v1, v0;
	v1 =	vmul.f32 v56, v2;
	v2 =	vbroadcast v50, $0x9  }
0xb7: {  	v58 =	vld [tilespmem:s16+$0x120]  }
0xb8: {  	v0 =	vadd.f32 v1, v0;
	v1 =	vmul.f32 v3, v2;
	v2 =	vbroadcast v50, $0xA  }
0xb9: {  	v3 =	vld [tilespmem:s16+$0x130]  }
0xba: {  	v0 =	vadd.f32 v1, v0;
	v1 =	vmul.f32 v57, v2;
	v2 =	vbroadcast v50, $0xB  }
0xbb: {  	v59 =	vld [tilespmem:s16+$0x140]  }
0xbc: {  	v0 =	vadd.f32 v1, v0;
	v1 =	vmul.f32 v58, v2;
	v2 =	vbroadcast v50, $0xC  }
0xbd: {  	v60 =	vld [tilespmem:s16+$0x150]  }
0xbe: {  	v61 =	vld [tilespmem:s9+$0x2];
	v0 =	vadd.f32 v1, v0;
	v1 =	vmul.f32 v3, v2;
	v2 =	vbroadcast v50, $0xD  }
0xbf: {  	v3 =	vld [tilespmem:s16+$0x160]  }
0xc0: {  	v0 =	vadd.f32 v1, v0;
	v1 =	vmul.f32 v59, v2;
	v2 =	vbroadcast v50, $0xE  }
0xc1: {  	v62 =	vld [tilespmem:s16+$0x170]  }
0xc2: {  	v0 =	vadd.f32 v1, v0;
	v1 =	vmul.f32 v60, v2;
	v2 =	vbroadcast v50, $0xF  }
0xc3: {  	v63 =	vld [tilespmem:s16+$0x180]  }
0xc4: {  	v0 =	vadd.f32 v1, v0;
	v1 =	vmul.f32 v3, v2;
	v2 =	vbroadcast v61, $0xE;
	_ =	sdelay $0x1  }
0xc5: {  	v3 =	vbroadcast v61, $0xF;
	v1 =	vadd.f32 v1, v0;
	v2 =	vmul.f32 v62, v2  }
0xc6: {  	v0 =	vmov s14  }
0xc7: {  	v1 =	vadd.f32 v2, v1;
	v2 =	vmul.f32 v63, v3;
	_ =	sdelay $0x1  }
0xc8: {  	v1 =	vadd.f32 v2, v1  }
0xc9: {  	s17 =	simm.s32 $0x0  }
0xca: {  	s18 =	sadd.s32 $0x38, s9;
	[tilespmem:v0+s17+$0x0 ss:$0x1] =	vst.idx.msk $0xffff, v1  }
0xcb: {  	s19 =	simm.s32 $0x80;
	s17 =	simm.s32 $0x40;
	v1 =	vld [tilespmem:s18+$0xFFFFFFE0]  }
.LBB2_5:
0xcc: {  	p0 =	sne.s32 s19, $0x7C0;
	s16 =	sadd.s32 $0x320, s16  }
0xcd: {  	v2 =	vld [tilespmem:s16+$0xFFFFFE70];
	_ =	sdelay $0x1  }
0xce: {  	v3 =	vld [tilespmem:s16+$0xFFFFFE80]  }
0xcf: {  	v4 =	vbroadcast v1, $0x0  }
0xd0: {  	v5 =	vld [tilespmem:s16+$0xFFFFFE90]  }
0xd1: {  	v2 =	vmul.f32 v2, v4;
	v4 =	vbroadcast v1, $0x1  }
0xd2: {  	v6 =	vld [tilespmem:s16+$0xFFFFFEA0]  }
0xd3: {  	v2 =	vadd.f32 $0.0e+00, v2;
	v3 =	vmul.f32 v3, v4;
	v4 =	vbroadcast v1, $0x2  }
0xd4: {  	v7 =	vld [tilespmem:s16+$0xFFFFFEB0]  }
0xd5: {  	v2 =	vadd.f32 v3, v2;
	v3 =	vmul.f32 v5, v4;
	v4 =	vbroadcast v1, $0x3  }
0xd6: {  	v5 =	vld [tilespmem:s16+$0xFFFFFEC0]  }
0xd7: {  	v2 =	vadd.f32 v3, v2;
	v3 =	vmul.f32 v6, v4;
	v4 =	vbroadcast v1, $0x4  }
0xd8: {  	v6 =	vld [tilespmem:s16+$0xFFFFFED0]  }
0xd9: {  	v2 =	vadd.f32 v3, v2;
	v3 =	vmul.f32 v7, v4;
	v4 =	vbroadcast v1, $0x5  }
0xda: {  	v7 =	vld [tilespmem:s16+$0xFFFFFEE0]  }
0xdb: {  	v2 =	vadd.f32 v3, v2;
	v3 =	vmul.f32 v5, v4;
	v4 =	vbroadcast v1, $0x6  }
0xdc: {  	v5 =	vld [tilespmem:s16+$0xFFFFFEF0]  }
0xdd: {  	v2 =	vadd.f32 v3, v2;
	v3 =	vmul.f32 v6, v4;
	v4 =	vbroadcast v1, $0x7  }
0xde: {  	v6 =	vld [tilespmem:s16+$0xFFFFFF00]  }
0xdf: {  	v2 =	vadd.f32 v3, v2;
	v3 =	vmul.f32 v7, v4;
	v4 =	vbroadcast v1, $0x8  }
0xe0: {  	v7 =	vld [tilespmem:s16+$0xFFFFFF10]  }
0xe1: {  	v2 =	vadd.f32 v3, v2;
	v3 =	vmul.f32 v5, v4;
	v4 =	vbroadcast v1, $0x9  }
0xe2: {  	v5 =	vld [tilespmem:s16+$0xFFFFFF20]  }
0xe3: {  	v2 =	vadd.f32 v3, v2;
	v3 =	vmul.f32 v6, v4;
	v4 =	vbroadcast v1, $0xA  }
0xe4: {  	v6 =	vld [tilespmem:s16+$0xFFFFFF30]  }
0xe5: {  	v2 =	vadd.f32 v3, v2;
	v3 =	vmul.f32 v7, v4;
	v4 =	vbroadcast v1, $0xB  }
0xe6: {  	v7 =	vld [tilespmem:s16+$0xFFFFFF40]  }
0xe7: {  	v2 =	vadd.f32 v3, v2;
	v3 =	vmul.f32 v5, v4;
	v4 =	vbroadcast v1, $0xC  }
0xe8: {  	v5 =	vld [tilespmem:s16+$0xFFFFFF50]  }
0xe9: {  	v2 =	vadd.f32 v3, v2;
	v3 =	vmul.f32 v6, v4;
	v4 =	vbroadcast v1, $0xD;
	v6 =	vld [tilespmem:s16+$0xFFFFFF60]  }
0xea: {  	v8 =	vld [tilespmem:s18+$0xFFFFFFF0]  }
0xeb: {  	v2 =	vadd.f32 v3, v2;
	v3 =	vmul.f32 v7, v4;
	v4 =	vbroadcast v1, $0xE  }
0xec: {  	v7 =	vld [tilespmem:s16+$0xFFFFFF70]  }
0xed: {  	v1 =	vbroadcast v1, $0xF;
	v2 =	vadd.f32 v3, v2;
	v3 =	vmul.f32 v5, v4  }
0xee: {  	v4 =	vld [tilespmem:s16+$0xFFFFFF80]  }
0xef: {  	v1 =	vmul.f32 v6, v1;
	v2 =	vadd.f32 v3, v2;
	v3 =	vbroadcast v8, $0x0  }
0xf0: {  	v5 =	vld [tilespmem:s16+$0xFFFFFF90]  }
0xf1: {  	v1 =	vadd.f32 v1, v2;
	v2 =	vmul.f32 v7, v3;
	v3 =	vbroadcast v8, $0x1  }
0xf2: {  	v6 =	vld [tilespmem:s16+$0xFFFFFFA0]  }
0xf3: {  	v1 =	vadd.f32 v2, v1;
	v2 =	vmul.f32 v4, v3;
	v3 =	vbroadcast v8, $0x2  }
0xf4: {  	v4 =	vld [tilespmem:s16+$0xFFFFFFB0]  }
0xf5: {  	v1 =	vadd.f32 v2, v1;
	v2 =	vmul.f32 v5, v3;
	v3 =	vbroadcast v8, $0x3  }
0xf6: {  	v5 =	vld [tilespmem:s16+$0xFFFFFFC0]  }
0xf7: {  	v1 =	vadd.f32 v2, v1;
	v2 =	vmul.f32 v6, v3;
	v3 =	vbroadcast v8, $0x4  }
0xf8: {  	v6 =	vld [tilespmem:s16+$0xFFFFFFD0]  }
0xf9: {  	v1 =	vadd.f32 v2, v1;
	v2 =	vmul.f32 v4, v3;
	v3 =	vbroadcast v8, $0x5  }
0xfa: {  	v4 =	vld [tilespmem:s16+$0xFFFFFFE0]  }
0xfb: {  	v1 =	vadd.f32 v2, v1;
	v2 =	vmul.f32 v5, v3;
	v3 =	vbroadcast v8, $0x6  }
0xfc: {  	v5 =	vld [tilespmem:s16+$0xFFFFFFF0]  }
0xfd: {  	v1 =	vadd.f32 v2, v1;
	v2 =	vmul.f32 v6, v3;
	v3 =	vbroadcast v8, $0x7  }
0xfe: {  	v6 =	vld [tilespmem:s16+$0x0]  }
0xff: {  	v1 =	vadd.f32 v2, v1;
	v2 =	vmul.f32 v4, v3;
	v3 =	vbroadcast v8, $0x8  }
0x100: {  	v4 =	vld [tilespmem:s16+$0x10]  }
0x101: {  	v1 =	vadd.f32 v2, v1;
	v2 =	vmul.f32 v5, v3;
	v3 =	vbroadcast v8, $0x9  }
0x102: {  	v5 =	vld [tilespmem:s16+$0x20]  }
0x103: {  	v1 =	vadd.f32 v2, v1;
	v2 =	vmul.f32 v6, v3;
	v3 =	vbroadcast v8, $0xA  }
0x104: {  	v6 =	vld [tilespmem:s16+$0x30]  }
0x105: {  	v1 =	vadd.f32 v2, v1;
	v2 =	vmul.f32 v4, v3;
	v3 =	vbroadcast v8, $0xB  }
0x106: {  	v4 =	vld [tilespmem:s16+$0x40]  }
0x107: {  	v1 =	vadd.f32 v2, v1;
	v2 =	vmul.f32 v5, v3;
	v3 =	vbroadcast v8, $0xC  }
0x108: {  	v5 =	vld [tilespmem:s16+$0x50]  }
0x109: {  	v1 =	vadd.f32 v2, v1;
	v2 =	vmul.f32 v6, v3;
	v3 =	vbroadcast v8, $0xD;
	v6 =	vld [tilespmem:s16+$0x60]  }
0x10a: {  	v7 =	vld [tilespmem:s18+$0x0]  }
0x10b: {  	v1 =	vadd.f32 v2, v1;
	v2 =	vmul.f32 v4, v3;
	v3 =	vbroadcast v8, $0xE  }
0x10c: {  	v4 =	vld [tilespmem:s16+$0x70]  }
0x10d: {  	v1 =	vadd.f32 v2, v1;
	v2 =	vmul.f32 v5, v3;
	v3 =	vbroadcast v8, $0xF  }
0x10e: {  	v5 =	vld [tilespmem:s16+$0x80]  }
0x10f: {  	v1 =	vadd.f32 v2, v1;
	v2 =	vmul.f32 v6, v3;
	v3 =	vbroadcast v7, $0x0  }
0x110: {  	v6 =	vld [tilespmem:s16+$0x90]  }
0x111: {  	v1 =	vadd.f32 v2, v1;
	v2 =	vmul.f32 v4, v3;
	v3 =	vbroadcast v7, $0x1  }
0x112: {  	v4 =	vld [tilespmem:s16+$0xA0]  }
0x113: {  	v1 =	vadd.f32 v2, v1;
	v2 =	vmul.f32 v5, v3;
	v3 =	vbroadcast v7, $0x2  }
0x114: {  	v5 =	vld [tilespmem:s16+$0xB0]  }
0x115: {  	v1 =	vadd.f32 v2, v1;
	v2 =	vmul.f32 v6, v3;
	v3 =	vbroadcast v7, $0x3  }
0x116: {  	v6 =	vld [tilespmem:s16+$0xC0]  }
0x117: {  	v1 =	vadd.f32 v2, v1;
	v2 =	vmul.f32 v4, v3;
	v3 =	vbroadcast v7, $0x4  }
0x118: {  	v4 =	vld [tilespmem:s16+$0xD0]  }
0x119: {  	v1 =	vadd.f32 v2, v1;
	v2 =	vmul.f32 v5, v3;
	v3 =	vbroadcast v7, $0x5  }
0x11a: {  	v5 =	vld [tilespmem:s16+$0xE0]  }
0x11b: {  	v1 =	vadd.f32 v2, v1;
	v2 =	vmul.f32 v6, v3;
	v3 =	vbroadcast v7, $0x6  }
0x11c: {  	v6 =	vld [tilespmem:s16+$0xF0]  }
0x11d: {  	v1 =	vadd.f32 v2, v1;
	v2 =	vmul.f32 v4, v3;
	v3 =	vbroadcast v7, $0x7  }
0x11e: {  	v4 =	vld [tilespmem:s16+$0x100]  }
0x11f: {  	v1 =	vadd.f32 v2, v1;
	v2 =	vmul.f32 v5, v3;
	v3 =	vbroadcast v7, $0x8  }
0x120: {  	v5 =	vld [tilespmem:s16+$0x110]  }
0x121: {  	v1 =	vadd.f32 v2, v1;
	v2 =	vmul.f32 v6, v3;
	v3 =	vbroadcast v7, $0x9  }
0x122: {  	v6 =	vld [tilespmem:s16+$0x120]  }
0x123: {  	v1 =	vadd.f32 v2, v1;
	v2 =	vmul.f32 v4, v3;
	v3 =	vbroadcast v7, $0xA  }
0x124: {  	v4 =	vld [tilespmem:s16+$0x130]  }
0x125: {  	v1 =	vadd.f32 v2, v1;
	v2 =	vmul.f32 v5, v3;
	v3 =	vbroadcast v7, $0xB  }
0x126: {  	v5 =	vld [tilespmem:s16+$0x140]  }
0x127: {  	v1 =	vadd.f32 v2, v1;
	v2 =	vmul.f32 v6, v3;
	v3 =	vbroadcast v7, $0xC  }
0x128: {  	v6 =	vld [tilespmem:s16+$0x150]  }
0x129: {  	v1 =	vadd.f32 v2, v1;
	v2 =	vmul.f32 v4, v3;
	v3 =	vbroadcast v7, $0xD;
	v4 =	vld [tilespmem:s16+$0x160]  }
0x12a: {  	v8 =	vld [tilespmem:s18+$0x2]  }
0x12b: {  	v1 =	vadd.f32 v2, v1;
	v2 =	vmul.f32 v5, v3;
	v3 =	vbroadcast v7, $0xE  }
0x12c: {  	v5 =	vld [tilespmem:s16+$0x170]  }
0x12d: {  	v1 =	vadd.f32 v2, v1;
	v2 =	vmul.f32 v6, v3;
	v3 =	vbroadcast v7, $0xF  }
0x12e: {  	v6 =	vld [tilespmem:s16+$0x180]  }
0x12f: {  	v1 =	vadd.f32 v2, v1;
	v2 =	vmul.f32 v4, v3;
	v3 =	vbroadcast v8, $0xE;
	_ =	sdelay $0x1  }
0x130: {  	v1 =	vadd.f32 v2, v1;
	v2 =	vmul.f32 v5, v3;
	v3 =	vbroadcast v8, $0xF;
	_ =	sdelay $0x1  }
0x131: {  	v1 =	vadd.f32 v2, v1;
	v2 =	vmul.f32 v6, v3  }
.Ltmp1:
0x132: {  	(pc) =	sbr.rel @p0 .LBB2_5-.Ltmp1, $4  }
0x133: {  	v1 =	vadd.f32 v2, v1  }
0x134: {  	s20 =	sshra.s32 s17, $0x2;
	s17 =	smov.u32 s19  }
0x135: {  	s18 =	sadd.s32 $0x38, s18;
	[tilespmem:v0+s20+$0x0 ss:$0x1] =	vst.idx.msk $0xffff, v1  }
0x136: {  	s19 =	sadd.s32 $0x40, s19;
	v1 =	vld [tilespmem:s18+$0xFFFFFFE0]  }
0x137: {  	s16 =	sadd.s32 $0x320, s16  }
0x138: {  	v2 =	vld [tilespmem:s16+$0xFFFFFE70];
	_ =	sdelay $0x1  }
0x139: {  	v3 =	vld [tilespmem:s16+$0xFFFFFE80]  }
0x13a: {  	v4 =	vbroadcast v1, $0x0  }
0x13b: {  	v5 =	vld [tilespmem:s16+$0xFFFFFE90]  }
0x13c: {  	v29 =	vbroadcast v1, $0x1;
	v2 =	vmul.f32 v2, v4  }
0x13d: {  	v6 =	vld [tilespmem:s16+$0xFFFFFEA0]  }
0x13e: {  	v30 =	vbroadcast v1, $0x2;
	v3 =	vmul.f32 v3, v29;
	v2 =	vadd.f32 $0.0e+00, v2  }
0x13f: {  	v7 =	vld [tilespmem:s16+$0xFFFFFEB0]  }
0x140: {  	v32 =	vbroadcast v1, $0x3;
	v31 =	vmul.f32 v5, v30;
	v2 =	vadd.f32 v3, v2  }
0x141: {  	v33 =	vld [tilespmem:s16+$0xFFFFFEC0]  }
0x142: {  	v35 =	vbroadcast v1, $0x4;
	v34 =	vmul.f32 v6, v32;
	v2 =	vadd.f32 v31, v2  }
0x143: {  	v36 =	vld [tilespmem:s16+$0xFFFFFED0]  }
0x144: {  	v38 =	vbroadcast v1, $0x5;
	v37 =	vmul.f32 v7, v35;
	v2 =	vadd.f32 v34, v2  }
0x145: {  	v39 =	vld [tilespmem:s16+$0xFFFFFEE0]  }
0x146: {  	v41 =	vbroadcast v1, $0x6;
	v40 =	vmul.f32 v33, v38;
	v2 =	vadd.f32 v37, v2  }
0x147: {  	v42 =	vld [tilespmem:s16+$0xFFFFFEF0]  }
0x148: {  	v44 =	vbroadcast v1, $0x7;
	v43 =	vmul.f32 v36, v41;
	v2 =	vadd.f32 v40, v2  }
0x149: {  	v45 =	vld [tilespmem:s16+$0xFFFFFF00]  }
0x14a: {  	v47 =	vbroadcast v1, $0x8;
	v46 =	vmul.f32 v39, v44;
	v2 =	vadd.f32 v43, v2  }
0x14b: {  	v48 =	vld [tilespmem:s16+$0xFFFFFF10]  }
0x14c: {  	v50 =	vbroadcast v1, $0x9;
	v49 =	vmul.f32 v42, v47;
	v2 =	vadd.f32 v46, v2  }
0x14d: {  	v51 =	vld [tilespmem:s16+$0xFFFFFF20]  }
0x14e: {  	v53 =	vbroadcast v1, $0xA;
	v52 =	vmul.f32 v45, v50;
	v2 =	vadd.f32 v49, v2  }
0x14f: {  	v54 =	vld [tilespmem:s16+$0xFFFFFF30]  }
0x150: {  	v56 =	vbroadcast v1, $0xB;
	v55 =	vmul.f32 v48, v53;
	v2 =	vadd.f32 v52, v2  }
0x151: {  	v57 =	vld [tilespmem:s16+$0xFFFFFF40]  }
0x152: {  	v59 =	vbroadcast v1, $0xC;
	v58 =	vmul.f32 v51, v56;
	v2 =	vadd.f32 v55, v2  }
0x153: {  	v60 =	vld [tilespmem:s16+$0xFFFFFF50]  }
0x154: {  	v8 =	vld [tilespmem:s18+$0xFFFFFFF0];
	v62 =	vbroadcast v1, $0xD;
	v61 =	vmul.f32 v54, v59;
	v2 =	vadd.f32 v58, v2  }
0x155: {  	v63 =	vld [tilespmem:s16+$0xFFFFFF60]  }
0x156: {  	v13 =	vbroadcast v1, $0xE;
	v12 =	vmul.f32 v57, v62;
	v2 =	vadd.f32 v61, v2  }
0x157: {  	v14 =	vld [tilespmem:s16+$0xFFFFFF70]  }
0x158: {  	v16 =	vbroadcast v1, $0xF;
	v15 =	vmul.f32 v60, v13;
	v2 =	vadd.f32 v12, v2  }
0x159: {  	v17 =	vld [tilespmem:s16+$0xFFFFFF80]  }
0x15a: {  	v18 =	vbroadcast v8, $0x0;
	v1 =	vmul.f32 v63, v16;
	v2 =	vadd.f32 v15, v2  }
0x15b: {  	v19 =	vld [tilespmem:s16+$0xFFFFFF90]  }
0x15c: {  	v21 =	vbroadcast v8, $0x1;
	v20 =	vmul.f32 v14, v18;
	v1 =	vadd.f32 v1, v2  }
0x15d: {  	v22 =	vld [tilespmem:s16+$0xFFFFFFA0]  }
0x15e: {  	v24 =	vbroadcast v8, $0x2;
	v23 =	vmul.f32 v17, v21;
	v1 =	vadd.f32 v20, v1  }
0x15f: {  	v25 =	vld [tilespmem:s16+$0xFFFFFFB0]  }
0x160: {  	v27 =	vbroadcast v8, $0x3;
	v26 =	vmul.f32 v19, v24;
	v1 =	vadd.f32 v23, v1  }
0x161: {  	v28 =	vld [tilespmem:s16+$0xFFFFFFC0]  }
0x162: {  	v30 =	vbroadcast v8, $0x4;
	v29 =	vmul.f32 v22, v27;
	v1 =	vadd.f32 v26, v1  }
0x163: {  	v31 =	vld [tilespmem:s16+$0xFFFFFFD0]  }
0x164: {  	v33 =	vbroadcast v8, $0x5;
	v32 =	vmul.f32 v25, v30;
	v1 =	vadd.f32 v29, v1  }
0x165: {  	v34 =	vld [tilespmem:s16+$0xFFFFFFE0]  }
0x166: {  	v36 =	vbroadcast v8, $0x6;
	v35 =	vmul.f32 v28, v33;
	v1 =	vadd.f32 v32, v1  }
0x167: {  	v37 =	vld [tilespmem:s16+$0xFFFFFFF0]  }
0x168: {  	v39 =	vbroadcast v8, $0x7;
	v38 =	vmul.f32 v31, v36;
	v1 =	vadd.f32 v35, v1  }
0x169: {  	v40 =	vld [tilespmem:s16+$0x0]  }
0x16a: {  	v42 =	vbroadcast v8, $0x8;
	v41 =	vmul.f32 v34, v39;
	v1 =	vadd.f32 v38, v1  }
0x16b: {  	v43 =	vld [tilespmem:s16+$0x10]  }
0x16c: {  	v45 =	vbroadcast v8, $0x9;
	v44 =	vmul.f32 v37, v42;
	v1 =	vadd.f32 v41, v1  }
0x16d: {  	v46 =	vld [tilespmem:s16+$0x20]  }
0x16e: {  	v48 =	vbroadcast v8, $0xA;
	v47 =	vmul.f32 v40, v45;
	v1 =	vadd.f32 v44, v1  }
0x16f: {  	v49 =	vld [tilespmem:s16+$0x30]  }
0x170: {  	v51 =	vbroadcast v8, $0xB;
	v50 =	vmul.f32 v43, v48;
	v1 =	vadd.f32 v47, v1  }
0x171: {  	v52 =	vld [tilespmem:s16+$0x40]  }
0x172: {  	v54 =	vbroadcast v8, $0xC;
	v53 =	vmul.f32 v46, v51;
	v1 =	vadd.f32 v50, v1  }
0x173: {  	v55 =	vld [tilespmem:s16+$0x50]  }
0x174: {  	v57 =	vbroadcast v8, $0xD;
	v59 =	vld [tilespmem:s18+$0x0];
	v56 =	vmul.f32 v49, v54;
	v1 =	vadd.f32 v53, v1  }
0x175: {  	v58 =	vld [tilespmem:s16+$0x60]  }
0x176: {  	v60 =	vmul.f32 v52, v57;
	v61 =	vbroadcast v8, $0xE;
	v1 =	vadd.f32 v56, v1  }
0x177: {  	v62 =	vld [tilespmem:s16+$0x70]  }
0x178: {  	v8 =	vbroadcast v8, $0xF;
	v63 =	vmul.f32 v55, v61;
	v1 =	vadd.f32 v60, v1  }
0x179: {  	v9 =	vld [tilespmem:s16+$0x80]  }
0x17a: {  	v11 =	vbroadcast v59, $0x0;
	v10 =	vmul.f32 v58, v8;
	v1 =	vadd.f32 v63, v1  }
0x17b: {  	v12 =	vld [tilespmem:s16+$0x90]  }
0x17c: {  	v14 =	vbroadcast v59, $0x1;
	v13 =	vmul.f32 v62, v11;
	v1 =	vadd.f32 v10, v1  }
0x17d: {  	v15 =	vld [tilespmem:s16+$0xA0]  }
0x17e: {  	v17 =	vbroadcast v59, $0x2;
	v16 =	vmul.f32 v9, v14;
	v1 =	vadd.f32 v13, v1  }
0x17f: {  	v18 =	vld [tilespmem:s16+$0xB0]  }
0x180: {  	v19 =	vmul.f32 v12, v17;
	v20 =	vbroadcast v59, $0x3;
	v1 =	vadd.f32 v16, v1  }
0x181: {  	v21 =	vld [tilespmem:s16+$0xC0]  }
0x182: {  	v22 =	vmul.f32 v15, v20;
	v23 =	vbroadcast v59, $0x4;
	v1 =	vadd.f32 v19, v1  }
0x183: {  	v24 =	vld [tilespmem:s16+$0xD0]  }
0x184: {  	v25 =	vmul.f32 v18, v23;
	v26 =	vbroadcast v59, $0x5;
	v1 =	vadd.f32 v22, v1  }
0x185: {  	v27 =	vld [tilespmem:s16+$0xE0]  }
0x186: {  	v28 =	vmul.f32 v21, v26;
	v29 =	vbroadcast v59, $0x6;
	v1 =	vadd.f32 v25, v1  }
0x187: {  	v30 =	vld [tilespmem:s16+$0xF0]  }
0x188: {  	v31 =	vmul.f32 v24, v29;
	v32 =	vbroadcast v59, $0x7;
	v1 =	vadd.f32 v28, v1  }
0x189: {  	v33 =	vld [tilespmem:s16+$0x100]  }
0x18a: {  	v34 =	vmul.f32 v27, v32;
	v35 =	vbroadcast v59, $0x8;
	v1 =	vadd.f32 v31, v1  }
0x18b: {  	v36 =	vld [tilespmem:s16+$0x110]  }
0x18c: {  	v37 =	vmul.f32 v30, v35;
	v38 =	vbroadcast v59, $0x9;
	v1 =	vadd.f32 v34, v1  }
0x18d: {  	v39 =	vld [tilespmem:s16+$0x120]  }
0x18e: {  	v40 =	vmul.f32 v33, v38;
	v41 =	vbroadcast v59, $0xA;
	v1 =	vadd.f32 v37, v1  }
0x18f: {  	v42 =	vld [tilespmem:s16+$0x130]  }
0x190: {  	v43 =	vmul.f32 v36, v41;
	v44 =	vbroadcast v59, $0xB;
	v1 =	vadd.f32 v40, v1  }
0x191: {  	v45 =	vld [tilespmem:s16+$0x140]  }
0x192: {  	v46 =	vmul.f32 v39, v44;
	v47 =	vbroadcast v59, $0xC;
	v1 =	vadd.f32 v43, v1  }
0x193: {  	v48 =	vld [tilespmem:s16+$0x150]  }
0x194: {  	v51 =	vld [tilespmem:s16+$0x160];
	v49 =	vmul.f32 v42, v47;
	v50 =	vbroadcast v59, $0xD;
	v1 =	vadd.f32 v46, v1  }
0x195: {  	v52 =	vld [tilespmem:s18+$0x2]  }
0x196: {  	v54 =	vbroadcast v59, $0xE;
	v53 =	vmul.f32 v45, v50;
	v1 =	vadd.f32 v49, v1  }
0x197: {  	v55 =	vld [tilespmem:s16+$0x170]  }
0x198: {  	v57 =	vbroadcast v59, $0xF;
	v56 =	vmul.f32 v48, v54;
	v1 =	vadd.f32 v53, v1  }
0x199: {  	v58 =	vld [tilespmem:s16+$0x180]  }
0x19a: {  	v59 =	vmul.f32 v51, v57;
	v60 =	vbroadcast v52, $0xE;
	v1 =	vadd.f32 v56, v1;
	_ =	sdelay $0x1  }
0x19b: {  	v62 =	vbroadcast v52, $0xF;
	v61 =	vmul.f32 v55, v60;
	v1 =	vadd.f32 v59, v1  }
0x19c: {  	p0 =	seq.s32 s15, $0x7  }
.Ltmp2:
0x19d: {  	v63 =	vmul.f32 v58, v62;
	v1 =	vadd.f32 v61, v1;
	(pc) =	sbr.rel @p0 .LBB2_9-.Ltmp2, $4  }
0x19e: {  	_ = 	snop  }
0x19f: {  	v1 =	vadd.f32 v63, v1  }
0x1a0: {  	s20 =	sshra.s32 s17, $0x2  }
0x1a1: {  	[tilespmem:v0+s20+$0x0 ss:$0x1] =	vst.idx.msk $0xffff, v1  }
0x1a2: {  	s16 =	simm.s32 $0xE000;
	s17 =	sadd.s32 $0x0, s11  }
0x1a3: {  	[tilespmem:s16], [sflag:$0x1] =	stream.indirect.gather [hbm4b:s3+s10], $0x10, s17, s10, $0xb8;
	[tilespmem:$0x1C800] =	vst v63  }
0x1a4: {  	s17 =	simm.s32 $0xE0  }
.LBB2_8:
0x1a5: {  	p0 =	sne.s32 s17, $0x1B20  }
.Ltmp3:
0x1a6: {  	_ = 	snop;
	(pc) =	sbr.rel @p0 .LBB2_8-.Ltmp3, $4  }
0x1a7: {  	_ = 	snop  }
0x1a8: {  	s18 =	sshra.s32 s17, $0x2;
	s17 =	sadd.s32 $0xE0, s17  }
0x1a9: {  	s16 =	sadd.s32 $0x320, s16;
	s18 =	sadd.s32 s18, s11  }
0x1aa: {  	[tilespmem:s16], [sflag:$0x1] =	stream.indirect.gather [hbm4b:s3+s10], $0x10, s18, s10, $0xb8;
	[tilespmem:$0x1C800] =	vst v63  }
.LBB2_9:
0x1ab: {  	_ =	swait.ge [sflag:s30], $0x6400  }
0x1ac: {  	[sflag:s30] =	ssyncset.done $0x0  }
0x1ad: {  	[sflag:s30] =	ssyncadd.s32 $0xFFFF9C00  }
0x1ae: {  	v0 =	vld [tilespmem:s13+$0xFFFFFFDE]  }
0x1af: {  	s16 =	simm.s32 $0x0  }
0x1b0: {  	v1 =	vld [tilespmem:s16+$0x14400];
	_ =	sdelay $0x1  }
0x1b1: {  	v2 =	vld [tilespmem:s16+$0x14410]  }
0x1b2: {  	v3 =	vbroadcast v0, $0x0  }
0x1b3: {  	v4 =	vld [tilespmem:s16+$0x14420]  }
0x1b4: {  	v1 =	vmul.f32 v1, v3;
	v3 =	vbroadcast v0, $0x1  }
0x1b5: {  	v5 =	vld [tilespmem:s16+$0x14430]  }
0x1b6: {  	v1 =	vadd.f32 $0.0e+00, v1;
	v2 =	vmul.f32 v2, v3;
	v3 =	vbroadcast v0, $0x2  }
0x1b7: {  	v6 =	vld [tilespmem:s16+$0x14440]  }
0x1b8: {  	v1 =	vadd.f32 v2, v1;
	v2 =	vmul.f32 v4, v3;
	v3 =	vbroadcast v0, $0x3  }
0x1b9: {  	v28 =	vld [tilespmem:s16+$0x14450]  }
0x1ba: {  	v1 =	vadd.f32 v2, v1;
	v2 =	vmul.f32 v5, v3;
	v3 =	vbroadcast v0, $0x4  }
0x1bb: {  	v29 =	vld [tilespmem:s16+$0x14460]  }
0x1bc: {  	v1 =	vadd.f32 v2, v1;
	v2 =	vmul.f32 v6, v3;
	v3 =	vbroadcast v0, $0x5  }
0x1bd: {  	v30 =	vld [tilespmem:s16+$0x14470]  }
0x1be: {  	v1 =	vadd.f32 v2, v1;
	v2 =	vmul.f32 v28, v3;
	v3 =	vbroadcast v0, $0x6  }
0x1bf: {  	v31 =	vld [tilespmem:s16+$0x14480]  }
0x1c0: {  	v1 =	vadd.f32 v2, v1;
	v2 =	vmul.f32 v29, v3;
	v3 =	vbroadcast v0, $0x7  }
0x1c1: {  	v32 =	vld [tilespmem:s16+$0x14490]  }
0x1c2: {  	v1 =	vadd.f32 v2, v1;
	v2 =	vmul.f32 v30, v3;
	v3 =	vbroadcast v0, $0x8  }
0x1c3: {  	v33 =	vld [tilespmem:s16+$0x144A0]  }
0x1c4: {  	v1 =	vadd.f32 v2, v1;
	v2 =	vmul.f32 v31, v3;
	v3 =	vbroadcast v0, $0x9  }
0x1c5: {  	v34 =	vld [tilespmem:s16+$0x144B0]  }
0x1c6: {  	v1 =	vadd.f32 v2, v1;
	v2 =	vmul.f32 v32, v3;
	v3 =	vbroadcast v0, $0xA  }
0x1c7: {  	v35 =	vld [tilespmem:s16+$0x144C0]  }
0x1c8: {  	v1 =	vadd.f32 v2, v1;
	v2 =	vmul.f32 v33, v3;
	v3 =	vbroadcast v0, $0xB  }
0x1c9: {  	v36 =	vld [tilespmem:s16+$0x144D0]  }
0x1ca: {  	v1 =	vadd.f32 v2, v1;
	v2 =	vmul.f32 v34, v3;
	v3 =	vbroadcast v0, $0xC  }
0x1cb: {  	v37 =	vld [tilespmem:s16+$0x144E0]  }
0x1cc: {  	v38 =	vld [tilespmem:s16+$0x144F0];
	v1 =	vadd.f32 v2, v1;
	v2 =	vmul.f32 v35, v3;
	v3 =	vbroadcast v0, $0xD  }
0x1cd: {  	v7 =	vld [tilespmem:s13+$0xFFFFFFEE]  }
0x1ce: {  	v1 =	vadd.f32 v2, v1;
	v2 =	vmul.f32 v36, v3;
	v3 =	vbroadcast v0, $0xE  }
0x1cf: {  	v39 =	vld [tilespmem:s16+$0x14500]  }
0x1d0: {  	v0 =	vbroadcast v0, $0xF;
	v1 =	vadd.f32 v2, v1;
	v2 =	vmul.f32 v37, v3  }
0x1d1: {  	v3 =	vld [tilespmem:s16+$0x14510]  }
0x1d2: {  	v0 =	vmul.f32 v38, v0;
	v1 =	vadd.f32 v2, v1;
	v2 =	vbroadcast v7, $0x0  }
0x1d3: {  	v40 =	vld [tilespmem:s16+$0x14520]  }
0x1d4: {  	v0 =	vadd.f32 v0, v1;
	v1 =	vmul.f32 v39, v2;
	v2 =	vbroadcast v7, $0x1  }
0x1d5: {  	v41 =	vld [tilespmem:s16+$0x14530]  }
0x1d6: {  	v0 =	vadd.f32 v1, v0;
	v1 =	vmul.f32 v3, v2;
	v2 =	vbroadcast v7, $0x2  }
0x1d7: {  	v3 =	vld [tilespmem:s16+$0x14540]  }
0x1d8: {  	v0 =	vadd.f32 v1, v0;
	v1 =	vmul.f32 v40, v2;
	v2 =	vbroadcast v7, $0x3  }
0x1d9: {  	v42 =	vld [tilespmem:s16+$0x14550]  }
0x1da: {  	v0 =	vadd.f32 v1, v0;
	v1 =	vmul.f32 v41, v2;
	v2 =	vbroadcast v7, $0x4  }
0x1db: {  	v43 =	vld [tilespmem:s16+$0x14560]  }
0x1dc: {  	v0 =	vadd.f32 v1, v0;
	v1 =	vmul.f32 v3, v2;
	v2 =	vbroadcast v7, $0x5  }
0x1dd: {  	v3 =	vld [tilespmem:s16+$0x14570]  }
0x1de: {  	v0 =	vadd.f32 v1, v0;
	v1 =	vmul.f32 v42, v2;
	v2 =	vbroadcast v7, $0x6  }
0x1df: {  	v44 =	vld [tilespmem:s16+$0x14580]  }
0x1e0: {  	v0 =	vadd.f32 v1, v0;
	v1 =	vmul.f32 v43, v2;
	v2 =	vbroadcast v7, $0x7  }
0x1e1: {  	v45 =	vld [tilespmem:s16+$0x14590]  }
0x1e2: {  	v0 =	vadd.f32 v1, v0;
	v1 =	vmul.f32 v3, v2;
	v2 =	vbroadcast v7, $0x8  }
0x1e3: {  	v3 =	vld [tilespmem:s16+$0x145A0]  }
0x1e4: {  	v0 =	vadd.f32 v1, v0;
	v1 =	vmul.f32 v44, v2;
	v2 =	vbroadcast v7, $0x9  }
0x1e5: {  	v46 =	vld [tilespmem:s16+$0x145B0]  }
0x1e6: {  	v0 =	vadd.f32 v1, v0;
	v1 =	vmul.f32 v45, v2;
	v2 =	vbroadcast v7, $0xA  }
0x1e7: {  	v47 =	vld [tilespmem:s16+$0x145C0]  }
0x1e8: {  	v0 =	vadd.f32 v1, v0;
	v1 =	vmul.f32 v3, v2;
	v2 =	vbroadcast v7, $0xB  }
0x1e9: {  	v3 =	vld [tilespmem:s16+$0x145D0]  }
0x1ea: {  	v0 =	vadd.f32 v1, v0;
	v1 =	vmul.f32 v46, v2;
	v2 =	vbroadcast v7, $0xC  }
0x1eb: {  	v48 =	vld [tilespmem:s16+$0x145E0]  }
0x1ec: {  	v49 =	vld [tilespmem:s16+$0x145F0];
	v0 =	vadd.f32 v1, v0;
	v1 =	vmul.f32 v47, v2;
	v2 =	vbroadcast v7, $0xD  }
0x1ed: {  	v50 =	vld [tilespmem:s13+$0xFFFFFFFE]  }
0x1ee: {  	v0 =	vadd.f32 v1, v0;
	v1 =	vmul.f32 v3, v2;
	v2 =	vbroadcast v7, $0xE  }
0x1ef: {  	v3 =	vld [tilespmem:s16+$0x14600]  }
0x1f0: {  	v0 =	vadd.f32 v1, v0;
	v1 =	vmul.f32 v48, v2;
	v2 =	vbroadcast v7, $0xF  }
0x1f1: {  	v51 =	vld [tilespmem:s16+$0x14610]  }
0x1f2: {  	v0 =	vadd.f32 v1, v0;
	v1 =	vmul.f32 v49, v2;
	v2 =	vbroadcast v50, $0x0  }
0x1f3: {  	v52 =	vld [tilespmem:s16+$0x14620]  }
0x1f4: {  	v0 =	vadd.f32 v1, v0;
	v1 =	vmul.f32 v3, v2;
	v2 =	vbroadcast v50, $0x1  }
0x1f5: {  	v3 =	vld [tilespmem:s16+$0x14630]  }
0x1f6: {  	v0 =	vadd.f32 v1, v0;
	v1 =	vmul.f32 v51, v2;
	v2 =	vbroadcast v50, $0x2  }
0x1f7: {  	v53 =	vld [tilespmem:s16+$0x14640]  }
0x1f8: {  	v0 =	vadd.f32 v1, v0;
	v1 =	vmul.f32 v52, v2;
	v2 =	vbroadcast v50, $0x3  }
0x1f9: {  	v54 =	vld [tilespmem:s16+$0x14650]  }
0x1fa: {  	v0 =	vadd.f32 v1, v0;
	v1 =	vmul.f32 v3, v2;
	v2 =	vbroadcast v50, $0x4  }
0x1fb: {  	v3 =	vld [tilespmem:s16+$0x14660]  }
0x1fc: {  	v0 =	vadd.f32 v1, v0;
	v1 =	vmul.f32 v53, v2;
	v2 =	vbroadcast v50, $0x5  }
0x1fd: {  	v55 =	vld [tilespmem:s16+$0x14670]  }
0x1fe: {  	v0 =	vadd.f32 v1, v0;
	v1 =	vmul.f32 v54, v2;
	v2 =	vbroadcast v50, $0x6  }
0x1ff: {  	v56 =	vld [tilespmem:s16+$0x14680]  }
0x200: {  	v0 =	vadd.f32 v1, v0;
	v1 =	vmul.f32 v3, v2;
	v2 =	vbroadcast v50, $0x7  }
0x201: {  	v3 =	vld [tilespmem:s16+$0x14690]  }
0x202: {  	v0 =	vadd.f32 v1, v0;
	v1 =	vmul.f32 v55, v2;
	v2 =	vbroadcast v50, $0x8  }
0x203: {  	v57 =	vld [tilespmem:s16+$0x146A0]  }
0x204: {  	v0 =	vadd.f32 v1, v0;
	v1 =	vmul.f32 v56, v2;
	v2 =	vbroadcast v50, $0x9  }
0x205: {  	v58 =	vld [tilespmem:s16+$0x146B0]  }
0x206: {  	v0 =	vadd.f32 v1, v0;
	v1 =	vmul.f32 v3, v2;
	v2 =	vbroadcast v50, $0xA  }
0x207: {  	v3 =	vld [tilespmem:s16+$0x146C0]  }
0x208: {  	v0 =	vadd.f32 v1, v0;
	v1 =	vmul.f32 v57, v2;
	v2 =	vbroadcast v50, $0xB  }
0x209: {  	v59 =	vld [tilespmem:s16+$0x146D0]  }
0x20a: {  	v0 =	vadd.f32 v1, v0;
	v1 =	vmul.f32 v58, v2;
	v2 =	vbroadcast v50, $0xC  }
0x20b: {  	v60 =	vld [tilespmem:s16+$0x146E0]  }
0x20c: {  	v61 =	vld [tilespmem:s13+$0x0];
	v0 =	vadd.f32 v1, v0;
	v1 =	vmul.f32 v3, v2;
	v2 =	vbroadcast v50, $0xD  }
0x20d: {  	v3 =	vld [tilespmem:s16+$0x146F0]  }
0x20e: {  	v0 =	vadd.f32 v1, v0;
	v1 =	vmul.f32 v59, v2;
	v2 =	vbroadcast v50, $0xE  }
0x20f: {  	v62 =	vld [tilespmem:s16+$0x14700]  }
0x210: {  	v0 =	vadd.f32 v1, v0;
	v1 =	vmul.f32 v60, v2;
	v2 =	vbroadcast v50, $0xF  }
0x211: {  	v63 =	vld [tilespmem:s16+$0x14710]  }
0x212: {  	v0 =	vadd.f32 v1, v0;
	v1 =	vmul.f32 v3, v2;
	v2 =	vbroadcast v61, $0xE;
	_ =	sdelay $0x1  }
0x213: {  	v0 =	vadd.f32 v1, v0;
	v1 =	vmul.f32 v62, v2;
	v2 =	vbroadcast v61, $0xF;
	_ =	sdelay $0x1  }
0x214: {  	v0 =	vadd.f32 v1, v0;
	v1 =	vmul.f32 v63, v2;
	_ =	sdelay $0x1  }
0x215: {  	v0 =	vadd.f32 v1, v0;
	_ =	sdelay $0x1  }
0x216: {  	s17 =	sadd.s32 $0x38, s13;
	[tilespmem:s12+$0x0] =	vst v0  }
0x217: {  	s18 =	simm.s32 $0xC80;
	s19 =	simm.s32 $0x1900;
	s16 =	smov.u32 s12;
	v0 =	vld [tilespmem:s17+$0xFFFFFFDE]  }
.LBB2_10:
0x218: {  	p0 =	sne.s32 s19, $0x18380;
	s20 =	sshra.s32 s18, $0x2;
	s18 =	smov.u32 s19  }
0x219: {  	v1 =	vld [tilespmem:s20+$0x14400];
	_ =	sdelay $0x1  }
0x21a: {  	v2 =	vld [tilespmem:s20+$0x14410]  }
0x21b: {  	v3 =	vbroadcast v0, $0x0  }
0x21c: {  	v4 =	vld [tilespmem:s20+$0x14420]  }
0x21d: {  	v1 =	vmul.f32 v1, v3;
	v3 =	vbroadcast v0, $0x1  }
0x21e: {  	v5 =	vld [tilespmem:s20+$0x14430]  }
0x21f: {  	v1 =	vadd.f32 $0.0e+00, v1;
	v2 =	vmul.f32 v2, v3;
	v3 =	vbroadcast v0, $0x2  }
0x220: {  	v6 =	vld [tilespmem:s20+$0x14440]  }
0x221: {  	v1 =	vadd.f32 v2, v1;
	v2 =	vmul.f32 v4, v3;
	v3 =	vbroadcast v0, $0x3  }
0x222: {  	v4 =	vld [tilespmem:s20+$0x14450]  }
0x223: {  	v1 =	vadd.f32 v2, v1;
	v2 =	vmul.f32 v5, v3;
	v3 =	vbroadcast v0, $0x4  }
0x224: {  	v5 =	vld [tilespmem:s20+$0x14460]  }
0x225: {  	v1 =	vadd.f32 v2, v1;
	v2 =	vmul.f32 v6, v3;
	v3 =	vbroadcast v0, $0x5  }
0x226: {  	v6 =	vld [tilespmem:s20+$0x14470]  }
0x227: {  	v1 =	vadd.f32 v2, v1;
	v2 =	vmul.f32 v4, v3;
	v3 =	vbroadcast v0, $0x6  }
0x228: {  	v4 =	vld [tilespmem:s20+$0x14480]  }
0x229: {  	v1 =	vadd.f32 v2, v1;
	v2 =	vmul.f32 v5, v3;
	v3 =	vbroadcast v0, $0x7  }
0x22a: {  	v5 =	vld [tilespmem:s20+$0x14490]  }
0x22b: {  	v1 =	vadd.f32 v2, v1;
	v2 =	vmul.f32 v6, v3;
	v3 =	vbroadcast v0, $0x8  }
0x22c: {  	v6 =	vld [tilespmem:s20+$0x144A0]  }
0x22d: {  	v1 =	vadd.f32 v2, v1;
	v2 =	vmul.f32 v4, v3;
	v3 =	vbroadcast v0, $0x9  }
0x22e: {  	v4 =	vld [tilespmem:s20+$0x144B0]  }
0x22f: {  	v1 =	vadd.f32 v2, v1;
	v2 =	vmul.f32 v5, v3;
	v3 =	vbroadcast v0, $0xA  }
0x230: {  	v5 =	vld [tilespmem:s20+$0x144C0]  }
0x231: {  	v1 =	vadd.f32 v2, v1;
	v2 =	vmul.f32 v6, v3;
	v3 =	vbroadcast v0, $0xB  }
0x232: {  	v6 =	vld [tilespmem:s20+$0x144D0]  }
0x233: {  	v1 =	vadd.f32 v2, v1;
	v2 =	vmul.f32 v4, v3;
	v3 =	vbroadcast v0, $0xC  }
0x234: {  	v4 =	vld [tilespmem:s20+$0x144E0]  }
0x235: {  	v1 =	vadd.f32 v2, v1;
	v2 =	vmul.f32 v5, v3;
	v3 =	vbroadcast v0, $0xD;
	v5 =	vld [tilespmem:s20+$0x144F0]  }
0x236: {  	v7 =	vld [tilespmem:s17+$0xFFFFFFEE]  }
0x237: {  	v1 =	vadd.f32 v2, v1;
	v2 =	vmul.f32 v6, v3;
	v3 =	vbroadcast v0, $0xE  }
0x238: {  	v6 =	vld [tilespmem:s20+$0x14500]  }
0x239: {  	v0 =	vbroadcast v0, $0xF;
	v1 =	vadd.f32 v2, v1;
	v2 =	vmul.f32 v4, v3  }
0x23a: {  	v3 =	vld [tilespmem:s20+$0x14510]  }
0x23b: {  	v0 =	vmul.f32 v5, v0;
	v1 =	vadd.f32 v2, v1;
	v2 =	vbroadcast v7, $0x0  }
0x23c: {  	v4 =	vld [tilespmem:s20+$0x14520]  }
0x23d: {  	v0 =	vadd.f32 v0, v1;
	v1 =	vmul.f32 v6, v2;
	v2 =	vbroadcast v7, $0x1  }
0x23e: {  	v5 =	vld [tilespmem:s20+$0x14530]  }
0x23f: {  	v0 =	vadd.f32 v1, v0;
	v1 =	vmul.f32 v3, v2;
	v2 =	vbroadcast v7, $0x2  }
0x240: {  	v3 =	vld [tilespmem:s20+$0x14540]  }
0x241: {  	v0 =	vadd.f32 v1, v0;
	v1 =	vmul.f32 v4, v2;
	v2 =	vbroadcast v7, $0x3  }
0x242: {  	v4 =	vld [tilespmem:s20+$0x14550]  }
0x243: {  	v0 =	vadd.f32 v1, v0;
	v1 =	vmul.f32 v5, v2;
	v2 =	vbroadcast v7, $0x4  }
0x244: {  	v5 =	vld [tilespmem:s20+$0x14560]  }
0x245: {  	v0 =	vadd.f32 v1, v0;
	v1 =	vmul.f32 v3, v2;
	v2 =	vbroadcast v7, $0x5  }
0x246: {  	v3 =	vld [tilespmem:s20+$0x14570]  }
0x247: {  	v0 =	vadd.f32 v1, v0;
	v1 =	vmul.f32 v4, v2;
	v2 =	vbroadcast v7, $0x6  }
0x248: {  	v4 =	vld [tilespmem:s20+$0x14580]  }
0x249: {  	v0 =	vadd.f32 v1, v0;
	v1 =	vmul.f32 v5, v2;
	v2 =	vbroadcast v7, $0x7  }
0x24a: {  	v5 =	vld [tilespmem:s20+$0x14590]  }
0x24b: {  	v0 =	vadd.f32 v1, v0;
	v1 =	vmul.f32 v3, v2;
	v2 =	vbroadcast v7, $0x8  }
0x24c: {  	v3 =	vld [tilespmem:s20+$0x145A0]  }
0x24d: {  	v0 =	vadd.f32 v1, v0;
	v1 =	vmul.f32 v4, v2;
	v2 =	vbroadcast v7, $0x9  }
0x24e: {  	v4 =	vld [tilespmem:s20+$0x145B0]  }
0x24f: {  	v0 =	vadd.f32 v1, v0;
	v1 =	vmul.f32 v5, v2;
	v2 =	vbroadcast v7, $0xA  }
0x250: {  	v5 =	vld [tilespmem:s20+$0x145C0]  }
0x251: {  	v0 =	vadd.f32 v1, v0;
	v1 =	vmul.f32 v3, v2;
	v2 =	vbroadcast v7, $0xB  }
0x252: {  	v3 =	vld [tilespmem:s20+$0x145D0]  }
0x253: {  	v0 =	vadd.f32 v1, v0;
	v1 =	vmul.f32 v4, v2;
	v2 =	vbroadcast v7, $0xC  }
0x254: {  	v4 =	vld [tilespmem:s20+$0x145E0]  }
0x255: {  	v0 =	vadd.f32 v1, v0;
	v1 =	vmul.f32 v5, v2;
	v2 =	vbroadcast v7, $0xD;
	v5 =	vld [tilespmem:s20+$0x145F0]  }
0x256: {  	v6 =	vld [tilespmem:s17+$0xFFFFFFFE]  }
0x257: {  	v0 =	vadd.f32 v1, v0;
	v1 =	vmul.f32 v3, v2;
	v2 =	vbroadcast v7, $0xE  }
0x258: {  	v3 =	vld [tilespmem:s20+$0x14600]  }
0x259: {  	v0 =	vadd.f32 v1, v0;
	v1 =	vmul.f32 v4, v2;
	v2 =	vbroadcast v7, $0xF  }
0x25a: {  	v4 =	vld [tilespmem:s20+$0x14610]  }
0x25b: {  	v0 =	vadd.f32 v1, v0;
	v1 =	vmul.f32 v5, v2;
	v2 =	vbroadcast v6, $0x0  }
0x25c: {  	v5 =	vld [tilespmem:s20+$0x14620]  }
0x25d: {  	v0 =	vadd.f32 v1, v0;
	v1 =	vmul.f32 v3, v2;
	v2 =	vbroadcast v6, $0x1  }
0x25e: {  	v3 =	vld [tilespmem:s20+$0x14630]  }
0x25f: {  	v0 =	vadd.f32 v1, v0;
	v1 =	vmul.f32 v4, v2;
	v2 =	vbroadcast v6, $0x2  }
0x260: {  	v4 =	vld [tilespmem:s20+$0x14640]  }
0x261: {  	v0 =	vadd.f32 v1, v0;
	v1 =	vmul.f32 v5, v2;
	v2 =	vbroadcast v6, $0x3  }
0x262: {  	v5 =	vld [tilespmem:s20+$0x14650]  }
0x263: {  	v0 =	vadd.f32 v1, v0;
	v1 =	vmul.f32 v3, v2;
	v2 =	vbroadcast v6, $0x4  }
0x264: {  	v3 =	vld [tilespmem:s20+$0x14660]  }
0x265: {  	v0 =	vadd.f32 v1, v0;
	v1 =	vmul.f32 v4, v2;
	v2 =	vbroadcast v6, $0x5  }
0x266: {  	v4 =	vld [tilespmem:s20+$0x14670]  }
0x267: {  	v0 =	vadd.f32 v1, v0;
	v1 =	vmul.f32 v5, v2;
	v2 =	vbroadcast v6, $0x6  }
0x268: {  	v5 =	vld [tilespmem:s20+$0x14680]  }
0x269: {  	v0 =	vadd.f32 v1, v0;
	v1 =	vmul.f32 v3, v2;
	v2 =	vbroadcast v6, $0x7  }
0x26a: {  	v3 =	vld [tilespmem:s20+$0x14690]  }
0x26b: {  	v0 =	vadd.f32 v1, v0;
	v1 =	vmul.f32 v4, v2;
	v2 =	vbroadcast v6, $0x8  }
0x26c: {  	v4 =	vld [tilespmem:s20+$0x146A0]  }
0x26d: {  	v0 =	vadd.f32 v1, v0;
	v1 =	vmul.f32 v5, v2;
	v2 =	vbroadcast v6, $0x9  }
0x26e: {  	v5 =	vld [tilespmem:s20+$0x146B0]  }
0x26f: {  	v0 =	vadd.f32 v1, v0;
	v1 =	vmul.f32 v3, v2;
	v2 =	vbroadcast v6, $0xA  }
0x270: {  	v3 =	vld [tilespmem:s20+$0x146C0]  }
0x271: {  	v0 =	vadd.f32 v1, v0;
	v1 =	vmul.f32 v4, v2;
	v2 =	vbroadcast v6, $0xB  }
0x272: {  	v4 =	vld [tilespmem:s20+$0x146D0]  }
0x273: {  	v0 =	vadd.f32 v1, v0;
	v1 =	vmul.f32 v5, v2;
	v2 =	vbroadcast v6, $0xC  }
0x274: {  	v5 =	vld [tilespmem:s20+$0x146E0]  }
0x275: {  	v0 =	vadd.f32 v1, v0;
	v1 =	vmul.f32 v3, v2;
	v2 =	vbroadcast v6, $0xD;
	v3 =	vld [tilespmem:s20+$0x146F0]  }
0x276: {  	v7 =	vld [tilespmem:s17+$0x0]  }
0x277: {  	v0 =	vadd.f32 v1, v0;
	v1 =	vmul.f32 v4, v2;
	v2 =	vbroadcast v6, $0xE  }
0x278: {  	v4 =	vld [tilespmem:s20+$0x14700]  }
0x279: {  	v0 =	vadd.f32 v1, v0;
	v1 =	vmul.f32 v5, v2;
	v2 =	vbroadcast v6, $0xF  }
0x27a: {  	v5 =	vld [tilespmem:s20+$0x14710]  }
0x27b: {  	v0 =	vadd.f32 v1, v0;
	v1 =	vmul.f32 v3, v2;
	v2 =	vbroadcast v7, $0xE;
	_ =	sdelay $0x1  }
0x27c: {  	v0 =	vadd.f32 v1, v0;
	v1 =	vmul.f32 v4, v2;
	v2 =	vbroadcast v7, $0xF;
	_ =	sdelay $0x1  }
0x27d: {  	v0 =	vadd.f32 v1, v0;
	v1 =	vmul.f32 v5, v2  }
.Ltmp4:
0x27e: {  	(pc) =	sbr.rel @p0 .LBB2_10-.Ltmp4, $4  }
0x27f: {  	v0 =	vadd.f32 v1, v0  }
0x280: {  	s16 =	sadd.s32 $0x10, s16  }
0x281: {  	s17 =	sadd.s32 $0x38, s17;
	[tilespmem:s16+$0x0] =	vst v0  }
0x282: {  	s19 =	sadd.s32 $0xC80, s19;
	v0 =	vld [tilespmem:s17+$0xFFFFFFDE]  }
0x283: {  	s18 =	sshra.s32 s18, $0x2  }
0x284: {  	v1 =	vld [tilespmem:s18+$0x14400];
	_ =	sdelay $0x1  }
0x285: {  	v2 =	vld [tilespmem:s18+$0x14410]  }
0x286: {  	v3 =	vbroadcast v0, $0x0  }
0x287: {  	v4 =	vld [tilespmem:s18+$0x14420]  }
0x288: {  	v32 =	vbroadcast v0, $0x1;
	v1 =	vmul.f32 v1, v3  }
0x289: {  	v5 =	vld [tilespmem:s18+$0x14430]  }
0x28a: {  	v33 =	vbroadcast v0, $0x2;
	v2 =	vmul.f32 v2, v32;
	v1 =	vadd.f32 $0.0e+00, v1  }
0x28b: {  	v6 =	vld [tilespmem:s18+$0x14440]  }
0x28c: {  	v35 =	vbroadcast v0, $0x3;
	v34 =	vmul.f32 v4, v33;
	v1 =	vadd.f32 v2, v1  }
0x28d: {  	v36 =	vld [tilespmem:s18+$0x14450]  }
0x28e: {  	v38 =	vbroadcast v0, $0x4;
	v37 =	vmul.f32 v5, v35;
	v1 =	vadd.f32 v34, v1  }
0x28f: {  	v39 =	vld [tilespmem:s18+$0x14460]  }
0x290: {  	v41 =	vbroadcast v0, $0x5;
	v40 =	vmul.f32 v6, v38;
	v1 =	vadd.f32 v37, v1  }
0x291: {  	v42 =	vld [tilespmem:s18+$0x14470]  }
0x292: {  	v44 =	vbroadcast v0, $0x6;
	v43 =	vmul.f32 v36, v41;
	v1 =	vadd.f32 v40, v1  }
0x293: {  	v45 =	vld [tilespmem:s18+$0x14480]  }
0x294: {  	v47 =	vbroadcast v0, $0x7;
	v46 =	vmul.f32 v39, v44;
	v1 =	vadd.f32 v43, v1  }
0x295: {  	v48 =	vld [tilespmem:s18+$0x14490]  }
0x296: {  	v50 =	vbroadcast v0, $0x8;
	v49 =	vmul.f32 v42, v47;
	v1 =	vadd.f32 v46, v1  }
0x297: {  	v51 =	vld [tilespmem:s18+$0x144A0]  }
0x298: {  	v53 =	vbroadcast v0, $0x9;
	v52 =	vmul.f32 v45, v50;
	v1 =	vadd.f32 v49, v1  }
0x299: {  	v54 =	vld [tilespmem:s18+$0x144B0]  }
0x29a: {  	v56 =	vbroadcast v0, $0xA;
	v55 =	vmul.f32 v48, v53;
	v1 =	vadd.f32 v52, v1  }
0x29b: {  	v57 =	vld [tilespmem:s18+$0x144C0]  }
0x29c: {  	v59 =	vbroadcast v0, $0xB;
	v58 =	vmul.f32 v51, v56;
	v1 =	vadd.f32 v55, v1  }
0x29d: {  	v60 =	vld [tilespmem:s18+$0x144D0]  }
0x29e: {  	v62 =	vbroadcast v0, $0xC;
	v61 =	vmul.f32 v54, v59;
	v1 =	vadd.f32 v58, v1  }
0x29f: {  	v63 =	vld [tilespmem:s18+$0x144E0]  }
0x2a0: {  	v7 =	vld [tilespmem:s17+$0xFFFFFFEE];
	v10 =	vbroadcast v0, $0xD;
	v9 =	vmul.f32 v57, v62;
	v1 =	vadd.f32 v61, v1  }
0x2a1: {  	v11 =	vld [tilespmem:s18+$0x144F0]  }
0x2a2: {  	v13 =	vbroadcast v0, $0xE;
	v12 =	vmul.f32 v60, v10;
	v1 =	vadd.f32 v9, v1  }
0x2a3: {  	v14 =	vld [tilespmem:s18+$0x14500]  }
0x2a4: {  	v16 =	vbroadcast v0, $0xF;
	v15 =	vmul.f32 v63, v13;
	v1 =	vadd.f32 v12, v1  }
0x2a5: {  	v17 =	vld [tilespmem:s18+$0x14510]  }
0x2a6: {  	v18 =	vbroadcast v7, $0x0;
	v0 =	vmul.f32 v11, v16;
	v1 =	vadd.f32 v15, v1  }
0x2a7: {  	v19 =	vld [tilespmem:s18+$0x14520]  }
0x2a8: {  	v21 =	vbroadcast v7, $0x1;
	v20 =	vmul.f32 v14, v18;
	v0 =	vadd.f32 v0, v1  }
0x2a9: {  	v22 =	vld [tilespmem:s18+$0x14530]  }
0x2aa: {  	v24 =	vbroadcast v7, $0x2;
	v23 =	vmul.f32 v17, v21;
	v0 =	vadd.f32 v20, v0  }
0x2ab: {  	v25 =	vld [tilespmem:s18+$0x14540]  }
0x2ac: {  	v27 =	vbroadcast v7, $0x3;
	v26 =	vmul.f32 v19, v24;
	v0 =	vadd.f32 v23, v0  }
0x2ad: {  	v28 =	vld [tilespmem:s18+$0x14550]  }
0x2ae: {  	v30 =	vbroadcast v7, $0x4;
	v29 =	vmul.f32 v22, v27;
	v0 =	vadd.f32 v26, v0  }
0x2af: {  	v31 =	vld [tilespmem:s18+$0x14560]  }
0x2b0: {  	v33 =	vbroadcast v7, $0x5;
	v32 =	vmul.f32 v25, v30;
	v0 =	vadd.f32 v29, v0  }
0x2b1: {  	v34 =	vld [tilespmem:s18+$0x14570]  }
0x2b2: {  	v36 =	vbroadcast v7, $0x6;
	v35 =	vmul.f32 v28, v33;
	v0 =	vadd.f32 v32, v0  }
0x2b3: {  	v37 =	vld [tilespmem:s18+$0x14580]  }
0x2b4: {  	v39 =	vbroadcast v7, $0x7;
	v38 =	vmul.f32 v31, v36;
	v0 =	vadd.f32 v35, v0  }
0x2b5: {  	v40 =	vld [tilespmem:s18+$0x14590]  }
0x2b6: {  	v42 =	vbroadcast v7, $0x8;
	v41 =	vmul.f32 v34, v39;
	v0 =	vadd.f32 v38, v0  }
0x2b7: {  	v43 =	vld [tilespmem:s18+$0x145A0]  }
0x2b8: {  	v45 =	vbroadcast v7, $0x9;
	v44 =	vmul.f32 v37, v42;
	v0 =	vadd.f32 v41, v0  }
0x2b9: {  	v46 =	vld [tilespmem:s18+$0x145B0]  }
0x2ba: {  	v48 =	vbroadcast v7, $0xA;
	v47 =	vmul.f32 v40, v45;
	v0 =	vadd.f32 v44, v0  }
0x2bb: {  	v49 =	vld [tilespmem:s18+$0x145C0]  }
0x2bc: {  	v51 =	vbroadcast v7, $0xB;
	v50 =	vmul.f32 v43, v48;
	v0 =	vadd.f32 v47, v0  }
0x2bd: {  	v52 =	vld [tilespmem:s18+$0x145D0]  }
0x2be: {  	v54 =	vbroadcast v7, $0xC;
	v53 =	vmul.f32 v46, v51;
	v0 =	vadd.f32 v50, v0  }
0x2bf: {  	v55 =	vld [tilespmem:s18+$0x145E0]  }
0x2c0: {  	v57 =	vbroadcast v7, $0xD;
	v59 =	vld [tilespmem:s17+$0xFFFFFFFE];
	v56 =	vmul.f32 v49, v54;
	v0 =	vadd.f32 v53, v0  }
0x2c1: {  	v58 =	vld [tilespmem:s18+$0x145F0]  }
0x2c2: {  	v60 =	vmul.f32 v52, v57;
	v61 =	vbroadcast v7, $0xE;
	v0 =	vadd.f32 v56, v0  }
0x2c3: {  	v62 =	vld [tilespmem:s18+$0x14600]  }
0x2c4: {  	v8 =	vbroadcast v7, $0xF;
	v63 =	vmul.f32 v55, v61;
	v0 =	vadd.f32 v60, v0  }
0x2c5: {  	v9 =	vld [tilespmem:s18+$0x14610]  }
0x2c6: {  	v11 =	vbroadcast v59, $0x0;
	v10 =	vmul.f32 v58, v8;
	v0 =	vadd.f32 v63, v0  }
0x2c7: {  	v12 =	vld [tilespmem:s18+$0x14620]  }
0x2c8: {  	v14 =	vbroadcast v59, $0x1;
	v13 =	vmul.f32 v62, v11;
	v0 =	vadd.f32 v10, v0  }
0x2c9: {  	v15 =	vld [tilespmem:s18+$0x14630]  }
0x2ca: {  	v17 =	vbroadcast v59, $0x2;
	v16 =	vmul.f32 v9, v14;
	v0 =	vadd.f32 v13, v0  }
0x2cb: {  	v18 =	vld [tilespmem:s18+$0x14640]  }
0x2cc: {  	v19 =	vmul.f32 v12, v17;
	v20 =	vbroadcast v59, $0x3;
	v0 =	vadd.f32 v16, v0  }
0x2cd: {  	v21 =	vld [tilespmem:s18+$0x14650]  }
0x2ce: {  	v22 =	vmul.f32 v15, v20;
	v23 =	vbroadcast v59, $0x4;
	v0 =	vadd.f32 v19, v0  }
0x2cf: {  	v24 =	vld [tilespmem:s18+$0x14660]  }
0x2d0: {  	v25 =	vmul.f32 v18, v23;
	v26 =	vbroadcast v59, $0x5;
	v0 =	vadd.f32 v22, v0  }
0x2d1: {  	v27 =	vld [tilespmem:s18+$0x14670]  }
0x2d2: {  	v28 =	vmul.f32 v21, v26;
	v29 =	vbroadcast v59, $0x6;
	v0 =	vadd.f32 v25, v0  }
0x2d3: {  	v30 =	vld [tilespmem:s18+$0x14680]  }
0x2d4: {  	v31 =	vmul.f32 v24, v29;
	v32 =	vbroadcast v59, $0x7;
	v0 =	vadd.f32 v28, v0  }
0x2d5: {  	v33 =	vld [tilespmem:s18+$0x14690]  }
0x2d6: {  	v34 =	vmul.f32 v27, v32;
	v35 =	vbroadcast v59, $0x8;
	v0 =	vadd.f32 v31, v0  }
0x2d7: {  	v36 =	vld [tilespmem:s18+$0x146A0]  }
0x2d8: {  	v37 =	vmul.f32 v30, v35;
	v38 =	vbroadcast v59, $0x9;
	v0 =	vadd.f32 v34, v0  }
0x2d9: {  	v39 =	vld [tilespmem:s18+$0x146B0]  }
0x2da: {  	v40 =	vmul.f32 v33, v38;
	v41 =	vbroadcast v59, $0xA;
	v0 =	vadd.f32 v37, v0  }
0x2db: {  	v42 =	vld [tilespmem:s18+$0x146C0]  }
0x2dc: {  	v43 =	vmul.f32 v36, v41;
	v44 =	vbroadcast v59, $0xB;
	v0 =	vadd.f32 v40, v0  }
0x2dd: {  	v45 =	vld [tilespmem:s18+$0x146D0]  }
0x2de: {  	v46 =	vmul.f32 v39, v44;
	v47 =	vbroadcast v59, $0xC;
	v0 =	vadd.f32 v43, v0  }
0x2df: {  	v48 =	vld [tilespmem:s18+$0x146E0]  }
0x2e0: {  	v51 =	vld [tilespmem:s18+$0x146F0];
	v49 =	vmul.f32 v42, v47;
	v50 =	vbroadcast v59, $0xD;
	v0 =	vadd.f32 v46, v0  }
0x2e1: {  	v52 =	vld [tilespmem:s17+$0x0]  }
0x2e2: {  	v54 =	vbroadcast v59, $0xE;
	v53 =	vmul.f32 v45, v50;
	v0 =	vadd.f32 v49, v0  }
0x2e3: {  	v55 =	vld [tilespmem:s18+$0x14700]  }
0x2e4: {  	v57 =	vbroadcast v59, $0xF;
	v56 =	vmul.f32 v48, v54;
	v0 =	vadd.f32 v53, v0  }
0x2e5: {  	v58 =	vld [tilespmem:s18+$0x14710]  }
0x2e6: {  	v59 =	vmul.f32 v51, v57;
	v60 =	vbroadcast v52, $0xE;
	v0 =	vadd.f32 v56, v0;
	_ =	sdelay $0x1  }
0x2e7: {  	s15 =	sadd.s32 $0x1, s15;
	v62 =	vbroadcast v52, $0xF;
	v61 =	vmul.f32 v55, v60;
	v0 =	vadd.f32 v59, v0  }
0x2e8: {  	p0 =	sne.s32 s15, $0x8  }
.Ltmp5:
0x2e9: {  	v63 =	vmul.f32 v58, v62;
	v0 =	vadd.f32 v61, v0;
	(pc) =	sbr.rel @p0 .LBB2_2-.Ltmp5, $4  }
0x2ea: {  	_ = 	snop  }
0x2eb: {  	s16 =	sadd.s32 $0x10, s16;
	v0 =	vadd.f32 v63, v0  }
0x2ec: {  	s0 =	sadd.s32 $0xE00, s0;
	s9 =	sadd.s32 $0xE00, s9;
	s14 =	sadd.s32 $0x400, s14  }
0x2ed: {  	s11 =	sadd.s32 $0xE00, s11;
	s12 =	sadd.s32 $0x400, s12;
	s13 =	sadd.s32 $0xE00, s13;
	[tilespmem:s16+$0x0] =	vst v0  }
0x2ee: {  	s1 =	sadd.s32 $0x1, s1  }
0x2ef: {  	p0 =	sne.s32 s1, s7  }
.Ltmp6:
0x2f0: {  	_ = 	snop;
	(pc) =	sbr.rel @p0 .LBB2_1-.Ltmp6, $4  }
0x2f1: {  	[hbm4b:s6+s2] =	stream.linear.scatter [tilespmem:s31], [sflag:$0x3], $0x2000, $0x38;
	[tilespmem:$0x1C800] =	vst v63  }
0x2f2: {  	_ =	swait.ge [sflag:s8], $0x2000  }
0x2f3: {  	[sflag:s8] =	ssyncset.done $0x0  }
0x2f4: {  	[sflag:s8] =	ssyncadd.s32 $0xFFFFE000  }
0x2f5: {  	_ =	sfence.sel $0x180000  }
0x2f6: {  	[bflag:$0x0] =	sbarrier.arrive $0xFFFF  }
0x2f7: {  	_ =	strace $0x9000004A  }
0x2f8: {  	s0 =	stileid.u32;
	[bflag:$0x2] =	sbarrier.arrive $0xFFFF  }
0x2f9: {  	p0 =	sne.s32 s0, $0x0;
	s0 =	rddreg [dreg:$0x2]  }
0x2fa: {  	s0 =	sadd.s32 @!p0 $0x100000, s0  }
0x2fb: {  	[sflag:s0] =	ssyncadd.tile.s32 @!p0 $0x1;
	_ =	shalt  }
.Lfunc_end2:
_tile_overlayer_lowered:
.L_overlay_start_2:
0x2fc: {  	(tag) =	ssettag $0x2  }
0x2fd: {  	s0 =	rddreg [dreg:$0x0];
	s2 =	stileid.u32  }
0x2fe: {  	s1 =	rddreg [dreg:$0x1];
	p0 =	sne.s32 s2, $0x0  }
0x2ff: {  	s3 =	rddreg [dreg:$0x2];
	[bflag:$0x3] =	sbarrier.arrive $0xFFFF;
	s2 =	simm.s32 @!p0 $0x1C03  }
0x300: {  	[timem:s3], [sflag:s2] =	dma.local @!p0 [hbm:s0], s1  }
0x301: {  	s0 =	simm.s32 @!p0 $0x3  }
0x302: {  	_ =	swait.ge @!p0 [sflag:s0], s1  }
0x303: {  	s1 =	ssub.s32 @!p0 $0x0, s1;
	[sflag:s0] =	ssyncset.done @!p0 $0x0  }
0x304: {  	[sflag:s0] =	ssyncadd.s32 @!p0 s1  }
0x305: {  	[bflag:$0x3] =	sbarrier.arrive $0xFFFF  }
0x306: {  	_ =	shalt  }

</sc_bundles>
